<compile_context>
chip_gen: v7x
topology: tpu7x:2x2x1
jax: 0.10.2.dev20260603
libtpu: 0.0.44.dev20260713+nightly
codegen_flags: <defaults>
</compile_context>

<pallas_src>
import functools

import jax
import jax.numpy as jnp
from jax import lax
from jax.experimental import pallas as pl
from jax.experimental.pallas import tpu as pltpu
from jax.experimental.pallas import tpu_sc as plsc

N = 50000
D = 256
H = 256
E = 8
B = 256
CH = 128
NW = 32
NP = 53248
NB = NP // B
NCHW = NP // NW // CH

def _worker_id():
    return lax.axis_index("s") * 2 + lax.axis_index("c")


NFULL = 390
TAIL_START = N - CH
DW = D // 2
NBUF = 3


def _route_body(x_hbm, slot_hbm, out_hbm, idx0, idx1, idx2, buf0, buf1, buf2,
                rs0, rs1, rs2, ss0, ss1, ss2):
    wid = _worker_id()
    idxs = (idx0, idx1, idx2)
    bufs = (buf0, buf1, buf2)
    rsems = (rs0, rs1, rs2)
    ssems = (ss0, ss1, ss2)

    @pl.when(wid <= 29)
    def _full():
        base = wid * (NCHW * CH)
        reads = [None] * NCHW
        scats = [None] * NCHW

        def issue_reads(k):
            p = k % NBUF
            reads[k] = (
                pltpu.async_copy(slot_hbm.at[pl.ds(base + k * CH, CH)],
                                 idxs[p], rsems[p]),
                pltpu.async_copy(x_hbm.at[pl.ds(base + k * CH, CH)],
                                 bufs[p], rsems[p]),
            )

        for k in range(NBUF - 1):
            issue_reads(k)
        for t in range(NCHW):
            p = t % NBUF
            reads[t][0].wait()
            reads[t][1].wait()
            scats[t] = pltpu.async_copy(bufs[p], out_hbm.at[idxs[p]], ssems[p])
            nxt = t + NBUF - 1
            if nxt < NCHW:
                prev = nxt - NBUF
                if prev >= 0:
                    scats[prev] = scats[prev].wait()
                issue_reads(nxt)
        for t in range(NCHW):
            if scats[t] is not None:
                scats[t].wait()

    @pl.when(wid == 30)
    def _tail():
        pltpu.sync_copy(slot_hbm.at[pl.ds(TAIL_START, CH)], idx0)
        pltpu.sync_copy(x_hbm.at[pl.ds(TAIL_START, CH)], buf0)
        pltpu.async_copy(buf0, out_hbm.at[idx0], ss0).wait()


@functools.cache
def _sc_kernels():
    mesh = plsc.VectorSubcoreMesh(core_axis_name="c", subcore_axis_name="s")
    route_rows = pl.kernel(
        _route_body,
        out_type=jax.ShapeDtypeStruct((NP, D), jnp.float32),
        mesh=mesh,
        scratch_types=(
            [pltpu.VMEM((CH,), jnp.int32)] * NBUF
            + [pltpu.VMEM((CH, D), jnp.float32)] * NBUF
            + [pltpu.SemaphoreType.DMA] * (2 * NBUF)
        ),
    )
    unperm = pl.kernel(
        _unperm_body,
        out_type=jax.ShapeDtypeStruct((NW, NCHW, CH), jnp.float32),
        mesh=mesh,
        scratch_types=[
            pltpu.VMEM((NCHW, CH), jnp.int32),
            pltpu.VMEM((NCHW, CH), jnp.int32),
            pltpu.VMEM((NCHW, CH), jnp.float32),
            pltpu.VMEM((NCHW, CH), jnp.float32),
            pltpu.SemaphoreType.DMA,
        ],
    )
    return route_rows, unperm


def _unperm_body(y_hbm, inv_hbm, z_hbm, out_hbm, inv_v, z_v, vals, outb, gsem):
    wid = _worker_id()
    pltpu.sync_copy(inv_hbm.at[wid], inv_v)
    pltpu.sync_copy(z_hbm.at[wid], z_v)
    cps = [pltpu.async_copy(y_hbm.at[inv_v.at[c]], vals.at[c], gsem)
           for c in range(NCHW)]
    for cp in cps:
        cp.wait()
    for c in range(NCHW):
        for g in range(CH // 16):
            s = pl.ds(g * 16, 16)
            v = vals[c, s]
            zz = z_v[c, s]
            outb[c, s] = jnp.where(zz == 0, 0.0, v)
    pltpu.sync_copy(outb, out_hbm.at[wid])


def _mlp_body(eid_ref, x_ref, w1_ref, b1_ref, w2_ref, b2_ref, w3_ref, b3_ref,
              o_ref):
    x = x_ref[...].astype(jnp.bfloat16)
    h = jnp.dot(x, w1_ref[0], preferred_element_type=jnp.float32) + b1_ref[0]
    h = h / (1.0 + jnp.exp(-h))
    g = jnp.dot(h.astype(jnp.bfloat16), w2_ref[0],
                preferred_element_type=jnp.float32) + b2_ref[0]
    g = g / (1.0 + jnp.exp(-g))
    y = jnp.dot(g.astype(jnp.bfloat16), w3_ref[0],
                preferred_element_type=jnp.float32)
    o_ref[...] = y + b3_ref[0]


def _mlp(eid, xg, w1, b1r, w2, b2r, w3r, b3r):
    grid_spec = pltpu.PrefetchScalarGridSpec(
        num_scalar_prefetch=1,
        grid=(NB,),
        in_specs=[
            pl.BlockSpec((B, D), lambda i, e: (i, 0)),
            pl.BlockSpec((1, D, H), lambda i, e: (e[i], 0, 0)),
            pl.BlockSpec((1, 1, H), lambda i, e: (e[i], 0, 0)),
            pl.BlockSpec((1, H, H), lambda i, e: (e[i], 0, 0)),
            pl.BlockSpec((1, 1, H), lambda i, e: (e[i], 0, 0)),
            pl.BlockSpec((1, H, 1), lambda i, e: (e[i], 0, 0)),
            pl.BlockSpec((1, 1, 1), lambda i, e: (e[i], 0, 0)),
        ],
        out_specs=pl.BlockSpec((B, 1), lambda i, e: (i, 0)),
    )
    return pl.pallas_call(
        _mlp_body,
        grid_spec=grid_spec,
        out_shape=jax.ShapeDtypeStruct((NP, 1), jnp.float32),
    )(eid, xg, w1, b1r, w2, b2r, w3r, b3r)


def kernel(X, Z, W1, b1, W2, b2, W3, b3):
    z = Z.astype(jnp.int32)
    onehot = z[:, None] == jnp.arange(1, E + 1, dtype=jnp.int32)[None, :]
    oh3 = onehot.astype(jnp.int32).reshape(500, 100, E)
    intra = jnp.cumsum(oh3, axis=1)
    btot = intra[:, -1, :]
    prefix = jnp.cumsum(btot, axis=0) - btot
    incl = (intra + prefix[:, None, :]).reshape(N, E)
    counts = incl[-1]
    padded = ((counts + B - 1) // B) * B
    ends = jnp.cumsum(padded)
    starts = ends - padded
    rank = jnp.sum(jnp.where(onehot, incl - 1, 0), axis=1)
    valid = z > 0
    slot = jnp.where(valid, starts[jnp.clip(z - 1, 0, E - 1)] + rank,
                     NP - 1).astype(jnp.int32)
    inv_ext = jnp.zeros((NP,), jnp.int32).at[:N].set(
        jnp.where(valid, slot, 0).astype(jnp.int32))
    z_ext = jnp.zeros((NP,), jnp.int32).at[:N].set(z)
    blk = jnp.arange(NB, dtype=jnp.int32)
    eid = jnp.minimum(
        jnp.sum((blk[:, None] >= (ends // B)[None, :]).astype(jnp.int32),
                axis=1), E - 1).astype(jnp.int32)

    route_rows, unperm = _sc_kernels()
    xg = route_rows(X, slot)
    b1r = b1.reshape(E, 1, H)
    b2r = b2.reshape(E, 1, H)
    w3r = W3.astype(jnp.bfloat16)
    b3r = b3.reshape(E, 1, 1)
    y = _mlp(eid, xg, W1.astype(jnp.bfloat16), b1r, W2.astype(jnp.bfloat16),
             b2r, w3r, b3r).reshape(NP)
    chi = unperm(y, inv_ext.reshape(NW, NCHW, CH),
                 z_ext.reshape(NW, NCHW, CH))
    return chi.reshape(NP)[:N]

# --- scband reference (transcript-rebuilt; emitter-appended) ---
"""Pipeline reference for scband-electronegativity-net-38920993636805 (READ-ONLY COPY).

The authoritative reference and input builder live on the scoring server;
editing this copy changes nothing except your own understanding.
"""

import jax, jax.numpy as jnp
import numpy as np

ATOMIC_NUMBERS = {"H": 1, "He": 2, "Li": 3, "Be": 4, "B": 5, "C": 6, "N": 7, "O": 8}
ELEMENTS = ["H", "He", "Li", "Be", "B", "C", "N", "O"]
D_IN = 256
HIDDEN = 256
N_ATOMS = 50000
E = len(ELEMENTS)


def setup_inputs(seed: int = 0) -> dict:
    key = jax.random.key(seed)
    kx, kz, k1, k2, k3, k4, k5, k6 = jax.random.split(key, 8)
    X = jax.random.normal(kx, (N_ATOMS, D_IN), dtype=jnp.float32)
    Z = jax.random.randint(kz, (N_ATOMS,), 0, 9).astype(jnp.int64)
    s1 = 1.0 / np.sqrt(D_IN)
    s2 = 1.0 / np.sqrt(HIDDEN)
    W1 = jax.random.normal(k1, (E, D_IN, HIDDEN), dtype=jnp.float32) * s1
    b1 = jax.random.normal(k2, (E, HIDDEN), dtype=jnp.float32) * s1
    W2 = jax.random.normal(k3, (E, HIDDEN, HIDDEN), dtype=jnp.float32) * s2
    b2 = jax.random.normal(k4, (E, HIDDEN), dtype=jnp.float32) * s2
    W3 = jax.random.normal(k5, (E, HIDDEN, 1), dtype=jnp.float32) * s2
    b3 = jax.random.normal(k6, (E, 1), dtype=jnp.float32) * s2
    return {"X": X, "Z": Z, "W1": W1, "b1": b1, "W2": W2, "b2": b2, "W3": W3, "b3": b3}


def _expert_mlp(x, w1, bb1, w2, bb2, w3, bb3):
    h = jax.nn.silu(x @ w1 + bb1)
    h = jax.nn.silu(h @ w2 + bb2)
    return (h @ w3 + bb3)[:, 0]


def reference(X, Z, W1, b1, W2, b2, W3, b3):
    # Faithful translation: per-element expert MLP, outputs written (index_copy
    # semantics == overwrite) into chi at positions where Z matches the element's
    # atomic number. Masks are disjoint so where-based overwrite is exact.
    chi = jnp.zeros(X.shape[0], dtype=X.dtype)
    for e, sym in enumerate(ELEMENTS):
        zi = ATOMIC_NUMBERS[sym]
        mask = (Z == zi)
        out_e = _expert_mlp(X, W1[e], b1[e], W2[e], b2[e], W3[e], b3[e])
        chi = jnp.where(mask, out_e, chi)
    return chi


if False:  # reference __main__ guard neutralized (emitter)
    inp = setup_inputs()
    out = reference(**inp)
    print(out.shape, out.dtype)

if __name__ == "__main__":
    import jax
    _d = setup_inputs()
    print(jax.jit(kernel)(*tuple(_d.values())))

</pallas_src>

<mosaic_0001>
#map = affine_map<(d0, d1) -> (0)>
#map1 = affine_map<(d0, d1) -> (0, 0, 0)>
module attributes {stable_mosaic.version = 14 : i64} {
  func.func @_unperm_body(%arg0: i32, %arg1: i32, %arg2: memref<53248xf32, #tpu.memory_space<hbm>>, %arg3: memref<32x13x128xi32, #tpu.memory_space<hbm>>, %arg4: memref<32x13x128xi32, #tpu.memory_space<hbm>>, %arg5: memref<32x13x128xf32, #tpu.memory_space<hbm>>, %arg6: memref<13x128xi32, #tpu.memory_space<vmem>>, %arg7: memref<13x128xi32, #tpu.memory_space<vmem>>, %arg8: memref<13x128xf32, #tpu.memory_space<vmem>>, %arg9: memref<13x128xf32, #tpu.memory_space<vmem>>, %arg10: memref<!tpu.dma_semaphore, #tpu.memory_space<semaphore_mem>>) attributes {dimension_semantics = [#tpu.dimension_semantics<core_parallel>, #tpu.dimension_semantics<subcore_parallel>], iteration_bounds = array<i64: 2, 16>, scalar_prefetch = 0 : i64, scratch_operands = 5 : i64, tpu.core_type = #tpu.core_type<sc_vector_subcore>, window_params = [{transform_indices = #map}, {transform_indices = #map1}, {transform_indices = #map1}, {transform_indices = #map1}]} {
    %mul3A = arith.constant 2 : i32
    %mul3A_0 = arith.muli %arg1, %mul3A : i32
    %add3A = arith.addi %mul3A_0, %arg0 : i32
    "tpu.region"() ({
      %run_scoped3A = tpu.sem_alloc : memref<!tpu.dma_semaphore, #tpu.memory_space<semaphore_mem>>
      %dma_start3A_2541 = arith.constant 0 : i32
      %dma_start3A_2542 = arith.constant 0 : i32
      %dma_start3A_2543 = tpu.memref_slice %arg3[%add3A, %dma_start3A_2541, %dma_start3A_2542] : memref<32x13x128xi32, #tpu.memory_space<hbm>> -> memref<1x13x128xi32, #tpu.memory_space<hbm>>
      %dma_start3A_2544 = tpu.memref_squeeze %dma_start3A_2543 : memref<1x13x128xi32, #tpu.memory_space<hbm>> -> memref<13x128xi32, #tpu.memory_space<hbm>>
      %dma_start3A_2545 = arith.constant 0 : i32
      %dma_start3A_2546 = arith.constant 0 : i32
      %dma_start3A_2547 = tpu.memref_slice %arg3[%add3A, %dma_start3A_2545, %dma_start3A_2546] : memref<32x13x128xi32, #tpu.memory_space<hbm>> -> memref<1x13x128xi32, #tpu.memory_space<hbm>>
      %dma_start3A_2548 = tpu.memref_squeeze %dma_start3A_2547 : memref<1x13x128xi32, #tpu.memory_space<hbm>> -> memref<13x128xi32, #tpu.memory_space<hbm>>
      tpu.enqueue_dma source(%dma_start3A_2548 : memref<13x128xi32, #tpu.memory_space<hbm>>) target(%arg6 : memref<13x128xi32, #tpu.memory_space<vmem>>) target_semaphore(%run_scoped3A : memref<!tpu.dma_semaphore, #tpu.memory_space<semaphore_mem>>)
      %dma_wait3A_2549 = arith.constant 0 : i32
      %dma_wait3A_2550 = arith.constant 0 : i32
      %dma_wait3A_2551 = tpu.memref_slice %arg3[%add3A, %dma_wait3A_2549, %dma_wait3A_2550] : memref<32x13x128xi32, #tpu.memory_space<hbm>> -> memref<1x13x128xi32, #tpu.memory_space<hbm>>
      %dma_wait3A_2552 = tpu.memref_squeeze %dma_wait3A_2551 : memref<1x13x128xi32, #tpu.memory_space<hbm>> -> memref<13x128xi32, #tpu.memory_space<hbm>>
      %dma_wait3A_2553 = arith.constant 0 : i32
      %dma_wait3A_2554 = arith.constant 0 : i32
      %dma_wait3A_2555 = tpu.memref_slice %arg3[%add3A, %dma_wait3A_2553, %dma_wait3A_2554] : memref<32x13x128xi32, #tpu.memory_space<hbm>> -> memref<1x13x128xi32, #tpu.memory_space<hbm>>
      %dma_wait3A_2556 = tpu.memref_squeeze %dma_wait3A_2555 : memref<1x13x128xi32, #tpu.memory_space<hbm>> -> memref<13x128xi32, #tpu.memory_space<hbm>>
      tpu.wait_dma2 semaphore(%run_scoped3A : memref<!tpu.dma_semaphore, #tpu.memory_space<semaphore_mem>>) src(%dma_wait3A_2556 : memref<13x128xi32, #tpu.memory_space<hbm>>) dst(%arg6 : memref<13x128xi32, #tpu.memory_space<vmem>>)
      tpu.yield
    }) : () -> ()
    "tpu.region"() ({
      %run_scoped3A = tpu.sem_alloc : memref<!tpu.dma_semaphore, #tpu.memory_space<semaphore_mem>>
      %dma_start3A_2541 = arith.constant 0 : i32
      %dma_start3A_2542 = arith.constant 0 : i32
      %dma_start3A_2543 = tpu.memref_slice %arg4[%add3A, %dma_start3A_2541, %dma_start3A_2542] : memref<32x13x128xi32, #tpu.memory_space<hbm>> -> memref<1x13x128xi32, #tpu.memory_space<hbm>>
      %dma_start3A_2544 = tpu.memref_squeeze %dma_start3A_2543 : memref<1x13x128xi32, #tpu.memory_space<hbm>> -> memref<13x128xi32, #tpu.memory_space<hbm>>
      %dma_start3A_2545 = arith.constant 0 : i32
      %dma_start3A_2546 = arith.constant 0 : i32
      %dma_start3A_2547 = tpu.memref_slice %arg4[%add3A, %dma_start3A_2545, %dma_start3A_2546] : memref<32x13x128xi32, #tpu.memory_space<hbm>> -> memref<1x13x128xi32, #tpu.memory_space<hbm>>
      %dma_start3A_2548 = tpu.memref_squeeze %dma_start3A_2547 : memref<1x13x128xi32, #tpu.memory_space<hbm>> -> memref<13x128xi32, #tpu.memory_space<hbm>>
      tpu.enqueue_dma source(%dma_start3A_2548 : memref<13x128xi32, #tpu.memory_space<hbm>>) target(%arg7 : memref<13x128xi32, #tpu.memory_space<vmem>>) target_semaphore(%run_scoped3A : memref<!tpu.dma_semaphore, #tpu.memory_space<semaphore_mem>>)
      %dma_wait3A_2549 = arith.constant 0 : i32
      %dma_wait3A_2550 = arith.constant 0 : i32
      %dma_wait3A_2551 = tpu.memref_slice %arg4[%add3A, %dma_wait3A_2549, %dma_wait3A_2550] : memref<32x13x128xi32, #tpu.memory_space<hbm>> -> memref<1x13x128xi32, #tpu.memory_space<hbm>>
      %dma_wait3A_2552 = tpu.memref_squeeze %dma_wait3A_2551 : memref<1x13x128xi32, #tpu.memory_space<hbm>> -> memref<13x128xi32, #tpu.memory_space<hbm>>
      %dma_wait3A_2553 = arith.constant 0 : i32
      %dma_wait3A_2554 = arith.constant 0 : i32
      %dma_wait3A_2555 = tpu.memref_slice %arg4[%add3A, %dma_wait3A_2553, %dma_wait3A_2554] : memref<32x13x128xi32, #tpu.memory_space<hbm>> -> memref<1x13x128xi32, #tpu.memory_space<hbm>>
      %dma_wait3A_2556 = tpu.memref_squeeze %dma_wait3A_2555 : memref<1x13x128xi32, #tpu.memory_space<hbm>> -> memref<13x128xi32, #tpu.memory_space<hbm>>
      tpu.wait_dma2 semaphore(%run_scoped3A : memref<!tpu.dma_semaphore, #tpu.memory_space<semaphore_mem>>) src(%dma_wait3A_2556 : memref<13x128xi32, #tpu.memory_space<hbm>>) dst(%arg7 : memref<13x128xi32, #tpu.memory_space<vmem>>)
      tpu.yield
    }) : () -> ()
    %dma_start3A = arith.constant 0 : i32
    %dma_start3A_1 = arith.constant 0 : i32
    %dma_start3A_2 = arith.constant 0 : i32
    %dma_start3A_3 = tpu.memref_slice %arg8[%dma_start3A_1, %dma_start3A_2] : memref<13x128xf32, #tpu.memory_space<vmem>> -> memref<1x128xf32, #tpu.memory_space<vmem>>
    %dma_start3A_4 = tpu.memref_squeeze %dma_start3A_3 : memref<1x128xf32, #tpu.memory_space<vmem>> -> memref<128xf32, #tpu.memory_space<vmem>>
    %dma_start3A_5 = arith.constant 0 : i32
    %dma_start3A_6 = tpu.memref_slice %arg6[%dma_start3A, %dma_start3A_5] : memref<13x128xi32, #tpu.memory_space<vmem>> -> memref<1x128xi32, #tpu.memory_space<vmem>>
    %dma_start3A_7 = tpu.memref_squeeze %dma_start3A_6 : memref<1x128xi32, #tpu.memory_space<vmem>> -> memref<128xi32, #tpu.memory_space<vmem>>
    %dma_start3A_8 = arith.constant 0 : i32
    %dma_start3A_9 = tpu.memref_slice %arg2[%dma_start3A_8] : memref<53248xf32, #tpu.memory_space<hbm>> -> memref<53248xf32, #tpu.memory_space<hbm>>
    tpu.enqueue_indirect_dma source(%dma_start3A_9 : memref<53248xf32, #tpu.memory_space<hbm>>) target(%dma_start3A_4 : memref<128xf32, #tpu.memory_space<vmem>>) offsets(%dma_start3A_7 : memref<128xi32, #tpu.memory_space<vmem>>) semaphore(%arg10 : memref<!tpu.dma_semaphore, #tpu.memory_space<semaphore_mem>>)
    %dma_start3A_10 = arith.constant 1 : i32
    %dma_start3A_11 = arith.constant 1 : i32
    %dma_start3A_12 = arith.constant 0 : i32
    %dma_start3A_13 = tpu.memref_slice %arg8[%dma_start3A_11, %dma_start3A_12] : memref<13x128xf32, #tpu.memory_space<vmem>> -> memref<1x128xf32, #tpu.memory_space<vmem>>
    %dma_start3A_14 = tpu.memref_squeeze %dma_start3A_13 : memref<1x128xf32, #tpu.memory_space<vmem>> -> memref<128xf32, #tpu.memory_space<vmem>>
    %dma_start3A_15 = arith.constant 0 : i32
    %dma_start3A_16 = tpu.memref_slice %arg6[%dma_start3A_10, %dma_start3A_15] : memref<13x128xi32, #tpu.memory_space<vmem>> -> memref<1x128xi32, #tpu.memory_space<vmem>>
    %dma_start3A_17 = tpu.memref_squeeze %dma_start3A_16 : memref<1x128xi32, #tpu.memory_space<vmem>> -> memref<128xi32, #tpu.memory_space<vmem>>
    %dma_start3A_18 = arith.constant 0 : i32
    %dma_start3A_19 = tpu.memref_slice %arg2[%dma_start3A_18] : memref<53248xf32, #tpu.memory_space<hbm>> -> memref<53248xf32, #tpu.memory_space<hbm>>
    tpu.enqueue_indirect_dma source(%dma_start3A_19 : memref<53248xf32, #tpu.memory_space<hbm>>) target(%dma_start3A_14 : memref<128xf32, #tpu.memory_space<vmem>>) offsets(%dma_start3A_17 : memref<128xi32, #tpu.memory_space<vmem>>) semaphore(%arg10 : memref<!tpu.dma_semaphore, #tpu.memory_space<semaphore_mem>>)
    %dma_start3A_20 = arith.constant 2 : i32
    %dma_start3A_21 = arith.constant 2 : i32
    %dma_start3A_22 = arith.constant 0 : i32
    %dma_start3A_23 = tpu.memref_slice %arg8[%dma_start3A_21, %dma_start3A_22] : memref<13x128xf32, #tpu.memory_space<vmem>> -> memref<1x128xf32, #tpu.memory_space<vmem>>
    %dma_start3A_24 = tpu.memref_squeeze %dma_start3A_23 : memref<1x128xf32, #tpu.memory_space<vmem>> -> memref<128xf32, #tpu.memory_space<vmem>>
    %dma_start3A_25 = arith.constant 0 : i32
    %dma_start3A_26 = tpu.memref_slice %arg6[%dma_start3A_20, %dma_start3A_25] : memref<13x128xi32, #tpu.memory_space<vmem>> -> memref<1x128xi32, #tpu.memory_space<vmem>>
    %dma_start3A_27 = tpu.memref_squeeze %dma_start3A_26 : memref<1x128xi32, #tpu.memory_space<vmem>> -> memref<128xi32, #tpu.memory_space<vmem>>
    %dma_start3A_28 = arith.constant 0 : i32
    %dma_start3A_29 = tpu.memref_slice %arg2[%dma_start3A_28] : memref<53248xf32, #tpu.memory_space<hbm>> -> memref<53248xf32, #tpu.memory_space<hbm>>
    tpu.enqueue_indirect_dma source(%dma_start3A_29 : memref<53248xf32, #tpu.memory_space<hbm>>) target(%dma_start3A_24 : memref<128xf32, #tpu.memory_space<vmem>>) offsets(%dma_start3A_27 : memref<128xi32, #tpu.memory_space<vmem>>) semaphore(%arg10 : memref<!tpu.dma_semaphore, #tpu.memory_space<semaphore_mem>>)
    %dma_start3A_30 = arith.constant 3 : i32
    %dma_start3A_31 = arith.constant 3 : i32
    %dma_start3A_32 = arith.constant 0 : i32
    %dma_start3A_33 = tpu.memref_slice %arg8[%dma_start3A_31, %dma_start3A_32] : memref<13x128xf32, #tpu.memory_space<vmem>> -> memref<1x128xf32, #tpu.memory_space<vmem>>
    %dma_start3A_34 = tpu.memref_squeeze %dma_start3A_33 : memref<1x128xf32, #tpu.memory_space<vmem>> -> memref<128xf32, #tpu.memory_space<vmem>>
    %dma_start3A_35 = arith.constant 0 : i32
    %dma_start3A_36 = tpu.memref_slice %arg6[%dma_start3A_30, %dma_start3A_35] : memref<13x128xi32, #tpu.memory_space<vmem>> -> memref<1x128xi32, #tpu.memory_space<vmem>>
    %dma_start3A_37 = tpu.memref_squeeze %dma_start3A_36 : memref<1x128xi32, #tpu.memory_space<vmem>> -> memref<128xi32, #tpu.memory_space<vmem>>
    %dma_start3A_38 = arith.constant 0 : i32
    %dma_start3A_39 = tpu.memref_slice %arg2[%dma_start3A_38] : memref<53248xf32, #tpu.memory_space<hbm>> -> memref<53248xf32, #tpu.memory_space<hbm>>
    tpu.enqueue_indirect_dma source(%dma_start3A_39 : memref<53248xf32, #tpu.memory_space<hbm>>) target(%dma_start3A_34 : memref<128xf32, #tpu.memory_space<vmem>>) offsets(%dma_start3A_37 : memref<128xi32, #tpu.memory_space<vmem>>) semaphore(%arg10 : memref<!tpu.dma_semaphore, #tpu.memory_space<semaphore_mem>>)
    %dma_start3A_40 = arith.constant 4 : i32
    %dma_start3A_41 = arith.constant 4 : i32
    %dma_start3A_42 = arith.constant 0 : i32
    %dma_start3A_43 = tpu.memref_slice %arg8[%dma_start3A_41, %dma_start3A_42] : memref<13x128xf32, #tpu.memory_space<vmem>> -> memref<1x128xf32, #tpu.memory_space<vmem>>
    %dma_start3A_44 = tpu.memref_squeeze %dma_start3A_43 : memref<1x128xf32, #tpu.memory_space<vmem>> -> memref<128xf32, #tpu.memory_space<vmem>>
    %dma_start3A_45 = arith.constant 0 : i32
    %dma_start3A_46 = tpu.memref_slice %arg6[%dma_start3A_40, %dma_start3A_45] : memref<13x128xi32, #tpu.memory_space<vmem>> -> memref<1x128xi32, #tpu.memory_space<vmem>>
    %dma_start3A_47 = tpu.memref_squeeze %dma_start3A_46 : memref<1x128xi32, #tpu.memory_space<vmem>> -> memref<128xi32, #tpu.memory_space<vmem>>
    %dma_start3A_48 = arith.constant 0 : i32
    %dma_start3A_49 = tpu.memref_slice %arg2[%dma_start3A_48] : memref<53248xf32, #tpu.memory_space<hbm>> -> memref<53248xf32, #tpu.memory_space<hbm>>
    tpu.enqueue_indirect_dma source(%dma_start3A_49 : memref<53248xf32, #tpu.memory_space<hbm>>) target(%dma_start3A_44 : memref<128xf32, #tpu.memory_space<vmem>>) offsets(%dma_start3A_47 : memref<128xi32, #tpu.memory_space<vmem>>) semaphore(%arg10 : memref<!tpu.dma_semaphore, #tpu.memory_space<semaphore_mem>>)
    %dma_start3A_50 = arith.constant 5 : i32
    %dma_start3A_51 = arith.constant 5 : i32
    %dma_start3A_52 = arith.constant 0 : i32
    %dma_start3A_53 = tpu.memref_slice %arg8[%dma_start3A_51, %dma_start3A_52] : memref<13x128xf32, #tpu.memory_space<vmem>> -> memref<1x128xf32, #tpu.memory_space<vmem>>
    %dma_start3A_54 = tpu.memref_squeeze %dma_start3A_53 : memref<1x128xf32, #tpu.memory_space<vmem>> -> memref<128xf32, #tpu.memory_space<vmem>>
    %dma_start3A_55 = arith.constant 0 : i32
    %dma_start3A_56 = tpu.memref_slice %arg6[%dma_start3A_50, %dma_start3A_55] : memref<13x128xi32, #tpu.memory_space<vmem>> -> memref<1x128xi32, #tpu.memory_space<vmem>>
    %dma_start3A_57 = tpu.memref_squeeze %dma_start3A_56 : memref<1x128xi32, #tpu.memory_space<vmem>> -> memref<128xi32, #tpu.memory_space<vmem>>
    %dma_start3A_58 = arith.constant 0 : i32
    %dma_start3A_59 = tpu.memref_slice %arg2[%dma_start3A_58] : memref<53248xf32, #tpu.memory_space<hbm>> -> memref<53248xf32, #tpu.memory_space<hbm>>
    tpu.enqueue_indirect_dma source(%dma_start3A_59 : memref<53248xf32, #tpu.memory_space<hbm>>) target(%dma_start3A_54 : memref<128xf32, #tpu.memory_space<vmem>>) offsets(%dma_start3A_57 : memref<128xi32, #tpu.memory_space<vmem>>) semaphore(%arg10 : memref<!tpu.dma_semaphore, #tpu.memory_space<semaphore_mem>>)
    %dma_start3A_60 = arith.constant 6 : i32
    %dma_start3A_61 = arith.constant 6 : i32
    %dma_start3A_62 = arith.constant 0 : i32
    %dma_start3A_63 = tpu.memref_slice %arg8[%dma_start3A_61, %dma_start3A_62] : memref<13x128xf32, #tpu.memory_space<vmem>> -> memref<1x128xf32, #tpu.memory_space<vmem>>
    %dma_start3A_64 = tpu.memref_squeeze %dma_start3A_63 : memref<1x128xf32, #tpu.memory_space<vmem>> -> memref<128xf32, #tpu.memory_space<vmem>>
    %dma_start3A_65 = arith.constant 0 : i32
    %dma_start3A_66 = tpu.memref_slice %arg6[%dma_start3A_60, %dma_start3A_65] : memref<13x128xi32, #tpu.memory_space<vmem>> -> memref<1x128xi32, #tpu.memory_space<vmem>>
    %dma_start3A_67 = tpu.memref_squeeze %dma_start3A_66 : memref<1x128xi32, #tpu.memory_space<vmem>> -> memref<128xi32, #tpu.memory_space<vmem>>
    %dma_start3A_68 = arith.constant 0 : i32
    %dma_start3A_69 = tpu.memref_slice %arg2[%dma_start3A_68] : memref<53248xf32, #tpu.memory_space<hbm>> -> memref<53248xf32, #tpu.memory_space<hbm>>
    tpu.enqueue_indirect_dma source(%dma_start3A_69 : memref<53248xf32, #tpu.memory_space<hbm>>) target(%dma_start3A_64 : memref<128xf32, #tpu.memory_space<vmem>>) offsets(%dma_start3A_67 : memref<128xi32, #tpu.memory_space<vmem>>) semaphore(%arg10 : memref<!tpu.dma_semaphore, #tpu.memory_space<semaphore_mem>>)
    %dma_start3A_70 = arith.constant 7 : i32
    %dma_start3A_71 = arith.constant 7 : i32
    %dma_start3A_72 = arith.constant 0 : i32
    %dma_start3A_73 = tpu.memref_slice %arg8[%dma_start3A_71, %dma_start3A_72] : memref<13x128xf32, #tpu.memory_space<vmem>> -> memref<1x128xf32, #tpu.memory_space<vmem>>
    %dma_start3A_74 = tpu.memref_squeeze %dma_start3A_73 : memref<1x128xf32, #tpu.memory_space<vmem>> -> memref<128xf32, #tpu.memory_space<vmem>>
    %dma_start3A_75 = arith.constant 0 : i32
    %dma_start3A_76 = tpu.memref_slice %arg6[%dma_start3A_70, %dma_start3A_75] : memref<13x128xi32, #tpu.memory_space<vmem>> -> memref<1x128xi32, #tpu.memory_space<vmem>>
    %dma_start3A_77 = tpu.memref_squeeze %dma_start3A_76 : memref<1x128xi32, #tpu.memory_space<vmem>> -> memref<128xi32, #tpu.memory_space<vmem>>
    %dma_start3A_78 = arith.constant 0 : i32
    %dma_start3A_79 = tpu.memref_slice %arg2[%dma_start3A_78] : memref<53248xf32, #tpu.memory_space<hbm>> -> memref<53248xf32, #tpu.memory_space<hbm>>
    tpu.enqueue_indirect_dma source(%dma_start3A_79 : memref<53248xf32, #tpu.memory_space<hbm>>) target(%dma_start3A_74 : memref<128xf32, #tpu.memory_space<vmem>>) offsets(%dma_start3A_77 : memref<128xi32, #tpu.memory_space<vmem>>) semaphore(%arg10 : memref<!tpu.dma_semaphore, #tpu.memory_space<semaphore_mem>>)
    %dma_start3A_80 = arith.constant 8 : i32
    %dma_start3A_81 = arith.constant 8 : i32
    %dma_start3A_82 = arith.constant 0 : i32
    %dma_start3A_83 = tpu.memref_slice %arg8[%dma_start3A_81, %dma_start3A_82] : memref<13x128xf32, #tpu.memory_space<vmem>> -> memref<1x128xf32, #tpu.memory_space<vmem>>
    %dma_start3A_84 = tpu.memref_squeeze %dma_start3A_83 : memref<1x128xf32, #tpu.memory_space<vmem>> -> memref<128xf32, #tpu.memory_space<vmem>>
    %dma_start3A_85 = arith.constant 0 : i32
    %dma_start3A_86 = tpu.memref_slice %arg6[%dma_start3A_80, %dma_start3A_85] : memref<13x128xi32, #tpu.memory_space<vmem>> -> memref<1x128xi32, #tpu.memory_space<vmem>>
    %dma_start3A_87 = tpu.memref_squeeze %dma_start3A_86 : memref<1x128xi32, #tpu.memory_space<vmem>> -> memref<128xi32, #tpu.memory_space<vmem>>
    %dma_start3A_88 = arith.constant 0 : i32
    %dma_start3A_89 = tpu.memref_slice %arg2[%dma_start3A_88] : memref<53248xf32, #tpu.memory_space<hbm>> -> memref<53248xf32, #tpu.memory_space<hbm>>
    tpu.enqueue_indirect_dma source(%dma_start3A_89 : memref<53248xf32, #tpu.memory_space<hbm>>) target(%dma_start3A_84 : memref<128xf32, #tpu.memory_space<vmem>>) offsets(%dma_start3A_87 : memref<128xi32, #tpu.memory_space<vmem>>) semaphore(%arg10 : memref<!tpu.dma_semaphore, #tpu.memory_space<semaphore_mem>>)
    %dma_start3A_90 = arith.constant 9 : i32
    %dma_start3A_91 = arith.constant 9 : i32
    %dma_start3A_92 = arith.constant 0 : i32
    %dma_start3A_93 = tpu.memref_slice %arg8[%dma_start3A_91, %dma_start3A_92] : memref<13x128xf32, #tpu.memory_space<vmem>> -> memref<1x128xf32, #tpu.memory_space<vmem>>
    %dma_start3A_94 = tpu.memref_squeeze %dma_start3A_93 : memref<1x128xf32, #tpu.memory_space<vmem>> -> memref<128xf32, #tpu.memory_space<vmem>>
    %dma_start3A_95 = arith.constant 0 : i32
    %dma_start3A_96 = tpu.memref_slice %arg6[%dma_start3A_90, %dma_start3A_95] : memref<13x128xi32, #tpu.memory_space<vmem>> -> memref<1x128xi32, #tpu.memory_space<vmem>>
    %dma_start3A_97 = tpu.memref_squeeze %dma_start3A_96 : memref<1x128xi32, #tpu.memory_space<vmem>> -> memref<128xi32, #tpu.memory_space<vmem>>
    %dma_start3A_98 = arith.constant 0 : i32
    %dma_start3A_99 = tpu.memref_slice %arg2[%dma_start3A_98] : memref<53248xf32, #tpu.memory_space<hbm>> -> memref<53248xf32, #tpu.memory_space<hbm>>
    tpu.enqueue_indirect_dma source(%dma_start3A_99 : memref<53248xf32, #tpu.memory_space<hbm>>) target(%dma_start3A_94 : memref<128xf32, #tpu.memory_space<vmem>>) offsets(%dma_start3A_97 : memref<128xi32, #tpu.memory_space<vmem>>) semaphore(%arg10 : memref<!tpu.dma_semaphore, #tpu.memory_space<semaphore_mem>>)
    %dma_start3A_100 = arith.constant 10 : i32
    %dma_start3A_101 = arith.constant 10 : i32
    %dma_start3A_102 = arith.constant 0 : i32
    %dma_start3A_103 = tpu.memref_slice %arg8[%dma_start3A_101, %dma_start3A_102] : memref<13x128xf32, #tpu.memory_space<vmem>> -> memref<1x128xf32, #tpu.memory_space<vmem>>
    %dma_start3A_104 = tpu.memref_squeeze %dma_start3A_103 : memref<1x128xf32, #tpu.memory_space<vmem>> -> memref<128xf32, #tpu.memory_space<vmem>>
    %dma_start3A_105 = arith.constant 0 : i32
    %dma_start3A_106 = tpu.memref_slice %arg6[%dma_start3A_100, %dma_start3A_105] : memref<13x128xi32, #tpu.memory_space<vmem>> -> memref<1x128xi32, #tpu.memory_space<vmem>>
    %dma_start3A_107 = tpu.memref_squeeze %dma_start3A_106 : memref<1x128xi32, #tpu.memory_space<vmem>> -> memref<128xi32, #tpu.memory_space<vmem>>
    %dma_start3A_108 = arith.constant 0 : i32
    %dma_start3A_109 = tpu.memref_slice %arg2[%dma_start3A_108] : memref<53248xf32, #tpu.memory_space<hbm>> -> memref<53248xf32, #tpu.memory_space<hbm>>
    tpu.enqueue_indirect_dma source(%dma_start3A_109 : memref<53248xf32, #tpu.memory_space<hbm>>) target(%dma_start3A_104 : memref<128xf32, #tpu.memory_space<vmem>>) offsets(%dma_start3A_107 : memref<128xi32, #tpu.memory_space<vmem>>) semaphore(%arg10 : memref<!tpu.dma_semaphore, #tpu.memory_space<semaphore_mem>>)
    %dma_start3A_110 = arith.constant 11 : i32
    %dma_start3A_111 = arith.constant 11 : i32
    %dma_start3A_112 = arith.constant 0 : i32
    %dma_start3A_113 = tpu.memref_slice %arg8[%dma_start3A_111, %dma_start3A_112] : memref<13x128xf32, #tpu.memory_space<vmem>> -> memref<1x128xf32, #tpu.memory_space<vmem>>
    %dma_start3A_114 = tpu.memref_squeeze %dma_start3A_113 : memref<1x128xf32, #tpu.memory_space<vmem>> -> memref<128xf32, #tpu.memory_space<vmem>>
    %dma_start3A_115 = arith.constant 0 : i32
    %dma_start3A_116 = tpu.memref_slice %arg6[%dma_start3A_110, %dma_start3A_115] : memref<13x128xi32, #tpu.memory_space<vmem>> -> memref<1x128xi32, #tpu.memory_space<vmem>>
    %dma_start3A_117 = tpu.memref_squeeze %dma_start3A_116 : memref<1x128xi32, #tpu.memory_space<vmem>> -> memref<128xi32, #tpu.memory_space<vmem>>
    %dma_start3A_118 = arith.constant 0 : i32
    %dma_start3A_119 = tpu.memref_slice %arg2[%dma_start3A_118] : memref<53248xf32, #tpu.memory_space<hbm>> -> memref<53248xf32, #tpu.memory_space<hbm>>
    tpu.enqueue_indirect_dma source(%dma_start3A_119 : memref<53248xf32, #tpu.memory_space<hbm>>) target(%dma_start3A_114 : memref<128xf32, #tpu.memory_space<vmem>>) offsets(%dma_start3A_117 : memref<128xi32, #tpu.memory_space<vmem>>) semaphore(%arg10 : memref<!tpu.dma_semaphore, #tpu.memory_space<semaphore_mem>>)
    %dma_start3A_120 = arith.constant 12 : i32
    %dma_start3A_121 = arith.constant 12 : i32
    %dma_start3A_122 = arith.constant 0 : i32
    %dma_start3A_123 = tpu.memref_slice %arg8[%dma_start3A_121, %dma_start3A_122] : memref<13x128xf32, #tpu.memory_space<vmem>> -> memref<1x128xf32, #tpu.memory_space<vmem>>
    %dma_start3A_124 = tpu.memref_squeeze %dma_start3A_123 : memref<1x128xf32, #tpu.memory_space<vmem>> -> memref<128xf32, #tpu.memory_space<vmem>>
    %dma_start3A_125 = arith.constant 0 : i32
    %dma_start3A_126 = tpu.memref_slice %arg6[%dma_start3A_120, %dma_start3A_125] : memref<13x128xi32, #tpu.memory_space<vmem>> -> memref<1x128xi32, #tpu.memory_space<vmem>>
    %dma_start3A_127 = tpu.memref_squeeze %dma_start3A_126 : memref<1x128xi32, #tpu.memory_space<vmem>> -> memref<128xi32, #tpu.memory_space<vmem>>
    %dma_start3A_128 = arith.constant 0 : i32
    %dma_start3A_129 = tpu.memref_slice %arg2[%dma_start3A_128] : memref<53248xf32, #tpu.memory_space<hbm>> -> memref<53248xf32, #tpu.memory_space<hbm>>
    tpu.enqueue_indirect_dma source(%dma_start3A_129 : memref<53248xf32, #tpu.memory_space<hbm>>) target(%dma_start3A_124 : memref<128xf32, #tpu.memory_space<vmem>>) offsets(%dma_start3A_127 : memref<128xi32, #tpu.memory_space<vmem>>) semaphore(%arg10 : memref<!tpu.dma_semaphore, #tpu.memory_space<semaphore_mem>>)
    %dma_wait3A = arith.constant 0 : i32
    %dma_wait3A_130 = arith.constant 0 : i32
    %dma_wait3A_131 = arith.constant 0 : i32
    %dma_wait3A_132 = tpu.memref_slice %arg8[%dma_wait3A_130, %dma_wait3A_131] : memref<13x128xf32, #tpu.memory_space<vmem>> -> memref<1x128xf32, #tpu.memory_space<vmem>>
    %dma_wait3A_133 = tpu.memref_squeeze %dma_wait3A_132 : memref<1x128xf32, #tpu.memory_space<vmem>> -> memref<128xf32, #tpu.memory_space<vmem>>
    %dma_wait3A_134 = arith.constant 0 : i32
    %dma_wait3A_135 = tpu.memref_slice %arg6[%dma_wait3A, %dma_wait3A_134] : memref<13x128xi32, #tpu.memory_space<vmem>> -> memref<1x128xi32, #tpu.memory_space<vmem>>
    %dma_wait3A_136 = tpu.memref_squeeze %dma_wait3A_135 : memref<1x128xi32, #tpu.memory_space<vmem>> -> memref<128xi32, #tpu.memory_space<vmem>>
    %dma_wait3A_137 = arith.constant 0 : i32
    %dma_wait3A_138 = tpu.memref_slice %arg2[%dma_wait3A_137] : memref<53248xf32, #tpu.memory_space<hbm>> -> memref<53248xf32, #tpu.memory_space<hbm>>
    tpu.wait_indirect_dma semaphore(%arg10 : memref<!tpu.dma_semaphore, #tpu.memory_space<semaphore_mem>>) src(%dma_wait3A_138 : memref<53248xf32, #tpu.memory_space<hbm>>) dst(%dma_wait3A_133 : memref<128xf32, #tpu.memory_space<vmem>>)
    %dma_wait3A_139 = arith.constant 1 : i32
    %dma_wait3A_140 = arith.constant 1 : i32
    %dma_wait3A_141 = arith.constant 0 : i32
    %dma_wait3A_142 = tpu.memref_slice %arg8[%dma_wait3A_140, %dma_wait3A_141] : memref<13x128xf32, #tpu.memory_space<vmem>> -> memref<1x128xf32, #tpu.memory_space<vmem>>
    %dma_wait3A_143 = tpu.memref_squeeze %dma_wait3A_142 : memref<1x128xf32, #tpu.memory_space<vmem>> -> memref<128xf32, #tpu.memory_space<vmem>>
    %dma_wait3A_144 = arith.constant 0 : i32
    %dma_wait3A_145 = tpu.memref_slice %arg6[%dma_wait3A_139, %dma_wait3A_144] : memref<13x128xi32, #tpu.memory_space<vmem>> -> memref<1x128xi32, #tpu.memory_space<vmem>>
    %dma_wait3A_146 = tpu.memref_squeeze %dma_wait3A_145 : memref<1x128xi32, #tpu.memory_space<vmem>> -> memref<128xi32, #tpu.memory_space<vmem>>
    %dma_wait3A_147 = arith.constant 0 : i32
    %dma_wait3A_148 = tpu.memref_slice %arg2[%dma_wait3A_147] : memref<53248xf32, #tpu.memory_space<hbm>> -> memref<53248xf32, #tpu.memory_space<hbm>>
    tpu.wait_indirect_dma semaphore(%arg10 : memref<!tpu.dma_semaphore, #tpu.memory_space<semaphore_mem>>) src(%dma_wait3A_148 : memref<53248xf32, #tpu.memory_space<hbm>>) dst(%dma_wait3A_143 : memref<128xf32, #tpu.memory_space<vmem>>)
    %dma_wait3A_149 = arith.constant 2 : i32
    %dma_wait3A_150 = arith.constant 2 : i32
    %dma_wait3A_151 = arith.constant 0 : i32
    %dma_wait3A_152 = tpu.memref_slice %arg8[%dma_wait3A_150, %dma_wait3A_151] : memref<13x128xf32, #tpu.memory_space<vmem>> -> memref<1x128xf32, #tpu.memory_space<vmem>>
    %dma_wait3A_153 = tpu.memref_squeeze %dma_wait3A_152 : memref<1x128xf32, #tpu.memory_space<vmem>> -> memref<128xf32, #tpu.memory_space<vmem>>
    %dma_wait3A_154 = arith.constant 0 : i32
    %dma_wait3A_155 = tpu.memref_slice %arg6[%dma_wait3A_149, %dma_wait3A_154] : memref<13x128xi32, #tpu.memory_space<vmem>> -> memref<1x128xi32, #tpu.memory_space<vmem>>
    %dma_wait3A_156 = tpu.memref_squeeze %dma_wait3A_155 : memref<1x128xi32, #tpu.memory_space<vmem>> -> memref<128xi32, #tpu.memory_space<vmem>>
    %dma_wait3A_157 = arith.constant 0 : i32
    %dma_wait3A_158 = tpu.memref_slice %arg2[%dma_wait3A_157] : memref<53248xf32, #tpu.memory_space<hbm>> -> memref<53248xf32, #tpu.memory_space<hbm>>
    tpu.wait_indirect_dma semaphore(%arg10 : memref<!tpu.dma_semaphore, #tpu.memory_space<semaphore_mem>>) src(%dma_wait3A_158 : memref<53248xf32, #tpu.memory_space<hbm>>) dst(%dma_wait3A_153 : memref<128xf32, #tpu.memory_space<vmem>>)
    %dma_wait3A_159 = arith.constant 3 : i32
    %dma_wait3A_160 = arith.constant 3 : i32
    %dma_wait3A_161 = arith.constant 0 : i32
    %dma_wait3A_162 = tpu.memref_slice %arg8[%dma_wait3A_160, %dma_wait3A_161] : memref<13x128xf32, #tpu.memory_space<vmem>> -> memref<1x128xf32, #tpu.memory_space<vmem>>
    %dma_wait3A_163 = tpu.memref_squeeze %dma_wait3A_162 : memref<1x128xf32, #tpu.memory_space<vmem>> -> memref<128xf32, #tpu.memory_space<vmem>>
    %dma_wait3A_164 = arith.constant 0 : i32
    %dma_wait3A_165 = tpu.memref_slice %arg6[%dma_wait3A_159, %dma_wait3A_164] : memref<13x128xi32, #tpu.memory_space<vmem>> -> memref<1x128xi32, #tpu.memory_space<vmem>>
    %dma_wait3A_166 = tpu.memref_squeeze %dma_wait3A_165 : memref<1x128xi32, #tpu.memory_space<vmem>> -> memref<128xi32, #tpu.memory_space<vmem>>
    %dma_wait3A_167 = arith.constant 0 : i32
    %dma_wait3A_168 = tpu.memref_slice %arg2[%dma_wait3A_167] : memref<53248xf32, #tpu.memory_space<hbm>> -> memref<53248xf32, #tpu.memory_space<hbm>>
    tpu.wait_indirect_dma semaphore(%arg10 : memref<!tpu.dma_semaphore, #tpu.memory_space<semaphore_mem>>) src(%dma_wait3A_168 : memref<53248xf32, #tpu.memory_space<hbm>>) dst(%dma_wait3A_163 : memref<128xf32, #tpu.memory_space<vmem>>)
    %dma_wait3A_169 = arith.constant 4 : i32
    %dma_wait3A_170 = arith.constant 4 : i32
    %dma_wait3A_171 = arith.constant 0 : i32
    %dma_wait3A_172 = tpu.memref_slice %arg8[%dma_wait3A_170, %dma_wait3A_171] : memref<13x128xf32, #tpu.memory_space<vmem>> -> memref<1x128xf32, #tpu.memory_space<vmem>>
    %dma_wait3A_173 = tpu.memref_squeeze %dma_wait3A_172 : memref<1x128xf32, #tpu.memory_space<vmem>> -> memref<128xf32, #tpu.memory_space<vmem>>
    %dma_wait3A_174 = arith.constant 0 : i32
    %dma_wait3A_175 = tpu.memref_slice %arg6[%dma_wait3A_169, %dma_wait3A_174] : memref<13x128xi32, #tpu.memory_space<vmem>> -> memref<1x128xi32, #tpu.memory_space<vmem>>
    %dma_wait3A_176 = tpu.memref_squeeze %dma_wait3A_175 : memref<1x128xi32, #tpu.memory_space<vmem>> -> memref<128xi32, #tpu.memory_space<vmem>>
    %dma_wait3A_177 = arith.constant 0 : i32
    %dma_wait3A_178 = tpu.memref_slice %arg2[%dma_wait3A_177] : memref<53248xf32, #tpu.memory_space<hbm>> -> memref<53248xf32, #tpu.memory_space<hbm>>
    tpu.wait_indirect_dma semaphore(%arg10 : memref<!tpu.dma_semaphore, #tpu.memory_space<semaphore_mem>>) src(%dma_wait3A_178 : memref<53248xf32, #tpu.memory_space<hbm>>) dst(%dma_wait3A_173 : memref<128xf32, #tpu.memory_space<vmem>>)
    %dma_wait3A_179 = arith.constant 5 : i32
    %dma_wait3A_180 = arith.constant 5 : i32
    %dma_wait3A_181 = arith.constant 0 : i32
    %dma_wait3A_182 = tpu.memref_slice %arg8[%dma_wait3A_180, %dma_wait3A_181] : memref<13x128xf32, #tpu.memory_space<vmem>> -> memref<1x128xf32, #tpu.memory_space<vmem>>
    %dma_wait3A_183 = tpu.memref_squeeze %dma_wait3A_182 : memref<1x128xf32, #tpu.memory_space<vmem>> -> memref<128xf32, #tpu.memory_space<vmem>>
    %dma_wait3A_184 = arith.constant 0 : i32
    %dma_wait3A_185 = tpu.memref_slice %arg6[%dma_wait3A_179, %dma_wait3A_184] : memref<13x128xi32, #tpu.memory_space<vmem>> -> memref<1x128xi32, #tpu.memory_space<vmem>>
    %dma_wait3A_186 = tpu.memref_squeeze %dma_wait3A_185 : memref<1x128xi32, #tpu.memory_space<vmem>> -> memref<128xi32, #tpu.memory_space<vmem>>
    %dma_wait3A_187 = arith.constant 0 : i32
    %dma_wait3A_188 = tpu.memref_slice %arg2[%dma_wait3A_187] : memref<53248xf32, #tpu.memory_space<hbm>> -> memref<53248xf32, #tpu.memory_space<hbm>>
    tpu.wait_indirect_dma semaphore(%arg10 : memref<!tpu.dma_semaphore, #tpu.memory_space<semaphore_mem>>) src(%dma_wait3A_188 : memref<53248xf32, #tpu.memory_space<hbm>>) dst(%dma_wait3A_183 : memref<128xf32, #tpu.memory_space<vmem>>)
    %dma_wait3A_189 = arith.constant 6 : i32
    %dma_wait3A_190 = arith.constant 6 : i32
    %dma_wait3A_191 = arith.constant 0 : i32
    %dma_wait3A_192 = tpu.memref_slice %arg8[%dma_wait3A_190, %dma_wait3A_191] : memref<13x128xf32, #tpu.memory_space<vmem>> -> memref<1x128xf32, #tpu.memory_space<vmem>>
    %dma_wait3A_193 = tpu.memref_squeeze %dma_wait3A_192 : memref<1x128xf32, #tpu.memory_space<vmem>> -> memref<128xf32, #tpu.memory_space<vmem>>
    %dma_wait3A_194 = arith.constant 0 : i32
    %dma_wait3A_195 = tpu.memref_slice %arg6[%dma_wait3A_189, %dma_wait3A_194] : memref<13x128xi32, #tpu.memory_space<vmem>> -> memref<1x128xi32, #tpu.memory_space<vmem>>
    %dma_wait3A_196 = tpu.memref_squeeze %dma_wait3A_195 : memref<1x128xi32, #tpu.memory_space<vmem>> -> memref<128xi32, #tpu.memory_space<vmem>>
    %dma_wait3A_197 = arith.constant 0 : i32
    %dma_wait3A_198 = tpu.memref_slice %arg2[%dma_wait3A_197] : memref<53248xf32, #tpu.memory_space<hbm>> -> memref<53248xf32, #tpu.memory_space<hbm>>
    tpu.wait_indirect_dma semaphore(%arg10 : memref<!tpu.dma_semaphore, #tpu.memory_space<semaphore_mem>>) src(%dma_wait3A_198 : memref<53248xf32, #tpu.memory_space<hbm>>) dst(%dma_wait3A_193 : memref<128xf32, #tpu.memory_space<vmem>>)
    %dma_wait3A_199 = arith.constant 7 : i32
    %dma_wait3A_200 = arith.constant 7 : i32
    %dma_wait3A_201 = arith.constant 0 : i32
    %dma_wait3A_202 = tpu.memref_slice %arg8[%dma_wait3A_200, %dma_wait3A_201] : memref<13x128xf32, #tpu.memory_space<vmem>> -> memref<1x128xf32, #tpu.memory_space<vmem>>
    %dma_wait3A_203 = tpu.memref_squeeze %dma_wait3A_202 : memref<1x128xf32, #tpu.memory_space<vmem>> -> memref<128xf32, #tpu.memory_space<vmem>>
    %dma_wait3A_204 = arith.constant 0 : i32
    %dma_wait3A_205 = tpu.memref_slice %arg6[%dma_wait3A_199, %dma_wait3A_204] : memref<13x128xi32, #tpu.memory_space<vmem>> -> memref<1x128xi32, #tpu.memory_space<vmem>>
    %dma_wait3A_206 = tpu.memref_squeeze %dma_wait3A_205 : memref<1x128xi32, #tpu.memory_space<vmem>> -> memref<128xi32, #tpu.memory_space<vmem>>
    %dma_wait3A_207 = arith.constant 0 : i32
    %dma_wait3A_208 = tpu.memref_slice %arg2[%dma_wait3A_207] : memref<53248xf32, #tpu.memory_space<hbm>> -> memref<53248xf32, #tpu.memory_space<hbm>>
    tpu.wait_indirect_dma semaphore(%arg10 : memref<!tpu.dma_semaphore, #tpu.memory_space<semaphore_mem>>) src(%dma_wait3A_208 : memref<53248xf32, #tpu.memory_space<hbm>>) dst(%dma_wait3A_203 : memref<128xf32, #tpu.memory_space<vmem>>)
    %dma_wait3A_209 = arith.constant 8 : i32
    %dma_wait3A_210 = arith.constant 8 : i32
    %dma_wait3A_211 = arith.constant 0 : i32
    %dma_wait3A_212 = tpu.memref_slice %arg8[%dma_wait3A_210, %dma_wait3A_211] : memref<13x128xf32, #tpu.memory_space<vmem>> -> memref<1x128xf32, #tpu.memory_space<vmem>>
    %dma_wait3A_213 = tpu.memref_squeeze %dma_wait3A_212 : memref<1x128xf32, #tpu.memory_space<vmem>> -> memref<128xf32, #tpu.memory_space<vmem>>
    %dma_wait3A_214 = arith.constant 0 : i32
    %dma_wait3A_215 = tpu.memref_slice %arg6[%dma_wait3A_209, %dma_wait3A_214] : memref<13x128xi32, #tpu.memory_space<vmem>> -> memref<1x128xi32, #tpu.memory_space<vmem>>
    %dma_wait3A_216 = tpu.memref_squeeze %dma_wait3A_215 : memref<1x128xi32, #tpu.memory_space<vmem>> -> memref<128xi32, #tpu.memory_space<vmem>>
    %dma_wait3A_217 = arith.constant 0 : i32
    %dma_wait3A_218 = tpu.memref_slice %arg2[%dma_wait3A_217] : memref<53248xf32, #tpu.memory_space<hbm>> -> memref<53248xf32, #tpu.memory_space<hbm>>
    tpu.wait_indirect_dma semaphore(%arg10 : memref<!tpu.dma_semaphore, #tpu.memory_space<semaphore_mem>>) src(%dma_wait3A_218 : memref<53248xf32, #tpu.memory_space<hbm>>) dst(%dma_wait3A_213 : memref<128xf32, #tpu.memory_space<vmem>>)
    %dma_wait3A_219 = arith.constant 9 : i32
    %dma_wait3A_220 = arith.constant 9 : i32
    %dma_wait3A_221 = arith.constant 0 : i32
    %dma_wait3A_222 = tpu.memref_slice %arg8[%dma_wait3A_220, %dma_wait3A_221] : memref<13x128xf32, #tpu.memory_space<vmem>> -> memref<1x128xf32, #tpu.memory_space<vmem>>
    %dma_wait3A_223 = tpu.memref_squeeze %dma_wait3A_222 : memref<1x128xf32, #tpu.memory_space<vmem>> -> memref<128xf32, #tpu.memory_space<vmem>>
    %dma_wait3A_224 = arith.constant 0 : i32
    %dma_wait3A_225 = tpu.memref_slice %arg6[%dma_wait3A_219, %dma_wait3A_224] : memref<13x128xi32, #tpu.memory_space<vmem>> -> memref<1x128xi32, #tpu.memory_space<vmem>>
    %dma_wait3A_226 = tpu.memref_squeeze %dma_wait3A_225 : memref<1x128xi32, #tpu.memory_space<vmem>> -> memref<128xi32, #tpu.memory_space<vmem>>
    %dma_wait3A_227 = arith.constant 0 : i32
    %dma_wait3A_228 = tpu.memref_slice %arg2[%dma_wait3A_227] : memref<53248xf32, #tpu.memory_space<hbm>> -> memref<53248xf32, #tpu.memory_space<hbm>>
    tpu.wait_indirect_dma semaphore(%arg10 : memref<!tpu.dma_semaphore, #tpu.memory_space<semaphore_mem>>) src(%dma_wait3A_228 : memref<53248xf32, #tpu.memory_space<hbm>>) dst(%dma_wait3A_223 : memref<128xf32, #tpu.memory_space<vmem>>)
    %dma_wait3A_229 = arith.constant 10 : i32
    %dma_wait3A_230 = arith.constant 10 : i32
    %dma_wait3A_231 = arith.constant 0 : i32
    %dma_wait3A_232 = tpu.memref_slice %arg8[%dma_wait3A_230, %dma_wait3A_231] : memref<13x128xf32, #tpu.memory_space<vmem>> -> memref<1x128xf32, #tpu.memory_space<vmem>>
    %dma_wait3A_233 = tpu.memref_squeeze %dma_wait3A_232 : memref<1x128xf32, #tpu.memory_space<vmem>> -> memref<128xf32, #tpu.memory_space<vmem>>
    %dma_wait3A_234 = arith.constant 0 : i32
    %dma_wait3A_235 = tpu.memref_slice %arg6[%dma_wait3A_229, %dma_wait3A_234] : memref<13x128xi32, #tpu.memory_space<vmem>> -> memref<1x128xi32, #tpu.memory_space<vmem>>
    %dma_wait3A_236 = tpu.memref_squeeze %dma_wait3A_235 : memref<1x128xi32, #tpu.memory_space<vmem>> -> memref<128xi32, #tpu.memory_space<vmem>>
    %dma_wait3A_237 = arith.constant 0 : i32
    %dma_wait3A_238 = tpu.memref_slice %arg2[%dma_wait3A_237] : memref<53248xf32, #tpu.memory_space<hbm>> -> memref<53248xf32, #tpu.memory_space<hbm>>
    tpu.wait_indirect_dma semaphore(%arg10 : memref<!tpu.dma_semaphore, #tpu.memory_space<semaphore_mem>>) src(%dma_wait3A_238 : memref<53248xf32, #tpu.memory_space<hbm>>) dst(%dma_wait3A_233 : memref<128xf32, #tpu.memory_space<vmem>>)
    %dma_wait3A_239 = arith.constant 11 : i32
    %dma_wait3A_240 = arith.constant 11 : i32
    %dma_wait3A_241 = arith.constant 0 : i32
    %dma_wait3A_242 = tpu.memref_slice %arg8[%dma_wait3A_240, %dma_wait3A_241] : memref<13x128xf32, #tpu.memory_space<vmem>> -> memref<1x128xf32, #tpu.memory_space<vmem>>
    %dma_wait3A_243 = tpu.memref_squeeze %dma_wait3A_242 : memref<1x128xf32, #tpu.memory_space<vmem>> -> memref<128xf32, #tpu.memory_space<vmem>>
    %dma_wait3A_244 = arith.constant 0 : i32
    %dma_wait3A_245 = tpu.memref_slice %arg6[%dma_wait3A_239, %dma_wait3A_244] : memref<13x128xi32, #tpu.memory_space<vmem>> -> memref<1x128xi32, #tpu.memory_space<vmem>>
    %dma_wait3A_246 = tpu.memref_squeeze %dma_wait3A_245 : memref<1x128xi32, #tpu.memory_space<vmem>> -> memref<128xi32, #tpu.memory_space<vmem>>
    %dma_wait3A_247 = arith.constant 0 : i32
    %dma_wait3A_248 = tpu.memref_slice %arg2[%dma_wait3A_247] : memref<53248xf32, #tpu.memory_space<hbm>> -> memref<53248xf32, #tpu.memory_space<hbm>>
    tpu.wait_indirect_dma semaphore(%arg10 : memref<!tpu.dma_semaphore, #tpu.memory_space<semaphore_mem>>) src(%dma_wait3A_248 : memref<53248xf32, #tpu.memory_space<hbm>>) dst(%dma_wait3A_243 : memref<128xf32, #tpu.memory_space<vmem>>)
    %dma_wait3A_249 = arith.constant 12 : i32
    %dma_wait3A_250 = arith.constant 12 : i32
    %dma_wait3A_251 = arith.constant 0 : i32
    %dma_wait3A_252 = tpu.memref_slice %arg8[%dma_wait3A_250, %dma_wait3A_251] : memref<13x128xf32, #tpu.memory_space<vmem>> -> memref<1x128xf32, #tpu.memory_space<vmem>>
    %dma_wait3A_253 = tpu.memref_squeeze %dma_wait3A_252 : memref<1x128xf32, #tpu.memory_space<vmem>> -> memref<128xf32, #tpu.memory_space<vmem>>
    %dma_wait3A_254 = arith.constant 0 : i32
    %dma_wait3A_255 = tpu.memref_slice %arg6[%dma_wait3A_249, %dma_wait3A_254] : memref<13x128xi32, #tpu.memory_space<vmem>> -> memref<1x128xi32, #tpu.memory_space<vmem>>
    %dma_wait3A_256 = tpu.memref_squeeze %dma_wait3A_255 : memref<1x128xi32, #tpu.memory_space<vmem>> -> memref<128xi32, #tpu.memory_space<vmem>>
    %dma_wait3A_257 = arith.constant 0 : i32
    %dma_wait3A_258 = tpu.memref_slice %arg2[%dma_wait3A_257] : memref<53248xf32, #tpu.memory_space<hbm>> -> memref<53248xf32, #tpu.memory_space<hbm>>
    tpu.wait_indirect_dma semaphore(%arg10 : memref<!tpu.dma_semaphore, #tpu.memory_space<semaphore_mem>>) src(%dma_wait3A_258 : memref<53248xf32, #tpu.memory_space<hbm>>) dst(%dma_wait3A_253 : memref<128xf32, #tpu.memory_space<vmem>>)
    %get3A = arith.constant 0 : i32
    %get3A_259 = arith.index_cast %get3A : i32 to index
    %get3A_260 = arith.constant 0 : index
    %get3A_261 = tpu.vector_load %arg8[%get3A_259, %get3A_260] {strides = array<i32>} : memref<13x128xf32, #tpu.memory_space<vmem>>, vector<1x16xf32>,
    %get3A_262 = vector.shape_cast %get3A_261 : vector<1x16xf32> to vector<16xf32>
    %get3A_263 = arith.constant 0 : i32
    %get3A_264 = arith.index_cast %get3A_263 : i32 to index
    %get3A_265 = arith.constant 0 : index
    %get3A_266 = tpu.vector_load %arg7[%get3A_264, %get3A_265] {strides = array<i32>} : memref<13x128xi32, #tpu.memory_space<vmem>>, vector<1x16xi32>,
    %get3A_267 = vector.shape_cast %get3A_266 : vector<1x16xi32> to vector<16xi32>
    %eq3A = arith.constant 0 : i32
    %eq3A_268 = vector.broadcast %eq3A : i32 to vector<16xi32>
    %eq3A_269 = arith.cmpi eq, %get3A_267, %eq3A_268 : vector<16xi32>
    %jit3A = arith.constant 0.000000e+00 : f32
    %broadcast_in_dim3A = vector.broadcast %jit3A : f32 to vector<16xf32>
    %select_n3A = arith.select %eq3A_269, %broadcast_in_dim3A, %get3A_262 : vector<16xi1>, vector<16xf32>
    %swap3A = arith.constant 0 : i32
    %swap3A_270 = arith.index_cast %swap3A : i32 to index
    %swap3A_271 = arith.constant 0 : index
    %swap3A_272 = tpu.vector_load %arg9[%swap3A_270, %swap3A_271] {strides = array<i32>} : memref<13x128xf32, #tpu.memory_space<vmem>>, vector<1x16xf32>,
    %swap3A_273 = vector.shape_cast %swap3A_272 : vector<1x16xf32> to vector<16xf32>
    %swap3A_274 = vector.shape_cast %select_n3A : vector<16xf32> to vector<1x16xf32>
    tpu.vector_store %arg9[%swap3A_270, %swap3A_271], %swap3A_274 {strides = array<i32>} : memref<13x128xf32, #tpu.memory_space<vmem>>, vector<1x16xf32>,
    %get3A_275 = arith.constant 0 : i32
    %get3A_276 = arith.index_cast %get3A_275 : i32 to index
    %get3A_277 = arith.constant 16 : index
    %get3A_278 = tpu.vector_load %arg8[%get3A_276, %get3A_277] {strides = array<i32>} : memref<13x128xf32, #tpu.memory_space<vmem>>, vector<1x16xf32>,
    %get3A_279 = vector.shape_cast %get3A_278 : vector<1x16xf32> to vector<16xf32>
    %get3A_280 = arith.constant 0 : i32
    %get3A_281 = arith.index_cast %get3A_280 : i32 to index
    %get3A_282 = arith.constant 16 : index
    %get3A_283 = tpu.vector_load %arg7[%get3A_281, %get3A_282] {strides = array<i32>} : memref<13x128xi32, #tpu.memory_space<vmem>>, vector<1x16xi32>,
    %get3A_284 = vector.shape_cast %get3A_283 : vector<1x16xi32> to vector<16xi32>
    %eq3A_285 = arith.constant 0 : i32
    %eq3A_286 = vector.broadcast %eq3A_285 : i32 to vector<16xi32>
    %eq3A_287 = arith.cmpi eq, %get3A_284, %eq3A_286 : vector<16xi32>
    %jit3A_288 = arith.constant 0.000000e+00 : f32
    %broadcast_in_dim3A_289 = vector.broadcast %jit3A_288 : f32 to vector<16xf32>
    %select_n3A_290 = arith.select %eq3A_287, %broadcast_in_dim3A_289, %get3A_279 : vector<16xi1>, vector<16xf32>
    %swap3A_291 = arith.constant 0 : i32
    %swap3A_292 = arith.index_cast %swap3A_291 : i32 to index
    %swap3A_293 = arith.constant 16 : index
    %swap3A_294 = tpu.vector_load %arg9[%swap3A_292, %swap3A_293] {strides = array<i32>} : memref<13x128xf32, #tpu.memory_space<vmem>>, vector<1x16xf32>,
    %swap3A_295 = vector.shape_cast %swap3A_294 : vector<1x16xf32> to vector<16xf32>
    %swap3A_296 = vector.shape_cast %select_n3A_290 : vector<16xf32> to vector<1x16xf32>
    tpu.vector_store %arg9[%swap3A_292, %swap3A_293], %swap3A_296 {strides = array<i32>} : memref<13x128xf32, #tpu.memory_space<vmem>>, vector<1x16xf32>,
    %get3A_297 = arith.constant 0 : i32
    %get3A_298 = arith.index_cast %get3A_297 : i32 to index
    %get3A_299 = arith.constant 32 : index
    %get3A_300 = tpu.vector_load %arg8[%get3A_298, %get3A_299] {strides = array<i32>} : memref<13x128xf32, #tpu.memory_space<vmem>>, vector<1x16xf32>,
    %get3A_301 = vector.shape_cast %get3A_300 : vector<1x16xf32> to vector<16xf32>
    %get3A_302 = arith.constant 0 : i32
    %get3A_303 = arith.index_cast %get3A_302 : i32 to index
    %get3A_304 = arith.constant 32 : index
    %get3A_305 = tpu.vector_load %arg7[%get3A_303, %get3A_304] {strides = array<i32>} : memref<13x128xi32, #tpu.memory_space<vmem>>, vector<1x16xi32>,
    %get3A_306 = vector.shape_cast %get3A_305 : vector<1x16xi32> to vector<16xi32>
    %eq3A_307 = arith.constant 0 : i32
    %eq3A_308 = vector.broadcast %eq3A_307 : i32 to vector<16xi32>
    %eq3A_309 = arith.cmpi eq, %get3A_306, %eq3A_308 : vector<16xi32>
    %jit3A_310 = arith.constant 0.000000e+00 : f32
    %broadcast_in_dim3A_311 = vector.broadcast %jit3A_310 : f32 to vector<16xf32>
    %select_n3A_312 = arith.select %eq3A_309, %broadcast_in_dim3A_311, %get3A_301 : vector<16xi1>, vector<16xf32>
    %swap3A_313 = arith.constant 0 : i32
    %swap3A_314 = arith.index_cast %swap3A_313 : i32 to index
    %swap3A_315 = arith.constant 32 : index
    %swap3A_316 = tpu.vector_load %arg9[%swap3A_314, %swap3A_315] {strides = array<i32>} : memref<13x128xf32, #tpu.memory_space<vmem>>, vector<1x16xf32>,
    %swap3A_317 = vector.shape_cast %swap3A_316 : vector<1x16xf32> to vector<16xf32>
    %swap3A_318 = vector.shape_cast %select_n3A_312 : vector<16xf32> to vector<1x16xf32>
    tpu.vector_store %arg9[%swap3A_314, %swap3A_315], %swap3A_318 {strides = array<i32>} : memref<13x128xf32, #tpu.memory_space<vmem>>, vector<1x16xf32>,
    %get3A_319 = arith.constant 0 : i32
    %get3A_320 = arith.index_cast %get3A_319 : i32 to index
    %get3A_321 = arith.constant 48 : index
    %get3A_322 = tpu.vector_load %arg8[%get3A_320, %get3A_321] {strides = array<i32>} : memref<13x128xf32, #tpu.memory_space<vmem>>, vector<1x16xf32>,
    %get3A_323 = vector.shape_cast %get3A_322 : vector<1x16xf32> to vector<16xf32>
    %get3A_324 = arith.constant 0 : i32
    %get3A_325 = arith.index_cast %get3A_324 : i32 to index
    %get3A_326 = arith.constant 48 : index
    %get3A_327 = tpu.vector_load %arg7[%get3A_325, %get3A_326] {strides = array<i32>} : memref<13x128xi32, #tpu.memory_space<vmem>>, vector<1x16xi32>,
    %get3A_328 = vector.shape_cast %get3A_327 : vector<1x16xi32> to vector<16xi32>
    %eq3A_329 = arith.constant 0 : i32
    %eq3A_330 = vector.broadcast %eq3A_329 : i32 to vector<16xi32>
    %eq3A_331 = arith.cmpi eq, %get3A_328, %eq3A_330 : vector<16xi32>
    %jit3A_332 = arith.constant 0.000000e+00 : f32
    %broadcast_in_dim3A_333 = vector.broadcast %jit3A_332 : f32 to vector<16xf32>
    %select_n3A_334 = arith.select %eq3A_331, %broadcast_in_dim3A_333, %get3A_323 : vector<16xi1>, vector<16xf32>
    %swap3A_335 = arith.constant 0 : i32
    %swap3A_336 = arith.index_cast %swap3A_335 : i32 to index
    %swap3A_337 = arith.constant 48 : index
    %swap3A_338 = tpu.vector_load %arg9[%swap3A_336, %swap3A_337] {strides = array<i32>} : memref<13x128xf32, #tpu.memory_space<vmem>>, vector<1x16xf32>,
    %swap3A_339 = vector.shape_cast %swap3A_338 : vector<1x16xf32> to vector<16xf32>
    %swap3A_340 = vector.shape_cast %select_n3A_334 : vector<16xf32> to vector<1x16xf32>
    tpu.vector_store %arg9[%swap3A_336, %swap3A_337], %swap3A_340 {strides = array<i32>} : memref<13x128xf32, #tpu.memory_space<vmem>>, vector<1x16xf32>,
    %get3A_341 = arith.constant 0 : i32
    %get3A_342 = arith.index_cast %get3A_341 : i32 to index
    %get3A_343 = arith.constant 64 : index
    %get3A_344 = tpu.vector_load %arg8[%get3A_342, %get3A_343] {strides = array<i32>} : memref<13x128xf32, #tpu.memory_space<vmem>>, vector<1x16xf32>,
    %get3A_345 = vector.shape_cast %get3A_344 : vector<1x16xf32> to vector<16xf32>
    %get3A_346 = arith.constant 0 : i32
    %get3A_347 = arith.index_cast %get3A_346 : i32 to index
    %get3A_348 = arith.constant 64 : index
    %get3A_349 = tpu.vector_load %arg7[%get3A_347, %get3A_348] {strides = array<i32>} : memref<13x128xi32, #tpu.memory_space<vmem>>, vector<1x16xi32>,
    %get3A_350 = vector.shape_cast %get3A_349 : vector<1x16xi32> to vector<16xi32>
    %eq3A_351 = arith.constant 0 : i32
    %eq3A_352 = vector.broadcast %eq3A_351 : i32 to vector<16xi32>
    %eq3A_353 = arith.cmpi eq, %get3A_350, %eq3A_352 : vector<16xi32>
    %jit3A_354 = arith.constant 0.000000e+00 : f32
    %broadcast_in_dim3A_355 = vector.broadcast %jit3A_354 : f32 to vector<16xf32>
    %select_n3A_356 = arith.select %eq3A_353, %broadcast_in_dim3A_355, %get3A_345 : vector<16xi1>, vector<16xf32>
    %swap3A_357 = arith.constant 0 : i32
    %swap3A_358 = arith.index_cast %swap3A_357 : i32 to index
    %swap3A_359 = arith.constant 64 : index
    %swap3A_360 = tpu.vector_load %arg9[%swap3A_358, %swap3A_359] {strides = array<i32>} : memref<13x128xf32, #tpu.memory_space<vmem>>, vector<1x16xf32>,
    %swap3A_361 = vector.shape_cast %swap3A_360 : vector<1x16xf32> to vector<16xf32>
    %swap3A_362 = vector.shape_cast %select_n3A_356 : vector<16xf32> to vector<1x16xf32>
    tpu.vector_store %arg9[%swap3A_358, %swap3A_359], %swap3A_362 {strides = array<i32>} : memref<13x128xf32, #tpu.memory_space<vmem>>, vector<1x16xf32>,
    %get3A_363 = arith.constant 0 : i32
    %get3A_364 = arith.index_cast %get3A_363 : i32 to index
    %get3A_365 = arith.constant 80 : index
    %get3A_366 = tpu.vector_load %arg8[%get3A_364, %get3A_365] {strides = array<i32>} : memref<13x128xf32, #tpu.memory_space<vmem>>, vector<1x16xf32>,
    %get3A_367 = vector.shape_cast %get3A_366 : vector<1x16xf32> to vector<16xf32>
    %get3A_368 = arith.constant 0 : i32
    %get3A_369 = arith.index_cast %get3A_368 : i32 to index
    %get3A_370 = arith.constant 80 : index
    %get3A_371 = tpu.vector_load %arg7[%get3A_369, %get3A_370] {strides = array<i32>} : memref<13x128xi32, #tpu.memory_space<vmem>>, vector<1x16xi32>,
    %get3A_372 = vector.shape_cast %get3A_371 : vector<1x16xi32> to vector<16xi32>
    %eq3A_373 = arith.constant 0 : i32
    %eq3A_374 = vector.broadcast %eq3A_373 : i32 to vector<16xi32>
    %eq3A_375 = arith.cmpi eq, %get3A_372, %eq3A_374 : vector<16xi32>
    %jit3A_376 = arith.constant 0.000000e+00 : f32
    %broadcast_in_dim3A_377 = vector.broadcast %jit3A_376 : f32 to vector<16xf32>
    %select_n3A_378 = arith.select %eq3A_375, %broadcast_in_dim3A_377, %get3A_367 : vector<16xi1>, vector<16xf32>
    %swap3A_379 = arith.constant 0 : i32
    %swap3A_380 = arith.index_cast %swap3A_379 : i32 to index
    %swap3A_381 = arith.constant 80 : index
    %swap3A_382 = tpu.vector_load %arg9[%swap3A_380, %swap3A_381] {strides = array<i32>} : memref<13x128xf32, #tpu.memory_space<vmem>>, vector<1x16xf32>,
    %swap3A_383 = vector.shape_cast %swap3A_382 : vector<1x16xf32> to vector<16xf32>
    %swap3A_384 = vector.shape_cast %select_n3A_378 : vector<16xf32> to vector<1x16xf32>
    tpu.vector_store %arg9[%swap3A_380, %swap3A_381], %swap3A_384 {strides = array<i32>} : memref<13x128xf32, #tpu.memory_space<vmem>>, vector<1x16xf32>,
    %get3A_385 = arith.constant 0 : i32
    %get3A_386 = arith.index_cast %get3A_385 : i32 to index
    %get3A_387 = arith.constant 96 : index
    %get3A_388 = tpu.vector_load %arg8[%get3A_386, %get3A_387] {strides = array<i32>} : memref<13x128xf32, #tpu.memory_space<vmem>>, vector<1x16xf32>,
    %get3A_389 = vector.shape_cast %get3A_388 : vector<1x16xf32> to vector<16xf32>
    %get3A_390 = arith.constant 0 : i32
    %get3A_391 = arith.index_cast %get3A_390 : i32 to index
    %get3A_392 = arith.constant 96 : index
    %get3A_393 = tpu.vector_load %arg7[%get3A_391, %get3A_392] {strides = array<i32>} : memref<13x128xi32, #tpu.memory_space<vmem>>, vector<1x16xi32>,
    %get3A_394 = vector.shape_cast %get3A_393 : vector<1x16xi32> to vector<16xi32>
    %eq3A_395 = arith.constant 0 : i32
    %eq3A_396 = vector.broadcast %eq3A_395 : i32 to vector<16xi32>
    %eq3A_397 = arith.cmpi eq, %get3A_394, %eq3A_396 : vector<16xi32>
    %jit3A_398 = arith.constant 0.000000e+00 : f32
    %broadcast_in_dim3A_399 = vector.broadcast %jit3A_398 : f32 to vector<16xf32>
    %select_n3A_400 = arith.select %eq3A_397, %broadcast_in_dim3A_399, %get3A_389 : vector<16xi1>, vector<16xf32>
    %swap3A_401 = arith.constant 0 : i32
    %swap3A_402 = arith.index_cast %swap3A_401 : i32 to index
    %swap3A_403 = arith.constant 96 : index
    %swap3A_404 = tpu.vector_load %arg9[%swap3A_402, %swap3A_403] {strides = array<i32>} : memref<13x128xf32, #tpu.memory_space<vmem>>, vector<1x16xf32>,
    %swap3A_405 = vector.shape_cast %swap3A_404 : vector<1x16xf32> to vector<16xf32>
    %swap3A_406 = vector.shape_cast %select_n3A_400 : vector<16xf32> to vector<1x16xf32>
    tpu.vector_store %arg9[%swap3A_402, %swap3A_403], %swap3A_406 {strides = array<i32>} : memref<13x128xf32, #tpu.memory_space<vmem>>, vector<1x16xf32>,
    %get3A_407 = arith.constant 0 : i32
    %get3A_408 = arith.index_cast %get3A_407 : i32 to index
    %get3A_409 = arith.constant 112 : index
    %get3A_410 = tpu.vector_load %arg8[%get3A_408, %get3A_409] {strides = array<i32>} : memref<13x128xf32, #tpu.memory_space<vmem>>, vector<1x16xf32>,
    %get3A_411 = vector.shape_cast %get3A_410 : vector<1x16xf32> to vector<16xf32>
    %get3A_412 = arith.constant 0 : i32
    %get3A_413 = arith.index_cast %get3A_412 : i32 to index
    %get3A_414 = arith.constant 112 : index
    %get3A_415 = tpu.vector_load %arg7[%get3A_413, %get3A_414] {strides = array<i32>} : memref<13x128xi32, #tpu.memory_space<vmem>>, vector<1x16xi32>,
    %get3A_416 = vector.shape_cast %get3A_415 : vector<1x16xi32> to vector<16xi32>
    %eq3A_417 = arith.constant 0 : i32
    %eq3A_418 = vector.broadcast %eq3A_417 : i32 to vector<16xi32>
    %eq3A_419 = arith.cmpi eq, %get3A_416, %eq3A_418 : vector<16xi32>
    %jit3A_420 = arith.constant 0.000000e+00 : f32
    %broadcast_in_dim3A_421 = vector.broadcast %jit3A_420 : f32 to vector<16xf32>
    %select_n3A_422 = arith.select %eq3A_419, %broadcast_in_dim3A_421, %get3A_411 : vector<16xi1>, vector<16xf32>
    %swap3A_423 = arith.constant 0 : i32
    %swap3A_424 = arith.index_cast %swap3A_423 : i32 to index
    %swap3A_425 = arith.constant 112 : index
    %swap3A_426 = tpu.vector_load %arg9[%swap3A_424, %swap3A_425] {strides = array<i32>} : memref<13x128xf32, #tpu.memory_space<vmem>>, vector<1x16xf32>,
    %swap3A_427 = vector.shape_cast %swap3A_426 : vector<1x16xf32> to vector<16xf32>
    %swap3A_428 = vector.shape_cast %select_n3A_422 : vector<16xf32> to vector<1x16xf32>
    tpu.vector_store %arg9[%swap3A_424, %swap3A_425], %swap3A_428 {strides = array<i32>} : memref<13x128xf32, #tpu.memory_space<vmem>>, vector<1x16xf32>,
    %get3A_429 = arith.constant 1 : i32
    %get3A_430 = arith.index_cast %get3A_429 : i32 to index
    %get3A_431 = arith.constant 0 : index
    %get3A_432 = tpu.vector_load %arg8[%get3A_430, %get3A_431] {strides = array<i32>} : memref<13x128xf32, #tpu.memory_space<vmem>>, vector<1x16xf32>,
    %get3A_433 = vector.shape_cast %get3A_432 : vector<1x16xf32> to vector<16xf32>
    %get3A_434 = arith.constant 1 : i32
    %get3A_435 = arith.index_cast %get3A_434 : i32 to index
    %get3A_436 = arith.constant 0 : index
    %get3A_437 = tpu.vector_load %arg7[%get3A_435, %get3A_436] {strides = array<i32>} : memref<13x128xi32, #tpu.memory_space<vmem>>, vector<1x16xi32>,
    %get3A_438 = vector.shape_cast %get3A_437 : vector<1x16xi32> to vector<16xi32>
    %eq3A_439 = arith.constant 0 : i32
    %eq3A_440 = vector.broadcast %eq3A_439 : i32 to vector<16xi32>
    %eq3A_441 = arith.cmpi eq, %get3A_438, %eq3A_440 : vector<16xi32>
    %jit3A_442 = arith.constant 0.000000e+00 : f32
    %broadcast_in_dim3A_443 = vector.broadcast %jit3A_442 : f32 to vector<16xf32>
    %select_n3A_444 = arith.select %eq3A_441, %broadcast_in_dim3A_443, %get3A_433 : vector<16xi1>, vector<16xf32>
    %swap3A_445 = arith.constant 1 : i32
    %swap3A_446 = arith.index_cast %swap3A_445 : i32 to index
    %swap3A_447 = arith.constant 0 : index
    %swap3A_448 = tpu.vector_load %arg9[%swap3A_446, %swap3A_447] {strides = array<i32>} : memref<13x128xf32, #tpu.memory_space<vmem>>, vector<1x16xf32>,
    %swap3A_449 = vector.shape_cast %swap3A_448 : vector<1x16xf32> to vector<16xf32>
    %swap3A_450 = vector.shape_cast %select_n3A_444 : vector<16xf32> to vector<1x16xf32>
    tpu.vector_store %arg9[%swap3A_446, %swap3A_447], %swap3A_450 {strides = array<i32>} : memref<13x128xf32, #tpu.memory_space<vmem>>, vector<1x16xf32>,
    %get3A_451 = arith.constant 1 : i32
    %get3A_452 = arith.index_cast %get3A_451 : i32 to index
    %get3A_453 = arith.constant 16 : index
    %get3A_454 = tpu.vector_load %arg8[%get3A_452, %get3A_453] {strides = array<i32>} : memref<13x128xf32, #tpu.memory_space<vmem>>, vector<1x16xf32>,
    %get3A_455 = vector.shape_cast %get3A_454 : vector<1x16xf32> to vector<16xf32>
    %get3A_456 = arith.constant 1 : i32
    %get3A_457 = arith.index_cast %get3A_456 : i32 to index
    %get3A_458 = arith.constant 16 : index
    %get3A_459 = tpu.vector_load %arg7[%get3A_457, %get3A_458] {strides = array<i32>} : memref<13x128xi32, #tpu.memory_space<vmem>>, vector<1x16xi32>,
    %get3A_460 = vector.shape_cast %get3A_459 : vector<1x16xi32> to vector<16xi32>
    %eq3A_461 = arith.constant 0 : i32
    %eq3A_462 = vector.broadcast %eq3A_461 : i32 to vector<16xi32>
    %eq3A_463 = arith.cmpi eq, %get3A_460, %eq3A_462 : vector<16xi32>
    %jit3A_464 = arith.constant 0.000000e+00 : f32
    %broadcast_in_dim3A_465 = vector.broadcast %jit3A_464 : f32 to vector<16xf32>
    %select_n3A_466 = arith.select %eq3A_463, %broadcast_in_dim3A_465, %get3A_455 : vector<16xi1>, vector<16xf32>
    %swap3A_467 = arith.constant 1 : i32
    %swap3A_468 = arith.index_cast %swap3A_467 : i32 to index
    %swap3A_469 = arith.constant 16 : index
    %swap3A_470 = tpu.vector_load %arg9[%swap3A_468, %swap3A_469] {strides = array<i32>} : memref<13x128xf32, #tpu.memory_space<vmem>>, vector<1x16xf32>,
    %swap3A_471 = vector.shape_cast %swap3A_470 : vector<1x16xf32> to vector<16xf32>
    %swap3A_472 = vector.shape_cast %select_n3A_466 : vector<16xf32> to vector<1x16xf32>
    tpu.vector_store %arg9[%swap3A_468, %swap3A_469], %swap3A_472 {strides = array<i32>} : memref<13x128xf32, #tpu.memory_space<vmem>>, vector<1x16xf32>,
    %get3A_473 = arith.constant 1 : i32
    %get3A_474 = arith.index_cast %get3A_473 : i32 to index
    %get3A_475 = arith.constant 32 : index
    %get3A_476 = tpu.vector_load %arg8[%get3A_474, %get3A_475] {strides = array<i32>} : memref<13x128xf32, #tpu.memory_space<vmem>>, vector<1x16xf32>,
    %get3A_477 = vector.shape_cast %get3A_476 : vector<1x16xf32> to vector<16xf32>
    %get3A_478 = arith.constant 1 : i32
    %get3A_479 = arith.index_cast %get3A_478 : i32 to index
    %get3A_480 = arith.constant 32 : index
    %get3A_481 = tpu.vector_load %arg7[%get3A_479, %get3A_480] {strides = array<i32>} : memref<13x128xi32, #tpu.memory_space<vmem>>, vector<1x16xi32>,
    %get3A_482 = vector.shape_cast %get3A_481 : vector<1x16xi32> to vector<16xi32>
    %eq3A_483 = arith.constant 0 : i32
    %eq3A_484 = vector.broadcast %eq3A_483 : i32 to vector<16xi32>
    %eq3A_485 = arith.cmpi eq, %get3A_482, %eq3A_484 : vector<16xi32>
    %jit3A_486 = arith.constant 0.000000e+00 : f32
    %broadcast_in_dim3A_487 = vector.broadcast %jit3A_486 : f32 to vector<16xf32>
    %select_n3A_488 = arith.select %eq3A_485, %broadcast_in_dim3A_487, %get3A_477 : vector<16xi1>, vector<16xf32>
    %swap3A_489 = arith.constant 1 : i32
    %swap3A_490 = arith.index_cast %swap3A_489 : i32 to index
    %swap3A_491 = arith.constant 32 : index
    %swap3A_492 = tpu.vector_load %arg9[%swap3A_490, %swap3A_491] {strides = array<i32>} : memref<13x128xf32, #tpu.memory_space<vmem>>, vector<1x16xf32>,
    %swap3A_493 = vector.shape_cast %swap3A_492 : vector<1x16xf32> to vector<16xf32>
    %swap3A_494 = vector.shape_cast %select_n3A_488 : vector<16xf32> to vector<1x16xf32>
    tpu.vector_store %arg9[%swap3A_490, %swap3A_491], %swap3A_494 {strides = array<i32>} : memref<13x128xf32, #tpu.memory_space<vmem>>, vector<1x16xf32>,
    %get3A_495 = arith.constant 1 : i32
    %get3A_496 = arith.index_cast %get3A_495 : i32 to index
    %get3A_497 = arith.constant 48 : index
    %get3A_498 = tpu.vector_load %arg8[%get3A_496, %get3A_497] {strides = array<i32>} : memref<13x128xf32, #tpu.memory_space<vmem>>, vector<1x16xf32>,
    %get3A_499 = vector.shape_cast %get3A_498 : vector<1x16xf32> to vector<16xf32>
    %get3A_500 = arith.constant 1 : i32
    %get3A_501 = arith.index_cast %get3A_500 : i32 to index
    %get3A_502 = arith.constant 48 : index
    %get3A_503 = tpu.vector_load %arg7[%get3A_501, %get3A_502] {strides = array<i32>} : memref<13x128xi32, #tpu.memory_space<vmem>>, vector<1x16xi32>,
    %get3A_504 = vector.shape_cast %get3A_503 : vector<1x16xi32> to vector<16xi32>
    %eq3A_505 = arith.constant 0 : i32
    %eq3A_506 = vector.broadcast %eq3A_505 : i32 to vector<16xi32>
    %eq3A_507 = arith.cmpi eq, %get3A_504, %eq3A_506 : vector<16xi32>
    %jit3A_508 = arith.constant 0.000000e+00 : f32
    %broadcast_in_dim3A_509 = vector.broadcast %jit3A_508 : f32 to vector<16xf32>
    %select_n3A_510 = arith.select %eq3A_507, %broadcast_in_dim3A_509, %get3A_499 : vector<16xi1>, vector<16xf32>
    %swap3A_511 = arith.constant 1 : i32
    %swap3A_512 = arith.index_cast %swap3A_511 : i32 to index
    %swap3A_513 = arith.constant 48 : index
    %swap3A_514 = tpu.vector_load %arg9[%swap3A_512, %swap3A_513] {strides = array<i32>} : memref<13x128xf32, #tpu.memory_space<vmem>>, vector<1x16xf32>,
    %swap3A_515 = vector.shape_cast %swap3A_514 : vector<1x16xf32> to vector<16xf32>
    %swap3A_516 = vector.shape_cast %select_n3A_510 : vector<16xf32> to vector<1x16xf32>
    tpu.vector_store %arg9[%swap3A_512, %swap3A_513], %swap3A_516 {strides = array<i32>} : memref<13x128xf32, #tpu.memory_space<vmem>>, vector<1x16xf32>,
    %get3A_517 = arith.constant 1 : i32
    %get3A_518 = arith.index_cast %get3A_517 : i32 to index
    %get3A_519 = arith.constant 64 : index
    %get3A_520 = tpu.vector_load %arg8[%get3A_518, %get3A_519] {strides = array<i32>} : memref<13x128xf32, #tpu.memory_space<vmem>>, vector<1x16xf32>,
    %get3A_521 = vector.shape_cast %get3A_520 : vector<1x16xf32> to vector<16xf32>
    %get3A_522 = arith.constant 1 : i32
    %get3A_523 = arith.index_cast %get3A_522 : i32 to index
    %get3A_524 = arith.constant 64 : index
    %get3A_525 = tpu.vector_load %arg7[%get3A_523, %get3A_524] {strides = array<i32>} : memref<13x128xi32, #tpu.memory_space<vmem>>, vector<1x16xi32>,
    %get3A_526 = vector.shape_cast %get3A_525 : vector<1x16xi32> to vector<16xi32>
    %eq3A_527 = arith.constant 0 : i32
    %eq3A_528 = vector.broadcast %eq3A_527 : i32 to vector<16xi32>
    %eq3A_529 = arith.cmpi eq, %get3A_526, %eq3A_528 : vector<16xi32>
    %jit3A_530 = arith.constant 0.000000e+00 : f32
    %broadcast_in_dim3A_531 = vector.broadcast %jit3A_530 : f32 to vector<16xf32>
    %select_n3A_532 = arith.select %eq3A_529, %broadcast_in_dim3A_531, %get3A_521 : vector<16xi1>, vector<16xf32>
    %swap3A_533 = arith.constant 1 : i32
    %swap3A_534 = arith.index_cast %swap3A_533 : i32 to index
    %swap3A_535 = arith.constant 64 : index
    %swap3A_536 = tpu.vector_load %arg9[%swap3A_534, %swap3A_535] {strides = array<i32>} : memref<13x128xf32, #tpu.memory_space<vmem>>, vector<1x16xf32>,
    %swap3A_537 = vector.shape_cast %swap3A_536 : vector<1x16xf32> to vector<16xf32>
    %swap3A_538 = vector.shape_cast %select_n3A_532 : vector<16xf32> to vector<1x16xf32>
    tpu.vector_store %arg9[%swap3A_534, %swap3A_535], %swap3A_538 {strides = array<i32>} : memref<13x128xf32, #tpu.memory_space<vmem>>, vector<1x16xf32>,
    %get3A_539 = arith.constant 1 : i32
    %get3A_540 = arith.index_cast %get3A_539 : i32 to index
    %get3A_541 = arith.constant 80 : index
    %get3A_542 = tpu.vector_load %arg8[%get3A_540, %get3A_541] {strides = array<i32>} : memref<13x128xf32, #tpu.memory_space<vmem>>, vector<1x16xf32>,
    %get3A_543 = vector.shape_cast %get3A_542 : vector<1x16xf32> to vector<16xf32>
    %get3A_544 = arith.constant 1 : i32
    %get3A_545 = arith.index_cast %get3A_544 : i32 to index
    %get3A_546 = arith.constant 80 : index
    %get3A_547 = tpu.vector_load %arg7[%get3A_545, %get3A_546] {strides = array<i32>} : memref<13x128xi32, #tpu.memory_space<vmem>>, vector<1x16xi32>,
    %get3A_548 = vector.shape_cast %get3A_547 : vector<1x16xi32> to vector<16xi32>
    %eq3A_549 = arith.constant 0 : i32
    %eq3A_550 = vector.broadcast %eq3A_549 : i32 to vector<16xi32>
    %eq3A_551 = arith.cmpi eq, %get3A_548, %eq3A_550 : vector<16xi32>
    %jit3A_552 = arith.constant 0.000000e+00 : f32
    %broadcast_in_dim3A_553 = vector.broadcast %jit3A_552 : f32 to vector<16xf32>
    %select_n3A_554 = arith.select %eq3A_551, %broadcast_in_dim3A_553, %get3A_543 : vector<16xi1>, vector<16xf32>
    %swap3A_555 = arith.constant 1 : i32
    %swap3A_556 = arith.index_cast %swap3A_555 : i32 to index
    %swap3A_557 = arith.constant 80 : index
    %swap3A_558 = tpu.vector_load %arg9[%swap3A_556, %swap3A_557] {strides = array<i32>} : memref<13x128xf32, #tpu.memory_space<vmem>>, vector<1x16xf32>,
    %swap3A_559 = vector.shape_cast %swap3A_558 : vector<1x16xf32> to vector<16xf32>
    %swap3A_560 = vector.shape_cast %select_n3A_554 : vector<16xf32> to vector<1x16xf32>
    tpu.vector_store %arg9[%swap3A_556, %swap3A_557], %swap3A_560 {strides = array<i32>} : memref<13x128xf32, #tpu.memory_space<vmem>>, vector<1x16xf32>,
    %get3A_561 = arith.constant 1 : i32
    %get3A_562 = arith.index_cast %get3A_561 : i32 to index
    %get3A_563 = arith.constant 96 : index
    %get3A_564 = tpu.vector_load %arg8[%get3A_562, %get3A_563] {strides = array<i32>} : memref<13x128xf32, #tpu.memory_space<vmem>>, vector<1x16xf32>,
    %get3A_565 = vector.shape_cast %get3A_564 : vector<1x16xf32> to vector<16xf32>
    %get3A_566 = arith.constant 1 : i32
    %get3A_567 = arith.index_cast %get3A_566 : i32 to index
    %get3A_568 = arith.constant 96 : index
    %get3A_569 = tpu.vector_load %arg7[%get3A_567, %get3A_568] {strides = array<i32>} : memref<13x128xi32, #tpu.memory_space<vmem>>, vector<1x16xi32>,
    %get3A_570 = vector.shape_cast %get3A_569 : vector<1x16xi32> to vector<16xi32>
    %eq3A_571 = arith.constant 0 : i32
    %eq3A_572 = vector.broadcast %eq3A_571 : i32 to vector<16xi32>
    %eq3A_573 = arith.cmpi eq, %get3A_570, %eq3A_572 : vector<16xi32>
    %jit3A_574 = arith.constant 0.000000e+00 : f32
    %broadcast_in_dim3A_575 = vector.broadcast %jit3A_574 : f32 to vector<16xf32>
    %select_n3A_576 = arith.select %eq3A_573, %broadcast_in_dim3A_575, %get3A_565 : vector<16xi1>, vector<16xf32>
    %swap3A_577 = arith.constant 1 : i32
    %swap3A_578 = arith.index_cast %swap3A_577 : i32 to index
    %swap3A_579 = arith.constant 96 : index
    %swap3A_580 = tpu.vector_load %arg9[%swap3A_578, %swap3A_579] {strides = array<i32>} : memref<13x128xf32, #tpu.memory_space<vmem>>, vector<1x16xf32>,
    %swap3A_581 = vector.shape_cast %swap3A_580 : vector<1x16xf32> to vector<16xf32>
    %swap3A_582 = vector.shape_cast %select_n3A_576 : vector<16xf32> to vector<1x16xf32>
    tpu.vector_store %arg9[%swap3A_578, %swap3A_579], %swap3A_582 {strides = array<i32>} : memref<13x128xf32, #tpu.memory_space<vmem>>, vector<1x16xf32>,
    %get3A_583 = arith.constant 1 : i32
    %get3A_584 = arith.index_cast %get3A_583 : i32 to index
    %get3A_585 = arith.constant 112 : index
    %get3A_586 = tpu.vector_load %arg8[%get3A_584, %get3A_585] {strides = array<i32>} : memref<13x128xf32, #tpu.memory_space<vmem>>, vector<1x16xf32>,
    %get3A_587 = vector.shape_cast %get3A_586 : vector<1x16xf32> to vector<16xf32>
    %get3A_588 = arith.constant 1 : i32
    %get3A_589 = arith.index_cast %get3A_588 : i32 to index
    %get3A_590 = arith.constant 112 : index
    %get3A_591 = tpu.vector_load %arg7[%get3A_589, %get3A_590] {strides = array<i32>} : memref<13x128xi32, #tpu.memory_space<vmem>>, vector<1x16xi32>,
    %get3A_592 = vector.shape_cast %get3A_591 : vector<1x16xi32> to vector<16xi32>
    %eq3A_593 = arith.constant 0 : i32
    %eq3A_594 = vector.broadcast %eq3A_593 : i32 to vector<16xi32>
    %eq3A_595 = arith.cmpi eq, %get3A_592, %eq3A_594 : vector<16xi32>
    %jit3A_596 = arith.constant 0.000000e+00 : f32
    %broadcast_in_dim3A_597 = vector.broadcast %jit3A_596 : f32 to vector<16xf32>
    %select_n3A_598 = arith.select %eq3A_595, %broadcast_in_dim3A_597, %get3A_587 : vector<16xi1>, vector<16xf32>
    %swap3A_599 = arith.constant 1 : i32
    %swap3A_600 = arith.index_cast %swap3A_599 : i32 to index
    %swap3A_601 = arith.constant 112 : index
    %swap3A_602 = tpu.vector_load %arg9[%swap3A_600, %swap3A_601] {strides = array<i32>} : memref<13x128xf32, #tpu.memory_space<vmem>>, vector<1x16xf32>,
    %swap3A_603 = vector.shape_cast %swap3A_602 : vector<1x16xf32> to vector<16xf32>
    %swap3A_604 = vector.shape_cast %select_n3A_598 : vector<16xf32> to vector<1x16xf32>
    tpu.vector_store %arg9[%swap3A_600, %swap3A_601], %swap3A_604 {strides = array<i32>} : memref<13x128xf32, #tpu.memory_space<vmem>>, vector<1x16xf32>,
    %get3A_605 = arith.constant 2 : i32
    %get3A_606 = arith.index_cast %get3A_605 : i32 to index
    %get3A_607 = arith.constant 0 : index
    %get3A_608 = tpu.vector_load %arg8[%get3A_606, %get3A_607] {strides = array<i32>} : memref<13x128xf32, #tpu.memory_space<vmem>>, vector<1x16xf32>,
    %get3A_609 = vector.shape_cast %get3A_608 : vector<1x16xf32> to vector<16xf32>
    %get3A_610 = arith.constant 2 : i32
    %get3A_611 = arith.index_cast %get3A_610 : i32 to index
    %get3A_612 = arith.constant 0 : index
    %get3A_613 = tpu.vector_load %arg7[%get3A_611, %get3A_612] {strides = array<i32>} : memref<13x128xi32, #tpu.memory_space<vmem>>, vector<1x16xi32>,
    %get3A_614 = vector.shape_cast %get3A_613 : vector<1x16xi32> to vector<16xi32>
    %eq3A_615 = arith.constant 0 : i32
    %eq3A_616 = vector.broadcast %eq3A_615 : i32 to vector<16xi32>
    %eq3A_617 = arith.cmpi eq, %get3A_614, %eq3A_616 : vector<16xi32>
    %jit3A_618 = arith.constant 0.000000e+00 : f32
    %broadcast_in_dim3A_619 = vector.broadcast %jit3A_618 : f32 to vector<16xf32>
    %select_n3A_620 = arith.select %eq3A_617, %broadcast_in_dim3A_619, %get3A_609 : vector<16xi1>, vector<16xf32>
    %swap3A_621 = arith.constant 2 : i32
    %swap3A_622 = arith.index_cast %swap3A_621 : i32 to index
    %swap3A_623 = arith.constant 0 : index
    %swap3A_624 = tpu.vector_load %arg9[%swap3A_622, %swap3A_623] {strides = array<i32>} : memref<13x128xf32, #tpu.memory_space<vmem>>, vector<1x16xf32>,
    %swap3A_625 = vector.shape_cast %swap3A_624 : vector<1x16xf32> to vector<16xf32>
    %swap3A_626 = vector.shape_cast %select_n3A_620 : vector<16xf32> to vector<1x16xf32>
    tpu.vector_store %arg9[%swap3A_622, %swap3A_623], %swap3A_626 {strides = array<i32>} : memref<13x128xf32, #tpu.memory_space<vmem>>, vector<1x16xf32>,
    %get3A_627 = arith.constant 2 : i32
    %get3A_628 = arith.index_cast %get3A_627 : i32 to index
    %get3A_629 = arith.constant 16 : index
    %get3A_630 = tpu.vector_load %arg8[%get3A_628, %get3A_629] {strides = array<i32>} : memref<13x128xf32, #tpu.memory_space<vmem>>, vector<1x16xf32>,
    %get3A_631 = vector.shape_cast %get3A_630 : vector<1x16xf32> to vector<16xf32>
    %get3A_632 = arith.constant 2 : i32
    %get3A_633 = arith.index_cast %get3A_632 : i32 to index
    %get3A_634 = arith.constant 16 : index
    %get3A_635 = tpu.vector_load %arg7[%get3A_633, %get3A_634] {strides = array<i32>} : memref<13x128xi32, #tpu.memory_space<vmem>>, vector<1x16xi32>,
    %get3A_636 = vector.shape_cast %get3A_635 : vector<1x16xi32> to vector<16xi32>
    %eq3A_637 = arith.constant 0 : i32
    %eq3A_638 = vector.broadcast %eq3A_637 : i32 to vector<16xi32>
    %eq3A_639 = arith.cmpi eq, %get3A_636, %eq3A_638 : vector<16xi32>
    %jit3A_640 = arith.constant 0.000000e+00 : f32
    %broadcast_in_dim3A_641 = vector.broadcast %jit3A_640 : f32 to vector<16xf32>
    %select_n3A_642 = arith.select %eq3A_639, %broadcast_in_dim3A_641, %get3A_631 : vector<16xi1>, vector<16xf32>
    %swap3A_643 = arith.constant 2 : i32
    %swap3A_644 = arith.index_cast %swap3A_643 : i32 to index
    %swap3A_645 = arith.constant 16 : index
    %swap3A_646 = tpu.vector_load %arg9[%swap3A_644, %swap3A_645] {strides = array<i32>} : memref<13x128xf32, #tpu.memory_space<vmem>>, vector<1x16xf32>,
    %swap3A_647 = vector.shape_cast %swap3A_646 : vector<1x16xf32> to vector<16xf32>
    %swap3A_648 = vector.shape_cast %select_n3A_642 : vector<16xf32> to vector<1x16xf32>
    tpu.vector_store %arg9[%swap3A_644, %swap3A_645], %swap3A_648 {strides = array<i32>} : memref<13x128xf32, #tpu.memory_space<vmem>>, vector<1x16xf32>,
    %get3A_649 = arith.constant 2 : i32
    %get3A_650 = arith.index_cast %get3A_649 : i32 to index
    %get3A_651 = arith.constant 32 : index
    %get3A_652 = tpu.vector_load %arg8[%get3A_650, %get3A_651] {strides = array<i32>} : memref<13x128xf32, #tpu.memory_space<vmem>>, vector<1x16xf32>,
    %get3A_653 = vector.shape_cast %get3A_652 : vector<1x16xf32> to vector<16xf32>
    %get3A_654 = arith.constant 2 : i32
    %get3A_655 = arith.index_cast %get3A_654 : i32 to index
    %get3A_656 = arith.constant 32 : index
    %get3A_657 = tpu.vector_load %arg7[%get3A_655, %get3A_656] {strides = array<i32>} : memref<13x128xi32, #tpu.memory_space<vmem>>, vector<1x16xi32>,
    %get3A_658 = vector.shape_cast %get3A_657 : vector<1x16xi32> to vector<16xi32>
    %eq3A_659 = arith.constant 0 : i32
    %eq3A_660 = vector.broadcast %eq3A_659 : i32 to vector<16xi32>
    %eq3A_661 = arith.cmpi eq, %get3A_658, %eq3A_660 : vector<16xi32>
    %jit3A_662 = arith.constant 0.000000e+00 : f32
    %broadcast_in_dim3A_663 = vector.broadcast %jit3A_662 : f32 to vector<16xf32>
    %select_n3A_664 = arith.select %eq3A_661, %broadcast_in_dim3A_663, %get3A_653 : vector<16xi1>, vector<16xf32>
    %swap3A_665 = arith.constant 2 : i32
    %swap3A_666 = arith.index_cast %swap3A_665 : i32 to index
    %swap3A_667 = arith.constant 32 : index
    %swap3A_668 = tpu.vector_load %arg9[%swap3A_666, %swap3A_667] {strides = array<i32>} : memref<13x128xf32, #tpu.memory_space<vmem>>, vector<1x16xf32>,
    %swap3A_669 = vector.shape_cast %swap3A_668 : vector<1x16xf32> to vector<16xf32>
    %swap3A_670 = vector.shape_cast %select_n3A_664 : vector<16xf32> to vector<1x16xf32>
    tpu.vector_store %arg9[%swap3A_666, %swap3A_667], %swap3A_670 {strides = array<i32>} : memref<13x128xf32, #tpu.memory_space<vmem>>, vector<1x16xf32>,
    %get3A_671 = arith.constant 2 : i32
    %get3A_672 = arith.index_cast %get3A_671 : i32 to index
    %get3A_673 = arith.constant 48 : index
    %get3A_674 = tpu.vector_load %arg8[%get3A_672, %get3A_673] {strides = array<i32>} : memref<13x128xf32, #tpu.memory_space<vmem>>, vector<1x16xf32>,
    %get3A_675 = vector.shape_cast %get3A_674 : vector<1x16xf32> to vector<16xf32>
    %get3A_676 = arith.constant 2 : i32
    %get3A_677 = arith.index_cast %get3A_676 : i32 to index
    %get3A_678 = arith.constant 48 : index
    %get3A_679 = tpu.vector_load %arg7[%get3A_677, %get3A_678] {strides = array<i32>} : memref<13x128xi32, #tpu.memory_space<vmem>>, vector<1x16xi32>,
    %get3A_680 = vector.shape_cast %get3A_679 : vector<1x16xi32> to vector<16xi32>
    %eq3A_681 = arith.constant 0 : i32
    %eq3A_682 = vector.broadcast %eq3A_681 : i32 to vector<16xi32>
    %eq3A_683 = arith.cmpi eq, %get3A_680, %eq3A_682 : vector<16xi32>
    %jit3A_684 = arith.constant 0.000000e+00 : f32
    %broadcast_in_dim3A_685 = vector.broadcast %jit3A_684 : f32 to vector<16xf32>
    %select_n3A_686 = arith.select %eq3A_683, %broadcast_in_dim3A_685, %get3A_675 : vector<16xi1>, vector<16xf32>
    %swap3A_687 = arith.constant 2 : i32
    %swap3A_688 = arith.index_cast %swap3A_687 : i32 to index
    %swap3A_689 = arith.constant 48 : index
    %swap3A_690 = tpu.vector_load %arg9[%swap3A_688, %swap3A_689] {strides = array<i32>} : memref<13x128xf32, #tpu.memory_space<vmem>>, vector<1x16xf32>,
    %swap3A_691 = vector.shape_cast %swap3A_690 : vector<1x16xf32> to vector<16xf32>
    %swap3A_692 = vector.shape_cast %select_n3A_686 : vector<16xf32> to vector<1x16xf32>
    tpu.vector_store %arg9[%swap3A_688, %swap3A_689], %swap3A_692 {strides = array<i32>} : memref<13x128xf32, #tpu.memory_space<vmem>>, vector<1x16xf32>,
    %get3A_693 = arith.constant 2 : i32
    %get3A_694 = arith.index_cast %get3A_693 : i32 to index
    %get3A_695 = arith.constant 64 : index
    %get3A_696 = tpu.vector_load %arg8[%get3A_694, %get3A_695] {strides = array<i32>} : memref<13x128xf32, #tpu.memory_space<vmem>>, vector<1x16xf32>,
    %get3A_697 = vector.shape_cast %get3A_696 : vector<1x16xf32> to vector<16xf32>
    %get3A_698 = arith.constant 2 : i32
    %get3A_699 = arith.index_cast %get3A_698 : i32 to index
    %get3A_700 = arith.constant 64 : index
    %get3A_701 = tpu.vector_load %arg7[%get3A_699, %get3A_700] {strides = array<i32>} : memref<13x128xi32, #tpu.memory_space<vmem>>, vector<1x16xi32>,
    %get3A_702 = vector.shape_cast %get3A_701 : vector<1x16xi32> to vector<16xi32>
    %eq3A_703 = arith.constant 0 : i32
    %eq3A_704 = vector.broadcast %eq3A_703 : i32 to vector<16xi32>
    %eq3A_705 = arith.cmpi eq, %get3A_702, %eq3A_704 : vector<16xi32>
    %jit3A_706 = arith.constant 0.000000e+00 : f32
    %broadcast_in_dim3A_707 = vector.broadcast %jit3A_706 : f32 to vector<16xf32>
    %select_n3A_708 = arith.select %eq3A_705, %broadcast_in_dim3A_707, %get3A_697 : vector<16xi1>, vector<16xf32>
    %swap3A_709 = arith.constant 2 : i32
    %swap3A_710 = arith.index_cast %swap3A_709 : i32 to index
    %swap3A_711 = arith.constant 64 : index
    %swap3A_712 = tpu.vector_load %arg9[%swap3A_710, %swap3A_711] {strides = array<i32>} : memref<13x128xf32, #tpu.memory_space<vmem>>, vector<1x16xf32>,
    %swap3A_713 = vector.shape_cast %swap3A_712 : vector<1x16xf32> to vector<16xf32>
    %swap3A_714 = vector.shape_cast %select_n3A_708 : vector<16xf32> to vector<1x16xf32>
    tpu.vector_store %arg9[%swap3A_710, %swap3A_711], %swap3A_714 {strides = array<i32>} : memref<13x128xf32, #tpu.memory_space<vmem>>, vector<1x16xf32>,
    %get3A_715 = arith.constant 2 : i32
    %get3A_716 = arith.index_cast %get3A_715 : i32 to index
    %get3A_717 = arith.constant 80 : index
    %get3A_718 = tpu.vector_load %arg8[%get3A_716, %get3A_717] {strides = array<i32>} : memref<13x128xf32, #tpu.memory_space<vmem>>, vector<1x16xf32>,
    %get3A_719 = vector.shape_cast %get3A_718 : vector<1x16xf32> to vector<16xf32>
    %get3A_720 = arith.constant 2 : i32
    %get3A_721 = arith.index_cast %get3A_720 : i32 to index
    %get3A_722 = arith.constant 80 : index
    %get3A_723 = tpu.vector_load %arg7[%get3A_721, %get3A_722] {strides = array<i32>} : memref<13x128xi32, #tpu.memory_space<vmem>>, vector<1x16xi32>,
    %get3A_724 = vector.shape_cast %get3A_723 : vector<1x16xi32> to vector<16xi32>
    %eq3A_725 = arith.constant 0 : i32
    %eq3A_726 = vector.broadcast %eq3A_725 : i32 to vector<16xi32>
    %eq3A_727 = arith.cmpi eq, %get3A_724, %eq3A_726 : vector<16xi32>
    %jit3A_728 = arith.constant 0.000000e+00 : f32
    %broadcast_in_dim3A_729 = vector.broadcast %jit3A_728 : f32 to vector<16xf32>
    %select_n3A_730 = arith.select %eq3A_727, %broadcast_in_dim3A_729, %get3A_719 : vector<16xi1>, vector<16xf32>
    %swap3A_731 = arith.constant 2 : i32
    %swap3A_732 = arith.index_cast %swap3A_731 : i32 to index
    %swap3A_733 = arith.constant 80 : index
    %swap3A_734 = tpu.vector_load %arg9[%swap3A_732, %swap3A_733] {strides = array<i32>} : memref<13x128xf32, #tpu.memory_space<vmem>>, vector<1x16xf32>,
    %swap3A_735 = vector.shape_cast %swap3A_734 : vector<1x16xf32> to vector<16xf32>
    %swap3A_736 = vector.shape_cast %select_n3A_730 : vector<16xf32> to vector<1x16xf32>
    tpu.vector_store %arg9[%swap3A_732, %swap3A_733], %swap3A_736 {strides = array<i32>} : memref<13x128xf32, #tpu.memory_space<vmem>>, vector<1x16xf32>,
    %get3A_737 = arith.constant 2 : i32
    %get3A_738 = arith.index_cast %get3A_737 : i32 to index
    %get3A_739 = arith.constant 96 : index
    %get3A_740 = tpu.vector_load %arg8[%get3A_738, %get3A_739] {strides = array<i32>} : memref<13x128xf32, #tpu.memory_space<vmem>>, vector<1x16xf32>,
    %get3A_741 = vector.shape_cast %get3A_740 : vector<1x16xf32> to vector<16xf32>
    %get3A_742 = arith.constant 2 : i32
    %get3A_743 = arith.index_cast %get3A_742 : i32 to index
    %get3A_744 = arith.constant 96 : index
    %get3A_745 = tpu.vector_load %arg7[%get3A_743, %get3A_744] {strides = array<i32>} : memref<13x128xi32, #tpu.memory_space<vmem>>, vector<1x16xi32>,
    %get3A_746 = vector.shape_cast %get3A_745 : vector<1x16xi32> to vector<16xi32>
    %eq3A_747 = arith.constant 0 : i32
    %eq3A_748 = vector.broadcast %eq3A_747 : i32 to vector<16xi32>
    %eq3A_749 = arith.cmpi eq, %get3A_746, %eq3A_748 : vector<16xi32>
    %jit3A_750 = arith.constant 0.000000e+00 : f32
    %broadcast_in_dim3A_751 = vector.broadcast %jit3A_750 : f32 to vector<16xf32>
    %select_n3A_752 = arith.select %eq3A_749, %broadcast_in_dim3A_751, %get3A_741 : vector<16xi1>, vector<16xf32>
    %swap3A_753 = arith.constant 2 : i32
    %swap3A_754 = arith.index_cast %swap3A_753 : i32 to index
    %swap3A_755 = arith.constant 96 : index
    %swap3A_756 = tpu.vector_load %arg9[%swap3A_754, %swap3A_755] {strides = array<i32>} : memref<13x128xf32, #tpu.memory_space<vmem>>, vector<1x16xf32>,
    %swap3A_757 = vector.shape_cast %swap3A_756 : vector<1x16xf32> to vector<16xf32>
    %swap3A_758 = vector.shape_cast %select_n3A_752 : vector<16xf32> to vector<1x16xf32>
    tpu.vector_store %arg9[%swap3A_754, %swap3A_755], %swap3A_758 {strides = array<i32>} : memref<13x128xf32, #tpu.memory_space<vmem>>, vector<1x16xf32>,
    %get3A_759 = arith.constant 2 : i32
    %get3A_760 = arith.index_cast %get3A_759 : i32 to index
    %get3A_761 = arith.constant 112 : index
    %get3A_762 = tpu.vector_load %arg8[%get3A_760, %get3A_761] {strides = array<i32>} : memref<13x128xf32, #tpu.memory_space<vmem>>, vector<1x16xf32>,
    %get3A_763 = vector.shape_cast %get3A_762 : vector<1x16xf32> to vector<16xf32>
    %get3A_764 = arith.constant 2 : i32
    %get3A_765 = arith.index_cast %get3A_764 : i32 to index
    %get3A_766 = arith.constant 112 : index
    %get3A_767 = tpu.vector_load %arg7[%get3A_765, %get3A_766] {strides = array<i32>} : memref<13x128xi32, #tpu.memory_space<vmem>>, vector<1x16xi32>,
    %get3A_768 = vector.shape_cast %get3A_767 : vector<1x16xi32> to vector<16xi32>
    %eq3A_769 = arith.constant 0 : i32
    %eq3A_770 = vector.broadcast %eq3A_769 : i32 to vector<16xi32>
    %eq3A_771 = arith.cmpi eq, %get3A_768, %eq3A_770 : vector<16xi32>
    %jit3A_772 = arith.constant 0.000000e+00 : f32
    %broadcast_in_dim3A_773 = vector.broadcast %jit3A_772 : f32 to vector<16xf32>
    %select_n3A_774 = arith.select %eq3A_771, %broadcast_in_dim3A_773, %get3A_763 : vector<16xi1>, vector<16xf32>
    %swap3A_775 = arith.constant 2 : i32
    %swap3A_776 = arith.index_cast %swap3A_775 : i32 to index
    %swap3A_777 = arith.constant 112 : index
    %swap3A_778 = tpu.vector_load %arg9[%swap3A_776, %swap3A_777] {strides = array<i32>} : memref<13x128xf32, #tpu.memory_space<vmem>>, vector<1x16xf32>,
    %swap3A_779 = vector.shape_cast %swap3A_778 : vector<1x16xf32> to vector<16xf32>
    %swap3A_780 = vector.shape_cast %select_n3A_774 : vector<16xf32> to vector<1x16xf32>
    tpu.vector_store %arg9[%swap3A_776, %swap3A_777], %swap3A_780 {strides = array<i32>} : memref<13x128xf32, #tpu.memory_space<vmem>>, vector<1x16xf32>,
    %get3A_781 = arith.constant 3 : i32
    %get3A_782 = arith.index_cast %get3A_781 : i32 to index
    %get3A_783 = arith.constant 0 : index
    %get3A_784 = tpu.vector_load %arg8[%get3A_782, %get3A_783] {strides = array<i32>} : memref<13x128xf32, #tpu.memory_space<vmem>>, vector<1x16xf32>,
    %get3A_785 = vector.shape_cast %get3A_784 : vector<1x16xf32> to vector<16xf32>
    %get3A_786 = arith.constant 3 : i32
    %get3A_787 = arith.index_cast %get3A_786 : i32 to index
    %get3A_788 = arith.constant 0 : index
    %get3A_789 = tpu.vector_load %arg7[%get3A_787, %get3A_788] {strides = array<i32>} : memref<13x128xi32, #tpu.memory_space<vmem>>, vector<1x16xi32>,
    %get3A_790 = vector.shape_cast %get3A_789 : vector<1x16xi32> to vector<16xi32>
    %eq3A_791 = arith.constant 0 : i32
    %eq3A_792 = vector.broadcast %eq3A_791 : i32 to vector<16xi32>
    %eq3A_793 = arith.cmpi eq, %get3A_790, %eq3A_792 : vector<16xi32>
    %jit3A_794 = arith.constant 0.000000e+00 : f32
    %broadcast_in_dim3A_795 = vector.broadcast %jit3A_794 : f32 to vector<16xf32>
    %select_n3A_796 = arith.select %eq3A_793, %broadcast_in_dim3A_795, %get3A_785 : vector<16xi1>, vector<16xf32>
    %swap3A_797 = arith.constant 3 : i32
    %swap3A_798 = arith.index_cast %swap3A_797 : i32 to index
    %swap3A_799 = arith.constant 0 : index
    %swap3A_800 = tpu.vector_load %arg9[%swap3A_798, %swap3A_799] {strides = array<i32>} : memref<13x128xf32, #tpu.memory_space<vmem>>, vector<1x16xf32>,
    %swap3A_801 = vector.shape_cast %swap3A_800 : vector<1x16xf32> to vector<16xf32>
    %swap3A_802 = vector.shape_cast %select_n3A_796 : vector<16xf32> to vector<1x16xf32>
    tpu.vector_store %arg9[%swap3A_798, %swap3A_799], %swap3A_802 {strides = array<i32>} : memref<13x128xf32, #tpu.memory_space<vmem>>, vector<1x16xf32>,
    %get3A_803 = arith.constant 3 : i32
    %get3A_804 = arith.index_cast %get3A_803 : i32 to index
    %get3A_805 = arith.constant 16 : index
    %get3A_806 = tpu.vector_load %arg8[%get3A_804, %get3A_805] {strides = array<i32>} : memref<13x128xf32, #tpu.memory_space<vmem>>, vector<1x16xf32>,
    %get3A_807 = vector.shape_cast %get3A_806 : vector<1x16xf32> to vector<16xf32>
    %get3A_808 = arith.constant 3 : i32
    %get3A_809 = arith.index_cast %get3A_808 : i32 to index
    %get3A_810 = arith.constant 16 : index
    %get3A_811 = tpu.vector_load %arg7[%get3A_809, %get3A_810] {strides = array<i32>} : memref<13x128xi32, #tpu.memory_space<vmem>>, vector<1x16xi32>,
    %get3A_812 = vector.shape_cast %get3A_811 : vector<1x16xi32> to vector<16xi32>
    %eq3A_813 = arith.constant 0 : i32
    %eq3A_814 = vector.broadcast %eq3A_813 : i32 to vector<16xi32>
    %eq3A_815 = arith.cmpi eq, %get3A_812, %eq3A_814 : vector<16xi32>
    %jit3A_816 = arith.constant 0.000000e+00 : f32
    %broadcast_in_dim3A_817 = vector.broadcast %jit3A_816 : f32 to vector<16xf32>
    %select_n3A_818 = arith.select %eq3A_815, %broadcast_in_dim3A_817, %get3A_807 : vector<16xi1>, vector<16xf32>
    %swap3A_819 = arith.constant 3 : i32
    %swap3A_820 = arith.index_cast %swap3A_819 : i32 to index
    %swap3A_821 = arith.constant 16 : index
    %swap3A_822 = tpu.vector_load %arg9[%swap3A_820, %swap3A_821] {strides = array<i32>} : memref<13x128xf32, #tpu.memory_space<vmem>>, vector<1x16xf32>,
    %swap3A_823 = vector.shape_cast %swap3A_822 : vector<1x16xf32> to vector<16xf32>
    %swap3A_824 = vector.shape_cast %select_n3A_818 : vector<16xf32> to vector<1x16xf32>
    tpu.vector_store %arg9[%swap3A_820, %swap3A_821], %swap3A_824 {strides = array<i32>} : memref<13x128xf32, #tpu.memory_space<vmem>>, vector<1x16xf32>,
    %get3A_825 = arith.constant 3 : i32
    %get3A_826 = arith.index_cast %get3A_825 : i32 to index
    %get3A_827 = arith.constant 32 : index
    %get3A_828 = tpu.vector_load %arg8[%get3A_826, %get3A_827] {strides = array<i32>} : memref<13x128xf32, #tpu.memory_space<vmem>>, vector<1x16xf32>,
    %get3A_829 = vector.shape_cast %get3A_828 : vector<1x16xf32> to vector<16xf32>
    %get3A_830 = arith.constant 3 : i32
    %get3A_831 = arith.index_cast %get3A_830 : i32 to index
    %get3A_832 = arith.constant 32 : index
    %get3A_833 = tpu.vector_load %arg7[%get3A_831, %get3A_832] {strides = array<i32>} : memref<13x128xi32, #tpu.memory_space<vmem>>, vector<1x16xi32>,
    %get3A_834 = vector.shape_cast %get3A_833 : vector<1x16xi32> to vector<16xi32>
    %eq3A_835 = arith.constant 0 : i32
    %eq3A_836 = vector.broadcast %eq3A_835 : i32 to vector<16xi32>
    %eq3A_837 = arith.cmpi eq, %get3A_834, %eq3A_836 : vector<16xi32>
    %jit3A_838 = arith.constant 0.000000e+00 : f32
    %broadcast_in_dim3A_839 = vector.broadcast %jit3A_838 : f32 to vector<16xf32>
    %select_n3A_840 = arith.select %eq3A_837, %broadcast_in_dim3A_839, %get3A_829 : vector<16xi1>, vector<16xf32>
    %swap3A_841 = arith.constant 3 : i32
    %swap3A_842 = arith.index_cast %swap3A_841 : i32 to index
    %swap3A_843 = arith.constant 32 : index
    %swap3A_844 = tpu.vector_load %arg9[%swap3A_842, %swap3A_843] {strides = array<i32>} : memref<13x128xf32, #tpu.memory_space<vmem>>, vector<1x16xf32>,
    %swap3A_845 = vector.shape_cast %swap3A_844 : vector<1x16xf32> to vector<16xf32>
    %swap3A_846 = vector.shape_cast %select_n3A_840 : vector<16xf32> to vector<1x16xf32>
    tpu.vector_store %arg9[%swap3A_842, %swap3A_843], %swap3A_846 {strides = array<i32>} : memref<13x128xf32, #tpu.memory_space<vmem>>, vector<1x16xf32>,
    %get3A_847 = arith.constant 3 : i32
    %get3A_848 = arith.index_cast %get3A_847 : i32 to index
    %get3A_849 = arith.constant 48 : index
    %get3A_850 = tpu.vector_load %arg8[%get3A_848, %get3A_849] {strides = array<i32>} : memref<13x128xf32, #tpu.memory_space<vmem>>, vector<1x16xf32>,
    %get3A_851 = vector.shape_cast %get3A_850 : vector<1x16xf32> to vector<16xf32>
    %get3A_852 = arith.constant 3 : i32
    %get3A_853 = arith.index_cast %get3A_852 : i32 to index
    %get3A_854 = arith.constant 48 : index
    %get3A_855 = tpu.vector_load %arg7[%get3A_853, %get3A_854] {strides = array<i32>} : memref<13x128xi32, #tpu.memory_space<vmem>>, vector<1x16xi32>,
    %get3A_856 = vector.shape_cast %get3A_855 : vector<1x16xi32> to vector<16xi32>
    %eq3A_857 = arith.constant 0 : i32
    %eq3A_858 = vector.broadcast %eq3A_857 : i32 to vector<16xi32>
    %eq3A_859 = arith.cmpi eq, %get3A_856, %eq3A_858 : vector<16xi32>
    %jit3A_860 = arith.constant 0.000000e+00 : f32
    %broadcast_in_dim3A_861 = vector.broadcast %jit3A_860 : f32 to vector<16xf32>
    %select_n3A_862 = arith.select %eq3A_859, %broadcast_in_dim3A_861, %get3A_851 : vector<16xi1>, vector<16xf32>
    %swap3A_863 = arith.constant 3 : i32
    %swap3A_864 = arith.index_cast %swap3A_863 : i32 to index
    %swap3A_865 = arith.constant 48 : index
    %swap3A_866 = tpu.vector_load %arg9[%swap3A_864, %swap3A_865] {strides = array<i32>} : memref<13x128xf32, #tpu.memory_space<vmem>>, vector<1x16xf32>,
    %swap3A_867 = vector.shape_cast %swap3A_866 : vector<1x16xf32> to vector<16xf32>
    %swap3A_868 = vector.shape_cast %select_n3A_862 : vector<16xf32> to vector<1x16xf32>
    tpu.vector_store %arg9[%swap3A_864, %swap3A_865], %swap3A_868 {strides = array<i32>} : memref<13x128xf32, #tpu.memory_space<vmem>>, vector<1x16xf32>,
    %get3A_869 = arith.constant 3 : i32
    %get3A_870 = arith.index_cast %get3A_869 : i32 to index
    %get3A_871 = arith.constant 64 : index
    %get3A_872 = tpu.vector_load %arg8[%get3A_870, %get3A_871] {strides = array<i32>} : memref<13x128xf32, #tpu.memory_space<vmem>>, vector<1x16xf32>,
    %get3A_873 = vector.shape_cast %get3A_872 : vector<1x16xf32> to vector<16xf32>
    %get3A_874 = arith.constant 3 : i32
    %get3A_875 = arith.index_cast %get3A_874 : i32 to index
    %get3A_876 = arith.constant 64 : index
    %get3A_877 = tpu.vector_load %arg7[%get3A_875, %get3A_876] {strides = array<i32>} : memref<13x128xi32, #tpu.memory_space<vmem>>, vector<1x16xi32>,
    %get3A_878 = vector.shape_cast %get3A_877 : vector<1x16xi32> to vector<16xi32>
    %eq3A_879 = arith.constant 0 : i32
    %eq3A_880 = vector.broadcast %eq3A_879 : i32 to vector<16xi32>
    %eq3A_881 = arith.cmpi eq, %get3A_878, %eq3A_880 : vector<16xi32>
    %jit3A_882 = arith.constant 0.000000e+00 : f32
    %broadcast_in_dim3A_883 = vector.broadcast %jit3A_882 : f32 to vector<16xf32>
    %select_n3A_884 = arith.select %eq3A_881, %broadcast_in_dim3A_883, %get3A_873 : vector<16xi1>, vector<16xf32>
    %swap3A_885 = arith.constant 3 : i32
    %swap3A_886 = arith.index_cast %swap3A_885 : i32 to index
    %swap3A_887 = arith.constant 64 : index
    %swap3A_888 = tpu.vector_load %arg9[%swap3A_886, %swap3A_887] {strides = array<i32>} : memref<13x128xf32, #tpu.memory_space<vmem>>, vector<1x16xf32>,
    %swap3A_889 = vector.shape_cast %swap3A_888 : vector<1x16xf32> to vector<16xf32>
    %swap3A_890 = vector.shape_cast %select_n3A_884 : vector<16xf32> to vector<1x16xf32>
    tpu.vector_store %arg9[%swap3A_886, %swap3A_887], %swap3A_890 {strides = array<i32>} : memref<13x128xf32, #tpu.memory_space<vmem>>, vector<1x16xf32>,
    %get3A_891 = arith.constant 3 : i32
    %get3A_892 = arith.index_cast %get3A_891 : i32 to index
    %get3A_893 = arith.constant 80 : index
    %get3A_894 = tpu.vector_load %arg8[%get3A_892, %get3A_893] {strides = array<i32>} : memref<13x128xf32, #tpu.memory_space<vmem>>, vector<1x16xf32>,
    %get3A_895 = vector.shape_cast %get3A_894 : vector<1x16xf32> to vector<16xf32>
    %get3A_896 = arith.constant 3 : i32
    %get3A_897 = arith.index_cast %get3A_896 : i32 to index
    %get3A_898 = arith.constant 80 : index
    %get3A_899 = tpu.vector_load %arg7[%get3A_897, %get3A_898] {strides = array<i32>} : memref<13x128xi32, #tpu.memory_space<vmem>>, vector<1x16xi32>,
    %get3A_900 = vector.shape_cast %get3A_899 : vector<1x16xi32> to vector<16xi32>
    %eq3A_901 = arith.constant 0 : i32
    %eq3A_902 = vector.broadcast %eq3A_901 : i32 to vector<16xi32>
    %eq3A_903 = arith.cmpi eq, %get3A_900, %eq3A_902 : vector<16xi32>
    %jit3A_904 = arith.constant 0.000000e+00 : f32
    %broadcast_in_dim3A_905 = vector.broadcast %jit3A_904 : f32 to vector<16xf32>
    %select_n3A_906 = arith.select %eq3A_903, %broadcast_in_dim3A_905, %get3A_895 : vector<16xi1>, vector<16xf32>
    %swap3A_907 = arith.constant 3 : i32
    %swap3A_908 = arith.index_cast %swap3A_907 : i32 to index
    %swap3A_909 = arith.constant 80 : index
    %swap3A_910 = tpu.vector_load %arg9[%swap3A_908, %swap3A_909] {strides = array<i32>} : memref<13x128xf32, #tpu.memory_space<vmem>>, vector<1x16xf32>,
    %swap3A_911 = vector.shape_cast %swap3A_910 : vector<1x16xf32> to vector<16xf32>
    %swap3A_912 = vector.shape_cast %select_n3A_906 : vector<16xf32> to vector<1x16xf32>
    tpu.vector_store %arg9[%swap3A_908, %swap3A_909], %swap3A_912 {strides = array<i32>} : memref<13x128xf32, #tpu.memory_space<vmem>>, vector<1x16xf32>,
    %get3A_913 = arith.constant 3 : i32
    %get3A_914 = arith.index_cast %get3A_913 : i32 to index
    %get3A_915 = arith.constant 96 : index
    %get3A_916 = tpu.vector_load %arg8[%get3A_914, %get3A_915] {strides = array<i32>} : memref<13x128xf32, #tpu.memory_space<vmem>>, vector<1x16xf32>,
    %get3A_917 = vector.shape_cast %get3A_916 : vector<1x16xf32> to vector<16xf32>
    %get3A_918 = arith.constant 3 : i32
    %get3A_919 = arith.index_cast %get3A_918 : i32 to index
    %get3A_920 = arith.constant 96 : index
    %get3A_921 = tpu.vector_load %arg7[%get3A_919, %get3A_920] {strides = array<i32>} : memref<13x128xi32, #tpu.memory_space<vmem>>, vector<1x16xi32>,
    %get3A_922 = vector.shape_cast %get3A_921 : vector<1x16xi32> to vector<16xi32>
    %eq3A_923 = arith.constant 0 : i32
    %eq3A_924 = vector.broadcast %eq3A_923 : i32 to vector<16xi32>
    %eq3A_925 = arith.cmpi eq, %get3A_922, %eq3A_924 : vector<16xi32>
    %jit3A_926 = arith.constant 0.000000e+00 : f32
    %broadcast_in_dim3A_927 = vector.broadcast %jit3A_926 : f32 to vector<16xf32>
    %select_n3A_928 = arith.select %eq3A_925, %broadcast_in_dim3A_927, %get3A_917 : vector<16xi1>, vector<16xf32>
    %swap3A_929 = arith.constant 3 : i32
    %swap3A_930 = arith.index_cast %swap3A_929 : i32 to index
    %swap3A_931 = arith.constant 96 : index
    %swap3A_932 = tpu.vector_load %arg9[%swap3A_930, %swap3A_931] {strides = array<i32>} : memref<13x128xf32, #tpu.memory_space<vmem>>, vector<1x16xf32>,
    %swap3A_933 = vector.shape_cast %swap3A_932 : vector<1x16xf32> to vector<16xf32>
    %swap3A_934 = vector.shape_cast %select_n3A_928 : vector<16xf32> to vector<1x16xf32>
    tpu.vector_store %arg9[%swap3A_930, %swap3A_931], %swap3A_934 {strides = array<i32>} : memref<13x128xf32, #tpu.memory_space<vmem>>, vector<1x16xf32>,
    %get3A_935 = arith.constant 3 : i32
    %get3A_936 = arith.index_cast %get3A_935 : i32 to index
    %get3A_937 = arith.constant 112 : index
    %get3A_938 = tpu.vector_load %arg8[%get3A_936, %get3A_937] {strides = array<i32>} : memref<13x128xf32, #tpu.memory_space<vmem>>, vector<1x16xf32>,
    %get3A_939 = vector.shape_cast %get3A_938 : vector<1x16xf32> to vector<16xf32>
    %get3A_940 = arith.constant 3 : i32
    %get3A_941 = arith.index_cast %get3A_940 : i32 to index
    %get3A_942 = arith.constant 112 : index
    %get3A_943 = tpu.vector_load %arg7[%get3A_941, %get3A_942] {strides = array<i32>} : memref<13x128xi32, #tpu.memory_space<vmem>>, vector<1x16xi32>,
    %get3A_944 = vector.shape_cast %get3A_943 : vector<1x16xi32> to vector<16xi32>
    %eq3A_945 = arith.constant 0 : i32
    %eq3A_946 = vector.broadcast %eq3A_945 : i32 to vector<16xi32>
    %eq3A_947 = arith.cmpi eq, %get3A_944, %eq3A_946 : vector<16xi32>
    %jit3A_948 = arith.constant 0.000000e+00 : f32
    %broadcast_in_dim3A_949 = vector.broadcast %jit3A_948 : f32 to vector<16xf32>
    %select_n3A_950 = arith.select %eq3A_947, %broadcast_in_dim3A_949, %get3A_939 : vector<16xi1>, vector<16xf32>
    %swap3A_951 = arith.constant 3 : i32
    %swap3A_952 = arith.index_cast %swap3A_951 : i32 to index
    %swap3A_953 = arith.constant 112 : index
    %swap3A_954 = tpu.vector_load %arg9[%swap3A_952, %swap3A_953] {strides = array<i32>} : memref<13x128xf32, #tpu.memory_space<vmem>>, vector<1x16xf32>,
    %swap3A_955 = vector.shape_cast %swap3A_954 : vector<1x16xf32> to vector<16xf32>
    %swap3A_956 = vector.shape_cast %select_n3A_950 : vector<16xf32> to vector<1x16xf32>
    tpu.vector_store %arg9[%swap3A_952, %swap3A_953], %swap3A_956 {strides = array<i32>} : memref<13x128xf32, #tpu.memory_space<vmem>>, vector<1x16xf32>,
    %get3A_957 = arith.constant 4 : i32
    %get3A_958 = arith.index_cast %get3A_957 : i32 to index
    %get3A_959 = arith.constant 0 : index
    %get3A_960 = tpu.vector_load %arg8[%get3A_958, %get3A_959] {strides = array<i32>} : memref<13x128xf32, #tpu.memory_space<vmem>>, vector<1x16xf32>,
    %get3A_961 = vector.shape_cast %get3A_960 : vector<1x16xf32> to vector<16xf32>
    %get3A_962 = arith.constant 4 : i32
    %get3A_963 = arith.index_cast %get3A_962 : i32 to index
    %get3A_964 = arith.constant 0 : index
    %get3A_965 = tpu.vector_load %arg7[%get3A_963, %get3A_964] {strides = array<i32>} : memref<13x128xi32, #tpu.memory_space<vmem>>, vector<1x16xi32>,
    %get3A_966 = vector.shape_cast %get3A_965 : vector<1x16xi32> to vector<16xi32>
    %eq3A_967 = arith.constant 0 : i32
    %eq3A_968 = vector.broadcast %eq3A_967 : i32 to vector<16xi32>
    %eq3A_969 = arith.cmpi eq, %get3A_966, %eq3A_968 : vector<16xi32>
    %jit3A_970 = arith.constant 0.000000e+00 : f32
    %broadcast_in_dim3A_971 = vector.broadcast %jit3A_970 : f32 to vector<16xf32>
    %select_n3A_972 = arith.select %eq3A_969, %broadcast_in_dim3A_971, %get3A_961 : vector<16xi1>, vector<16xf32>
    %swap3A_973 = arith.constant 4 : i32
    %swap3A_974 = arith.index_cast %swap3A_973 : i32 to index
    %swap3A_975 = arith.constant 0 : index
    %swap3A_976 = tpu.vector_load %arg9[%swap3A_974, %swap3A_975] {strides = array<i32>} : memref<13x128xf32, #tpu.memory_space<vmem>>, vector<1x16xf32>,
    %swap3A_977 = vector.shape_cast %swap3A_976 : vector<1x16xf32> to vector<16xf32>
    %swap3A_978 = vector.shape_cast %select_n3A_972 : vector<16xf32> to vector<1x16xf32>
    tpu.vector_store %arg9[%swap3A_974, %swap3A_975], %swap3A_978 {strides = array<i32>} : memref<13x128xf32, #tpu.memory_space<vmem>>, vector<1x16xf32>,
    %get3A_979 = arith.constant 4 : i32
    %get3A_980 = arith.index_cast %get3A_979 : i32 to index
    %get3A_981 = arith.constant 16 : index
    %get3A_982 = tpu.vector_load %arg8[%get3A_980, %get3A_981] {strides = array<i32>} : memref<13x128xf32, #tpu.memory_space<vmem>>, vector<1x16xf32>,
    %get3A_983 = vector.shape_cast %get3A_982 : vector<1x16xf32> to vector<16xf32>
    %get3A_984 = arith.constant 4 : i32
    %get3A_985 = arith.index_cast %get3A_984 : i32 to index
    %get3A_986 = arith.constant 16 : index
    %get3A_987 = tpu.vector_load %arg7[%get3A_985, %get3A_986] {strides = array<i32>} : memref<13x128xi32, #tpu.memory_space<vmem>>, vector<1x16xi32>,
    %get3A_988 = vector.shape_cast %get3A_987 : vector<1x16xi32> to vector<16xi32>
    %eq3A_989 = arith.constant 0 : i32
    %eq3A_990 = vector.broadcast %eq3A_989 : i32 to vector<16xi32>
    %eq3A_991 = arith.cmpi eq, %get3A_988, %eq3A_990 : vector<16xi32>
    %jit3A_992 = arith.constant 0.000000e+00 : f32
    %broadcast_in_dim3A_993 = vector.broadcast %jit3A_992 : f32 to vector<16xf32>
    %select_n3A_994 = arith.select %eq3A_991, %broadcast_in_dim3A_993, %get3A_983 : vector<16xi1>, vector<16xf32>
    %swap3A_995 = arith.constant 4 : i32
    %swap3A_996 = arith.index_cast %swap3A_995 : i32 to index
    %swap3A_997 = arith.constant 16 : index
    %swap3A_998 = tpu.vector_load %arg9[%swap3A_996, %swap3A_997] {strides = array<i32>} : memref<13x128xf32, #tpu.memory_space<vmem>>, vector<1x16xf32>,
    %swap3A_999 = vector.shape_cast %swap3A_998 : vector<1x16xf32> to vector<16xf32>
    %swap3A_1000 = vector.shape_cast %select_n3A_994 : vector<16xf32> to vector<1x16xf32>
    tpu.vector_store %arg9[%swap3A_996, %swap3A_997], %swap3A_1000 {strides = array<i32>} : memref<13x128xf32, #tpu.memory_space<vmem>>, vector<1x16xf32>,
    %get3A_1001 = arith.constant 4 : i32
    %get3A_1002 = arith.index_cast %get3A_1001 : i32 to index
    %get3A_1003 = arith.constant 32 : index
    %get3A_1004 = tpu.vector_load %arg8[%get3A_1002, %get3A_1003] {strides = array<i32>} : memref<13x128xf32, #tpu.memory_space<vmem>>, vector<1x16xf32>,
    %get3A_1005 = vector.shape_cast %get3A_1004 : vector<1x16xf32> to vector<16xf32>
    %get3A_1006 = arith.constant 4 : i32
    %get3A_1007 = arith.index_cast %get3A_1006 : i32 to index
    %get3A_1008 = arith.constant 32 : index
    %get3A_1009 = tpu.vector_load %arg7[%get3A_1007, %get3A_1008] {strides = array<i32>} : memref<13x128xi32, #tpu.memory_space<vmem>>, vector<1x16xi32>,
    %get3A_1010 = vector.shape_cast %get3A_1009 : vector<1x16xi32> to vector<16xi32>
    %eq3A_1011 = arith.constant 0 : i32
    %eq3A_1012 = vector.broadcast %eq3A_1011 : i32 to vector<16xi32>
    %eq3A_1013 = arith.cmpi eq, %get3A_1010, %eq3A_1012 : vector<16xi32>
    %jit3A_1014 = arith.constant 0.000000e+00 : f32
    %broadcast_in_dim3A_1015 = vector.broadcast %jit3A_1014 : f32 to vector<16xf32>
    %select_n3A_1016 = arith.select %eq3A_1013, %broadcast_in_dim3A_1015, %get3A_1005 : vector<16xi1>, vector<16xf32>
    %swap3A_1017 = arith.constant 4 : i32
    %swap3A_1018 = arith.index_cast %swap3A_1017 : i32 to index
    %swap3A_1019 = arith.constant 32 : index
    %swap3A_1020 = tpu.vector_load %arg9[%swap3A_1018, %swap3A_1019] {strides = array<i32>} : memref<13x128xf32, #tpu.memory_space<vmem>>, vector<1x16xf32>,
    %swap3A_1021 = vector.shape_cast %swap3A_1020 : vector<1x16xf32> to vector<16xf32>
    %swap3A_1022 = vector.shape_cast %select_n3A_1016 : vector<16xf32> to vector<1x16xf32>
    tpu.vector_store %arg9[%swap3A_1018, %swap3A_1019], %swap3A_1022 {strides = array<i32>} : memref<13x128xf32, #tpu.memory_space<vmem>>, vector<1x16xf32>,
    %get3A_1023 = arith.constant 4 : i32
    %get3A_1024 = arith.index_cast %get3A_1023 : i32 to index
    %get3A_1025 = arith.constant 48 : index
    %get3A_1026 = tpu.vector_load %arg8[%get3A_1024, %get3A_1025] {strides = array<i32>} : memref<13x128xf32, #tpu.memory_space<vmem>>, vector<1x16xf32>,
    %get3A_1027 = vector.shape_cast %get3A_1026 : vector<1x16xf32> to vector<16xf32>
    %get3A_1028 = arith.constant 4 : i32
    %get3A_1029 = arith.index_cast %get3A_1028 : i32 to index
    %get3A_1030 = arith.constant 48 : index
    %get3A_1031 = tpu.vector_load %arg7[%get3A_1029, %get3A_1030] {strides = array<i32>} : memref<13x128xi32, #tpu.memory_space<vmem>>, vector<1x16xi32>,
    %get3A_1032 = vector.shape_cast %get3A_1031 : vector<1x16xi32> to vector<16xi32>
    %eq3A_1033 = arith.constant 0 : i32
    %eq3A_1034 = vector.broadcast %eq3A_1033 : i32 to vector<16xi32>
    %eq3A_1035 = arith.cmpi eq, %get3A_1032, %eq3A_1034 : vector<16xi32>
    %jit3A_1036 = arith.constant 0.000000e+00 : f32
    %broadcast_in_dim3A_1037 = vector.broadcast %jit3A_1036 : f32 to vector<16xf32>
    %select_n3A_1038 = arith.select %eq3A_1035, %broadcast_in_dim3A_1037, %get3A_1027 : vector<16xi1>, vector<16xf32>
    %swap3A_1039 = arith.constant 4 : i32
    %swap3A_1040 = arith.index_cast %swap3A_1039 : i32 to index
    %swap3A_1041 = arith.constant 48 : index
    %swap3A_1042 = tpu.vector_load %arg9[%swap3A_1040, %swap3A_1041] {strides = array<i32>} : memref<13x128xf32, #tpu.memory_space<vmem>>, vector<1x16xf32>,
    %swap3A_1043 = vector.shape_cast %swap3A_1042 : vector<1x16xf32> to vector<16xf32>
    %swap3A_1044 = vector.shape_cast %select_n3A_1038 : vector<16xf32> to vector<1x16xf32>
    tpu.vector_store %arg9[%swap3A_1040, %swap3A_1041], %swap3A_1044 {strides = array<i32>} : memref<13x128xf32, #tpu.memory_space<vmem>>, vector<1x16xf32>,
    %get3A_1045 = arith.constant 4 : i32
    %get3A_1046 = arith.index_cast %get3A_1045 : i32 to index
    %get3A_1047 = arith.constant 64 : index
    %get3A_1048 = tpu.vector_load %arg8[%get3A_1046, %get3A_1047] {strides = array<i32>} : memref<13x128xf32, #tpu.memory_space<vmem>>, vector<1x16xf32>,
    %get3A_1049 = vector.shape_cast %get3A_1048 : vector<1x16xf32> to vector<16xf32>
    %get3A_1050 = arith.constant 4 : i32
    %get3A_1051 = arith.index_cast %get3A_1050 : i32 to index
    %get3A_1052 = arith.constant 64 : index
    %get3A_1053 = tpu.vector_load %arg7[%get3A_1051, %get3A_1052] {strides = array<i32>} : memref<13x128xi32, #tpu.memory_space<vmem>>, vector<1x16xi32>,
    %get3A_1054 = vector.shape_cast %get3A_1053 : vector<1x16xi32> to vector<16xi32>
    %eq3A_1055 = arith.constant 0 : i32
    %eq3A_1056 = vector.broadcast %eq3A_1055 : i32 to vector<16xi32>
    %eq3A_1057 = arith.cmpi eq, %get3A_1054, %eq3A_1056 : vector<16xi32>
    %jit3A_1058 = arith.constant 0.000000e+00 : f32
    %broadcast_in_dim3A_1059 = vector.broadcast %jit3A_1058 : f32 to vector<16xf32>
    %select_n3A_1060 = arith.select %eq3A_1057, %broadcast_in_dim3A_1059, %get3A_1049 : vector<16xi1>, vector<16xf32>
    %swap3A_1061 = arith.constant 4 : i32
    %swap3A_1062 = arith.index_cast %swap3A_1061 : i32 to index
    %swap3A_1063 = arith.constant 64 : index
    %swap3A_1064 = tpu.vector_load %arg9[%swap3A_1062, %swap3A_1063] {strides = array<i32>} : memref<13x128xf32, #tpu.memory_space<vmem>>, vector<1x16xf32>,
    %swap3A_1065 = vector.shape_cast %swap3A_1064 : vector<1x16xf32> to vector<16xf32>
    %swap3A_1066 = vector.shape_cast %select_n3A_1060 : vector<16xf32> to vector<1x16xf32>
    tpu.vector_store %arg9[%swap3A_1062, %swap3A_1063], %swap3A_1066 {strides = array<i32>} : memref<13x128xf32, #tpu.memory_space<vmem>>, vector<1x16xf32>,
    %get3A_1067 = arith.constant 4 : i32
    %get3A_1068 = arith.index_cast %get3A_1067 : i32 to index
    %get3A_1069 = arith.constant 80 : index
    %get3A_1070 = tpu.vector_load %arg8[%get3A_1068, %get3A_1069] {strides = array<i32>} : memref<13x128xf32, #tpu.memory_space<vmem>>, vector<1x16xf32>,
    %get3A_1071 = vector.shape_cast %get3A_1070 : vector<1x16xf32> to vector<16xf32>
    %get3A_1072 = arith.constant 4 : i32
    %get3A_1073 = arith.index_cast %get3A_1072 : i32 to index
    %get3A_1074 = arith.constant 80 : index
    %get3A_1075 = tpu.vector_load %arg7[%get3A_1073, %get3A_1074] {strides = array<i32>} : memref<13x128xi32, #tpu.memory_space<vmem>>, vector<1x16xi32>,
    %get3A_1076 = vector.shape_cast %get3A_1075 : vector<1x16xi32> to vector<16xi32>
    %eq3A_1077 = arith.constant 0 : i32
    %eq3A_1078 = vector.broadcast %eq3A_1077 : i32 to vector<16xi32>
    %eq3A_1079 = arith.cmpi eq, %get3A_1076, %eq3A_1078 : vector<16xi32>
    %jit3A_1080 = arith.constant 0.000000e+00 : f32
    %broadcast_in_dim3A_1081 = vector.broadcast %jit3A_1080 : f32 to vector<16xf32>
    %select_n3A_1082 = arith.select %eq3A_1079, %broadcast_in_dim3A_1081, %get3A_1071 : vector<16xi1>, vector<16xf32>
    %swap3A_1083 = arith.constant 4 : i32
    %swap3A_1084 = arith.index_cast %swap3A_1083 : i32 to index
    %swap3A_1085 = arith.constant 80 : index
    %swap3A_1086 = tpu.vector_load %arg9[%swap3A_1084, %swap3A_1085] {strides = array<i32>} : memref<13x128xf32, #tpu.memory_space<vmem>>, vector<1x16xf32>,
    %swap3A_1087 = vector.shape_cast %swap3A_1086 : vector<1x16xf32> to vector<16xf32>
    %swap3A_1088 = vector.shape_cast %select_n3A_1082 : vector<16xf32> to vector<1x16xf32>
    tpu.vector_store %arg9[%swap3A_1084, %swap3A_1085], %swap3A_1088 {strides = array<i32>} : memref<13x128xf32, #tpu.memory_space<vmem>>, vector<1x16xf32>,
    %get3A_1089 = arith.constant 4 : i32
    %get3A_1090 = arith.index_cast %get3A_1089 : i32 to index
    %get3A_1091 = arith.constant 96 : index
    %get3A_1092 = tpu.vector_load %arg8[%get3A_1090, %get3A_1091] {strides = array<i32>} : memref<13x128xf32, #tpu.memory_space<vmem>>, vector<1x16xf32>,
    %get3A_1093 = vector.shape_cast %get3A_1092 : vector<1x16xf32> to vector<16xf32>
    %get3A_1094 = arith.constant 4 : i32
    %get3A_1095 = arith.index_cast %get3A_1094 : i32 to index
    %get3A_1096 = arith.constant 96 : index
    %get3A_1097 = tpu.vector_load %arg7[%get3A_1095, %get3A_1096] {strides = array<i32>} : memref<13x128xi32, #tpu.memory_space<vmem>>, vector<1x16xi32>,
    %get3A_1098 = vector.shape_cast %get3A_1097 : vector<1x16xi32> to vector<16xi32>
    %eq3A_1099 = arith.constant 0 : i32
    %eq3A_1100 = vector.broadcast %eq3A_1099 : i32 to vector<16xi32>
    %eq3A_1101 = arith.cmpi eq, %get3A_1098, %eq3A_1100 : vector<16xi32>
    %jit3A_1102 = arith.constant 0.000000e+00 : f32
    %broadcast_in_dim3A_1103 = vector.broadcast %jit3A_1102 : f32 to vector<16xf32>
    %select_n3A_1104 = arith.select %eq3A_1101, %broadcast_in_dim3A_1103, %get3A_1093 : vector<16xi1>, vector<16xf32>
    %swap3A_1105 = arith.constant 4 : i32
    %swap3A_1106 = arith.index_cast %swap3A_1105 : i32 to index
    %swap3A_1107 = arith.constant 96 : index
    %swap3A_1108 = tpu.vector_load %arg9[%swap3A_1106, %swap3A_1107] {strides = array<i32>} : memref<13x128xf32, #tpu.memory_space<vmem>>, vector<1x16xf32>,
    %swap3A_1109 = vector.shape_cast %swap3A_1108 : vector<1x16xf32> to vector<16xf32>
    %swap3A_1110 = vector.shape_cast %select_n3A_1104 : vector<16xf32> to vector<1x16xf32>
    tpu.vector_store %arg9[%swap3A_1106, %swap3A_1107], %swap3A_1110 {strides = array<i32>} : memref<13x128xf32, #tpu.memory_space<vmem>>, vector<1x16xf32>,
    %get3A_1111 = arith.constant 4 : i32
    %get3A_1112 = arith.index_cast %get3A_1111 : i32 to index
    %get3A_1113 = arith.constant 112 : index
    %get3A_1114 = tpu.vector_load %arg8[%get3A_1112, %get3A_1113] {strides = array<i32>} : memref<13x128xf32, #tpu.memory_space<vmem>>, vector<1x16xf32>,
    %get3A_1115 = vector.shape_cast %get3A_1114 : vector<1x16xf32> to vector<16xf32>
    %get3A_1116 = arith.constant 4 : i32
    %get3A_1117 = arith.index_cast %get3A_1116 : i32 to index
    %get3A_1118 = arith.constant 112 : index
    %get3A_1119 = tpu.vector_load %arg7[%get3A_1117, %get3A_1118] {strides = array<i32>} : memref<13x128xi32, #tpu.memory_space<vmem>>, vector<1x16xi32>,
    %get3A_1120 = vector.shape_cast %get3A_1119 : vector<1x16xi32> to vector<16xi32>
    %eq3A_1121 = arith.constant 0 : i32
    %eq3A_1122 = vector.broadcast %eq3A_1121 : i32 to vector<16xi32>
    %eq3A_1123 = arith.cmpi eq, %get3A_1120, %eq3A_1122 : vector<16xi32>
    %jit3A_1124 = arith.constant 0.000000e+00 : f32
    %broadcast_in_dim3A_1125 = vector.broadcast %jit3A_1124 : f32 to vector<16xf32>
    %select_n3A_1126 = arith.select %eq3A_1123, %broadcast_in_dim3A_1125, %get3A_1115 : vector<16xi1>, vector<16xf32>
    %swap3A_1127 = arith.constant 4 : i32
    %swap3A_1128 = arith.index_cast %swap3A_1127 : i32 to index
    %swap3A_1129 = arith.constant 112 : index
    %swap3A_1130 = tpu.vector_load %arg9[%swap3A_1128, %swap3A_1129] {strides = array<i32>} : memref<13x128xf32, #tpu.memory_space<vmem>>, vector<1x16xf32>,
    %swap3A_1131 = vector.shape_cast %swap3A_1130 : vector<1x16xf32> to vector<16xf32>
    %swap3A_1132 = vector.shape_cast %select_n3A_1126 : vector<16xf32> to vector<1x16xf32>
    tpu.vector_store %arg9[%swap3A_1128, %swap3A_1129], %swap3A_1132 {strides = array<i32>} : memref<13x128xf32, #tpu.memory_space<vmem>>, vector<1x16xf32>,
    %get3A_1133 = arith.constant 5 : i32
    %get3A_1134 = arith.index_cast %get3A_1133 : i32 to index
    %get3A_1135 = arith.constant 0 : index
    %get3A_1136 = tpu.vector_load %arg8[%get3A_1134, %get3A_1135] {strides = array<i32>} : memref<13x128xf32, #tpu.memory_space<vmem>>, vector<1x16xf32>,
    %get3A_1137 = vector.shape_cast %get3A_1136 : vector<1x16xf32> to vector<16xf32>
    %get3A_1138 = arith.constant 5 : i32
    %get3A_1139 = arith.index_cast %get3A_1138 : i32 to index
    %get3A_1140 = arith.constant 0 : index
    %get3A_1141 = tpu.vector_load %arg7[%get3A_1139, %get3A_1140] {strides = array<i32>} : memref<13x128xi32, #tpu.memory_space<vmem>>, vector<1x16xi32>,
    %get3A_1142 = vector.shape_cast %get3A_1141 : vector<1x16xi32> to vector<16xi32>
    %eq3A_1143 = arith.constant 0 : i32
    %eq3A_1144 = vector.broadcast %eq3A_1143 : i32 to vector<16xi32>
    %eq3A_1145 = arith.cmpi eq, %get3A_1142, %eq3A_1144 : vector<16xi32>
    %jit3A_1146 = arith.constant 0.000000e+00 : f32
    %broadcast_in_dim3A_1147 = vector.broadcast %jit3A_1146 : f32 to vector<16xf32>
    %select_n3A_1148 = arith.select %eq3A_1145, %broadcast_in_dim3A_1147, %get3A_1137 : vector<16xi1>, vector<16xf32>
    %swap3A_1149 = arith.constant 5 : i32
    %swap3A_1150 = arith.index_cast %swap3A_1149 : i32 to index
    %swap3A_1151 = arith.constant 0 : index
    %swap3A_1152 = tpu.vector_load %arg9[%swap3A_1150, %swap3A_1151] {strides = array<i32>} : memref<13x128xf32, #tpu.memory_space<vmem>>, vector<1x16xf32>,
    %swap3A_1153 = vector.shape_cast %swap3A_1152 : vector<1x16xf32> to vector<16xf32>
    %swap3A_1154 = vector.shape_cast %select_n3A_1148 : vector<16xf32> to vector<1x16xf32>
    tpu.vector_store %arg9[%swap3A_1150, %swap3A_1151], %swap3A_1154 {strides = array<i32>} : memref<13x128xf32, #tpu.memory_space<vmem>>, vector<1x16xf32>,
    %get3A_1155 = arith.constant 5 : i32
    %get3A_1156 = arith.index_cast %get3A_1155 : i32 to index
    %get3A_1157 = arith.constant 16 : index
    %get3A_1158 = tpu.vector_load %arg8[%get3A_1156, %get3A_1157] {strides = array<i32>} : memref<13x128xf32, #tpu.memory_space<vmem>>, vector<1x16xf32>,
    %get3A_1159 = vector.shape_cast %get3A_1158 : vector<1x16xf32> to vector<16xf32>
    %get3A_1160 = arith.constant 5 : i32
    %get3A_1161 = arith.index_cast %get3A_1160 : i32 to index
    %get3A_1162 = arith.constant 16 : index
    %get3A_1163 = tpu.vector_load %arg7[%get3A_1161, %get3A_1162] {strides = array<i32>} : memref<13x128xi32, #tpu.memory_space<vmem>>, vector<1x16xi32>,
    %get3A_1164 = vector.shape_cast %get3A_1163 : vector<1x16xi32> to vector<16xi32>
    %eq3A_1165 = arith.constant 0 : i32
    %eq3A_1166 = vector.broadcast %eq3A_1165 : i32 to vector<16xi32>
    %eq3A_1167 = arith.cmpi eq, %get3A_1164, %eq3A_1166 : vector<16xi32>
    %jit3A_1168 = arith.constant 0.000000e+00 : f32
    %broadcast_in_dim3A_1169 = vector.broadcast %jit3A_1168 : f32 to vector<16xf32>
    %select_n3A_1170 = arith.select %eq3A_1167, %broadcast_in_dim3A_1169, %get3A_1159 : vector<16xi1>, vector<16xf32>
    %swap3A_1171 = arith.constant 5 : i32
    %swap3A_1172 = arith.index_cast %swap3A_1171 : i32 to index
    %swap3A_1173 = arith.constant 16 : index
    %swap3A_1174 = tpu.vector_load %arg9[%swap3A_1172, %swap3A_1173] {strides = array<i32>} : memref<13x128xf32, #tpu.memory_space<vmem>>, vector<1x16xf32>,
    %swap3A_1175 = vector.shape_cast %swap3A_1174 : vector<1x16xf32> to vector<16xf32>
    %swap3A_1176 = vector.shape_cast %select_n3A_1170 : vector<16xf32> to vector<1x16xf32>
    tpu.vector_store %arg9[%swap3A_1172, %swap3A_1173], %swap3A_1176 {strides = array<i32>} : memref<13x128xf32, #tpu.memory_space<vmem>>, vector<1x16xf32>,
    %get3A_1177 = arith.constant 5 : i32
    %get3A_1178 = arith.index_cast %get3A_1177 : i32 to index
    %get3A_1179 = arith.constant 32 : index
    %get3A_1180 = tpu.vector_load %arg8[%get3A_1178, %get3A_1179] {strides = array<i32>} : memref<13x128xf32, #tpu.memory_space<vmem>>, vector<1x16xf32>,
    %get3A_1181 = vector.shape_cast %get3A_1180 : vector<1x16xf32> to vector<16xf32>
    %get3A_1182 = arith.constant 5 : i32
    %get3A_1183 = arith.index_cast %get3A_1182 : i32 to index
    %get3A_1184 = arith.constant 32 : index
    %get3A_1185 = tpu.vector_load %arg7[%get3A_1183, %get3A_1184] {strides = array<i32>} : memref<13x128xi32, #tpu.memory_space<vmem>>, vector<1x16xi32>,
    %get3A_1186 = vector.shape_cast %get3A_1185 : vector<1x16xi32> to vector<16xi32>
    %eq3A_1187 = arith.constant 0 : i32
    %eq3A_1188 = vector.broadcast %eq3A_1187 : i32 to vector<16xi32>
    %eq3A_1189 = arith.cmpi eq, %get3A_1186, %eq3A_1188 : vector<16xi32>
    %jit3A_1190 = arith.constant 0.000000e+00 : f32
    %broadcast_in_dim3A_1191 = vector.broadcast %jit3A_1190 : f32 to vector<16xf32>
    %select_n3A_1192 = arith.select %eq3A_1189, %broadcast_in_dim3A_1191, %get3A_1181 : vector<16xi1>, vector<16xf32>
    %swap3A_1193 = arith.constant 5 : i32
    %swap3A_1194 = arith.index_cast %swap3A_1193 : i32 to index
    %swap3A_1195 = arith.constant 32 : index
    %swap3A_1196 = tpu.vector_load %arg9[%swap3A_1194, %swap3A_1195] {strides = array<i32>} : memref<13x128xf32, #tpu.memory_space<vmem>>, vector<1x16xf32>,
    %swap3A_1197 = vector.shape_cast %swap3A_1196 : vector<1x16xf32> to vector<16xf32>
    %swap3A_1198 = vector.shape_cast %select_n3A_1192 : vector<16xf32> to vector<1x16xf32>
    tpu.vector_store %arg9[%swap3A_1194, %swap3A_1195], %swap3A_1198 {strides = array<i32>} : memref<13x128xf32, #tpu.memory_space<vmem>>, vector<1x16xf32>,
    %get3A_1199 = arith.constant 5 : i32
    %get3A_1200 = arith.index_cast %get3A_1199 : i32 to index
    %get3A_1201 = arith.constant 48 : index
    %get3A_1202 = tpu.vector_load %arg8[%get3A_1200, %get3A_1201] {strides = array<i32>} : memref<13x128xf32, #tpu.memory_space<vmem>>, vector<1x16xf32>,
    %get3A_1203 = vector.shape_cast %get3A_1202 : vector<1x16xf32> to vector<16xf32>
    %get3A_1204 = arith.constant 5 : i32
    %get3A_1205 = arith.index_cast %get3A_1204 : i32 to index
    %get3A_1206 = arith.constant 48 : index
    %get3A_1207 = tpu.vector_load %arg7[%get3A_1205, %get3A_1206] {strides = array<i32>} : memref<13x128xi32, #tpu.memory_space<vmem>>, vector<1x16xi32>,
    %get3A_1208 = vector.shape_cast %get3A_1207 : vector<1x16xi32> to vector<16xi32>
    %eq3A_1209 = arith.constant 0 : i32
    %eq3A_1210 = vector.broadcast %eq3A_1209 : i32 to vector<16xi32>
    %eq3A_1211 = arith.cmpi eq, %get3A_1208, %eq3A_1210 : vector<16xi32>
    %jit3A_1212 = arith.constant 0.000000e+00 : f32
    %broadcast_in_dim3A_1213 = vector.broadcast %jit3A_1212 : f32 to vector<16xf32>
    %select_n3A_1214 = arith.select %eq3A_1211, %broadcast_in_dim3A_1213, %get3A_1203 : vector<16xi1>, vector<16xf32>
    %swap3A_1215 = arith.constant 5 : i32
    %swap3A_1216 = arith.index_cast %swap3A_1215 : i32 to index
    %swap3A_1217 = arith.constant 48 : index
    %swap3A_1218 = tpu.vector_load %arg9[%swap3A_1216, %swap3A_1217] {strides = array<i32>} : memref<13x128xf32, #tpu.memory_space<vmem>>, vector<1x16xf32>,
    %swap3A_1219 = vector.shape_cast %swap3A_1218 : vector<1x16xf32> to vector<16xf32>
    %swap3A_1220 = vector.shape_cast %select_n3A_1214 : vector<16xf32> to vector<1x16xf32>
    tpu.vector_store %arg9[%swap3A_1216, %swap3A_1217], %swap3A_1220 {strides = array<i32>} : memref<13x128xf32, #tpu.memory_space<vmem>>, vector<1x16xf32>,
    %get3A_1221 = arith.constant 5 : i32
    %get3A_1222 = arith.index_cast %get3A_1221 : i32 to index
    %get3A_1223 = arith.constant 64 : index
    %get3A_1224 = tpu.vector_load %arg8[%get3A_1222, %get3A_1223] {strides = array<i32>} : memref<13x128xf32, #tpu.memory_space<vmem>>, vector<1x16xf32>,
    %get3A_1225 = vector.shape_cast %get3A_1224 : vector<1x16xf32> to vector<16xf32>
    %get3A_1226 = arith.constant 5 : i32
    %get3A_1227 = arith.index_cast %get3A_1226 : i32 to index
    %get3A_1228 = arith.constant 64 : index
    %get3A_1229 = tpu.vector_load %arg7[%get3A_1227, %get3A_1228] {strides = array<i32>} : memref<13x128xi32, #tpu.memory_space<vmem>>, vector<1x16xi32>,
    %get3A_1230 = vector.shape_cast %get3A_1229 : vector<1x16xi32> to vector<16xi32>
    %eq3A_1231 = arith.constant 0 : i32
    %eq3A_1232 = vector.broadcast %eq3A_1231 : i32 to vector<16xi32>
    %eq3A_1233 = arith.cmpi eq, %get3A_1230, %eq3A_1232 : vector<16xi32>
    %jit3A_1234 = arith.constant 0.000000e+00 : f32
    %broadcast_in_dim3A_1235 = vector.broadcast %jit3A_1234 : f32 to vector<16xf32>
    %select_n3A_1236 = arith.select %eq3A_1233, %broadcast_in_dim3A_1235, %get3A_1225 : vector<16xi1>, vector<16xf32>
    %swap3A_1237 = arith.constant 5 : i32
    %swap3A_1238 = arith.index_cast %swap3A_1237 : i32 to index
    %swap3A_1239 = arith.constant 64 : index
    %swap3A_1240 = tpu.vector_load %arg9[%swap3A_1238, %swap3A_1239] {strides = array<i32>} : memref<13x128xf32, #tpu.memory_space<vmem>>, vector<1x16xf32>,
    %swap3A_1241 = vector.shape_cast %swap3A_1240 : vector<1x16xf32> to vector<16xf32>
    %swap3A_1242 = vector.shape_cast %select_n3A_1236 : vector<16xf32> to vector<1x16xf32>
    tpu.vector_store %arg9[%swap3A_1238, %swap3A_1239], %swap3A_1242 {strides = array<i32>} : memref<13x128xf32, #tpu.memory_space<vmem>>, vector<1x16xf32>,
    %get3A_1243 = arith.constant 5 : i32
    %get3A_1244 = arith.index_cast %get3A_1243 : i32 to index
    %get3A_1245 = arith.constant 80 : index
    %get3A_1246 = tpu.vector_load %arg8[%get3A_1244, %get3A_1245] {strides = array<i32>} : memref<13x128xf32, #tpu.memory_space<vmem>>, vector<1x16xf32>,
    %get3A_1247 = vector.shape_cast %get3A_1246 : vector<1x16xf32> to vector<16xf32>
    %get3A_1248 = arith.constant 5 : i32
    %get3A_1249 = arith.index_cast %get3A_1248 : i32 to index
    %get3A_1250 = arith.constant 80 : index
    %get3A_1251 = tpu.vector_load %arg7[%get3A_1249, %get3A_1250] {strides = array<i32>} : memref<13x128xi32, #tpu.memory_space<vmem>>, vector<1x16xi32>,
    %get3A_1252 = vector.shape_cast %get3A_1251 : vector<1x16xi32> to vector<16xi32>
    %eq3A_1253 = arith.constant 0 : i32
    %eq3A_1254 = vector.broadcast %eq3A_1253 : i32 to vector<16xi32>
    %eq3A_1255 = arith.cmpi eq, %get3A_1252, %eq3A_1254 : vector<16xi32>
    %jit3A_1256 = arith.constant 0.000000e+00 : f32
    %broadcast_in_dim3A_1257 = vector.broadcast %jit3A_1256 : f32 to vector<16xf32>
    %select_n3A_1258 = arith.select %eq3A_1255, %broadcast_in_dim3A_1257, %get3A_1247 : vector<16xi1>, vector<16xf32>
    %swap3A_1259 = arith.constant 5 : i32
    %swap3A_1260 = arith.index_cast %swap3A_1259 : i32 to index
    %swap3A_1261 = arith.constant 80 : index
    %swap3A_1262 = tpu.vector_load %arg9[%swap3A_1260, %swap3A_1261] {strides = array<i32>} : memref<13x128xf32, #tpu.memory_space<vmem>>, vector<1x16xf32>,
    %swap3A_1263 = vector.shape_cast %swap3A_1262 : vector<1x16xf32> to vector<16xf32>
    %swap3A_1264 = vector.shape_cast %select_n3A_1258 : vector<16xf32> to vector<1x16xf32>
    tpu.vector_store %arg9[%swap3A_1260, %swap3A_1261], %swap3A_1264 {strides = array<i32>} : memref<13x128xf32, #tpu.memory_space<vmem>>, vector<1x16xf32>,
    %get3A_1265 = arith.constant 5 : i32
    %get3A_1266 = arith.index_cast %get3A_1265 : i32 to index
    %get3A_1267 = arith.constant 96 : index
    %get3A_1268 = tpu.vector_load %arg8[%get3A_1266, %get3A_1267] {strides = array<i32>} : memref<13x128xf32, #tpu.memory_space<vmem>>, vector<1x16xf32>,
    %get3A_1269 = vector.shape_cast %get3A_1268 : vector<1x16xf32> to vector<16xf32>
    %get3A_1270 = arith.constant 5 : i32
    %get3A_1271 = arith.index_cast %get3A_1270 : i32 to index
    %get3A_1272 = arith.constant 96 : index
    %get3A_1273 = tpu.vector_load %arg7[%get3A_1271, %get3A_1272] {strides = array<i32>} : memref<13x128xi32, #tpu.memory_space<vmem>>, vector<1x16xi32>,
    %get3A_1274 = vector.shape_cast %get3A_1273 : vector<1x16xi32> to vector<16xi32>
    %eq3A_1275 = arith.constant 0 : i32
    %eq3A_1276 = vector.broadcast %eq3A_1275 : i32 to vector<16xi32>
    %eq3A_1277 = arith.cmpi eq, %get3A_1274, %eq3A_1276 : vector<16xi32>
    %jit3A_1278 = arith.constant 0.000000e+00 : f32
    %broadcast_in_dim3A_1279 = vector.broadcast %jit3A_1278 : f32 to vector<16xf32>
    %select_n3A_1280 = arith.select %eq3A_1277, %broadcast_in_dim3A_1279, %get3A_1269 : vector<16xi1>, vector<16xf32>
    %swap3A_1281 = arith.constant 5 : i32
    %swap3A_1282 = arith.index_cast %swap3A_1281 : i32 to index
    %swap3A_1283 = arith.constant 96 : index
    %swap3A_1284 = tpu.vector_load %arg9[%swap3A_1282, %swap3A_1283] {strides = array<i32>} : memref<13x128xf32, #tpu.memory_space<vmem>>, vector<1x16xf32>,
    %swap3A_1285 = vector.shape_cast %swap3A_1284 : vector<1x16xf32> to vector<16xf32>
    %swap3A_1286 = vector.shape_cast %select_n3A_1280 : vector<16xf32> to vector<1x16xf32>
    tpu.vector_store %arg9[%swap3A_1282, %swap3A_1283], %swap3A_1286 {strides = array<i32>} : memref<13x128xf32, #tpu.memory_space<vmem>>, vector<1x16xf32>,
    %get3A_1287 = arith.constant 5 : i32
    %get3A_1288 = arith.index_cast %get3A_1287 : i32 to index
    %get3A_1289 = arith.constant 112 : index
    %get3A_1290 = tpu.vector_load %arg8[%get3A_1288, %get3A_1289] {strides = array<i32>} : memref<13x128xf32, #tpu.memory_space<vmem>>, vector<1x16xf32>,
    %get3A_1291 = vector.shape_cast %get3A_1290 : vector<1x16xf32> to vector<16xf32>
    %get3A_1292 = arith.constant 5 : i32
    %get3A_1293 = arith.index_cast %get3A_1292 : i32 to index
    %get3A_1294 = arith.constant 112 : index
    %get3A_1295 = tpu.vector_load %arg7[%get3A_1293, %get3A_1294] {strides = array<i32>} : memref<13x128xi32, #tpu.memory_space<vmem>>, vector<1x16xi32>,
    %get3A_1296 = vector.shape_cast %get3A_1295 : vector<1x16xi32> to vector<16xi32>
    %eq3A_1297 = arith.constant 0 : i32
    %eq3A_1298 = vector.broadcast %eq3A_1297 : i32 to vector<16xi32>
    %eq3A_1299 = arith.cmpi eq, %get3A_1296, %eq3A_1298 : vector<16xi32>
    %jit3A_1300 = arith.constant 0.000000e+00 : f32
    %broadcast_in_dim3A_1301 = vector.broadcast %jit3A_1300 : f32 to vector<16xf32>
    %select_n3A_1302 = arith.select %eq3A_1299, %broadcast_in_dim3A_1301, %get3A_1291 : vector<16xi1>, vector<16xf32>
    %swap3A_1303 = arith.constant 5 : i32
    %swap3A_1304 = arith.index_cast %swap3A_1303 : i32 to index
    %swap3A_1305 = arith.constant 112 : index
    %swap3A_1306 = tpu.vector_load %arg9[%swap3A_1304, %swap3A_1305] {strides = array<i32>} : memref<13x128xf32, #tpu.memory_space<vmem>>, vector<1x16xf32>,
    %swap3A_1307 = vector.shape_cast %swap3A_1306 : vector<1x16xf32> to vector<16xf32>
    %swap3A_1308 = vector.shape_cast %select_n3A_1302 : vector<16xf32> to vector<1x16xf32>
    tpu.vector_store %arg9[%swap3A_1304, %swap3A_1305], %swap3A_1308 {strides = array<i32>} : memref<13x128xf32, #tpu.memory_space<vmem>>, vector<1x16xf32>,
    %get3A_1309 = arith.constant 6 : i32
    %get3A_1310 = arith.index_cast %get3A_1309 : i32 to index
    %get3A_1311 = arith.constant 0 : index
    %get3A_1312 = tpu.vector_load %arg8[%get3A_1310, %get3A_1311] {strides = array<i32>} : memref<13x128xf32, #tpu.memory_space<vmem>>, vector<1x16xf32>,
    %get3A_1313 = vector.shape_cast %get3A_1312 : vector<1x16xf32> to vector<16xf32>
    %get3A_1314 = arith.constant 6 : i32
    %get3A_1315 = arith.index_cast %get3A_1314 : i32 to index
    %get3A_1316 = arith.constant 0 : index
    %get3A_1317 = tpu.vector_load %arg7[%get3A_1315, %get3A_1316] {strides = array<i32>} : memref<13x128xi32, #tpu.memory_space<vmem>>, vector<1x16xi32>,
    %get3A_1318 = vector.shape_cast %get3A_1317 : vector<1x16xi32> to vector<16xi32>
    %eq3A_1319 = arith.constant 0 : i32
    %eq3A_1320 = vector.broadcast %eq3A_1319 : i32 to vector<16xi32>
    %eq3A_1321 = arith.cmpi eq, %get3A_1318, %eq3A_1320 : vector<16xi32>
    %jit3A_1322 = arith.constant 0.000000e+00 : f32
    %broadcast_in_dim3A_1323 = vector.broadcast %jit3A_1322 : f32 to vector<16xf32>
    %select_n3A_1324 = arith.select %eq3A_1321, %broadcast_in_dim3A_1323, %get3A_1313 : vector<16xi1>, vector<16xf32>
    %swap3A_1325 = arith.constant 6 : i32
    %swap3A_1326 = arith.index_cast %swap3A_1325 : i32 to index
    %swap3A_1327 = arith.constant 0 : index
    %swap3A_1328 = tpu.vector_load %arg9[%swap3A_1326, %swap3A_1327] {strides = array<i32>} : memref<13x128xf32, #tpu.memory_space<vmem>>, vector<1x16xf32>,
    %swap3A_1329 = vector.shape_cast %swap3A_1328 : vector<1x16xf32> to vector<16xf32>
    %swap3A_1330 = vector.shape_cast %select_n3A_1324 : vector<16xf32> to vector<1x16xf32>
    tpu.vector_store %arg9[%swap3A_1326, %swap3A_1327], %swap3A_1330 {strides = array<i32>} : memref<13x128xf32, #tpu.memory_space<vmem>>, vector<1x16xf32>,
    %get3A_1331 = arith.constant 6 : i32
    %get3A_1332 = arith.index_cast %get3A_1331 : i32 to index
    %get3A_1333 = arith.constant 16 : index
    %get3A_1334 = tpu.vector_load %arg8[%get3A_1332, %get3A_1333] {strides = array<i32>} : memref<13x128xf32, #tpu.memory_space<vmem>>, vector<1x16xf32>,
    %get3A_1335 = vector.shape_cast %get3A_1334 : vector<1x16xf32> to vector<16xf32>
    %get3A_1336 = arith.constant 6 : i32
    %get3A_1337 = arith.index_cast %get3A_1336 : i32 to index
    %get3A_1338 = arith.constant 16 : index
    %get3A_1339 = tpu.vector_load %arg7[%get3A_1337, %get3A_1338] {strides = array<i32>} : memref<13x128xi32, #tpu.memory_space<vmem>>, vector<1x16xi32>,
    %get3A_1340 = vector.shape_cast %get3A_1339 : vector<1x16xi32> to vector<16xi32>
    %eq3A_1341 = arith.constant 0 : i32
    %eq3A_1342 = vector.broadcast %eq3A_1341 : i32 to vector<16xi32>
    %eq3A_1343 = arith.cmpi eq, %get3A_1340, %eq3A_1342 : vector<16xi32>
    %jit3A_1344 = arith.constant 0.000000e+00 : f32
    %broadcast_in_dim3A_1345 = vector.broadcast %jit3A_1344 : f32 to vector<16xf32>
    %select_n3A_1346 = arith.select %eq3A_1343, %broadcast_in_dim3A_1345, %get3A_1335 : vector<16xi1>, vector<16xf32>
    %swap3A_1347 = arith.constant 6 : i32
    %swap3A_1348 = arith.index_cast %swap3A_1347 : i32 to index
    %swap3A_1349 = arith.constant 16 : index
    %swap3A_1350 = tpu.vector_load %arg9[%swap3A_1348, %swap3A_1349] {strides = array<i32>} : memref<13x128xf32, #tpu.memory_space<vmem>>, vector<1x16xf32>,
    %swap3A_1351 = vector.shape_cast %swap3A_1350 : vector<1x16xf32> to vector<16xf32>
    %swap3A_1352 = vector.shape_cast %select_n3A_1346 : vector<16xf32> to vector<1x16xf32>
    tpu.vector_store %arg9[%swap3A_1348, %swap3A_1349], %swap3A_1352 {strides = array<i32>} : memref<13x128xf32, #tpu.memory_space<vmem>>, vector<1x16xf32>,
    %get3A_1353 = arith.constant 6 : i32
    %get3A_1354 = arith.index_cast %get3A_1353 : i32 to index
    %get3A_1355 = arith.constant 32 : index
    %get3A_1356 = tpu.vector_load %arg8[%get3A_1354, %get3A_1355] {strides = array<i32>} : memref<13x128xf32, #tpu.memory_space<vmem>>, vector<1x16xf32>,
    %get3A_1357 = vector.shape_cast %get3A_1356 : vector<1x16xf32> to vector<16xf32>
    %get3A_1358 = arith.constant 6 : i32
    %get3A_1359 = arith.index_cast %get3A_1358 : i32 to index
    %get3A_1360 = arith.constant 32 : index
    %get3A_1361 = tpu.vector_load %arg7[%get3A_1359, %get3A_1360] {strides = array<i32>} : memref<13x128xi32, #tpu.memory_space<vmem>>, vector<1x16xi32>,
    %get3A_1362 = vector.shape_cast %get3A_1361 : vector<1x16xi32> to vector<16xi32>
    %eq3A_1363 = arith.constant 0 : i32
    %eq3A_1364 = vector.broadcast %eq3A_1363 : i32 to vector<16xi32>
    %eq3A_1365 = arith.cmpi eq, %get3A_1362, %eq3A_1364 : vector<16xi32>
    %jit3A_1366 = arith.constant 0.000000e+00 : f32
    %broadcast_in_dim3A_1367 = vector.broadcast %jit3A_1366 : f32 to vector<16xf32>
    %select_n3A_1368 = arith.select %eq3A_1365, %broadcast_in_dim3A_1367, %get3A_1357 : vector<16xi1>, vector<16xf32>
    %swap3A_1369 = arith.constant 6 : i32
    %swap3A_1370 = arith.index_cast %swap3A_1369 : i32 to index
    %swap3A_1371 = arith.constant 32 : index
    %swap3A_1372 = tpu.vector_load %arg9[%swap3A_1370, %swap3A_1371] {strides = array<i32>} : memref<13x128xf32, #tpu.memory_space<vmem>>, vector<1x16xf32>,
    %swap3A_1373 = vector.shape_cast %swap3A_1372 : vector<1x16xf32> to vector<16xf32>
    %swap3A_1374 = vector.shape_cast %select_n3A_1368 : vector<16xf32> to vector<1x16xf32>
    tpu.vector_store %arg9[%swap3A_1370, %swap3A_1371], %swap3A_1374 {strides = array<i32>} : memref<13x128xf32, #tpu.memory_space<vmem>>, vector<1x16xf32>,
    %get3A_1375 = arith.constant 6 : i32
    %get3A_1376 = arith.index_cast %get3A_1375 : i32 to index
    %get3A_1377 = arith.constant 48 : index
    %get3A_1378 = tpu.vector_load %arg8[%get3A_1376, %get3A_1377] {strides = array<i32>} : memref<13x128xf32, #tpu.memory_space<vmem>>, vector<1x16xf32>,
    %get3A_1379 = vector.shape_cast %get3A_1378 : vector<1x16xf32> to vector<16xf32>
    %get3A_1380 = arith.constant 6 : i32
    %get3A_1381 = arith.index_cast %get3A_1380 : i32 to index
    %get3A_1382 = arith.constant 48 : index
    %get3A_1383 = tpu.vector_load %arg7[%get3A_1381, %get3A_1382] {strides = array<i32>} : memref<13x128xi32, #tpu.memory_space<vmem>>, vector<1x16xi32>,
    %get3A_1384 = vector.shape_cast %get3A_1383 : vector<1x16xi32> to vector<16xi32>
    %eq3A_1385 = arith.constant 0 : i32
    %eq3A_1386 = vector.broadcast %eq3A_1385 : i32 to vector<16xi32>
    %eq3A_1387 = arith.cmpi eq, %get3A_1384, %eq3A_1386 : vector<16xi32>
    %jit3A_1388 = arith.constant 0.000000e+00 : f32
    %broadcast_in_dim3A_1389 = vector.broadcast %jit3A_1388 : f32 to vector<16xf32>
    %select_n3A_1390 = arith.select %eq3A_1387, %broadcast_in_dim3A_1389, %get3A_1379 : vector<16xi1>, vector<16xf32>
    %swap3A_1391 = arith.constant 6 : i32
    %swap3A_1392 = arith.index_cast %swap3A_1391 : i32 to index
    %swap3A_1393 = arith.constant 48 : index
    %swap3A_1394 = tpu.vector_load %arg9[%swap3A_1392, %swap3A_1393] {strides = array<i32>} : memref<13x128xf32, #tpu.memory_space<vmem>>, vector<1x16xf32>,
    %swap3A_1395 = vector.shape_cast %swap3A_1394 : vector<1x16xf32> to vector<16xf32>
    %swap3A_1396 = vector.shape_cast %select_n3A_1390 : vector<16xf32> to vector<1x16xf32>
    tpu.vector_store %arg9[%swap3A_1392, %swap3A_1393], %swap3A_1396 {strides = array<i32>} : memref<13x128xf32, #tpu.memory_space<vmem>>, vector<1x16xf32>,
    %get3A_1397 = arith.constant 6 : i32
    %get3A_1398 = arith.index_cast %get3A_1397 : i32 to index
    %get3A_1399 = arith.constant 64 : index
    %get3A_1400 = tpu.vector_load %arg8[%get3A_1398, %get3A_1399] {strides = array<i32>} : memref<13x128xf32, #tpu.memory_space<vmem>>, vector<1x16xf32>,
    %get3A_1401 = vector.shape_cast %get3A_1400 : vector<1x16xf32> to vector<16xf32>
    %get3A_1402 = arith.constant 6 : i32
    %get3A_1403 = arith.index_cast %get3A_1402 : i32 to index
    %get3A_1404 = arith.constant 64 : index
    %get3A_1405 = tpu.vector_load %arg7[%get3A_1403, %get3A_1404] {strides = array<i32>} : memref<13x128xi32, #tpu.memory_space<vmem>>, vector<1x16xi32>,
    %get3A_1406 = vector.shape_cast %get3A_1405 : vector<1x16xi32> to vector<16xi32>
    %eq3A_1407 = arith.constant 0 : i32
    %eq3A_1408 = vector.broadcast %eq3A_1407 : i32 to vector<16xi32>
    %eq3A_1409 = arith.cmpi eq, %get3A_1406, %eq3A_1408 : vector<16xi32>
    %jit3A_1410 = arith.constant 0.000000e+00 : f32
    %broadcast_in_dim3A_1411 = vector.broadcast %jit3A_1410 : f32 to vector<16xf32>
    %select_n3A_1412 = arith.select %eq3A_1409, %broadcast_in_dim3A_1411, %get3A_1401 : vector<16xi1>, vector<16xf32>
    %swap3A_1413 = arith.constant 6 : i32
    %swap3A_1414 = arith.index_cast %swap3A_1413 : i32 to index
    %swap3A_1415 = arith.constant 64 : index
    %swap3A_1416 = tpu.vector_load %arg9[%swap3A_1414, %swap3A_1415] {strides = array<i32>} : memref<13x128xf32, #tpu.memory_space<vmem>>, vector<1x16xf32>,
    %swap3A_1417 = vector.shape_cast %swap3A_1416 : vector<1x16xf32> to vector<16xf32>
    %swap3A_1418 = vector.shape_cast %select_n3A_1412 : vector<16xf32> to vector<1x16xf32>
    tpu.vector_store %arg9[%swap3A_1414, %swap3A_1415], %swap3A_1418 {strides = array<i32>} : memref<13x128xf32, #tpu.memory_space<vmem>>, vector<1x16xf32>,
    %get3A_1419 = arith.constant 6 : i32
    %get3A_1420 = arith.index_cast %get3A_1419 : i32 to index
    %get3A_1421 = arith.constant 80 : index
    %get3A_1422 = tpu.vector_load %arg8[%get3A_1420, %get3A_1421] {strides = array<i32>} : memref<13x128xf32, #tpu.memory_space<vmem>>, vector<1x16xf32>,
    %get3A_1423 = vector.shape_cast %get3A_1422 : vector<1x16xf32> to vector<16xf32>
    %get3A_1424 = arith.constant 6 : i32
    %get3A_1425 = arith.index_cast %get3A_1424 : i32 to index
    %get3A_1426 = arith.constant 80 : index
    %get3A_1427 = tpu.vector_load %arg7[%get3A_1425, %get3A_1426] {strides = array<i32>} : memref<13x128xi32, #tpu.memory_space<vmem>>, vector<1x16xi32>,
    %get3A_1428 = vector.shape_cast %get3A_1427 : vector<1x16xi32> to vector<16xi32>
    %eq3A_1429 = arith.constant 0 : i32
    %eq3A_1430 = vector.broadcast %eq3A_1429 : i32 to vector<16xi32>
    %eq3A_1431 = arith.cmpi eq, %get3A_1428, %eq3A_1430 : vector<16xi32>
    %jit3A_1432 = arith.constant 0.000000e+00 : f32
    %broadcast_in_dim3A_1433 = vector.broadcast %jit3A_1432 : f32 to vector<16xf32>
    %select_n3A_1434 = arith.select %eq3A_1431, %broadcast_in_dim3A_1433, %get3A_1423 : vector<16xi1>, vector<16xf32>
    %swap3A_1435 = arith.constant 6 : i32
    %swap3A_1436 = arith.index_cast %swap3A_1435 : i32 to index
    %swap3A_1437 = arith.constant 80 : index
    %swap3A_1438 = tpu.vector_load %arg9[%swap3A_1436, %swap3A_1437] {strides = array<i32>} : memref<13x128xf32, #tpu.memory_space<vmem>>, vector<1x16xf32>,
    %swap3A_1439 = vector.shape_cast %swap3A_1438 : vector<1x16xf32> to vector<16xf32>
    %swap3A_1440 = vector.shape_cast %select_n3A_1434 : vector<16xf32> to vector<1x16xf32>
    tpu.vector_store %arg9[%swap3A_1436, %swap3A_1437], %swap3A_1440 {strides = array<i32>} : memref<13x128xf32, #tpu.memory_space<vmem>>, vector<1x16xf32>,
    %get3A_1441 = arith.constant 6 : i32
    %get3A_1442 = arith.index_cast %get3A_1441 : i32 to index
    %get3A_1443 = arith.constant 96 : index
    %get3A_1444 = tpu.vector_load %arg8[%get3A_1442, %get3A_1443] {strides = array<i32>} : memref<13x128xf32, #tpu.memory_space<vmem>>, vector<1x16xf32>,
    %get3A_1445 = vector.shape_cast %get3A_1444 : vector<1x16xf32> to vector<16xf32>
    %get3A_1446 = arith.constant 6 : i32
    %get3A_1447 = arith.index_cast %get3A_1446 : i32 to index
    %get3A_1448 = arith.constant 96 : index
    %get3A_1449 = tpu.vector_load %arg7[%get3A_1447, %get3A_1448] {strides = array<i32>} : memref<13x128xi32, #tpu.memory_space<vmem>>, vector<1x16xi32>,
    %get3A_1450 = vector.shape_cast %get3A_1449 : vector<1x16xi32> to vector<16xi32>
    %eq3A_1451 = arith.constant 0 : i32
    %eq3A_1452 = vector.broadcast %eq3A_1451 : i32 to vector<16xi32>
    %eq3A_1453 = arith.cmpi eq, %get3A_1450, %eq3A_1452 : vector<16xi32>
    %jit3A_1454 = arith.constant 0.000000e+00 : f32
    %broadcast_in_dim3A_1455 = vector.broadcast %jit3A_1454 : f32 to vector<16xf32>
    %select_n3A_1456 = arith.select %eq3A_1453, %broadcast_in_dim3A_1455, %get3A_1445 : vector<16xi1>, vector<16xf32>
    %swap3A_1457 = arith.constant 6 : i32
    %swap3A_1458 = arith.index_cast %swap3A_1457 : i32 to index
    %swap3A_1459 = arith.constant 96 : index
    %swap3A_1460 = tpu.vector_load %arg9[%swap3A_1458, %swap3A_1459] {strides = array<i32>} : memref<13x128xf32, #tpu.memory_space<vmem>>, vector<1x16xf32>,
    %swap3A_1461 = vector.shape_cast %swap3A_1460 : vector<1x16xf32> to vector<16xf32>
    %swap3A_1462 = vector.shape_cast %select_n3A_1456 : vector<16xf32> to vector<1x16xf32>
    tpu.vector_store %arg9[%swap3A_1458, %swap3A_1459], %swap3A_1462 {strides = array<i32>} : memref<13x128xf32, #tpu.memory_space<vmem>>, vector<1x16xf32>,
    %get3A_1463 = arith.constant 6 : i32
    %get3A_1464 = arith.index_cast %get3A_1463 : i32 to index
    %get3A_1465 = arith.constant 112 : index
    %get3A_1466 = tpu.vector_load %arg8[%get3A_1464, %get3A_1465] {strides = array<i32>} : memref<13x128xf32, #tpu.memory_space<vmem>>, vector<1x16xf32>,
    %get3A_1467 = vector.shape_cast %get3A_1466 : vector<1x16xf32> to vector<16xf32>
    %get3A_1468 = arith.constant 6 : i32
    %get3A_1469 = arith.index_cast %get3A_1468 : i32 to index
    %get3A_1470 = arith.constant 112 : index
    %get3A_1471 = tpu.vector_load %arg7[%get3A_1469, %get3A_1470] {strides = array<i32>} : memref<13x128xi32, #tpu.memory_space<vmem>>, vector<1x16xi32>,
    %get3A_1472 = vector.shape_cast %get3A_1471 : vector<1x16xi32> to vector<16xi32>
    %eq3A_1473 = arith.constant 0 : i32
    %eq3A_1474 = vector.broadcast %eq3A_1473 : i32 to vector<16xi32>
    %eq3A_1475 = arith.cmpi eq, %get3A_1472, %eq3A_1474 : vector<16xi32>
    %jit3A_1476 = arith.constant 0.000000e+00 : f32
    %broadcast_in_dim3A_1477 = vector.broadcast %jit3A_1476 : f32 to vector<16xf32>
    %select_n3A_1478 = arith.select %eq3A_1475, %broadcast_in_dim3A_1477, %get3A_1467 : vector<16xi1>, vector<16xf32>
    %swap3A_1479 = arith.constant 6 : i32
    %swap3A_1480 = arith.index_cast %swap3A_1479 : i32 to index
    %swap3A_1481 = arith.constant 112 : index
    %swap3A_1482 = tpu.vector_load %arg9[%swap3A_1480, %swap3A_1481] {strides = array<i32>} : memref<13x128xf32, #tpu.memory_space<vmem>>, vector<1x16xf32>,
    %swap3A_1483 = vector.shape_cast %swap3A_1482 : vector<1x16xf32> to vector<16xf32>
    %swap3A_1484 = vector.shape_cast %select_n3A_1478 : vector<16xf32> to vector<1x16xf32>
    tpu.vector_store %arg9[%swap3A_1480, %swap3A_1481], %swap3A_1484 {strides = array<i32>} : memref<13x128xf32, #tpu.memory_space<vmem>>, vector<1x16xf32>,
    %get3A_1485 = arith.constant 7 : i32
    %get3A_1486 = arith.index_cast %get3A_1485 : i32 to index
    %get3A_1487 = arith.constant 0 : index
    %get3A_1488 = tpu.vector_load %arg8[%get3A_1486, %get3A_1487] {strides = array<i32>} : memref<13x128xf32, #tpu.memory_space<vmem>>, vector<1x16xf32>,
    %get3A_1489 = vector.shape_cast %get3A_1488 : vector<1x16xf32> to vector<16xf32>
    %get3A_1490 = arith.constant 7 : i32
    %get3A_1491 = arith.index_cast %get3A_1490 : i32 to index
    %get3A_1492 = arith.constant 0 : index
    %get3A_1493 = tpu.vector_load %arg7[%get3A_1491, %get3A_1492] {strides = array<i32>} : memref<13x128xi32, #tpu.memory_space<vmem>>, vector<1x16xi32>,
    %get3A_1494 = vector.shape_cast %get3A_1493 : vector<1x16xi32> to vector<16xi32>
    %eq3A_1495 = arith.constant 0 : i32
    %eq3A_1496 = vector.broadcast %eq3A_1495 : i32 to vector<16xi32>
    %eq3A_1497 = arith.cmpi eq, %get3A_1494, %eq3A_1496 : vector<16xi32>
    %jit3A_1498 = arith.constant 0.000000e+00 : f32
    %broadcast_in_dim3A_1499 = vector.broadcast %jit3A_1498 : f32 to vector<16xf32>
    %select_n3A_1500 = arith.select %eq3A_1497, %broadcast_in_dim3A_1499, %get3A_1489 : vector<16xi1>, vector<16xf32>
    %swap3A_1501 = arith.constant 7 : i32
    %swap3A_1502 = arith.index_cast %swap3A_1501 : i32 to index
    %swap3A_1503 = arith.constant 0 : index
    %swap3A_1504 = tpu.vector_load %arg9[%swap3A_1502, %swap3A_1503] {strides = array<i32>} : memref<13x128xf32, #tpu.memory_space<vmem>>, vector<1x16xf32>,
    %swap3A_1505 = vector.shape_cast %swap3A_1504 : vector<1x16xf32> to vector<16xf32>
    %swap3A_1506 = vector.shape_cast %select_n3A_1500 : vector<16xf32> to vector<1x16xf32>
    tpu.vector_store %arg9[%swap3A_1502, %swap3A_1503], %swap3A_1506 {strides = array<i32>} : memref<13x128xf32, #tpu.memory_space<vmem>>, vector<1x16xf32>,
    %get3A_1507 = arith.constant 7 : i32
    %get3A_1508 = arith.index_cast %get3A_1507 : i32 to index
    %get3A_1509 = arith.constant 16 : index
    %get3A_1510 = tpu.vector_load %arg8[%get3A_1508, %get3A_1509] {strides = array<i32>} : memref<13x128xf32, #tpu.memory_space<vmem>>, vector<1x16xf32>,
    %get3A_1511 = vector.shape_cast %get3A_1510 : vector<1x16xf32> to vector<16xf32>
    %get3A_1512 = arith.constant 7 : i32
    %get3A_1513 = arith.index_cast %get3A_1512 : i32 to index
    %get3A_1514 = arith.constant 16 : index
    %get3A_1515 = tpu.vector_load %arg7[%get3A_1513, %get3A_1514] {strides = array<i32>} : memref<13x128xi32, #tpu.memory_space<vmem>>, vector<1x16xi32>,
    %get3A_1516 = vector.shape_cast %get3A_1515 : vector<1x16xi32> to vector<16xi32>
    %eq3A_1517 = arith.constant 0 : i32
    %eq3A_1518 = vector.broadcast %eq3A_1517 : i32 to vector<16xi32>
    %eq3A_1519 = arith.cmpi eq, %get3A_1516, %eq3A_1518 : vector<16xi32>
    %jit3A_1520 = arith.constant 0.000000e+00 : f32
    %broadcast_in_dim3A_1521 = vector.broadcast %jit3A_1520 : f32 to vector<16xf32>
    %select_n3A_1522 = arith.select %eq3A_1519, %broadcast_in_dim3A_1521, %get3A_1511 : vector<16xi1>, vector<16xf32>
    %swap3A_1523 = arith.constant 7 : i32
    %swap3A_1524 = arith.index_cast %swap3A_1523 : i32 to index
    %swap3A_1525 = arith.constant 16 : index
    %swap3A_1526 = tpu.vector_load %arg9[%swap3A_1524, %swap3A_1525] {strides = array<i32>} : memref<13x128xf32, #tpu.memory_space<vmem>>, vector<1x16xf32>,
    %swap3A_1527 = vector.shape_cast %swap3A_1526 : vector<1x16xf32> to vector<16xf32>
    %swap3A_1528 = vector.shape_cast %select_n3A_1522 : vector<16xf32> to vector<1x16xf32>
    tpu.vector_store %arg9[%swap3A_1524, %swap3A_1525], %swap3A_1528 {strides = array<i32>} : memref<13x128xf32, #tpu.memory_space<vmem>>, vector<1x16xf32>,
    %get3A_1529 = arith.constant 7 : i32
    %get3A_1530 = arith.index_cast %get3A_1529 : i32 to index
    %get3A_1531 = arith.constant 32 : index
    %get3A_1532 = tpu.vector_load %arg8[%get3A_1530, %get3A_1531] {strides = array<i32>} : memref<13x128xf32, #tpu.memory_space<vmem>>, vector<1x16xf32>,
    %get3A_1533 = vector.shape_cast %get3A_1532 : vector<1x16xf32> to vector<16xf32>
    %get3A_1534 = arith.constant 7 : i32
    %get3A_1535 = arith.index_cast %get3A_1534 : i32 to index
    %get3A_1536 = arith.constant 32 : index
    %get3A_1537 = tpu.vector_load %arg7[%get3A_1535, %get3A_1536] {strides = array<i32>} : memref<13x128xi32, #tpu.memory_space<vmem>>, vector<1x16xi32>,
    %get3A_1538 = vector.shape_cast %get3A_1537 : vector<1x16xi32> to vector<16xi32>
    %eq3A_1539 = arith.constant 0 : i32
    %eq3A_1540 = vector.broadcast %eq3A_1539 : i32 to vector<16xi32>
    %eq3A_1541 = arith.cmpi eq, %get3A_1538, %eq3A_1540 : vector<16xi32>
    %jit3A_1542 = arith.constant 0.000000e+00 : f32
    %broadcast_in_dim3A_1543 = vector.broadcast %jit3A_1542 : f32 to vector<16xf32>
    %select_n3A_1544 = arith.select %eq3A_1541, %broadcast_in_dim3A_1543, %get3A_1533 : vector<16xi1>, vector<16xf32>
    %swap3A_1545 = arith.constant 7 : i32
    %swap3A_1546 = arith.index_cast %swap3A_1545 : i32 to index
    %swap3A_1547 = arith.constant 32 : index
    %swap3A_1548 = tpu.vector_load %arg9[%swap3A_1546, %swap3A_1547] {strides = array<i32>} : memref<13x128xf32, #tpu.memory_space<vmem>>, vector<1x16xf32>,
    %swap3A_1549 = vector.shape_cast %swap3A_1548 : vector<1x16xf32> to vector<16xf32>
    %swap3A_1550 = vector.shape_cast %select_n3A_1544 : vector<16xf32> to vector<1x16xf32>
    tpu.vector_store %arg9[%swap3A_1546, %swap3A_1547], %swap3A_1550 {strides = array<i32>} : memref<13x128xf32, #tpu.memory_space<vmem>>, vector<1x16xf32>,
    %get3A_1551 = arith.constant 7 : i32
    %get3A_1552 = arith.index_cast %get3A_1551 : i32 to index
    %get3A_1553 = arith.constant 48 : index
    %get3A_1554 = tpu.vector_load %arg8[%get3A_1552, %get3A_1553] {strides = array<i32>} : memref<13x128xf32, #tpu.memory_space<vmem>>, vector<1x16xf32>,
    %get3A_1555 = vector.shape_cast %get3A_1554 : vector<1x16xf32> to vector<16xf32>
    %get3A_1556 = arith.constant 7 : i32
    %get3A_1557 = arith.index_cast %get3A_1556 : i32 to index
    %get3A_1558 = arith.constant 48 : index
    %get3A_1559 = tpu.vector_load %arg7[%get3A_1557, %get3A_1558] {strides = array<i32>} : memref<13x128xi32, #tpu.memory_space<vmem>>, vector<1x16xi32>,
    %get3A_1560 = vector.shape_cast %get3A_1559 : vector<1x16xi32> to vector<16xi32>
    %eq3A_1561 = arith.constant 0 : i32
    %eq3A_1562 = vector.broadcast %eq3A_1561 : i32 to vector<16xi32>
    %eq3A_1563 = arith.cmpi eq, %get3A_1560, %eq3A_1562 : vector<16xi32>
    %jit3A_1564 = arith.constant 0.000000e+00 : f32
    %broadcast_in_dim3A_1565 = vector.broadcast %jit3A_1564 : f32 to vector<16xf32>
    %select_n3A_1566 = arith.select %eq3A_1563, %broadcast_in_dim3A_1565, %get3A_1555 : vector<16xi1>, vector<16xf32>
    %swap3A_1567 = arith.constant 7 : i32
    %swap3A_1568 = arith.index_cast %swap3A_1567 : i32 to index
    %swap3A_1569 = arith.constant 48 : index
    %swap3A_1570 = tpu.vector_load %arg9[%swap3A_1568, %swap3A_1569] {strides = array<i32>} : memref<13x128xf32, #tpu.memory_space<vmem>>, vector<1x16xf32>,
    %swap3A_1571 = vector.shape_cast %swap3A_1570 : vector<1x16xf32> to vector<16xf32>
    %swap3A_1572 = vector.shape_cast %select_n3A_1566 : vector<16xf32> to vector<1x16xf32>
    tpu.vector_store %arg9[%swap3A_1568, %swap3A_1569], %swap3A_1572 {strides = array<i32>} : memref<13x128xf32, #tpu.memory_space<vmem>>, vector<1x16xf32>,
    %get3A_1573 = arith.constant 7 : i32
    %get3A_1574 = arith.index_cast %get3A_1573 : i32 to index
    %get3A_1575 = arith.constant 64 : index
    %get3A_1576 = tpu.vector_load %arg8[%get3A_1574, %get3A_1575] {strides = array<i32>} : memref<13x128xf32, #tpu.memory_space<vmem>>, vector<1x16xf32>,
    %get3A_1577 = vector.shape_cast %get3A_1576 : vector<1x16xf32> to vector<16xf32>
    %get3A_1578 = arith.constant 7 : i32
    %get3A_1579 = arith.index_cast %get3A_1578 : i32 to index
    %get3A_1580 = arith.constant 64 : index
    %get3A_1581 = tpu.vector_load %arg7[%get3A_1579, %get3A_1580] {strides = array<i32>} : memref<13x128xi32, #tpu.memory_space<vmem>>, vector<1x16xi32>,
    %get3A_1582 = vector.shape_cast %get3A_1581 : vector<1x16xi32> to vector<16xi32>
    %eq3A_1583 = arith.constant 0 : i32
    %eq3A_1584 = vector.broadcast %eq3A_1583 : i32 to vector<16xi32>
    %eq3A_1585 = arith.cmpi eq, %get3A_1582, %eq3A_1584 : vector<16xi32>
    %jit3A_1586 = arith.constant 0.000000e+00 : f32
    %broadcast_in_dim3A_1587 = vector.broadcast %jit3A_1586 : f32 to vector<16xf32>
    %select_n3A_1588 = arith.select %eq3A_1585, %broadcast_in_dim3A_1587, %get3A_1577 : vector<16xi1>, vector<16xf32>
    %swap3A_1589 = arith.constant 7 : i32
    %swap3A_1590 = arith.index_cast %swap3A_1589 : i32 to index
    %swap3A_1591 = arith.constant 64 : index
    %swap3A_1592 = tpu.vector_load %arg9[%swap3A_1590, %swap3A_1591] {strides = array<i32>} : memref<13x128xf32, #tpu.memory_space<vmem>>, vector<1x16xf32>,
    %swap3A_1593 = vector.shape_cast %swap3A_1592 : vector<1x16xf32> to vector<16xf32>
    %swap3A_1594 = vector.shape_cast %select_n3A_1588 : vector<16xf32> to vector<1x16xf32>
    tpu.vector_store %arg9[%swap3A_1590, %swap3A_1591], %swap3A_1594 {strides = array<i32>} : memref<13x128xf32, #tpu.memory_space<vmem>>, vector<1x16xf32>,
    %get3A_1595 = arith.constant 7 : i32
    %get3A_1596 = arith.index_cast %get3A_1595 : i32 to index
    %get3A_1597 = arith.constant 80 : index
    %get3A_1598 = tpu.vector_load %arg8[%get3A_1596, %get3A_1597] {strides = array<i32>} : memref<13x128xf32, #tpu.memory_space<vmem>>, vector<1x16xf32>,
    %get3A_1599 = vector.shape_cast %get3A_1598 : vector<1x16xf32> to vector<16xf32>
    %get3A_1600 = arith.constant 7 : i32
    %get3A_1601 = arith.index_cast %get3A_1600 : i32 to index
    %get3A_1602 = arith.constant 80 : index
    %get3A_1603 = tpu.vector_load %arg7[%get3A_1601, %get3A_1602] {strides = array<i32>} : memref<13x128xi32, #tpu.memory_space<vmem>>, vector<1x16xi32>,
    %get3A_1604 = vector.shape_cast %get3A_1603 : vector<1x16xi32> to vector<16xi32>
    %eq3A_1605 = arith.constant 0 : i32
    %eq3A_1606 = vector.broadcast %eq3A_1605 : i32 to vector<16xi32>
    %eq3A_1607 = arith.cmpi eq, %get3A_1604, %eq3A_1606 : vector<16xi32>
    %jit3A_1608 = arith.constant 0.000000e+00 : f32
    %broadcast_in_dim3A_1609 = vector.broadcast %jit3A_1608 : f32 to vector<16xf32>
    %select_n3A_1610 = arith.select %eq3A_1607, %broadcast_in_dim3A_1609, %get3A_1599 : vector<16xi1>, vector<16xf32>
    %swap3A_1611 = arith.constant 7 : i32
    %swap3A_1612 = arith.index_cast %swap3A_1611 : i32 to index
    %swap3A_1613 = arith.constant 80 : index
    %swap3A_1614 = tpu.vector_load %arg9[%swap3A_1612, %swap3A_1613] {strides = array<i32>} : memref<13x128xf32, #tpu.memory_space<vmem>>, vector<1x16xf32>,
    %swap3A_1615 = vector.shape_cast %swap3A_1614 : vector<1x16xf32> to vector<16xf32>
    %swap3A_1616 = vector.shape_cast %select_n3A_1610 : vector<16xf32> to vector<1x16xf32>
    tpu.vector_store %arg9[%swap3A_1612, %swap3A_1613], %swap3A_1616 {strides = array<i32>} : memref<13x128xf32, #tpu.memory_space<vmem>>, vector<1x16xf32>,
    %get3A_1617 = arith.constant 7 : i32
    %get3A_1618 = arith.index_cast %get3A_1617 : i32 to index
    %get3A_1619 = arith.constant 96 : index
    %get3A_1620 = tpu.vector_load %arg8[%get3A_1618, %get3A_1619] {strides = array<i32>} : memref<13x128xf32, #tpu.memory_space<vmem>>, vector<1x16xf32>,
    %get3A_1621 = vector.shape_cast %get3A_1620 : vector<1x16xf32> to vector<16xf32>
    %get3A_1622 = arith.constant 7 : i32
    %get3A_1623 = arith.index_cast %get3A_1622 : i32 to index
    %get3A_1624 = arith.constant 96 : index
    %get3A_1625 = tpu.vector_load %arg7[%get3A_1623, %get3A_1624] {strides = array<i32>} : memref<13x128xi32, #tpu.memory_space<vmem>>, vector<1x16xi32>,
    %get3A_1626 = vector.shape_cast %get3A_1625 : vector<1x16xi32> to vector<16xi32>
    %eq3A_1627 = arith.constant 0 : i32
    %eq3A_1628 = vector.broadcast %eq3A_1627 : i32 to vector<16xi32>
    %eq3A_1629 = arith.cmpi eq, %get3A_1626, %eq3A_1628 : vector<16xi32>
    %jit3A_1630 = arith.constant 0.000000e+00 : f32
    %broadcast_in_dim3A_1631 = vector.broadcast %jit3A_1630 : f32 to vector<16xf32>
    %select_n3A_1632 = arith.select %eq3A_1629, %broadcast_in_dim3A_1631, %get3A_1621 : vector<16xi1>, vector<16xf32>
    %swap3A_1633 = arith.constant 7 : i32
    %swap3A_1634 = arith.index_cast %swap3A_1633 : i32 to index
    %swap3A_1635 = arith.constant 96 : index
    %swap3A_1636 = tpu.vector_load %arg9[%swap3A_1634, %swap3A_1635] {strides = array<i32>} : memref<13x128xf32, #tpu.memory_space<vmem>>, vector<1x16xf32>,
    %swap3A_1637 = vector.shape_cast %swap3A_1636 : vector<1x16xf32> to vector<16xf32>
    %swap3A_1638 = vector.shape_cast %select_n3A_1632 : vector<16xf32> to vector<1x16xf32>
    tpu.vector_store %arg9[%swap3A_1634, %swap3A_1635], %swap3A_1638 {strides = array<i32>} : memref<13x128xf32, #tpu.memory_space<vmem>>, vector<1x16xf32>,
    %get3A_1639 = arith.constant 7 : i32
    %get3A_1640 = arith.index_cast %get3A_1639 : i32 to index
    %get3A_1641 = arith.constant 112 : index
    %get3A_1642 = tpu.vector_load %arg8[%get3A_1640, %get3A_1641] {strides = array<i32>} : memref<13x128xf32, #tpu.memory_space<vmem>>, vector<1x16xf32>,
    %get3A_1643 = vector.shape_cast %get3A_1642 : vector<1x16xf32> to vector<16xf32>
    %get3A_1644 = arith.constant 7 : i32
    %get3A_1645 = arith.index_cast %get3A_1644 : i32 to index
    %get3A_1646 = arith.constant 112 : index
    %get3A_1647 = tpu.vector_load %arg7[%get3A_1645, %get3A_1646] {strides = array<i32>} : memref<13x128xi32, #tpu.memory_space<vmem>>, vector<1x16xi32>,
    %get3A_1648 = vector.shape_cast %get3A_1647 : vector<1x16xi32> to vector<16xi32>
    %eq3A_1649 = arith.constant 0 : i32
    %eq3A_1650 = vector.broadcast %eq3A_1649 : i32 to vector<16xi32>
    %eq3A_1651 = arith.cmpi eq, %get3A_1648, %eq3A_1650 : vector<16xi32>
    %jit3A_1652 = arith.constant 0.000000e+00 : f32
    %broadcast_in_dim3A_1653 = vector.broadcast %jit3A_1652 : f32 to vector<16xf32>
    %select_n3A_1654 = arith.select %eq3A_1651, %broadcast_in_dim3A_1653, %get3A_1643 : vector<16xi1>, vector<16xf32>
    %swap3A_1655 = arith.constant 7 : i32
    %swap3A_1656 = arith.index_cast %swap3A_1655 : i32 to index
    %swap3A_1657 = arith.constant 112 : index
    %swap3A_1658 = tpu.vector_load %arg9[%swap3A_1656, %swap3A_1657] {strides = array<i32>} : memref<13x128xf32, #tpu.memory_space<vmem>>, vector<1x16xf32>,
    %swap3A_1659 = vector.shape_cast %swap3A_1658 : vector<1x16xf32> to vector<16xf32>
    %swap3A_1660 = vector.shape_cast %select_n3A_1654 : vector<16xf32> to vector<1x16xf32>
    tpu.vector_store %arg9[%swap3A_1656, %swap3A_1657], %swap3A_1660 {strides = array<i32>} : memref<13x128xf32, #tpu.memory_space<vmem>>, vector<1x16xf32>,
    %get3A_1661 = arith.constant 8 : i32
    %get3A_1662 = arith.index_cast %get3A_1661 : i32 to index
    %get3A_1663 = arith.constant 0 : index
    %get3A_1664 = tpu.vector_load %arg8[%get3A_1662, %get3A_1663] {strides = array<i32>} : memref<13x128xf32, #tpu.memory_space<vmem>>, vector<1x16xf32>,
    %get3A_1665 = vector.shape_cast %get3A_1664 : vector<1x16xf32> to vector<16xf32>
    %get3A_1666 = arith.constant 8 : i32
    %get3A_1667 = arith.index_cast %get3A_1666 : i32 to index
    %get3A_1668 = arith.constant 0 : index
    %get3A_1669 = tpu.vector_load %arg7[%get3A_1667, %get3A_1668] {strides = array<i32>} : memref<13x128xi32, #tpu.memory_space<vmem>>, vector<1x16xi32>,
    %get3A_1670 = vector.shape_cast %get3A_1669 : vector<1x16xi32> to vector<16xi32>
    %eq3A_1671 = arith.constant 0 : i32
    %eq3A_1672 = vector.broadcast %eq3A_1671 : i32 to vector<16xi32>
    %eq3A_1673 = arith.cmpi eq, %get3A_1670, %eq3A_1672 : vector<16xi32>
    %jit3A_1674 = arith.constant 0.000000e+00 : f32
    %broadcast_in_dim3A_1675 = vector.broadcast %jit3A_1674 : f32 to vector<16xf32>
    %select_n3A_1676 = arith.select %eq3A_1673, %broadcast_in_dim3A_1675, %get3A_1665 : vector<16xi1>, vector<16xf32>
    %swap3A_1677 = arith.constant 8 : i32
    %swap3A_1678 = arith.index_cast %swap3A_1677 : i32 to index
    %swap3A_1679 = arith.constant 0 : index
    %swap3A_1680 = tpu.vector_load %arg9[%swap3A_1678, %swap3A_1679] {strides = array<i32>} : memref<13x128xf32, #tpu.memory_space<vmem>>, vector<1x16xf32>,
    %swap3A_1681 = vector.shape_cast %swap3A_1680 : vector<1x16xf32> to vector<16xf32>
    %swap3A_1682 = vector.shape_cast %select_n3A_1676 : vector<16xf32> to vector<1x16xf32>
    tpu.vector_store %arg9[%swap3A_1678, %swap3A_1679], %swap3A_1682 {strides = array<i32>} : memref<13x128xf32, #tpu.memory_space<vmem>>, vector<1x16xf32>,
    %get3A_1683 = arith.constant 8 : i32
    %get3A_1684 = arith.index_cast %get3A_1683 : i32 to index
    %get3A_1685 = arith.constant 16 : index
    %get3A_1686 = tpu.vector_load %arg8[%get3A_1684, %get3A_1685] {strides = array<i32>} : memref<13x128xf32, #tpu.memory_space<vmem>>, vector<1x16xf32>,
    %get3A_1687 = vector.shape_cast %get3A_1686 : vector<1x16xf32> to vector<16xf32>
    %get3A_1688 = arith.constant 8 : i32
    %get3A_1689 = arith.index_cast %get3A_1688 : i32 to index
    %get3A_1690 = arith.constant 16 : index
    %get3A_1691 = tpu.vector_load %arg7[%get3A_1689, %get3A_1690] {strides = array<i32>} : memref<13x128xi32, #tpu.memory_space<vmem>>, vector<1x16xi32>,
    %get3A_1692 = vector.shape_cast %get3A_1691 : vector<1x16xi32> to vector<16xi32>
    %eq3A_1693 = arith.constant 0 : i32
    %eq3A_1694 = vector.broadcast %eq3A_1693 : i32 to vector<16xi32>
    %eq3A_1695 = arith.cmpi eq, %get3A_1692, %eq3A_1694 : vector<16xi32>
    %jit3A_1696 = arith.constant 0.000000e+00 : f32
    %broadcast_in_dim3A_1697 = vector.broadcast %jit3A_1696 : f32 to vector<16xf32>
    %select_n3A_1698 = arith.select %eq3A_1695, %broadcast_in_dim3A_1697, %get3A_1687 : vector<16xi1>, vector<16xf32>
    %swap3A_1699 = arith.constant 8 : i32
    %swap3A_1700 = arith.index_cast %swap3A_1699 : i32 to index
    %swap3A_1701 = arith.constant 16 : index
    %swap3A_1702 = tpu.vector_load %arg9[%swap3A_1700, %swap3A_1701] {strides = array<i32>} : memref<13x128xf32, #tpu.memory_space<vmem>>, vector<1x16xf32>,
    %swap3A_1703 = vector.shape_cast %swap3A_1702 : vector<1x16xf32> to vector<16xf32>
    %swap3A_1704 = vector.shape_cast %select_n3A_1698 : vector<16xf32> to vector<1x16xf32>
    tpu.vector_store %arg9[%swap3A_1700, %swap3A_1701], %swap3A_1704 {strides = array<i32>} : memref<13x128xf32, #tpu.memory_space<vmem>>, vector<1x16xf32>,
    %get3A_1705 = arith.constant 8 : i32
    %get3A_1706 = arith.index_cast %get3A_1705 : i32 to index
    %get3A_1707 = arith.constant 32 : index
    %get3A_1708 = tpu.vector_load %arg8[%get3A_1706, %get3A_1707] {strides = array<i32>} : memref<13x128xf32, #tpu.memory_space<vmem>>, vector<1x16xf32>,
    %get3A_1709 = vector.shape_cast %get3A_1708 : vector<1x16xf32> to vector<16xf32>
    %get3A_1710 = arith.constant 8 : i32
    %get3A_1711 = arith.index_cast %get3A_1710 : i32 to index
    %get3A_1712 = arith.constant 32 : index
    %get3A_1713 = tpu.vector_load %arg7[%get3A_1711, %get3A_1712] {strides = array<i32>} : memref<13x128xi32, #tpu.memory_space<vmem>>, vector<1x16xi32>,
    %get3A_1714 = vector.shape_cast %get3A_1713 : vector<1x16xi32> to vector<16xi32>
    %eq3A_1715 = arith.constant 0 : i32
    %eq3A_1716 = vector.broadcast %eq3A_1715 : i32 to vector<16xi32>
    %eq3A_1717 = arith.cmpi eq, %get3A_1714, %eq3A_1716 : vector<16xi32>
    %jit3A_1718 = arith.constant 0.000000e+00 : f32
    %broadcast_in_dim3A_1719 = vector.broadcast %jit3A_1718 : f32 to vector<16xf32>
    %select_n3A_1720 = arith.select %eq3A_1717, %broadcast_in_dim3A_1719, %get3A_1709 : vector<16xi1>, vector<16xf32>
    %swap3A_1721 = arith.constant 8 : i32
    %swap3A_1722 = arith.index_cast %swap3A_1721 : i32 to index
    %swap3A_1723 = arith.constant 32 : index
    %swap3A_1724 = tpu.vector_load %arg9[%swap3A_1722, %swap3A_1723] {strides = array<i32>} : memref<13x128xf32, #tpu.memory_space<vmem>>, vector<1x16xf32>,
    %swap3A_1725 = vector.shape_cast %swap3A_1724 : vector<1x16xf32> to vector<16xf32>
    %swap3A_1726 = vector.shape_cast %select_n3A_1720 : vector<16xf32> to vector<1x16xf32>
    tpu.vector_store %arg9[%swap3A_1722, %swap3A_1723], %swap3A_1726 {strides = array<i32>} : memref<13x128xf32, #tpu.memory_space<vmem>>, vector<1x16xf32>,
    %get3A_1727 = arith.constant 8 : i32
    %get3A_1728 = arith.index_cast %get3A_1727 : i32 to index
    %get3A_1729 = arith.constant 48 : index
    %get3A_1730 = tpu.vector_load %arg8[%get3A_1728, %get3A_1729] {strides = array<i32>} : memref<13x128xf32, #tpu.memory_space<vmem>>, vector<1x16xf32>,
    %get3A_1731 = vector.shape_cast %get3A_1730 : vector<1x16xf32> to vector<16xf32>
    %get3A_1732 = arith.constant 8 : i32
    %get3A_1733 = arith.index_cast %get3A_1732 : i32 to index
    %get3A_1734 = arith.constant 48 : index
    %get3A_1735 = tpu.vector_load %arg7[%get3A_1733, %get3A_1734] {strides = array<i32>} : memref<13x128xi32, #tpu.memory_space<vmem>>, vector<1x16xi32>,
    %get3A_1736 = vector.shape_cast %get3A_1735 : vector<1x16xi32> to vector<16xi32>
    %eq3A_1737 = arith.constant 0 : i32
    %eq3A_1738 = vector.broadcast %eq3A_1737 : i32 to vector<16xi32>
    %eq3A_1739 = arith.cmpi eq, %get3A_1736, %eq3A_1738 : vector<16xi32>
    %jit3A_1740 = arith.constant 0.000000e+00 : f32
    %broadcast_in_dim3A_1741 = vector.broadcast %jit3A_1740 : f32 to vector<16xf32>
    %select_n3A_1742 = arith.select %eq3A_1739, %broadcast_in_dim3A_1741, %get3A_1731 : vector<16xi1>, vector<16xf32>
    %swap3A_1743 = arith.constant 8 : i32
    %swap3A_1744 = arith.index_cast %swap3A_1743 : i32 to index
    %swap3A_1745 = arith.constant 48 : index
    %swap3A_1746 = tpu.vector_load %arg9[%swap3A_1744, %swap3A_1745] {strides = array<i32>} : memref<13x128xf32, #tpu.memory_space<vmem>>, vector<1x16xf32>,
    %swap3A_1747 = vector.shape_cast %swap3A_1746 : vector<1x16xf32> to vector<16xf32>
    %swap3A_1748 = vector.shape_cast %select_n3A_1742 : vector<16xf32> to vector<1x16xf32>
    tpu.vector_store %arg9[%swap3A_1744, %swap3A_1745], %swap3A_1748 {strides = array<i32>} : memref<13x128xf32, #tpu.memory_space<vmem>>, vector<1x16xf32>,
    %get3A_1749 = arith.constant 8 : i32
    %get3A_1750 = arith.index_cast %get3A_1749 : i32 to index
    %get3A_1751 = arith.constant 64 : index
    %get3A_1752 = tpu.vector_load %arg8[%get3A_1750, %get3A_1751] {strides = array<i32>} : memref<13x128xf32, #tpu.memory_space<vmem>>, vector<1x16xf32>,
    %get3A_1753 = vector.shape_cast %get3A_1752 : vector<1x16xf32> to vector<16xf32>
    %get3A_1754 = arith.constant 8 : i32
    %get3A_1755 = arith.index_cast %get3A_1754 : i32 to index
    %get3A_1756 = arith.constant 64 : index
    %get3A_1757 = tpu.vector_load %arg7[%get3A_1755, %get3A_1756] {strides = array<i32>} : memref<13x128xi32, #tpu.memory_space<vmem>>, vector<1x16xi32>,
    %get3A_1758 = vector.shape_cast %get3A_1757 : vector<1x16xi32> to vector<16xi32>
    %eq3A_1759 = arith.constant 0 : i32
    %eq3A_1760 = vector.broadcast %eq3A_1759 : i32 to vector<16xi32>
    %eq3A_1761 = arith.cmpi eq, %get3A_1758, %eq3A_1760 : vector<16xi32>
    %jit3A_1762 = arith.constant 0.000000e+00 : f32
    %broadcast_in_dim3A_1763 = vector.broadcast %jit3A_1762 : f32 to vector<16xf32>
    %select_n3A_1764 = arith.select %eq3A_1761, %broadcast_in_dim3A_1763, %get3A_1753 : vector<16xi1>, vector<16xf32>
    %swap3A_1765 = arith.constant 8 : i32
    %swap3A_1766 = arith.index_cast %swap3A_1765 : i32 to index
    %swap3A_1767 = arith.constant 64 : index
    %swap3A_1768 = tpu.vector_load %arg9[%swap3A_1766, %swap3A_1767] {strides = array<i32>} : memref<13x128xf32, #tpu.memory_space<vmem>>, vector<1x16xf32>,
    %swap3A_1769 = vector.shape_cast %swap3A_1768 : vector<1x16xf32> to vector<16xf32>
    %swap3A_1770 = vector.shape_cast %select_n3A_1764 : vector<16xf32> to vector<1x16xf32>
    tpu.vector_store %arg9[%swap3A_1766, %swap3A_1767], %swap3A_1770 {strides = array<i32>} : memref<13x128xf32, #tpu.memory_space<vmem>>, vector<1x16xf32>,
    %get3A_1771 = arith.constant 8 : i32
    %get3A_1772 = arith.index_cast %get3A_1771 : i32 to index
    %get3A_1773 = arith.constant 80 : index
    %get3A_1774 = tpu.vector_load %arg8[%get3A_1772, %get3A_1773] {strides = array<i32>} : memref<13x128xf32, #tpu.memory_space<vmem>>, vector<1x16xf32>,
    %get3A_1775 = vector.shape_cast %get3A_1774 : vector<1x16xf32> to vector<16xf32>
    %get3A_1776 = arith.constant 8 : i32
    %get3A_1777 = arith.index_cast %get3A_1776 : i32 to index
    %get3A_1778 = arith.constant 80 : index
    %get3A_1779 = tpu.vector_load %arg7[%get3A_1777, %get3A_1778] {strides = array<i32>} : memref<13x128xi32, #tpu.memory_space<vmem>>, vector<1x16xi32>,
    %get3A_1780 = vector.shape_cast %get3A_1779 : vector<1x16xi32> to vector<16xi32>
    %eq3A_1781 = arith.constant 0 : i32
    %eq3A_1782 = vector.broadcast %eq3A_1781 : i32 to vector<16xi32>
    %eq3A_1783 = arith.cmpi eq, %get3A_1780, %eq3A_1782 : vector<16xi32>
    %jit3A_1784 = arith.constant 0.000000e+00 : f32
    %broadcast_in_dim3A_1785 = vector.broadcast %jit3A_1784 : f32 to vector<16xf32>
    %select_n3A_1786 = arith.select %eq3A_1783, %broadcast_in_dim3A_1785, %get3A_1775 : vector<16xi1>, vector<16xf32>
    %swap3A_1787 = arith.constant 8 : i32
    %swap3A_1788 = arith.index_cast %swap3A_1787 : i32 to index
    %swap3A_1789 = arith.constant 80 : index
    %swap3A_1790 = tpu.vector_load %arg9[%swap3A_1788, %swap3A_1789] {strides = array<i32>} : memref<13x128xf32, #tpu.memory_space<vmem>>, vector<1x16xf32>,
    %swap3A_1791 = vector.shape_cast %swap3A_1790 : vector<1x16xf32> to vector<16xf32>
    %swap3A_1792 = vector.shape_cast %select_n3A_1786 : vector<16xf32> to vector<1x16xf32>
    tpu.vector_store %arg9[%swap3A_1788, %swap3A_1789], %swap3A_1792 {strides = array<i32>} : memref<13x128xf32, #tpu.memory_space<vmem>>, vector<1x16xf32>,
    %get3A_1793 = arith.constant 8 : i32
    %get3A_1794 = arith.index_cast %get3A_1793 : i32 to index
    %get3A_1795 = arith.constant 96 : index
    %get3A_1796 = tpu.vector_load %arg8[%get3A_1794, %get3A_1795] {strides = array<i32>} : memref<13x128xf32, #tpu.memory_space<vmem>>, vector<1x16xf32>,
    %get3A_1797 = vector.shape_cast %get3A_1796 : vector<1x16xf32> to vector<16xf32>
    %get3A_1798 = arith.constant 8 : i32
    %get3A_1799 = arith.index_cast %get3A_1798 : i32 to index
    %get3A_1800 = arith.constant 96 : index
    %get3A_1801 = tpu.vector_load %arg7[%get3A_1799, %get3A_1800] {strides = array<i32>} : memref<13x128xi32, #tpu.memory_space<vmem>>, vector<1x16xi32>,
    %get3A_1802 = vector.shape_cast %get3A_1801 : vector<1x16xi32> to vector<16xi32>
    %eq3A_1803 = arith.constant 0 : i32
    %eq3A_1804 = vector.broadcast %eq3A_1803 : i32 to vector<16xi32>
    %eq3A_1805 = arith.cmpi eq, %get3A_1802, %eq3A_1804 : vector<16xi32>
    %jit3A_1806 = arith.constant 0.000000e+00 : f32
    %broadcast_in_dim3A_1807 = vector.broadcast %jit3A_1806 : f32 to vector<16xf32>
    %select_n3A_1808 = arith.select %eq3A_1805, %broadcast_in_dim3A_1807, %get3A_1797 : vector<16xi1>, vector<16xf32>
    %swap3A_1809 = arith.constant 8 : i32
    %swap3A_1810 = arith.index_cast %swap3A_1809 : i32 to index
    %swap3A_1811 = arith.constant 96 : index
    %swap3A_1812 = tpu.vector_load %arg9[%swap3A_1810, %swap3A_1811] {strides = array<i32>} : memref<13x128xf32, #tpu.memory_space<vmem>>, vector<1x16xf32>,
    %swap3A_1813 = vector.shape_cast %swap3A_1812 : vector<1x16xf32> to vector<16xf32>
    %swap3A_1814 = vector.shape_cast %select_n3A_1808 : vector<16xf32> to vector<1x16xf32>
    tpu.vector_store %arg9[%swap3A_1810, %swap3A_1811], %swap3A_1814 {strides = array<i32>} : memref<13x128xf32, #tpu.memory_space<vmem>>, vector<1x16xf32>,
    %get3A_1815 = arith.constant 8 : i32
    %get3A_1816 = arith.index_cast %get3A_1815 : i32 to index
    %get3A_1817 = arith.constant 112 : index
    %get3A_1818 = tpu.vector_load %arg8[%get3A_1816, %get3A_1817] {strides = array<i32>} : memref<13x128xf32, #tpu.memory_space<vmem>>, vector<1x16xf32>,
    %get3A_1819 = vector.shape_cast %get3A_1818 : vector<1x16xf32> to vector<16xf32>
    %get3A_1820 = arith.constant 8 : i32
    %get3A_1821 = arith.index_cast %get3A_1820 : i32 to index
    %get3A_1822 = arith.constant 112 : index
    %get3A_1823 = tpu.vector_load %arg7[%get3A_1821, %get3A_1822] {strides = array<i32>} : memref<13x128xi32, #tpu.memory_space<vmem>>, vector<1x16xi32>,
    %get3A_1824 = vector.shape_cast %get3A_1823 : vector<1x16xi32> to vector<16xi32>
    %eq3A_1825 = arith.constant 0 : i32
    %eq3A_1826 = vector.broadcast %eq3A_1825 : i32 to vector<16xi32>
    %eq3A_1827 = arith.cmpi eq, %get3A_1824, %eq3A_1826 : vector<16xi32>
    %jit3A_1828 = arith.constant 0.000000e+00 : f32
    %broadcast_in_dim3A_1829 = vector.broadcast %jit3A_1828 : f32 to vector<16xf32>
    %select_n3A_1830 = arith.select %eq3A_1827, %broadcast_in_dim3A_1829, %get3A_1819 : vector<16xi1>, vector<16xf32>
    %swap3A_1831 = arith.constant 8 : i32
    %swap3A_1832 = arith.index_cast %swap3A_1831 : i32 to index
    %swap3A_1833 = arith.constant 112 : index
    %swap3A_1834 = tpu.vector_load %arg9[%swap3A_1832, %swap3A_1833] {strides = array<i32>} : memref<13x128xf32, #tpu.memory_space<vmem>>, vector<1x16xf32>,
    %swap3A_1835 = vector.shape_cast %swap3A_1834 : vector<1x16xf32> to vector<16xf32>
    %swap3A_1836 = vector.shape_cast %select_n3A_1830 : vector<16xf32> to vector<1x16xf32>
    tpu.vector_store %arg9[%swap3A_1832, %swap3A_1833], %swap3A_1836 {strides = array<i32>} : memref<13x128xf32, #tpu.memory_space<vmem>>, vector<1x16xf32>,
    %get3A_1837 = arith.constant 9 : i32
    %get3A_1838 = arith.index_cast %get3A_1837 : i32 to index
    %get3A_1839 = arith.constant 0 : index
    %get3A_1840 = tpu.vector_load %arg8[%get3A_1838, %get3A_1839] {strides = array<i32>} : memref<13x128xf32, #tpu.memory_space<vmem>>, vector<1x16xf32>,
    %get3A_1841 = vector.shape_cast %get3A_1840 : vector<1x16xf32> to vector<16xf32>
    %get3A_1842 = arith.constant 9 : i32
    %get3A_1843 = arith.index_cast %get3A_1842 : i32 to index
    %get3A_1844 = arith.constant 0 : index
    %get3A_1845 = tpu.vector_load %arg7[%get3A_1843, %get3A_1844] {strides = array<i32>} : memref<13x128xi32, #tpu.memory_space<vmem>>, vector<1x16xi32>,
    %get3A_1846 = vector.shape_cast %get3A_1845 : vector<1x16xi32> to vector<16xi32>
    %eq3A_1847 = arith.constant 0 : i32
    %eq3A_1848 = vector.broadcast %eq3A_1847 : i32 to vector<16xi32>
    %eq3A_1849 = arith.cmpi eq, %get3A_1846, %eq3A_1848 : vector<16xi32>
    %jit3A_1850 = arith.constant 0.000000e+00 : f32
    %broadcast_in_dim3A_1851 = vector.broadcast %jit3A_1850 : f32 to vector<16xf32>
    %select_n3A_1852 = arith.select %eq3A_1849, %broadcast_in_dim3A_1851, %get3A_1841 : vector<16xi1>, vector<16xf32>
    %swap3A_1853 = arith.constant 9 : i32
    %swap3A_1854 = arith.index_cast %swap3A_1853 : i32 to index
    %swap3A_1855 = arith.constant 0 : index
    %swap3A_1856 = tpu.vector_load %arg9[%swap3A_1854, %swap3A_1855] {strides = array<i32>} : memref<13x128xf32, #tpu.memory_space<vmem>>, vector<1x16xf32>,
    %swap3A_1857 = vector.shape_cast %swap3A_1856 : vector<1x16xf32> to vector<16xf32>
    %swap3A_1858 = vector.shape_cast %select_n3A_1852 : vector<16xf32> to vector<1x16xf32>
    tpu.vector_store %arg9[%swap3A_1854, %swap3A_1855], %swap3A_1858 {strides = array<i32>} : memref<13x128xf32, #tpu.memory_space<vmem>>, vector<1x16xf32>,
    %get3A_1859 = arith.constant 9 : i32
    %get3A_1860 = arith.index_cast %get3A_1859 : i32 to index
    %get3A_1861 = arith.constant 16 : index
    %get3A_1862 = tpu.vector_load %arg8[%get3A_1860, %get3A_1861] {strides = array<i32>} : memref<13x128xf32, #tpu.memory_space<vmem>>, vector<1x16xf32>,
    %get3A_1863 = vector.shape_cast %get3A_1862 : vector<1x16xf32> to vector<16xf32>
    %get3A_1864 = arith.constant 9 : i32
    %get3A_1865 = arith.index_cast %get3A_1864 : i32 to index
    %get3A_1866 = arith.constant 16 : index
    %get3A_1867 = tpu.vector_load %arg7[%get3A_1865, %get3A_1866] {strides = array<i32>} : memref<13x128xi32, #tpu.memory_space<vmem>>, vector<1x16xi32>,
    %get3A_1868 = vector.shape_cast %get3A_1867 : vector<1x16xi32> to vector<16xi32>
    %eq3A_1869 = arith.constant 0 : i32
    %eq3A_1870 = vector.broadcast %eq3A_1869 : i32 to vector<16xi32>
    %eq3A_1871 = arith.cmpi eq, %get3A_1868, %eq3A_1870 : vector<16xi32>
    %jit3A_1872 = arith.constant 0.000000e+00 : f32
    %broadcast_in_dim3A_1873 = vector.broadcast %jit3A_1872 : f32 to vector<16xf32>
    %select_n3A_1874 = arith.select %eq3A_1871, %broadcast_in_dim3A_1873, %get3A_1863 : vector<16xi1>, vector<16xf32>
    %swap3A_1875 = arith.constant 9 : i32
    %swap3A_1876 = arith.index_cast %swap3A_1875 : i32 to index
    %swap3A_1877 = arith.constant 16 : index
    %swap3A_1878 = tpu.vector_load %arg9[%swap3A_1876, %swap3A_1877] {strides = array<i32>} : memref<13x128xf32, #tpu.memory_space<vmem>>, vector<1x16xf32>,
    %swap3A_1879 = vector.shape_cast %swap3A_1878 : vector<1x16xf32> to vector<16xf32>
    %swap3A_1880 = vector.shape_cast %select_n3A_1874 : vector<16xf32> to vector<1x16xf32>
    tpu.vector_store %arg9[%swap3A_1876, %swap3A_1877], %swap3A_1880 {strides = array<i32>} : memref<13x128xf32, #tpu.memory_space<vmem>>, vector<1x16xf32>,
    %get3A_1881 = arith.constant 9 : i32
    %get3A_1882 = arith.index_cast %get3A_1881 : i32 to index
    %get3A_1883 = arith.constant 32 : index
    %get3A_1884 = tpu.vector_load %arg8[%get3A_1882, %get3A_1883] {strides = array<i32>} : memref<13x128xf32, #tpu.memory_space<vmem>>, vector<1x16xf32>,
    %get3A_1885 = vector.shape_cast %get3A_1884 : vector<1x16xf32> to vector<16xf32>
    %get3A_1886 = arith.constant 9 : i32
    %get3A_1887 = arith.index_cast %get3A_1886 : i32 to index
    %get3A_1888 = arith.constant 32 : index
    %get3A_1889 = tpu.vector_load %arg7[%get3A_1887, %get3A_1888] {strides = array<i32>} : memref<13x128xi32, #tpu.memory_space<vmem>>, vector<1x16xi32>,
    %get3A_1890 = vector.shape_cast %get3A_1889 : vector<1x16xi32> to vector<16xi32>
    %eq3A_1891 = arith.constant 0 : i32
    %eq3A_1892 = vector.broadcast %eq3A_1891 : i32 to vector<16xi32>
    %eq3A_1893 = arith.cmpi eq, %get3A_1890, %eq3A_1892 : vector<16xi32>
    %jit3A_1894 = arith.constant 0.000000e+00 : f32
    %broadcast_in_dim3A_1895 = vector.broadcast %jit3A_1894 : f32 to vector<16xf32>
    %select_n3A_1896 = arith.select %eq3A_1893, %broadcast_in_dim3A_1895, %get3A_1885 : vector<16xi1>, vector<16xf32>
    %swap3A_1897 = arith.constant 9 : i32
    %swap3A_1898 = arith.index_cast %swap3A_1897 : i32 to index
    %swap3A_1899 = arith.constant 32 : index
    %swap3A_1900 = tpu.vector_load %arg9[%swap3A_1898, %swap3A_1899] {strides = array<i32>} : memref<13x128xf32, #tpu.memory_space<vmem>>, vector<1x16xf32>,
    %swap3A_1901 = vector.shape_cast %swap3A_1900 : vector<1x16xf32> to vector<16xf32>
    %swap3A_1902 = vector.shape_cast %select_n3A_1896 : vector<16xf32> to vector<1x16xf32>
    tpu.vector_store %arg9[%swap3A_1898, %swap3A_1899], %swap3A_1902 {strides = array<i32>} : memref<13x128xf32, #tpu.memory_space<vmem>>, vector<1x16xf32>,
    %get3A_1903 = arith.constant 9 : i32
    %get3A_1904 = arith.index_cast %get3A_1903 : i32 to index
    %get3A_1905 = arith.constant 48 : index
    %get3A_1906 = tpu.vector_load %arg8[%get3A_1904, %get3A_1905] {strides = array<i32>} : memref<13x128xf32, #tpu.memory_space<vmem>>, vector<1x16xf32>,
    %get3A_1907 = vector.shape_cast %get3A_1906 : vector<1x16xf32> to vector<16xf32>
    %get3A_1908 = arith.constant 9 : i32
    %get3A_1909 = arith.index_cast %get3A_1908 : i32 to index
    %get3A_1910 = arith.constant 48 : index
    %get3A_1911 = tpu.vector_load %arg7[%get3A_1909, %get3A_1910] {strides = array<i32>} : memref<13x128xi32, #tpu.memory_space<vmem>>, vector<1x16xi32>,
    %get3A_1912 = vector.shape_cast %get3A_1911 : vector<1x16xi32> to vector<16xi32>
    %eq3A_1913 = arith.constant 0 : i32
    %eq3A_1914 = vector.broadcast %eq3A_1913 : i32 to vector<16xi32>
    %eq3A_1915 = arith.cmpi eq, %get3A_1912, %eq3A_1914 : vector<16xi32>
    %jit3A_1916 = arith.constant 0.000000e+00 : f32
    %broadcast_in_dim3A_1917 = vector.broadcast %jit3A_1916 : f32 to vector<16xf32>
    %select_n3A_1918 = arith.select %eq3A_1915, %broadcast_in_dim3A_1917, %get3A_1907 : vector<16xi1>, vector<16xf32>
    %swap3A_1919 = arith.constant 9 : i32
    %swap3A_1920 = arith.index_cast %swap3A_1919 : i32 to index
    %swap3A_1921 = arith.constant 48 : index
    %swap3A_1922 = tpu.vector_load %arg9[%swap3A_1920, %swap3A_1921] {strides = array<i32>} : memref<13x128xf32, #tpu.memory_space<vmem>>, vector<1x16xf32>,
    %swap3A_1923 = vector.shape_cast %swap3A_1922 : vector<1x16xf32> to vector<16xf32>
    %swap3A_1924 = vector.shape_cast %select_n3A_1918 : vector<16xf32> to vector<1x16xf32>
    tpu.vector_store %arg9[%swap3A_1920, %swap3A_1921], %swap3A_1924 {strides = array<i32>} : memref<13x128xf32, #tpu.memory_space<vmem>>, vector<1x16xf32>,
    %get3A_1925 = arith.constant 9 : i32
    %get3A_1926 = arith.index_cast %get3A_1925 : i32 to index
    %get3A_1927 = arith.constant 64 : index
    %get3A_1928 = tpu.vector_load %arg8[%get3A_1926, %get3A_1927] {strides = array<i32>} : memref<13x128xf32, #tpu.memory_space<vmem>>, vector<1x16xf32>,
    %get3A_1929 = vector.shape_cast %get3A_1928 : vector<1x16xf32> to vector<16xf32>
    %get3A_1930 = arith.constant 9 : i32
    %get3A_1931 = arith.index_cast %get3A_1930 : i32 to index
    %get3A_1932 = arith.constant 64 : index
    %get3A_1933 = tpu.vector_load %arg7[%get3A_1931, %get3A_1932] {strides = array<i32>} : memref<13x128xi32, #tpu.memory_space<vmem>>, vector<1x16xi32>,
    %get3A_1934 = vector.shape_cast %get3A_1933 : vector<1x16xi32> to vector<16xi32>
    %eq3A_1935 = arith.constant 0 : i32
    %eq3A_1936 = vector.broadcast %eq3A_1935 : i32 to vector<16xi32>
    %eq3A_1937 = arith.cmpi eq, %get3A_1934, %eq3A_1936 : vector<16xi32>
    %jit3A_1938 = arith.constant 0.000000e+00 : f32
    %broadcast_in_dim3A_1939 = vector.broadcast %jit3A_1938 : f32 to vector<16xf32>
    %select_n3A_1940 = arith.select %eq3A_1937, %broadcast_in_dim3A_1939, %get3A_1929 : vector<16xi1>, vector<16xf32>
    %swap3A_1941 = arith.constant 9 : i32
    %swap3A_1942 = arith.index_cast %swap3A_1941 : i32 to index
    %swap3A_1943 = arith.constant 64 : index
    %swap3A_1944 = tpu.vector_load %arg9[%swap3A_1942, %swap3A_1943] {strides = array<i32>} : memref<13x128xf32, #tpu.memory_space<vmem>>, vector<1x16xf32>,
    %swap3A_1945 = vector.shape_cast %swap3A_1944 : vector<1x16xf32> to vector<16xf32>
    %swap3A_1946 = vector.shape_cast %select_n3A_1940 : vector<16xf32> to vector<1x16xf32>
    tpu.vector_store %arg9[%swap3A_1942, %swap3A_1943], %swap3A_1946 {strides = array<i32>} : memref<13x128xf32, #tpu.memory_space<vmem>>, vector<1x16xf32>,
    %get3A_1947 = arith.constant 9 : i32
    %get3A_1948 = arith.index_cast %get3A_1947 : i32 to index
    %get3A_1949 = arith.constant 80 : index
    %get3A_1950 = tpu.vector_load %arg8[%get3A_1948, %get3A_1949] {strides = array<i32>} : memref<13x128xf32, #tpu.memory_space<vmem>>, vector<1x16xf32>,
    %get3A_1951 = vector.shape_cast %get3A_1950 : vector<1x16xf32> to vector<16xf32>
    %get3A_1952 = arith.constant 9 : i32
    %get3A_1953 = arith.index_cast %get3A_1952 : i32 to index
    %get3A_1954 = arith.constant 80 : index
    %get3A_1955 = tpu.vector_load %arg7[%get3A_1953, %get3A_1954] {strides = array<i32>} : memref<13x128xi32, #tpu.memory_space<vmem>>, vector<1x16xi32>,
    %get3A_1956 = vector.shape_cast %get3A_1955 : vector<1x16xi32> to vector<16xi32>
    %eq3A_1957 = arith.constant 0 : i32
    %eq3A_1958 = vector.broadcast %eq3A_1957 : i32 to vector<16xi32>
    %eq3A_1959 = arith.cmpi eq, %get3A_1956, %eq3A_1958 : vector<16xi32>
    %jit3A_1960 = arith.constant 0.000000e+00 : f32
    %broadcast_in_dim3A_1961 = vector.broadcast %jit3A_1960 : f32 to vector<16xf32>
    %select_n3A_1962 = arith.select %eq3A_1959, %broadcast_in_dim3A_1961, %get3A_1951 : vector<16xi1>, vector<16xf32>
    %swap3A_1963 = arith.constant 9 : i32
    %swap3A_1964 = arith.index_cast %swap3A_1963 : i32 to index
    %swap3A_1965 = arith.constant 80 : index
    %swap3A_1966 = tpu.vector_load %arg9[%swap3A_1964, %swap3A_1965] {strides = array<i32>} : memref<13x128xf32, #tpu.memory_space<vmem>>, vector<1x16xf32>,
    %swap3A_1967 = vector.shape_cast %swap3A_1966 : vector<1x16xf32> to vector<16xf32>
    %swap3A_1968 = vector.shape_cast %select_n3A_1962 : vector<16xf32> to vector<1x16xf32>
    tpu.vector_store %arg9[%swap3A_1964, %swap3A_1965], %swap3A_1968 {strides = array<i32>} : memref<13x128xf32, #tpu.memory_space<vmem>>, vector<1x16xf32>,
    %get3A_1969 = arith.constant 9 : i32
    %get3A_1970 = arith.index_cast %get3A_1969 : i32 to index
    %get3A_1971 = arith.constant 96 : index
    %get3A_1972 = tpu.vector_load %arg8[%get3A_1970, %get3A_1971] {strides = array<i32>} : memref<13x128xf32, #tpu.memory_space<vmem>>, vector<1x16xf32>,
    %get3A_1973 = vector.shape_cast %get3A_1972 : vector<1x16xf32> to vector<16xf32>
    %get3A_1974 = arith.constant 9 : i32
    %get3A_1975 = arith.index_cast %get3A_1974 : i32 to index
    %get3A_1976 = arith.constant 96 : index
    %get3A_1977 = tpu.vector_load %arg7[%get3A_1975, %get3A_1976] {strides = array<i32>} : memref<13x128xi32, #tpu.memory_space<vmem>>, vector<1x16xi32>,
    %get3A_1978 = vector.shape_cast %get3A_1977 : vector<1x16xi32> to vector<16xi32>
    %eq3A_1979 = arith.constant 0 : i32
    %eq3A_1980 = vector.broadcast %eq3A_1979 : i32 to vector<16xi32>
    %eq3A_1981 = arith.cmpi eq, %get3A_1978, %eq3A_1980 : vector<16xi32>
    %jit3A_1982 = arith.constant 0.000000e+00 : f32
    %broadcast_in_dim3A_1983 = vector.broadcast %jit3A_1982 : f32 to vector<16xf32>
    %select_n3A_1984 = arith.select %eq3A_1981, %broadcast_in_dim3A_1983, %get3A_1973 : vector<16xi1>, vector<16xf32>
    %swap3A_1985 = arith.constant 9 : i32
    %swap3A_1986 = arith.index_cast %swap3A_1985 : i32 to index
    %swap3A_1987 = arith.constant 96 : index
    %swap3A_1988 = tpu.vector_load %arg9[%swap3A_1986, %swap3A_1987] {strides = array<i32>} : memref<13x128xf32, #tpu.memory_space<vmem>>, vector<1x16xf32>,
    %swap3A_1989 = vector.shape_cast %swap3A_1988 : vector<1x16xf32> to vector<16xf32>
    %swap3A_1990 = vector.shape_cast %select_n3A_1984 : vector<16xf32> to vector<1x16xf32>
    tpu.vector_store %arg9[%swap3A_1986, %swap3A_1987], %swap3A_1990 {strides = array<i32>} : memref<13x128xf32, #tpu.memory_space<vmem>>, vector<1x16xf32>,
    %get3A_1991 = arith.constant 9 : i32
    %get3A_1992 = arith.index_cast %get3A_1991 : i32 to index
    %get3A_1993 = arith.constant 112 : index
    %get3A_1994 = tpu.vector_load %arg8[%get3A_1992, %get3A_1993] {strides = array<i32>} : memref<13x128xf32, #tpu.memory_space<vmem>>, vector<1x16xf32>,
    %get3A_1995 = vector.shape_cast %get3A_1994 : vector<1x16xf32> to vector<16xf32>
    %get3A_1996 = arith.constant 9 : i32
    %get3A_1997 = arith.index_cast %get3A_1996 : i32 to index
    %get3A_1998 = arith.constant 112 : index
    %get3A_1999 = tpu.vector_load %arg7[%get3A_1997, %get3A_1998] {strides = array<i32>} : memref<13x128xi32, #tpu.memory_space<vmem>>, vector<1x16xi32>,
    %get3A_2000 = vector.shape_cast %get3A_1999 : vector<1x16xi32> to vector<16xi32>
    %eq3A_2001 = arith.constant 0 : i32
    %eq3A_2002 = vector.broadcast %eq3A_2001 : i32 to vector<16xi32>
    %eq3A_2003 = arith.cmpi eq, %get3A_2000, %eq3A_2002 : vector<16xi32>
    %jit3A_2004 = arith.constant 0.000000e+00 : f32
    %broadcast_in_dim3A_2005 = vector.broadcast %jit3A_2004 : f32 to vector<16xf32>
    %select_n3A_2006 = arith.select %eq3A_2003, %broadcast_in_dim3A_2005, %get3A_1995 : vector<16xi1>, vector<16xf32>
    %swap3A_2007 = arith.constant 9 : i32
    %swap3A_2008 = arith.index_cast %swap3A_2007 : i32 to index
    %swap3A_2009 = arith.constant 112 : index
    %swap3A_2010 = tpu.vector_load %arg9[%swap3A_2008, %swap3A_2009] {strides = array<i32>} : memref<13x128xf32, #tpu.memory_space<vmem>>, vector<1x16xf32>,
    %swap3A_2011 = vector.shape_cast %swap3A_2010 : vector<1x16xf32> to vector<16xf32>
    %swap3A_2012 = vector.shape_cast %select_n3A_2006 : vector<16xf32> to vector<1x16xf32>
    tpu.vector_store %arg9[%swap3A_2008, %swap3A_2009], %swap3A_2012 {strides = array<i32>} : memref<13x128xf32, #tpu.memory_space<vmem>>, vector<1x16xf32>,
    %get3A_2013 = arith.constant 10 : i32
    %get3A_2014 = arith.index_cast %get3A_2013 : i32 to index
    %get3A_2015 = arith.constant 0 : index
    %get3A_2016 = tpu.vector_load %arg8[%get3A_2014, %get3A_2015] {strides = array<i32>} : memref<13x128xf32, #tpu.memory_space<vmem>>, vector<1x16xf32>,
    %get3A_2017 = vector.shape_cast %get3A_2016 : vector<1x16xf32> to vector<16xf32>
    %get3A_2018 = arith.constant 10 : i32
    %get3A_2019 = arith.index_cast %get3A_2018 : i32 to index
    %get3A_2020 = arith.constant 0 : index
    %get3A_2021 = tpu.vector_load %arg7[%get3A_2019, %get3A_2020] {strides = array<i32>} : memref<13x128xi32, #tpu.memory_space<vmem>>, vector<1x16xi32>,
    %get3A_2022 = vector.shape_cast %get3A_2021 : vector<1x16xi32> to vector<16xi32>
    %eq3A_2023 = arith.constant 0 : i32
    %eq3A_2024 = vector.broadcast %eq3A_2023 : i32 to vector<16xi32>
    %eq3A_2025 = arith.cmpi eq, %get3A_2022, %eq3A_2024 : vector<16xi32>
    %jit3A_2026 = arith.constant 0.000000e+00 : f32
    %broadcast_in_dim3A_2027 = vector.broadcast %jit3A_2026 : f32 to vector<16xf32>
    %select_n3A_2028 = arith.select %eq3A_2025, %broadcast_in_dim3A_2027, %get3A_2017 : vector<16xi1>, vector<16xf32>
    %swap3A_2029 = arith.constant 10 : i32
    %swap3A_2030 = arith.index_cast %swap3A_2029 : i32 to index
    %swap3A_2031 = arith.constant 0 : index
    %swap3A_2032 = tpu.vector_load %arg9[%swap3A_2030, %swap3A_2031] {strides = array<i32>} : memref<13x128xf32, #tpu.memory_space<vmem>>, vector<1x16xf32>,
    %swap3A_2033 = vector.shape_cast %swap3A_2032 : vector<1x16xf32> to vector<16xf32>
    %swap3A_2034 = vector.shape_cast %select_n3A_2028 : vector<16xf32> to vector<1x16xf32>
    tpu.vector_store %arg9[%swap3A_2030, %swap3A_2031], %swap3A_2034 {strides = array<i32>} : memref<13x128xf32, #tpu.memory_space<vmem>>, vector<1x16xf32>,
    %get3A_2035 = arith.constant 10 : i32
    %get3A_2036 = arith.index_cast %get3A_2035 : i32 to index
    %get3A_2037 = arith.constant 16 : index
    %get3A_2038 = tpu.vector_load %arg8[%get3A_2036, %get3A_2037] {strides = array<i32>} : memref<13x128xf32, #tpu.memory_space<vmem>>, vector<1x16xf32>,
    %get3A_2039 = vector.shape_cast %get3A_2038 : vector<1x16xf32> to vector<16xf32>
    %get3A_2040 = arith.constant 10 : i32
    %get3A_2041 = arith.index_cast %get3A_2040 : i32 to index
    %get3A_2042 = arith.constant 16 : index
    %get3A_2043 = tpu.vector_load %arg7[%get3A_2041, %get3A_2042] {strides = array<i32>} : memref<13x128xi32, #tpu.memory_space<vmem>>, vector<1x16xi32>,
    %get3A_2044 = vector.shape_cast %get3A_2043 : vector<1x16xi32> to vector<16xi32>
    %eq3A_2045 = arith.constant 0 : i32
    %eq3A_2046 = vector.broadcast %eq3A_2045 : i32 to vector<16xi32>
    %eq3A_2047 = arith.cmpi eq, %get3A_2044, %eq3A_2046 : vector<16xi32>
    %jit3A_2048 = arith.constant 0.000000e+00 : f32
    %broadcast_in_dim3A_2049 = vector.broadcast %jit3A_2048 : f32 to vector<16xf32>
    %select_n3A_2050 = arith.select %eq3A_2047, %broadcast_in_dim3A_2049, %get3A_2039 : vector<16xi1>, vector<16xf32>
    %swap3A_2051 = arith.constant 10 : i32
    %swap3A_2052 = arith.index_cast %swap3A_2051 : i32 to index
    %swap3A_2053 = arith.constant 16 : index
    %swap3A_2054 = tpu.vector_load %arg9[%swap3A_2052, %swap3A_2053] {strides = array<i32>} : memref<13x128xf32, #tpu.memory_space<vmem>>, vector<1x16xf32>,
    %swap3A_2055 = vector.shape_cast %swap3A_2054 : vector<1x16xf32> to vector<16xf32>
    %swap3A_2056 = vector.shape_cast %select_n3A_2050 : vector<16xf32> to vector<1x16xf32>
    tpu.vector_store %arg9[%swap3A_2052, %swap3A_2053], %swap3A_2056 {strides = array<i32>} : memref<13x128xf32, #tpu.memory_space<vmem>>, vector<1x16xf32>,
    %get3A_2057 = arith.constant 10 : i32
    %get3A_2058 = arith.index_cast %get3A_2057 : i32 to index
    %get3A_2059 = arith.constant 32 : index
    %get3A_2060 = tpu.vector_load %arg8[%get3A_2058, %get3A_2059] {strides = array<i32>} : memref<13x128xf32, #tpu.memory_space<vmem>>, vector<1x16xf32>,
    %get3A_2061 = vector.shape_cast %get3A_2060 : vector<1x16xf32> to vector<16xf32>
    %get3A_2062 = arith.constant 10 : i32
    %get3A_2063 = arith.index_cast %get3A_2062 : i32 to index
    %get3A_2064 = arith.constant 32 : index
    %get3A_2065 = tpu.vector_load %arg7[%get3A_2063, %get3A_2064] {strides = array<i32>} : memref<13x128xi32, #tpu.memory_space<vmem>>, vector<1x16xi32>,
    %get3A_2066 = vector.shape_cast %get3A_2065 : vector<1x16xi32> to vector<16xi32>
    %eq3A_2067 = arith.constant 0 : i32
    %eq3A_2068 = vector.broadcast %eq3A_2067 : i32 to vector<16xi32>
    %eq3A_2069 = arith.cmpi eq, %get3A_2066, %eq3A_2068 : vector<16xi32>
    %jit3A_2070 = arith.constant 0.000000e+00 : f32
    %broadcast_in_dim3A_2071 = vector.broadcast %jit3A_2070 : f32 to vector<16xf32>
    %select_n3A_2072 = arith.select %eq3A_2069, %broadcast_in_dim3A_2071, %get3A_2061 : vector<16xi1>, vector<16xf32>
    %swap3A_2073 = arith.constant 10 : i32
    %swap3A_2074 = arith.index_cast %swap3A_2073 : i32 to index
    %swap3A_2075 = arith.constant 32 : index
    %swap3A_2076 = tpu.vector_load %arg9[%swap3A_2074, %swap3A_2075] {strides = array<i32>} : memref<13x128xf32, #tpu.memory_space<vmem>>, vector<1x16xf32>,
    %swap3A_2077 = vector.shape_cast %swap3A_2076 : vector<1x16xf32> to vector<16xf32>
    %swap3A_2078 = vector.shape_cast %select_n3A_2072 : vector<16xf32> to vector<1x16xf32>
    tpu.vector_store %arg9[%swap3A_2074, %swap3A_2075], %swap3A_2078 {strides = array<i32>} : memref<13x128xf32, #tpu.memory_space<vmem>>, vector<1x16xf32>,
    %get3A_2079 = arith.constant 10 : i32
    %get3A_2080 = arith.index_cast %get3A_2079 : i32 to index
    %get3A_2081 = arith.constant 48 : index
    %get3A_2082 = tpu.vector_load %arg8[%get3A_2080, %get3A_2081] {strides = array<i32>} : memref<13x128xf32, #tpu.memory_space<vmem>>, vector<1x16xf32>,
    %get3A_2083 = vector.shape_cast %get3A_2082 : vector<1x16xf32> to vector<16xf32>
    %get3A_2084 = arith.constant 10 : i32
    %get3A_2085 = arith.index_cast %get3A_2084 : i32 to index
    %get3A_2086 = arith.constant 48 : index
    %get3A_2087 = tpu.vector_load %arg7[%get3A_2085, %get3A_2086] {strides = array<i32>} : memref<13x128xi32, #tpu.memory_space<vmem>>, vector<1x16xi32>,
    %get3A_2088 = vector.shape_cast %get3A_2087 : vector<1x16xi32> to vector<16xi32>
    %eq3A_2089 = arith.constant 0 : i32
    %eq3A_2090 = vector.broadcast %eq3A_2089 : i32 to vector<16xi32>
    %eq3A_2091 = arith.cmpi eq, %get3A_2088, %eq3A_2090 : vector<16xi32>
    %jit3A_2092 = arith.constant 0.000000e+00 : f32
    %broadcast_in_dim3A_2093 = vector.broadcast %jit3A_2092 : f32 to vector<16xf32>
    %select_n3A_2094 = arith.select %eq3A_2091, %broadcast_in_dim3A_2093, %get3A_2083 : vector<16xi1>, vector<16xf32>
    %swap3A_2095 = arith.constant 10 : i32
    %swap3A_2096 = arith.index_cast %swap3A_2095 : i32 to index
    %swap3A_2097 = arith.constant 48 : index
    %swap3A_2098 = tpu.vector_load %arg9[%swap3A_2096, %swap3A_2097] {strides = array<i32>} : memref<13x128xf32, #tpu.memory_space<vmem>>, vector<1x16xf32>,
    %swap3A_2099 = vector.shape_cast %swap3A_2098 : vector<1x16xf32> to vector<16xf32>
    %swap3A_2100 = vector.shape_cast %select_n3A_2094 : vector<16xf32> to vector<1x16xf32>
    tpu.vector_store %arg9[%swap3A_2096, %swap3A_2097], %swap3A_2100 {strides = array<i32>} : memref<13x128xf32, #tpu.memory_space<vmem>>, vector<1x16xf32>,
    %get3A_2101 = arith.constant 10 : i32
    %get3A_2102 = arith.index_cast %get3A_2101 : i32 to index
    %get3A_2103 = arith.constant 64 : index
    %get3A_2104 = tpu.vector_load %arg8[%get3A_2102, %get3A_2103] {strides = array<i32>} : memref<13x128xf32, #tpu.memory_space<vmem>>, vector<1x16xf32>,
    %get3A_2105 = vector.shape_cast %get3A_2104 : vector<1x16xf32> to vector<16xf32>
    %get3A_2106 = arith.constant 10 : i32
    %get3A_2107 = arith.index_cast %get3A_2106 : i32 to index
    %get3A_2108 = arith.constant 64 : index
    %get3A_2109 = tpu.vector_load %arg7[%get3A_2107, %get3A_2108] {strides = array<i32>} : memref<13x128xi32, #tpu.memory_space<vmem>>, vector<1x16xi32>,
    %get3A_2110 = vector.shape_cast %get3A_2109 : vector<1x16xi32> to vector<16xi32>
    %eq3A_2111 = arith.constant 0 : i32
    %eq3A_2112 = vector.broadcast %eq3A_2111 : i32 to vector<16xi32>
    %eq3A_2113 = arith.cmpi eq, %get3A_2110, %eq3A_2112 : vector<16xi32>
    %jit3A_2114 = arith.constant 0.000000e+00 : f32
    %broadcast_in_dim3A_2115 = vector.broadcast %jit3A_2114 : f32 to vector<16xf32>
    %select_n3A_2116 = arith.select %eq3A_2113, %broadcast_in_dim3A_2115, %get3A_2105 : vector<16xi1>, vector<16xf32>
    %swap3A_2117 = arith.constant 10 : i32
    %swap3A_2118 = arith.index_cast %swap3A_2117 : i32 to index
    %swap3A_2119 = arith.constant 64 : index
    %swap3A_2120 = tpu.vector_load %arg9[%swap3A_2118, %swap3A_2119] {strides = array<i32>} : memref<13x128xf32, #tpu.memory_space<vmem>>, vector<1x16xf32>,
    %swap3A_2121 = vector.shape_cast %swap3A_2120 : vector<1x16xf32> to vector<16xf32>
    %swap3A_2122 = vector.shape_cast %select_n3A_2116 : vector<16xf32> to vector<1x16xf32>
    tpu.vector_store %arg9[%swap3A_2118, %swap3A_2119], %swap3A_2122 {strides = array<i32>} : memref<13x128xf32, #tpu.memory_space<vmem>>, vector<1x16xf32>,
    %get3A_2123 = arith.constant 10 : i32
    %get3A_2124 = arith.index_cast %get3A_2123 : i32 to index
    %get3A_2125 = arith.constant 80 : index
    %get3A_2126 = tpu.vector_load %arg8[%get3A_2124, %get3A_2125] {strides = array<i32>} : memref<13x128xf32, #tpu.memory_space<vmem>>, vector<1x16xf32>,
    %get3A_2127 = vector.shape_cast %get3A_2126 : vector<1x16xf32> to vector<16xf32>
    %get3A_2128 = arith.constant 10 : i32
    %get3A_2129 = arith.index_cast %get3A_2128 : i32 to index
    %get3A_2130 = arith.constant 80 : index
    %get3A_2131 = tpu.vector_load %arg7[%get3A_2129, %get3A_2130] {strides = array<i32>} : memref<13x128xi32, #tpu.memory_space<vmem>>, vector<1x16xi32>,
    %get3A_2132 = vector.shape_cast %get3A_2131 : vector<1x16xi32> to vector<16xi32>
    %eq3A_2133 = arith.constant 0 : i32
    %eq3A_2134 = vector.broadcast %eq3A_2133 : i32 to vector<16xi32>
    %eq3A_2135 = arith.cmpi eq, %get3A_2132, %eq3A_2134 : vector<16xi32>
    %jit3A_2136 = arith.constant 0.000000e+00 : f32
    %broadcast_in_dim3A_2137 = vector.broadcast %jit3A_2136 : f32 to vector<16xf32>
    %select_n3A_2138 = arith.select %eq3A_2135, %broadcast_in_dim3A_2137, %get3A_2127 : vector<16xi1>, vector<16xf32>
    %swap3A_2139 = arith.constant 10 : i32
    %swap3A_2140 = arith.index_cast %swap3A_2139 : i32 to index
    %swap3A_2141 = arith.constant 80 : index
    %swap3A_2142 = tpu.vector_load %arg9[%swap3A_2140, %swap3A_2141] {strides = array<i32>} : memref<13x128xf32, #tpu.memory_space<vmem>>, vector<1x16xf32>,
    %swap3A_2143 = vector.shape_cast %swap3A_2142 : vector<1x16xf32> to vector<16xf32>
    %swap3A_2144 = vector.shape_cast %select_n3A_2138 : vector<16xf32> to vector<1x16xf32>
    tpu.vector_store %arg9[%swap3A_2140, %swap3A_2141], %swap3A_2144 {strides = array<i32>} : memref<13x128xf32, #tpu.memory_space<vmem>>, vector<1x16xf32>,
    %get3A_2145 = arith.constant 10 : i32
    %get3A_2146 = arith.index_cast %get3A_2145 : i32 to index
    %get3A_2147 = arith.constant 96 : index
    %get3A_2148 = tpu.vector_load %arg8[%get3A_2146, %get3A_2147] {strides = array<i32>} : memref<13x128xf32, #tpu.memory_space<vmem>>, vector<1x16xf32>,
    %get3A_2149 = vector.shape_cast %get3A_2148 : vector<1x16xf32> to vector<16xf32>
    %get3A_2150 = arith.constant 10 : i32
    %get3A_2151 = arith.index_cast %get3A_2150 : i32 to index
    %get3A_2152 = arith.constant 96 : index
    %get3A_2153 = tpu.vector_load %arg7[%get3A_2151, %get3A_2152] {strides = array<i32>} : memref<13x128xi32, #tpu.memory_space<vmem>>, vector<1x16xi32>,
    %get3A_2154 = vector.shape_cast %get3A_2153 : vector<1x16xi32> to vector<16xi32>
    %eq3A_2155 = arith.constant 0 : i32
    %eq3A_2156 = vector.broadcast %eq3A_2155 : i32 to vector<16xi32>
    %eq3A_2157 = arith.cmpi eq, %get3A_2154, %eq3A_2156 : vector<16xi32>
    %jit3A_2158 = arith.constant 0.000000e+00 : f32
    %broadcast_in_dim3A_2159 = vector.broadcast %jit3A_2158 : f32 to vector<16xf32>
    %select_n3A_2160 = arith.select %eq3A_2157, %broadcast_in_dim3A_2159, %get3A_2149 : vector<16xi1>, vector<16xf32>
    %swap3A_2161 = arith.constant 10 : i32
    %swap3A_2162 = arith.index_cast %swap3A_2161 : i32 to index
    %swap3A_2163 = arith.constant 96 : index
    %swap3A_2164 = tpu.vector_load %arg9[%swap3A_2162, %swap3A_2163] {strides = array<i32>} : memref<13x128xf32, #tpu.memory_space<vmem>>, vector<1x16xf32>,
    %swap3A_2165 = vector.shape_cast %swap3A_2164 : vector<1x16xf32> to vector<16xf32>
    %swap3A_2166 = vector.shape_cast %select_n3A_2160 : vector<16xf32> to vector<1x16xf32>
    tpu.vector_store %arg9[%swap3A_2162, %swap3A_2163], %swap3A_2166 {strides = array<i32>} : memref<13x128xf32, #tpu.memory_space<vmem>>, vector<1x16xf32>,
    %get3A_2167 = arith.constant 10 : i32
    %get3A_2168 = arith.index_cast %get3A_2167 : i32 to index
    %get3A_2169 = arith.constant 112 : index
    %get3A_2170 = tpu.vector_load %arg8[%get3A_2168, %get3A_2169] {strides = array<i32>} : memref<13x128xf32, #tpu.memory_space<vmem>>, vector<1x16xf32>,
    %get3A_2171 = vector.shape_cast %get3A_2170 : vector<1x16xf32> to vector<16xf32>
    %get3A_2172 = arith.constant 10 : i32
    %get3A_2173 = arith.index_cast %get3A_2172 : i32 to index
    %get3A_2174 = arith.constant 112 : index
    %get3A_2175 = tpu.vector_load %arg7[%get3A_2173, %get3A_2174] {strides = array<i32>} : memref<13x128xi32, #tpu.memory_space<vmem>>, vector<1x16xi32>,
    %get3A_2176 = vector.shape_cast %get3A_2175 : vector<1x16xi32> to vector<16xi32>
    %eq3A_2177 = arith.constant 0 : i32
    %eq3A_2178 = vector.broadcast %eq3A_2177 : i32 to vector<16xi32>
    %eq3A_2179 = arith.cmpi eq, %get3A_2176, %eq3A_2178 : vector<16xi32>
    %jit3A_2180 = arith.constant 0.000000e+00 : f32
    %broadcast_in_dim3A_2181 = vector.broadcast %jit3A_2180 : f32 to vector<16xf32>
    %select_n3A_2182 = arith.select %eq3A_2179, %broadcast_in_dim3A_2181, %get3A_2171 : vector<16xi1>, vector<16xf32>
    %swap3A_2183 = arith.constant 10 : i32
    %swap3A_2184 = arith.index_cast %swap3A_2183 : i32 to index
    %swap3A_2185 = arith.constant 112 : index
    %swap3A_2186 = tpu.vector_load %arg9[%swap3A_2184, %swap3A_2185] {strides = array<i32>} : memref<13x128xf32, #tpu.memory_space<vmem>>, vector<1x16xf32>,
    %swap3A_2187 = vector.shape_cast %swap3A_2186 : vector<1x16xf32> to vector<16xf32>
    %swap3A_2188 = vector.shape_cast %select_n3A_2182 : vector<16xf32> to vector<1x16xf32>
    tpu.vector_store %arg9[%swap3A_2184, %swap3A_2185], %swap3A_2188 {strides = array<i32>} : memref<13x128xf32, #tpu.memory_space<vmem>>, vector<1x16xf32>,
    %get3A_2189 = arith.constant 11 : i32
    %get3A_2190 = arith.index_cast %get3A_2189 : i32 to index
    %get3A_2191 = arith.constant 0 : index
    %get3A_2192 = tpu.vector_load %arg8[%get3A_2190, %get3A_2191] {strides = array<i32>} : memref<13x128xf32, #tpu.memory_space<vmem>>, vector<1x16xf32>,
    %get3A_2193 = vector.shape_cast %get3A_2192 : vector<1x16xf32> to vector<16xf32>
    %get3A_2194 = arith.constant 11 : i32
    %get3A_2195 = arith.index_cast %get3A_2194 : i32 to index
    %get3A_2196 = arith.constant 0 : index
    %get3A_2197 = tpu.vector_load %arg7[%get3A_2195, %get3A_2196] {strides = array<i32>} : memref<13x128xi32, #tpu.memory_space<vmem>>, vector<1x16xi32>,
    %get3A_2198 = vector.shape_cast %get3A_2197 : vector<1x16xi32> to vector<16xi32>
    %eq3A_2199 = arith.constant 0 : i32
    %eq3A_2200 = vector.broadcast %eq3A_2199 : i32 to vector<16xi32>
    %eq3A_2201 = arith.cmpi eq, %get3A_2198, %eq3A_2200 : vector<16xi32>
    %jit3A_2202 = arith.constant 0.000000e+00 : f32
    %broadcast_in_dim3A_2203 = vector.broadcast %jit3A_2202 : f32 to vector<16xf32>
    %select_n3A_2204 = arith.select %eq3A_2201, %broadcast_in_dim3A_2203, %get3A_2193 : vector<16xi1>, vector<16xf32>
    %swap3A_2205 = arith.constant 11 : i32
    %swap3A_2206 = arith.index_cast %swap3A_2205 : i32 to index
    %swap3A_2207 = arith.constant 0 : index
    %swap3A_2208 = tpu.vector_load %arg9[%swap3A_2206, %swap3A_2207] {strides = array<i32>} : memref<13x128xf32, #tpu.memory_space<vmem>>, vector<1x16xf32>,
    %swap3A_2209 = vector.shape_cast %swap3A_2208 : vector<1x16xf32> to vector<16xf32>
    %swap3A_2210 = vector.shape_cast %select_n3A_2204 : vector<16xf32> to vector<1x16xf32>
    tpu.vector_store %arg9[%swap3A_2206, %swap3A_2207], %swap3A_2210 {strides = array<i32>} : memref<13x128xf32, #tpu.memory_space<vmem>>, vector<1x16xf32>,
    %get3A_2211 = arith.constant 11 : i32
    %get3A_2212 = arith.index_cast %get3A_2211 : i32 to index
    %get3A_2213 = arith.constant 16 : index
    %get3A_2214 = tpu.vector_load %arg8[%get3A_2212, %get3A_2213] {strides = array<i32>} : memref<13x128xf32, #tpu.memory_space<vmem>>, vector<1x16xf32>,
    %get3A_2215 = vector.shape_cast %get3A_2214 : vector<1x16xf32> to vector<16xf32>
    %get3A_2216 = arith.constant 11 : i32
    %get3A_2217 = arith.index_cast %get3A_2216 : i32 to index
    %get3A_2218 = arith.constant 16 : index
    %get3A_2219 = tpu.vector_load %arg7[%get3A_2217, %get3A_2218] {strides = array<i32>} : memref<13x128xi32, #tpu.memory_space<vmem>>, vector<1x16xi32>,
    %get3A_2220 = vector.shape_cast %get3A_2219 : vector<1x16xi32> to vector<16xi32>
    %eq3A_2221 = arith.constant 0 : i32
    %eq3A_2222 = vector.broadcast %eq3A_2221 : i32 to vector<16xi32>
    %eq3A_2223 = arith.cmpi eq, %get3A_2220, %eq3A_2222 : vector<16xi32>
    %jit3A_2224 = arith.constant 0.000000e+00 : f32
    %broadcast_in_dim3A_2225 = vector.broadcast %jit3A_2224 : f32 to vector<16xf32>
    %select_n3A_2226 = arith.select %eq3A_2223, %broadcast_in_dim3A_2225, %get3A_2215 : vector<16xi1>, vector<16xf32>
    %swap3A_2227 = arith.constant 11 : i32
    %swap3A_2228 = arith.index_cast %swap3A_2227 : i32 to index
    %swap3A_2229 = arith.constant 16 : index
    %swap3A_2230 = tpu.vector_load %arg9[%swap3A_2228, %swap3A_2229] {strides = array<i32>} : memref<13x128xf32, #tpu.memory_space<vmem>>, vector<1x16xf32>,
    %swap3A_2231 = vector.shape_cast %swap3A_2230 : vector<1x16xf32> to vector<16xf32>
    %swap3A_2232 = vector.shape_cast %select_n3A_2226 : vector<16xf32> to vector<1x16xf32>
    tpu.vector_store %arg9[%swap3A_2228, %swap3A_2229], %swap3A_2232 {strides = array<i32>} : memref<13x128xf32, #tpu.memory_space<vmem>>, vector<1x16xf32>,
    %get3A_2233 = arith.constant 11 : i32
    %get3A_2234 = arith.index_cast %get3A_2233 : i32 to index
    %get3A_2235 = arith.constant 32 : index
    %get3A_2236 = tpu.vector_load %arg8[%get3A_2234, %get3A_2235] {strides = array<i32>} : memref<13x128xf32, #tpu.memory_space<vmem>>, vector<1x16xf32>,
    %get3A_2237 = vector.shape_cast %get3A_2236 : vector<1x16xf32> to vector<16xf32>
    %get3A_2238 = arith.constant 11 : i32
    %get3A_2239 = arith.index_cast %get3A_2238 : i32 to index
    %get3A_2240 = arith.constant 32 : index
    %get3A_2241 = tpu.vector_load %arg7[%get3A_2239, %get3A_2240] {strides = array<i32>} : memref<13x128xi32, #tpu.memory_space<vmem>>, vector<1x16xi32>,
    %get3A_2242 = vector.shape_cast %get3A_2241 : vector<1x16xi32> to vector<16xi32>
    %eq3A_2243 = arith.constant 0 : i32
    %eq3A_2244 = vector.broadcast %eq3A_2243 : i32 to vector<16xi32>
    %eq3A_2245 = arith.cmpi eq, %get3A_2242, %eq3A_2244 : vector<16xi32>
    %jit3A_2246 = arith.constant 0.000000e+00 : f32
    %broadcast_in_dim3A_2247 = vector.broadcast %jit3A_2246 : f32 to vector<16xf32>
    %select_n3A_2248 = arith.select %eq3A_2245, %broadcast_in_dim3A_2247, %get3A_2237 : vector<16xi1>, vector<16xf32>
    %swap3A_2249 = arith.constant 11 : i32
    %swap3A_2250 = arith.index_cast %swap3A_2249 : i32 to index
    %swap3A_2251 = arith.constant 32 : index
    %swap3A_2252 = tpu.vector_load %arg9[%swap3A_2250, %swap3A_2251] {strides = array<i32>} : memref<13x128xf32, #tpu.memory_space<vmem>>, vector<1x16xf32>,
    %swap3A_2253 = vector.shape_cast %swap3A_2252 : vector<1x16xf32> to vector<16xf32>
    %swap3A_2254 = vector.shape_cast %select_n3A_2248 : vector<16xf32> to vector<1x16xf32>
    tpu.vector_store %arg9[%swap3A_2250, %swap3A_2251], %swap3A_2254 {strides = array<i32>} : memref<13x128xf32, #tpu.memory_space<vmem>>, vector<1x16xf32>,
    %get3A_2255 = arith.constant 11 : i32
    %get3A_2256 = arith.index_cast %get3A_2255 : i32 to index
    %get3A_2257 = arith.constant 48 : index
    %get3A_2258 = tpu.vector_load %arg8[%get3A_2256, %get3A_2257] {strides = array<i32>} : memref<13x128xf32, #tpu.memory_space<vmem>>, vector<1x16xf32>,
    %get3A_2259 = vector.shape_cast %get3A_2258 : vector<1x16xf32> to vector<16xf32>
    %get3A_2260 = arith.constant 11 : i32
    %get3A_2261 = arith.index_cast %get3A_2260 : i32 to index
    %get3A_2262 = arith.constant 48 : index
    %get3A_2263 = tpu.vector_load %arg7[%get3A_2261, %get3A_2262] {strides = array<i32>} : memref<13x128xi32, #tpu.memory_space<vmem>>, vector<1x16xi32>,
    %get3A_2264 = vector.shape_cast %get3A_2263 : vector<1x16xi32> to vector<16xi32>
    %eq3A_2265 = arith.constant 0 : i32
    %eq3A_2266 = vector.broadcast %eq3A_2265 : i32 to vector<16xi32>
    %eq3A_2267 = arith.cmpi eq, %get3A_2264, %eq3A_2266 : vector<16xi32>
    %jit3A_2268 = arith.constant 0.000000e+00 : f32
    %broadcast_in_dim3A_2269 = vector.broadcast %jit3A_2268 : f32 to vector<16xf32>
    %select_n3A_2270 = arith.select %eq3A_2267, %broadcast_in_dim3A_2269, %get3A_2259 : vector<16xi1>, vector<16xf32>
    %swap3A_2271 = arith.constant 11 : i32
    %swap3A_2272 = arith.index_cast %swap3A_2271 : i32 to index
    %swap3A_2273 = arith.constant 48 : index
    %swap3A_2274 = tpu.vector_load %arg9[%swap3A_2272, %swap3A_2273] {strides = array<i32>} : memref<13x128xf32, #tpu.memory_space<vmem>>, vector<1x16xf32>,
    %swap3A_2275 = vector.shape_cast %swap3A_2274 : vector<1x16xf32> to vector<16xf32>
    %swap3A_2276 = vector.shape_cast %select_n3A_2270 : vector<16xf32> to vector<1x16xf32>
    tpu.vector_store %arg9[%swap3A_2272, %swap3A_2273], %swap3A_2276 {strides = array<i32>} : memref<13x128xf32, #tpu.memory_space<vmem>>, vector<1x16xf32>,
    %get3A_2277 = arith.constant 11 : i32
    %get3A_2278 = arith.index_cast %get3A_2277 : i32 to index
    %get3A_2279 = arith.constant 64 : index
    %get3A_2280 = tpu.vector_load %arg8[%get3A_2278, %get3A_2279] {strides = array<i32>} : memref<13x128xf32, #tpu.memory_space<vmem>>, vector<1x16xf32>,
    %get3A_2281 = vector.shape_cast %get3A_2280 : vector<1x16xf32> to vector<16xf32>
    %get3A_2282 = arith.constant 11 : i32
    %get3A_2283 = arith.index_cast %get3A_2282 : i32 to index
    %get3A_2284 = arith.constant 64 : index
    %get3A_2285 = tpu.vector_load %arg7[%get3A_2283, %get3A_2284] {strides = array<i32>} : memref<13x128xi32, #tpu.memory_space<vmem>>, vector<1x16xi32>,
    %get3A_2286 = vector.shape_cast %get3A_2285 : vector<1x16xi32> to vector<16xi32>
    %eq3A_2287 = arith.constant 0 : i32
    %eq3A_2288 = vector.broadcast %eq3A_2287 : i32 to vector<16xi32>
    %eq3A_2289 = arith.cmpi eq, %get3A_2286, %eq3A_2288 : vector<16xi32>
    %jit3A_2290 = arith.constant 0.000000e+00 : f32
    %broadcast_in_dim3A_2291 = vector.broadcast %jit3A_2290 : f32 to vector<16xf32>
    %select_n3A_2292 = arith.select %eq3A_2289, %broadcast_in_dim3A_2291, %get3A_2281 : vector<16xi1>, vector<16xf32>
    %swap3A_2293 = arith.constant 11 : i32
    %swap3A_2294 = arith.index_cast %swap3A_2293 : i32 to index
    %swap3A_2295 = arith.constant 64 : index
    %swap3A_2296 = tpu.vector_load %arg9[%swap3A_2294, %swap3A_2295] {strides = array<i32>} : memref<13x128xf32, #tpu.memory_space<vmem>>, vector<1x16xf32>,
    %swap3A_2297 = vector.shape_cast %swap3A_2296 : vector<1x16xf32> to vector<16xf32>
    %swap3A_2298 = vector.shape_cast %select_n3A_2292 : vector<16xf32> to vector<1x16xf32>
    tpu.vector_store %arg9[%swap3A_2294, %swap3A_2295], %swap3A_2298 {strides = array<i32>} : memref<13x128xf32, #tpu.memory_space<vmem>>, vector<1x16xf32>,
    %get3A_2299 = arith.constant 11 : i32
    %get3A_2300 = arith.index_cast %get3A_2299 : i32 to index
    %get3A_2301 = arith.constant 80 : index
    %get3A_2302 = tpu.vector_load %arg8[%get3A_2300, %get3A_2301] {strides = array<i32>} : memref<13x128xf32, #tpu.memory_space<vmem>>, vector<1x16xf32>,
    %get3A_2303 = vector.shape_cast %get3A_2302 : vector<1x16xf32> to vector<16xf32>
    %get3A_2304 = arith.constant 11 : i32
    %get3A_2305 = arith.index_cast %get3A_2304 : i32 to index
    %get3A_2306 = arith.constant 80 : index
    %get3A_2307 = tpu.vector_load %arg7[%get3A_2305, %get3A_2306] {strides = array<i32>} : memref<13x128xi32, #tpu.memory_space<vmem>>, vector<1x16xi32>,
    %get3A_2308 = vector.shape_cast %get3A_2307 : vector<1x16xi32> to vector<16xi32>
    %eq3A_2309 = arith.constant 0 : i32
    %eq3A_2310 = vector.broadcast %eq3A_2309 : i32 to vector<16xi32>
    %eq3A_2311 = arith.cmpi eq, %get3A_2308, %eq3A_2310 : vector<16xi32>
    %jit3A_2312 = arith.constant 0.000000e+00 : f32
    %broadcast_in_dim3A_2313 = vector.broadcast %jit3A_2312 : f32 to vector<16xf32>
    %select_n3A_2314 = arith.select %eq3A_2311, %broadcast_in_dim3A_2313, %get3A_2303 : vector<16xi1>, vector<16xf32>
    %swap3A_2315 = arith.constant 11 : i32
    %swap3A_2316 = arith.index_cast %swap3A_2315 : i32 to index
    %swap3A_2317 = arith.constant 80 : index
    %swap3A_2318 = tpu.vector_load %arg9[%swap3A_2316, %swap3A_2317] {strides = array<i32>} : memref<13x128xf32, #tpu.memory_space<vmem>>, vector<1x16xf32>,
    %swap3A_2319 = vector.shape_cast %swap3A_2318 : vector<1x16xf32> to vector<16xf32>
    %swap3A_2320 = vector.shape_cast %select_n3A_2314 : vector<16xf32> to vector<1x16xf32>
    tpu.vector_store %arg9[%swap3A_2316, %swap3A_2317], %swap3A_2320 {strides = array<i32>} : memref<13x128xf32, #tpu.memory_space<vmem>>, vector<1x16xf32>,
    %get3A_2321 = arith.constant 11 : i32
    %get3A_2322 = arith.index_cast %get3A_2321 : i32 to index
    %get3A_2323 = arith.constant 96 : index
    %get3A_2324 = tpu.vector_load %arg8[%get3A_2322, %get3A_2323] {strides = array<i32>} : memref<13x128xf32, #tpu.memory_space<vmem>>, vector<1x16xf32>,
    %get3A_2325 = vector.shape_cast %get3A_2324 : vector<1x16xf32> to vector<16xf32>
    %get3A_2326 = arith.constant 11 : i32
    %get3A_2327 = arith.index_cast %get3A_2326 : i32 to index
    %get3A_2328 = arith.constant 96 : index
    %get3A_2329 = tpu.vector_load %arg7[%get3A_2327, %get3A_2328] {strides = array<i32>} : memref<13x128xi32, #tpu.memory_space<vmem>>, vector<1x16xi32>,
    %get3A_2330 = vector.shape_cast %get3A_2329 : vector<1x16xi32> to vector<16xi32>
    %eq3A_2331 = arith.constant 0 : i32
    %eq3A_2332 = vector.broadcast %eq3A_2331 : i32 to vector<16xi32>
    %eq3A_2333 = arith.cmpi eq, %get3A_2330, %eq3A_2332 : vector<16xi32>
    %jit3A_2334 = arith.constant 0.000000e+00 : f32
    %broadcast_in_dim3A_2335 = vector.broadcast %jit3A_2334 : f32 to vector<16xf32>
    %select_n3A_2336 = arith.select %eq3A_2333, %broadcast_in_dim3A_2335, %get3A_2325 : vector<16xi1>, vector<16xf32>
    %swap3A_2337 = arith.constant 11 : i32
    %swap3A_2338 = arith.index_cast %swap3A_2337 : i32 to index
    %swap3A_2339 = arith.constant 96 : index
    %swap3A_2340 = tpu.vector_load %arg9[%swap3A_2338, %swap3A_2339] {strides = array<i32>} : memref<13x128xf32, #tpu.memory_space<vmem>>, vector<1x16xf32>,
    %swap3A_2341 = vector.shape_cast %swap3A_2340 : vector<1x16xf32> to vector<16xf32>
    %swap3A_2342 = vector.shape_cast %select_n3A_2336 : vector<16xf32> to vector<1x16xf32>
    tpu.vector_store %arg9[%swap3A_2338, %swap3A_2339], %swap3A_2342 {strides = array<i32>} : memref<13x128xf32, #tpu.memory_space<vmem>>, vector<1x16xf32>,
    %get3A_2343 = arith.constant 11 : i32
    %get3A_2344 = arith.index_cast %get3A_2343 : i32 to index
    %get3A_2345 = arith.constant 112 : index
    %get3A_2346 = tpu.vector_load %arg8[%get3A_2344, %get3A_2345] {strides = array<i32>} : memref<13x128xf32, #tpu.memory_space<vmem>>, vector<1x16xf32>,
    %get3A_2347 = vector.shape_cast %get3A_2346 : vector<1x16xf32> to vector<16xf32>
    %get3A_2348 = arith.constant 11 : i32
    %get3A_2349 = arith.index_cast %get3A_2348 : i32 to index
    %get3A_2350 = arith.constant 112 : index
    %get3A_2351 = tpu.vector_load %arg7[%get3A_2349, %get3A_2350] {strides = array<i32>} : memref<13x128xi32, #tpu.memory_space<vmem>>, vector<1x16xi32>,
    %get3A_2352 = vector.shape_cast %get3A_2351 : vector<1x16xi32> to vector<16xi32>
    %eq3A_2353 = arith.constant 0 : i32
    %eq3A_2354 = vector.broadcast %eq3A_2353 : i32 to vector<16xi32>
    %eq3A_2355 = arith.cmpi eq, %get3A_2352, %eq3A_2354 : vector<16xi32>
    %jit3A_2356 = arith.constant 0.000000e+00 : f32
    %broadcast_in_dim3A_2357 = vector.broadcast %jit3A_2356 : f32 to vector<16xf32>
    %select_n3A_2358 = arith.select %eq3A_2355, %broadcast_in_dim3A_2357, %get3A_2347 : vector<16xi1>, vector<16xf32>
    %swap3A_2359 = arith.constant 11 : i32
    %swap3A_2360 = arith.index_cast %swap3A_2359 : i32 to index
    %swap3A_2361 = arith.constant 112 : index
    %swap3A_2362 = tpu.vector_load %arg9[%swap3A_2360, %swap3A_2361] {strides = array<i32>} : memref<13x128xf32, #tpu.memory_space<vmem>>, vector<1x16xf32>,
    %swap3A_2363 = vector.shape_cast %swap3A_2362 : vector<1x16xf32> to vector<16xf32>
    %swap3A_2364 = vector.shape_cast %select_n3A_2358 : vector<16xf32> to vector<1x16xf32>
    tpu.vector_store %arg9[%swap3A_2360, %swap3A_2361], %swap3A_2364 {strides = array<i32>} : memref<13x128xf32, #tpu.memory_space<vmem>>, vector<1x16xf32>,
    %get3A_2365 = arith.constant 12 : i32
    %get3A_2366 = arith.index_cast %get3A_2365 : i32 to index
    %get3A_2367 = arith.constant 0 : index
    %get3A_2368 = tpu.vector_load %arg8[%get3A_2366, %get3A_2367] {strides = array<i32>} : memref<13x128xf32, #tpu.memory_space<vmem>>, vector<1x16xf32>,
    %get3A_2369 = vector.shape_cast %get3A_2368 : vector<1x16xf32> to vector<16xf32>
    %get3A_2370 = arith.constant 12 : i32
    %get3A_2371 = arith.index_cast %get3A_2370 : i32 to index
    %get3A_2372 = arith.constant 0 : index
    %get3A_2373 = tpu.vector_load %arg7[%get3A_2371, %get3A_2372] {strides = array<i32>} : memref<13x128xi32, #tpu.memory_space<vmem>>, vector<1x16xi32>,
    %get3A_2374 = vector.shape_cast %get3A_2373 : vector<1x16xi32> to vector<16xi32>
    %eq3A_2375 = arith.constant 0 : i32
    %eq3A_2376 = vector.broadcast %eq3A_2375 : i32 to vector<16xi32>
    %eq3A_2377 = arith.cmpi eq, %get3A_2374, %eq3A_2376 : vector<16xi32>
    %jit3A_2378 = arith.constant 0.000000e+00 : f32
    %broadcast_in_dim3A_2379 = vector.broadcast %jit3A_2378 : f32 to vector<16xf32>
    %select_n3A_2380 = arith.select %eq3A_2377, %broadcast_in_dim3A_2379, %get3A_2369 : vector<16xi1>, vector<16xf32>
    %swap3A_2381 = arith.constant 12 : i32
    %swap3A_2382 = arith.index_cast %swap3A_2381 : i32 to index
    %swap3A_2383 = arith.constant 0 : index
    %swap3A_2384 = tpu.vector_load %arg9[%swap3A_2382, %swap3A_2383] {strides = array<i32>} : memref<13x128xf32, #tpu.memory_space<vmem>>, vector<1x16xf32>,
    %swap3A_2385 = vector.shape_cast %swap3A_2384 : vector<1x16xf32> to vector<16xf32>
    %swap3A_2386 = vector.shape_cast %select_n3A_2380 : vector<16xf32> to vector<1x16xf32>
    tpu.vector_store %arg9[%swap3A_2382, %swap3A_2383], %swap3A_2386 {strides = array<i32>} : memref<13x128xf32, #tpu.memory_space<vmem>>, vector<1x16xf32>,
    %get3A_2387 = arith.constant 12 : i32
    %get3A_2388 = arith.index_cast %get3A_2387 : i32 to index
    %get3A_2389 = arith.constant 16 : index
    %get3A_2390 = tpu.vector_load %arg8[%get3A_2388, %get3A_2389] {strides = array<i32>} : memref<13x128xf32, #tpu.memory_space<vmem>>, vector<1x16xf32>,
    %get3A_2391 = vector.shape_cast %get3A_2390 : vector<1x16xf32> to vector<16xf32>
    %get3A_2392 = arith.constant 12 : i32
    %get3A_2393 = arith.index_cast %get3A_2392 : i32 to index
    %get3A_2394 = arith.constant 16 : index
    %get3A_2395 = tpu.vector_load %arg7[%get3A_2393, %get3A_2394] {strides = array<i32>} : memref<13x128xi32, #tpu.memory_space<vmem>>, vector<1x16xi32>,
    %get3A_2396 = vector.shape_cast %get3A_2395 : vector<1x16xi32> to vector<16xi32>
    %eq3A_2397 = arith.constant 0 : i32
    %eq3A_2398 = vector.broadcast %eq3A_2397 : i32 to vector<16xi32>
    %eq3A_2399 = arith.cmpi eq, %get3A_2396, %eq3A_2398 : vector<16xi32>
    %jit3A_2400 = arith.constant 0.000000e+00 : f32
    %broadcast_in_dim3A_2401 = vector.broadcast %jit3A_2400 : f32 to vector<16xf32>
    %select_n3A_2402 = arith.select %eq3A_2399, %broadcast_in_dim3A_2401, %get3A_2391 : vector<16xi1>, vector<16xf32>
    %swap3A_2403 = arith.constant 12 : i32
    %swap3A_2404 = arith.index_cast %swap3A_2403 : i32 to index
    %swap3A_2405 = arith.constant 16 : index
    %swap3A_2406 = tpu.vector_load %arg9[%swap3A_2404, %swap3A_2405] {strides = array<i32>} : memref<13x128xf32, #tpu.memory_space<vmem>>, vector<1x16xf32>,
    %swap3A_2407 = vector.shape_cast %swap3A_2406 : vector<1x16xf32> to vector<16xf32>
    %swap3A_2408 = vector.shape_cast %select_n3A_2402 : vector<16xf32> to vector<1x16xf32>
    tpu.vector_store %arg9[%swap3A_2404, %swap3A_2405], %swap3A_2408 {strides = array<i32>} : memref<13x128xf32, #tpu.memory_space<vmem>>, vector<1x16xf32>,
    %get3A_2409 = arith.constant 12 : i32
    %get3A_2410 = arith.index_cast %get3A_2409 : i32 to index
    %get3A_2411 = arith.constant 32 : index
    %get3A_2412 = tpu.vector_load %arg8[%get3A_2410, %get3A_2411] {strides = array<i32>} : memref<13x128xf32, #tpu.memory_space<vmem>>, vector<1x16xf32>,
    %get3A_2413 = vector.shape_cast %get3A_2412 : vector<1x16xf32> to vector<16xf32>
    %get3A_2414 = arith.constant 12 : i32
    %get3A_2415 = arith.index_cast %get3A_2414 : i32 to index
    %get3A_2416 = arith.constant 32 : index
    %get3A_2417 = tpu.vector_load %arg7[%get3A_2415, %get3A_2416] {strides = array<i32>} : memref<13x128xi32, #tpu.memory_space<vmem>>, vector<1x16xi32>,
    %get3A_2418 = vector.shape_cast %get3A_2417 : vector<1x16xi32> to vector<16xi32>
    %eq3A_2419 = arith.constant 0 : i32
    %eq3A_2420 = vector.broadcast %eq3A_2419 : i32 to vector<16xi32>
    %eq3A_2421 = arith.cmpi eq, %get3A_2418, %eq3A_2420 : vector<16xi32>
    %jit3A_2422 = arith.constant 0.000000e+00 : f32
    %broadcast_in_dim3A_2423 = vector.broadcast %jit3A_2422 : f32 to vector<16xf32>
    %select_n3A_2424 = arith.select %eq3A_2421, %broadcast_in_dim3A_2423, %get3A_2413 : vector<16xi1>, vector<16xf32>
    %swap3A_2425 = arith.constant 12 : i32
    %swap3A_2426 = arith.index_cast %swap3A_2425 : i32 to index
    %swap3A_2427 = arith.constant 32 : index
    %swap3A_2428 = tpu.vector_load %arg9[%swap3A_2426, %swap3A_2427] {strides = array<i32>} : memref<13x128xf32, #tpu.memory_space<vmem>>, vector<1x16xf32>,
    %swap3A_2429 = vector.shape_cast %swap3A_2428 : vector<1x16xf32> to vector<16xf32>
    %swap3A_2430 = vector.shape_cast %select_n3A_2424 : vector<16xf32> to vector<1x16xf32>
    tpu.vector_store %arg9[%swap3A_2426, %swap3A_2427], %swap3A_2430 {strides = array<i32>} : memref<13x128xf32, #tpu.memory_space<vmem>>, vector<1x16xf32>,
    %get3A_2431 = arith.constant 12 : i32
    %get3A_2432 = arith.index_cast %get3A_2431 : i32 to index
    %get3A_2433 = arith.constant 48 : index
    %get3A_2434 = tpu.vector_load %arg8[%get3A_2432, %get3A_2433] {strides = array<i32>} : memref<13x128xf32, #tpu.memory_space<vmem>>, vector<1x16xf32>,
    %get3A_2435 = vector.shape_cast %get3A_2434 : vector<1x16xf32> to vector<16xf32>
    %get3A_2436 = arith.constant 12 : i32
    %get3A_2437 = arith.index_cast %get3A_2436 : i32 to index
    %get3A_2438 = arith.constant 48 : index
    %get3A_2439 = tpu.vector_load %arg7[%get3A_2437, %get3A_2438] {strides = array<i32>} : memref<13x128xi32, #tpu.memory_space<vmem>>, vector<1x16xi32>,
    %get3A_2440 = vector.shape_cast %get3A_2439 : vector<1x16xi32> to vector<16xi32>
    %eq3A_2441 = arith.constant 0 : i32
    %eq3A_2442 = vector.broadcast %eq3A_2441 : i32 to vector<16xi32>
    %eq3A_2443 = arith.cmpi eq, %get3A_2440, %eq3A_2442 : vector<16xi32>
    %jit3A_2444 = arith.constant 0.000000e+00 : f32
    %broadcast_in_dim3A_2445 = vector.broadcast %jit3A_2444 : f32 to vector<16xf32>
    %select_n3A_2446 = arith.select %eq3A_2443, %broadcast_in_dim3A_2445, %get3A_2435 : vector<16xi1>, vector<16xf32>
    %swap3A_2447 = arith.constant 12 : i32
    %swap3A_2448 = arith.index_cast %swap3A_2447 : i32 to index
    %swap3A_2449 = arith.constant 48 : index
    %swap3A_2450 = tpu.vector_load %arg9[%swap3A_2448, %swap3A_2449] {strides = array<i32>} : memref<13x128xf32, #tpu.memory_space<vmem>>, vector<1x16xf32>,
    %swap3A_2451 = vector.shape_cast %swap3A_2450 : vector<1x16xf32> to vector<16xf32>
    %swap3A_2452 = vector.shape_cast %select_n3A_2446 : vector<16xf32> to vector<1x16xf32>
    tpu.vector_store %arg9[%swap3A_2448, %swap3A_2449], %swap3A_2452 {strides = array<i32>} : memref<13x128xf32, #tpu.memory_space<vmem>>, vector<1x16xf32>,
    %get3A_2453 = arith.constant 12 : i32
    %get3A_2454 = arith.index_cast %get3A_2453 : i32 to index
    %get3A_2455 = arith.constant 64 : index
    %get3A_2456 = tpu.vector_load %arg8[%get3A_2454, %get3A_2455] {strides = array<i32>} : memref<13x128xf32, #tpu.memory_space<vmem>>, vector<1x16xf32>,
    %get3A_2457 = vector.shape_cast %get3A_2456 : vector<1x16xf32> to vector<16xf32>
    %get3A_2458 = arith.constant 12 : i32
    %get3A_2459 = arith.index_cast %get3A_2458 : i32 to index
    %get3A_2460 = arith.constant 64 : index
    %get3A_2461 = tpu.vector_load %arg7[%get3A_2459, %get3A_2460] {strides = array<i32>} : memref<13x128xi32, #tpu.memory_space<vmem>>, vector<1x16xi32>,
    %get3A_2462 = vector.shape_cast %get3A_2461 : vector<1x16xi32> to vector<16xi32>
    %eq3A_2463 = arith.constant 0 : i32
    %eq3A_2464 = vector.broadcast %eq3A_2463 : i32 to vector<16xi32>
    %eq3A_2465 = arith.cmpi eq, %get3A_2462, %eq3A_2464 : vector<16xi32>
    %jit3A_2466 = arith.constant 0.000000e+00 : f32
    %broadcast_in_dim3A_2467 = vector.broadcast %jit3A_2466 : f32 to vector<16xf32>
    %select_n3A_2468 = arith.select %eq3A_2465, %broadcast_in_dim3A_2467, %get3A_2457 : vector<16xi1>, vector<16xf32>
    %swap3A_2469 = arith.constant 12 : i32
    %swap3A_2470 = arith.index_cast %swap3A_2469 : i32 to index
    %swap3A_2471 = arith.constant 64 : index
    %swap3A_2472 = tpu.vector_load %arg9[%swap3A_2470, %swap3A_2471] {strides = array<i32>} : memref<13x128xf32, #tpu.memory_space<vmem>>, vector<1x16xf32>,
    %swap3A_2473 = vector.shape_cast %swap3A_2472 : vector<1x16xf32> to vector<16xf32>
    %swap3A_2474 = vector.shape_cast %select_n3A_2468 : vector<16xf32> to vector<1x16xf32>
    tpu.vector_store %arg9[%swap3A_2470, %swap3A_2471], %swap3A_2474 {strides = array<i32>} : memref<13x128xf32, #tpu.memory_space<vmem>>, vector<1x16xf32>,
    %get3A_2475 = arith.constant 12 : i32
    %get3A_2476 = arith.index_cast %get3A_2475 : i32 to index
    %get3A_2477 = arith.constant 80 : index
    %get3A_2478 = tpu.vector_load %arg8[%get3A_2476, %get3A_2477] {strides = array<i32>} : memref<13x128xf32, #tpu.memory_space<vmem>>, vector<1x16xf32>,
    %get3A_2479 = vector.shape_cast %get3A_2478 : vector<1x16xf32> to vector<16xf32>
    %get3A_2480 = arith.constant 12 : i32
    %get3A_2481 = arith.index_cast %get3A_2480 : i32 to index
    %get3A_2482 = arith.constant 80 : index
    %get3A_2483 = tpu.vector_load %arg7[%get3A_2481, %get3A_2482] {strides = array<i32>} : memref<13x128xi32, #tpu.memory_space<vmem>>, vector<1x16xi32>,
    %get3A_2484 = vector.shape_cast %get3A_2483 : vector<1x16xi32> to vector<16xi32>
    %eq3A_2485 = arith.constant 0 : i32
    %eq3A_2486 = vector.broadcast %eq3A_2485 : i32 to vector<16xi32>
    %eq3A_2487 = arith.cmpi eq, %get3A_2484, %eq3A_2486 : vector<16xi32>
    %jit3A_2488 = arith.constant 0.000000e+00 : f32
    %broadcast_in_dim3A_2489 = vector.broadcast %jit3A_2488 : f32 to vector<16xf32>
    %select_n3A_2490 = arith.select %eq3A_2487, %broadcast_in_dim3A_2489, %get3A_2479 : vector<16xi1>, vector<16xf32>
    %swap3A_2491 = arith.constant 12 : i32
    %swap3A_2492 = arith.index_cast %swap3A_2491 : i32 to index
    %swap3A_2493 = arith.constant 80 : index
    %swap3A_2494 = tpu.vector_load %arg9[%swap3A_2492, %swap3A_2493] {strides = array<i32>} : memref<13x128xf32, #tpu.memory_space<vmem>>, vector<1x16xf32>,
    %swap3A_2495 = vector.shape_cast %swap3A_2494 : vector<1x16xf32> to vector<16xf32>
    %swap3A_2496 = vector.shape_cast %select_n3A_2490 : vector<16xf32> to vector<1x16xf32>
    tpu.vector_store %arg9[%swap3A_2492, %swap3A_2493], %swap3A_2496 {strides = array<i32>} : memref<13x128xf32, #tpu.memory_space<vmem>>, vector<1x16xf32>,
    %get3A_2497 = arith.constant 12 : i32
    %get3A_2498 = arith.index_cast %get3A_2497 : i32 to index
    %get3A_2499 = arith.constant 96 : index
    %get3A_2500 = tpu.vector_load %arg8[%get3A_2498, %get3A_2499] {strides = array<i32>} : memref<13x128xf32, #tpu.memory_space<vmem>>, vector<1x16xf32>,
    %get3A_2501 = vector.shape_cast %get3A_2500 : vector<1x16xf32> to vector<16xf32>
    %get3A_2502 = arith.constant 12 : i32
    %get3A_2503 = arith.index_cast %get3A_2502 : i32 to index
    %get3A_2504 = arith.constant 96 : index
    %get3A_2505 = tpu.vector_load %arg7[%get3A_2503, %get3A_2504] {strides = array<i32>} : memref<13x128xi32, #tpu.memory_space<vmem>>, vector<1x16xi32>,
    %get3A_2506 = vector.shape_cast %get3A_2505 : vector<1x16xi32> to vector<16xi32>
    %eq3A_2507 = arith.constant 0 : i32
    %eq3A_2508 = vector.broadcast %eq3A_2507 : i32 to vector<16xi32>
    %eq3A_2509 = arith.cmpi eq, %get3A_2506, %eq3A_2508 : vector<16xi32>
    %jit3A_2510 = arith.constant 0.000000e+00 : f32
    %broadcast_in_dim3A_2511 = vector.broadcast %jit3A_2510 : f32 to vector<16xf32>
    %select_n3A_2512 = arith.select %eq3A_2509, %broadcast_in_dim3A_2511, %get3A_2501 : vector<16xi1>, vector<16xf32>
    %swap3A_2513 = arith.constant 12 : i32
    %swap3A_2514 = arith.index_cast %swap3A_2513 : i32 to index
    %swap3A_2515 = arith.constant 96 : index
    %swap3A_2516 = tpu.vector_load %arg9[%swap3A_2514, %swap3A_2515] {strides = array<i32>} : memref<13x128xf32, #tpu.memory_space<vmem>>, vector<1x16xf32>,
    %swap3A_2517 = vector.shape_cast %swap3A_2516 : vector<1x16xf32> to vector<16xf32>
    %swap3A_2518 = vector.shape_cast %select_n3A_2512 : vector<16xf32> to vector<1x16xf32>
    tpu.vector_store %arg9[%swap3A_2514, %swap3A_2515], %swap3A_2518 {strides = array<i32>} : memref<13x128xf32, #tpu.memory_space<vmem>>, vector<1x16xf32>,
    %get3A_2519 = arith.constant 12 : i32
    %get3A_2520 = arith.index_cast %get3A_2519 : i32 to index
    %get3A_2521 = arith.constant 112 : index
    %get3A_2522 = tpu.vector_load %arg8[%get3A_2520, %get3A_2521] {strides = array<i32>} : memref<13x128xf32, #tpu.memory_space<vmem>>, vector<1x16xf32>,
    %get3A_2523 = vector.shape_cast %get3A_2522 : vector<1x16xf32> to vector<16xf32>
    %get3A_2524 = arith.constant 12 : i32
    %get3A_2525 = arith.index_cast %get3A_2524 : i32 to index
    %get3A_2526 = arith.constant 112 : index
    %get3A_2527 = tpu.vector_load %arg7[%get3A_2525, %get3A_2526] {strides = array<i32>} : memref<13x128xi32, #tpu.memory_space<vmem>>, vector<1x16xi32>,
    %get3A_2528 = vector.shape_cast %get3A_2527 : vector<1x16xi32> to vector<16xi32>
    %eq3A_2529 = arith.constant 0 : i32
    %eq3A_2530 = vector.broadcast %eq3A_2529 : i32 to vector<16xi32>
    %eq3A_2531 = arith.cmpi eq, %get3A_2528, %eq3A_2530 : vector<16xi32>
    %jit3A_2532 = arith.constant 0.000000e+00 : f32
    %broadcast_in_dim3A_2533 = vector.broadcast %jit3A_2532 : f32 to vector<16xf32>
    %select_n3A_2534 = arith.select %eq3A_2531, %broadcast_in_dim3A_2533, %get3A_2523 : vector<16xi1>, vector<16xf32>
    %swap3A_2535 = arith.constant 12 : i32
    %swap3A_2536 = arith.index_cast %swap3A_2535 : i32 to index
    %swap3A_2537 = arith.constant 112 : index
    %swap3A_2538 = tpu.vector_load %arg9[%swap3A_2536, %swap3A_2537] {strides = array<i32>} : memref<13x128xf32, #tpu.memory_space<vmem>>, vector<1x16xf32>,
    %swap3A_2539 = vector.shape_cast %swap3A_2538 : vector<1x16xf32> to vector<16xf32>
    %swap3A_2540 = vector.shape_cast %select_n3A_2534 : vector<16xf32> to vector<1x16xf32>
    tpu.vector_store %arg9[%swap3A_2536, %swap3A_2537], %swap3A_2540 {strides = array<i32>} : memref<13x128xf32, #tpu.memory_space<vmem>>, vector<1x16xf32>,
    "tpu.region"() ({
      %run_scoped3A = tpu.sem_alloc : memref<!tpu.dma_semaphore, #tpu.memory_space<semaphore_mem>>
      %dma_start3A_2541 = arith.constant 0 : i32
      %dma_start3A_2542 = arith.constant 0 : i32
      %dma_start3A_2543 = tpu.memref_slice %arg5[%add3A, %dma_start3A_2541, %dma_start3A_2542] : memref<32x13x128xf32, #tpu.memory_space<hbm>> -> memref<1x13x128xf32, #tpu.memory_space<hbm>>
      %dma_start3A_2544 = tpu.memref_squeeze %dma_start3A_2543 : memref<1x13x128xf32, #tpu.memory_space<hbm>> -> memref<13x128xf32, #tpu.memory_space<hbm>>
      %dma_start3A_2545 = arith.constant 0 : i32
      %dma_start3A_2546 = arith.constant 0 : i32
      %dma_start3A_2547 = tpu.memref_slice %arg5[%add3A, %dma_start3A_2545, %dma_start3A_2546] : memref<32x13x128xf32, #tpu.memory_space<hbm>> -> memref<1x13x128xf32, #tpu.memory_space<hbm>>
      %dma_start3A_2548 = tpu.memref_squeeze %dma_start3A_2547 : memref<1x13x128xf32, #tpu.memory_space<hbm>> -> memref<13x128xf32, #tpu.memory_space<hbm>>
      tpu.enqueue_dma source(%arg9 : memref<13x128xf32, #tpu.memory_space<vmem>>) target(%dma_start3A_2548 : memref<13x128xf32, #tpu.memory_space<hbm>>) target_semaphore(%run_scoped3A : memref<!tpu.dma_semaphore, #tpu.memory_space<semaphore_mem>>)
      %dma_wait3A_2549 = arith.constant 0 : i32
      %dma_wait3A_2550 = arith.constant 0 : i32
      %dma_wait3A_2551 = tpu.memref_slice %arg5[%add3A, %dma_wait3A_2549, %dma_wait3A_2550] : memref<32x13x128xf32, #tpu.memory_space<hbm>> -> memref<1x13x128xf32, #tpu.memory_space<hbm>>
      %dma_wait3A_2552 = tpu.memref_squeeze %dma_wait3A_2551 : memref<1x13x128xf32, #tpu.memory_space<hbm>> -> memref<13x128xf32, #tpu.memory_space<hbm>>
      %dma_wait3A_2553 = arith.constant 0 : i32
      %dma_wait3A_2554 = arith.constant 0 : i32
      %dma_wait3A_2555 = tpu.memref_slice %arg5[%add3A, %dma_wait3A_2553, %dma_wait3A_2554] : memref<32x13x128xf32, #tpu.memory_space<hbm>> -> memref<1x13x128xf32, #tpu.memory_space<hbm>>
      %dma_wait3A_2556 = tpu.memref_squeeze %dma_wait3A_2555 : memref<1x13x128xf32, #tpu.memory_space<hbm>> -> memref<13x128xf32, #tpu.memory_space<hbm>>
      tpu.wait_dma2 semaphore(%run_scoped3A : memref<!tpu.dma_semaphore, #tpu.memory_space<semaphore_mem>>) src(%arg9 : memref<13x128xf32, #tpu.memory_space<vmem>>) dst(%dma_wait3A_2556 : memref<13x128xf32, #tpu.memory_space<hbm>>)
      tpu.yield
    }) : () -> ()
    return
  }
}

#map = affine_map<(d0, d1) -> (0, 0)>
#map1 = affine_map<(d0, d1) -> (0)>
module attributes {stable_mosaic.version = 14 : i64} {
  func.func @_route_body(%arg0: i32, %arg1: i32, %arg2: memref<50000x256xf32, #tpu.memory_space<hbm>>, %arg3: memref<50000xi32, #tpu.memory_space<hbm>>, %arg4: memref<53248x256xf32, #tpu.memory_space<hbm>>, %arg5: memref<128xi32, #tpu.memory_space<vmem>>, %arg6: memref<128xi32, #tpu.memory_space<vmem>>, %arg7: memref<128xi32, #tpu.memory_space<vmem>>, %arg8: memref<128x256xf32, #tpu.memory_space<vmem>>, %arg9: memref<128x256xf32, #tpu.memory_space<vmem>>, %arg10: memref<128x256xf32, #tpu.memory_space<vmem>>, %arg11: memref<!tpu.dma_semaphore, #tpu.memory_space<semaphore_mem>>, %arg12: memref<!tpu.dma_semaphore, #tpu.memory_space<semaphore_mem>>, %arg13: memref<!tpu.dma_semaphore, #tpu.memory_space<semaphore_mem>>, %arg14: memref<!tpu.dma_semaphore, #tpu.memory_space<semaphore_mem>>, %arg15: memref<!tpu.dma_semaphore, #tpu.memory_space<semaphore_mem>>, %arg16: memref<!tpu.dma_semaphore, #tpu.memory_space<semaphore_mem>>) attributes {dimension_semantics = [#tpu.dimension_semantics<core_parallel>, #tpu.dimension_semantics<subcore_parallel>], iteration_bounds = array<i64: 2, 16>, scalar_prefetch = 0 : i64, scratch_operands = 12 : i64, tpu.core_type = #tpu.core_type<sc_vector_subcore>, window_params = [{transform_indices = #map}, {transform_indices = #map1}, {transform_indices = #map}]} {
    %mul3A = arith.constant 2 : i32
    %mul3A_0 = arith.muli %arg1, %mul3A : i32
    %add3A = arith.addi %mul3A_0, %arg0 : i32
    %le3A = arith.constant 29 : i32
    %le3A_1 = arith.cmpi sle, %add3A, %le3A : i32
    %convert_element_type3A = arith.extui %le3A_1 : i1 to i32
    %cond3A = arith.constant 0 : i32
    %cond3A_2 = arith.cmpi ne, %convert_element_type3A, %cond3A : i32
    scf.if %cond3A_2 {
      %mul3A_7 = arith.constant 1664 : i32
      %mul3A_8 = arith.muli %add3A, %mul3A_7 : i32
      %add3A_9 = arith.constant 0 : i32
      %add3A_10 = arith.addi %mul3A_8, %add3A_9 : i32
      %dma_start3A = tpu.memref_slice %arg3[%add3A_10] : memref<50000xi32, #tpu.memory_space<hbm>> -> memref<128xi32, #tpu.memory_space<hbm>>
      %dma_start3A_11 = tpu.memref_slice %arg3[%add3A_10] : memref<50000xi32, #tpu.memory_space<hbm>> -> memref<128xi32, #tpu.memory_space<hbm>>
      tpu.enqueue_dma source(%dma_start3A_11 : memref<128xi32, #tpu.memory_space<hbm>>) target(%arg5 : memref<128xi32, #tpu.memory_space<vmem>>) target_semaphore(%arg11 : memref<!tpu.dma_semaphore, #tpu.memory_space<semaphore_mem>>)
      %add3A_12 = arith.constant 0 : i32
      %add3A_13 = arith.addi %mul3A_8, %add3A_12 : i32
      %dma_start3A_14 = arith.constant 0 : i32
      %dma_start3A_15 = tpu.memref_slice %arg2[%add3A_13, %dma_start3A_14] : memref<50000x256xf32, #tpu.memory_space<hbm>> -> memref<128x256xf32, #tpu.memory_space<hbm>>
      %dma_start3A_16 = arith.constant 0 : i32
      %dma_start3A_17 = tpu.memref_slice %arg2[%add3A_13, %dma_start3A_16] : memref<50000x256xf32, #tpu.memory_space<hbm>> -> memref<128x256xf32, #tpu.memory_space<hbm>>
      tpu.enqueue_dma source(%dma_start3A_17 : memref<128x256xf32, #tpu.memory_space<hbm>>) target(%arg8 : memref<128x256xf32, #tpu.memory_space<vmem>>) target_semaphore(%arg11 : memref<!tpu.dma_semaphore, #tpu.memory_space<semaphore_mem>>)
      %add3A_18 = arith.constant 128 : i32
      %add3A_19 = arith.addi %mul3A_8, %add3A_18 : i32
      %dma_start3A_20 = tpu.memref_slice %arg3[%add3A_19] : memref<50000xi32, #tpu.memory_space<hbm>> -> memref<128xi32, #tpu.memory_space<hbm>>
      %dma_start3A_21 = tpu.memref_slice %arg3[%add3A_19] : memref<50000xi32, #tpu.memory_space<hbm>> -> memref<128xi32, #tpu.memory_space<hbm>>
      tpu.enqueue_dma source(%dma_start3A_21 : memref<128xi32, #tpu.memory_space<hbm>>) target(%arg6 : memref<128xi32, #tpu.memory_space<vmem>>) target_semaphore(%arg12 : memref<!tpu.dma_semaphore, #tpu.memory_space<semaphore_mem>>)
      %add3A_22 = arith.constant 128 : i32
      %add3A_23 = arith.addi %mul3A_8, %add3A_22 : i32
      %dma_start3A_24 = arith.constant 0 : i32
      %dma_start3A_25 = tpu.memref_slice %arg2[%add3A_23, %dma_start3A_24] : memref<50000x256xf32, #tpu.memory_space<hbm>> -> memref<128x256xf32, #tpu.memory_space<hbm>>
      %dma_start3A_26 = arith.constant 0 : i32
      %dma_start3A_27 = tpu.memref_slice %arg2[%add3A_23, %dma_start3A_26] : memref<50000x256xf32, #tpu.memory_space<hbm>> -> memref<128x256xf32, #tpu.memory_space<hbm>>
      tpu.enqueue_dma source(%dma_start3A_27 : memref<128x256xf32, #tpu.memory_space<hbm>>) target(%arg9 : memref<128x256xf32, #tpu.memory_space<vmem>>) target_semaphore(%arg12 : memref<!tpu.dma_semaphore, #tpu.memory_space<semaphore_mem>>)
      %dma_wait3A = tpu.memref_slice %arg3[%add3A_10] : memref<50000xi32, #tpu.memory_space<hbm>> -> memref<128xi32, #tpu.memory_space<hbm>>
      %dma_wait3A_28 = tpu.memref_slice %arg3[%add3A_10] : memref<50000xi32, #tpu.memory_space<hbm>> -> memref<128xi32, #tpu.memory_space<hbm>>
      tpu.wait_dma2 semaphore(%arg11 : memref<!tpu.dma_semaphore, #tpu.memory_space<semaphore_mem>>) src(%dma_wait3A_28 : memref<128xi32, #tpu.memory_space<hbm>>) dst(%arg5 : memref<128xi32, #tpu.memory_space<vmem>>)
      %dma_wait3A_29 = arith.constant 0 : i32
      %dma_wait3A_30 = tpu.memref_slice %arg2[%add3A_13, %dma_wait3A_29] : memref<50000x256xf32, #tpu.memory_space<hbm>> -> memref<128x256xf32, #tpu.memory_space<hbm>>
      %dma_wait3A_31 = arith.constant 0 : i32
      %dma_wait3A_32 = tpu.memref_slice %arg2[%add3A_13, %dma_wait3A_31] : memref<50000x256xf32, #tpu.memory_space<hbm>> -> memref<128x256xf32, #tpu.memory_space<hbm>>
      tpu.wait_dma2 semaphore(%arg11 : memref<!tpu.dma_semaphore, #tpu.memory_space<semaphore_mem>>) src(%dma_wait3A_32 : memref<128x256xf32, #tpu.memory_space<hbm>>) dst(%arg8 : memref<128x256xf32, #tpu.memory_space<vmem>>)
      %dma_start3A_33 = arith.constant 0 : i32
      %dma_start3A_34 = arith.constant 0 : i32
      %dma_start3A_35 = tpu.memref_slice %arg4[%dma_start3A_33, %dma_start3A_34] : memref<53248x256xf32, #tpu.memory_space<hbm>> -> memref<53248x256xf32, #tpu.memory_space<hbm>>
      tpu.enqueue_indirect_dma source(%arg8 : memref<128x256xf32, #tpu.memory_space<vmem>>) target(%dma_start3A_35 : memref<53248x256xf32, #tpu.memory_space<hbm>>) offsets(%arg5 : memref<128xi32, #tpu.memory_space<vmem>>) semaphore(%arg14 : memref<!tpu.dma_semaphore, #tpu.memory_space<semaphore_mem>>)
      %add3A_36 = arith.constant 256 : i32
      %add3A_37 = arith.addi %mul3A_8, %add3A_36 : i32
      %dma_start3A_38 = tpu.memref_slice %arg3[%add3A_37] : memref<50000xi32, #tpu.memory_space<hbm>> -> memref<128xi32, #tpu.memory_space<hbm>>
      %dma_start3A_39 = tpu.memref_slice %arg3[%add3A_37] : memref<50000xi32, #tpu.memory_space<hbm>> -> memref<128xi32, #tpu.memory_space<hbm>>
      tpu.enqueue_dma source(%dma_start3A_39 : memref<128xi32, #tpu.memory_space<hbm>>) target(%arg7 : memref<128xi32, #tpu.memory_space<vmem>>) target_semaphore(%arg13 : memref<!tpu.dma_semaphore, #tpu.memory_space<semaphore_mem>>)
      %add3A_40 = arith.constant 256 : i32
      %add3A_41 = arith.addi %mul3A_8, %add3A_40 : i32
      %dma_start3A_42 = arith.constant 0 : i32
      %dma_start3A_43 = tpu.memref_slice %arg2[%add3A_41, %dma_start3A_42] : memref<50000x256xf32, #tpu.memory_space<hbm>> -> memref<128x256xf32, #tpu.memory_space<hbm>>
      %dma_start3A_44 = arith.constant 0 : i32
      %dma_start3A_45 = tpu.memref_slice %arg2[%add3A_41, %dma_start3A_44] : memref<50000x256xf32, #tpu.memory_space<hbm>> -> memref<128x256xf32, #tpu.memory_space<hbm>>
      tpu.enqueue_dma source(%dma_start3A_45 : memref<128x256xf32, #tpu.memory_space<hbm>>) target(%arg10 : memref<128x256xf32, #tpu.memory_space<vmem>>) target_semaphore(%arg13 : memref<!tpu.dma_semaphore, #tpu.memory_space<semaphore_mem>>)
      %dma_wait3A_46 = tpu.memref_slice %arg3[%add3A_19] : memref<50000xi32, #tpu.memory_space<hbm>> -> memref<128xi32, #tpu.memory_space<hbm>>
      %dma_wait3A_47 = tpu.memref_slice %arg3[%add3A_19] : memref<50000xi32, #tpu.memory_space<hbm>> -> memref<128xi32, #tpu.memory_space<hbm>>
      tpu.wait_dma2 semaphore(%arg12 : memref<!tpu.dma_semaphore, #tpu.memory_space<semaphore_mem>>) src(%dma_wait3A_47 : memref<128xi32, #tpu.memory_space<hbm>>) dst(%arg6 : memref<128xi32, #tpu.memory_space<vmem>>)
      %dma_wait3A_48 = arith.constant 0 : i32
      %dma_wait3A_49 = tpu.memref_slice %arg2[%add3A_23, %dma_wait3A_48] : memref<50000x256xf32, #tpu.memory_space<hbm>> -> memref<128x256xf32, #tpu.memory_space<hbm>>
      %dma_wait3A_50 = arith.constant 0 : i32
      %dma_wait3A_51 = tpu.memref_slice %arg2[%add3A_23, %dma_wait3A_50] : memref<50000x256xf32, #tpu.memory_space<hbm>> -> memref<128x256xf32, #tpu.memory_space<hbm>>
      tpu.wait_dma2 semaphore(%arg12 : memref<!tpu.dma_semaphore, #tpu.memory_space<semaphore_mem>>) src(%dma_wait3A_51 : memref<128x256xf32, #tpu.memory_space<hbm>>) dst(%arg9 : memref<128x256xf32, #tpu.memory_space<vmem>>)
      %dma_start3A_52 = arith.constant 0 : i32
      %dma_start3A_53 = arith.constant 0 : i32
      %dma_start3A_54 = tpu.memref_slice %arg4[%dma_start3A_52, %dma_start3A_53] : memref<53248x256xf32, #tpu.memory_space<hbm>> -> memref<53248x256xf32, #tpu.memory_space<hbm>>
      tpu.enqueue_indirect_dma source(%arg9 : memref<128x256xf32, #tpu.memory_space<vmem>>) target(%dma_start3A_54 : memref<53248x256xf32, #tpu.memory_space<hbm>>) offsets(%arg6 : memref<128xi32, #tpu.memory_space<vmem>>) semaphore(%arg15 : memref<!tpu.dma_semaphore, #tpu.memory_space<semaphore_mem>>)
      %dma_wait3A_55 = arith.constant 0 : i32
      %dma_wait3A_56 = arith.constant 0 : i32
      %dma_wait3A_57 = tpu.memref_slice %arg4[%dma_wait3A_55, %dma_wait3A_56] : memref<53248x256xf32, #tpu.memory_space<hbm>> -> memref<53248x256xf32, #tpu.memory_space<hbm>>
      tpu.wait_indirect_dma semaphore(%arg14 : memref<!tpu.dma_semaphore, #tpu.memory_space<semaphore_mem>>) src(%arg8 : memref<128x256xf32, #tpu.memory_space<vmem>>) dst(%dma_wait3A_57 : memref<53248x256xf32, #tpu.memory_space<hbm>>)
      %add3A_58 = arith.constant 384 : i32
      %add3A_59 = arith.addi %mul3A_8, %add3A_58 : i32
      %dma_start3A_60 = tpu.memref_slice %arg3[%add3A_59] : memref<50000xi32, #tpu.memory_space<hbm>> -> memref<128xi32, #tpu.memory_space<hbm>>
      %dma_start3A_61 = tpu.memref_slice %arg3[%add3A_59] : memref<50000xi32, #tpu.memory_space<hbm>> -> memref<128xi32, #tpu.memory_space<hbm>>
      tpu.enqueue_dma source(%dma_start3A_61 : memref<128xi32, #tpu.memory_space<hbm>>) target(%arg5 : memref<128xi32, #tpu.memory_space<vmem>>) target_semaphore(%arg11 : memref<!tpu.dma_semaphore, #tpu.memory_space<semaphore_mem>>)
      %add3A_62 = arith.constant 384 : i32
      %add3A_63 = arith.addi %mul3A_8, %add3A_62 : i32
      %dma_start3A_64 = arith.constant 0 : i32
      %dma_start3A_65 = tpu.memref_slice %arg2[%add3A_63, %dma_start3A_64] : memref<50000x256xf32, #tpu.memory_space<hbm>> -> memref<128x256xf32, #tpu.memory_space<hbm>>
      %dma_start3A_66 = arith.constant 0 : i32
      %dma_start3A_67 = tpu.memref_slice %arg2[%add3A_63, %dma_start3A_66] : memref<50000x256xf32, #tpu.memory_space<hbm>> -> memref<128x256xf32, #tpu.memory_space<hbm>>
      tpu.enqueue_dma source(%dma_start3A_67 : memref<128x256xf32, #tpu.memory_space<hbm>>) target(%arg8 : memref<128x256xf32, #tpu.memory_space<vmem>>) target_semaphore(%arg11 : memref<!tpu.dma_semaphore, #tpu.memory_space<semaphore_mem>>)
      %dma_wait3A_68 = tpu.memref_slice %arg3[%add3A_37] : memref<50000xi32, #tpu.memory_space<hbm>> -> memref<128xi32, #tpu.memory_space<hbm>>
      %dma_wait3A_69 = tpu.memref_slice %arg3[%add3A_37] : memref<50000xi32, #tpu.memory_space<hbm>> -> memref<128xi32, #tpu.memory_space<hbm>>
      tpu.wait_dma2 semaphore(%arg13 : memref<!tpu.dma_semaphore, #tpu.memory_space<semaphore_mem>>) src(%dma_wait3A_69 : memref<128xi32, #tpu.memory_space<hbm>>) dst(%arg7 : memref<128xi32, #tpu.memory_space<vmem>>)
      %dma_wait3A_70 = arith.constant 0 : i32
      %dma_wait3A_71 = tpu.memref_slice %arg2[%add3A_41, %dma_wait3A_70] : memref<50000x256xf32, #tpu.memory_space<hbm>> -> memref<128x256xf32, #tpu.memory_space<hbm>>
      %dma_wait3A_72 = arith.constant 0 : i32
      %dma_wait3A_73 = tpu.memref_slice %arg2[%add3A_41, %dma_wait3A_72] : memref<50000x256xf32, #tpu.memory_space<hbm>> -> memref<128x256xf32, #tpu.memory_space<hbm>>
      tpu.wait_dma2 semaphore(%arg13 : memref<!tpu.dma_semaphore, #tpu.memory_space<semaphore_mem>>) src(%dma_wait3A_73 : memref<128x256xf32, #tpu.memory_space<hbm>>) dst(%arg10 : memref<128x256xf32, #tpu.memory_space<vmem>>)
      %dma_start3A_74 = arith.constant 0 : i32
      %dma_start3A_75 = arith.constant 0 : i32
      %dma_start3A_76 = tpu.memref_slice %arg4[%dma_start3A_74, %dma_start3A_75] : memref<53248x256xf32, #tpu.memory_space<hbm>> -> memref<53248x256xf32, #tpu.memory_space<hbm>>
      tpu.enqueue_indirect_dma source(%arg10 : memref<128x256xf32, #tpu.memory_space<vmem>>) target(%dma_start3A_76 : memref<53248x256xf32, #tpu.memory_space<hbm>>) offsets(%arg7 : memref<128xi32, #tpu.memory_space<vmem>>) semaphore(%arg16 : memref<!tpu.dma_semaphore, #tpu.memory_space<semaphore_mem>>)
      %dma_wait3A_77 = arith.constant 0 : i32
      %dma_wait3A_78 = arith.constant 0 : i32
      %dma_wait3A_79 = tpu.memref_slice %arg4[%dma_wait3A_77, %dma_wait3A_78] : memref<53248x256xf32, #tpu.memory_space<hbm>> -> memref<53248x256xf32, #tpu.memory_space<hbm>>
      tpu.wait_indirect_dma semaphore(%arg15 : memref<!tpu.dma_semaphore, #tpu.memory_space<semaphore_mem>>) src(%arg9 : memref<128x256xf32, #tpu.memory_space<vmem>>) dst(%dma_wait3A_79 : memref<53248x256xf32, #tpu.memory_space<hbm>>)
      %add3A_80 = arith.constant 512 : i32
      %add3A_81 = arith.addi %mul3A_8, %add3A_80 : i32
      %dma_start3A_82 = tpu.memref_slice %arg3[%add3A_81] : memref<50000xi32, #tpu.memory_space<hbm>> -> memref<128xi32, #tpu.memory_space<hbm>>
      %dma_start3A_83 = tpu.memref_slice %arg3[%add3A_81] : memref<50000xi32, #tpu.memory_space<hbm>> -> memref<128xi32, #tpu.memory_space<hbm>>
      tpu.enqueue_dma source(%dma_start3A_83 : memref<128xi32, #tpu.memory_space<hbm>>) target(%arg6 : memref<128xi32, #tpu.memory_space<vmem>>) target_semaphore(%arg12 : memref<!tpu.dma_semaphore, #tpu.memory_space<semaphore_mem>>)
      %add3A_84 = arith.constant 512 : i32
      %add3A_85 = arith.addi %mul3A_8, %add3A_84 : i32
      %dma_start3A_86 = arith.constant 0 : i32
      %dma_start3A_87 = tpu.memref_slice %arg2[%add3A_85, %dma_start3A_86] : memref<50000x256xf32, #tpu.memory_space<hbm>> -> memref<128x256xf32, #tpu.memory_space<hbm>>
      %dma_start3A_88 = arith.constant 0 : i32
      %dma_start3A_89 = tpu.memref_slice %arg2[%add3A_85, %dma_start3A_88] : memref<50000x256xf32, #tpu.memory_space<hbm>> -> memref<128x256xf32, #tpu.memory_space<hbm>>
      tpu.enqueue_dma source(%dma_start3A_89 : memref<128x256xf32, #tpu.memory_space<hbm>>) target(%arg9 : memref<128x256xf32, #tpu.memory_space<vmem>>) target_semaphore(%arg12 : memref<!tpu.dma_semaphore, #tpu.memory_space<semaphore_mem>>)
      %dma_wait3A_90 = tpu.memref_slice %arg3[%add3A_59] : memref<50000xi32, #tpu.memory_space<hbm>> -> memref<128xi32, #tpu.memory_space<hbm>>
      %dma_wait3A_91 = tpu.memref_slice %arg3[%add3A_59] : memref<50000xi32, #tpu.memory_space<hbm>> -> memref<128xi32, #tpu.memory_space<hbm>>
      tpu.wait_dma2 semaphore(%arg11 : memref<!tpu.dma_semaphore, #tpu.memory_space<semaphore_mem>>) src(%dma_wait3A_91 : memref<128xi32, #tpu.memory_space<hbm>>) dst(%arg5 : memref<128xi32, #tpu.memory_space<vmem>>)
      %dma_wait3A_92 = arith.constant 0 : i32
      %dma_wait3A_93 = tpu.memref_slice %arg2[%add3A_63, %dma_wait3A_92] : memref<50000x256xf32, #tpu.memory_space<hbm>> -> memref<128x256xf32, #tpu.memory_space<hbm>>
      %dma_wait3A_94 = arith.constant 0 : i32
      %dma_wait3A_95 = tpu.memref_slice %arg2[%add3A_63, %dma_wait3A_94] : memref<50000x256xf32, #tpu.memory_space<hbm>> -> memref<128x256xf32, #tpu.memory_space<hbm>>
      tpu.wait_dma2 semaphore(%arg11 : memref<!tpu.dma_semaphore, #tpu.memory_space<semaphore_mem>>) src(%dma_wait3A_95 : memref<128x256xf32, #tpu.memory_space<hbm>>) dst(%arg8 : memref<128x256xf32, #tpu.memory_space<vmem>>)
      %dma_start3A_96 = arith.constant 0 : i32
      %dma_start3A_97 = arith.constant 0 : i32
      %dma_start3A_98 = tpu.memref_slice %arg4[%dma_start3A_96, %dma_start3A_97] : memref<53248x256xf32, #tpu.memory_space<hbm>> -> memref<53248x256xf32, #tpu.memory_space<hbm>>
      tpu.enqueue_indirect_dma source(%arg8 : memref<128x256xf32, #tpu.memory_space<vmem>>) target(%dma_start3A_98 : memref<53248x256xf32, #tpu.memory_space<hbm>>) offsets(%arg5 : memref<128xi32, #tpu.memory_space<vmem>>) semaphore(%arg14 : memref<!tpu.dma_semaphore, #tpu.memory_space<semaphore_mem>>)
      %dma_wait3A_99 = arith.constant 0 : i32
      %dma_wait3A_100 = arith.constant 0 : i32
      %dma_wait3A_101 = tpu.memref_slice %arg4[%dma_wait3A_99, %dma_wait3A_100] : memref<53248x256xf32, #tpu.memory_space<hbm>> -> memref<53248x256xf32, #tpu.memory_space<hbm>>
      tpu.wait_indirect_dma semaphore(%arg16 : memref<!tpu.dma_semaphore, #tpu.memory_space<semaphore_mem>>) src(%arg10 : memref<128x256xf32, #tpu.memory_space<vmem>>) dst(%dma_wait3A_101 : memref<53248x256xf32, #tpu.memory_space<hbm>>)
      %add3A_102 = arith.constant 640 : i32
      %add3A_103 = arith.addi %mul3A_8, %add3A_102 : i32
      %dma_start3A_104 = tpu.memref_slice %arg3[%add3A_103] : memref<50000xi32, #tpu.memory_space<hbm>> -> memref<128xi32, #tpu.memory_space<hbm>>
      %dma_start3A_105 = tpu.memref_slice %arg3[%add3A_103] : memref<50000xi32, #tpu.memory_space<hbm>> -> memref<128xi32, #tpu.memory_space<hbm>>
      tpu.enqueue_dma source(%dma_start3A_105 : memref<128xi32, #tpu.memory_space<hbm>>) target(%arg7 : memref<128xi32, #tpu.memory_space<vmem>>) target_semaphore(%arg13 : memref<!tpu.dma_semaphore, #tpu.memory_space<semaphore_mem>>)
      %add3A_106 = arith.constant 640 : i32
      %add3A_107 = arith.addi %mul3A_8, %add3A_106 : i32
      %dma_start3A_108 = arith.constant 0 : i32
      %dma_start3A_109 = tpu.memref_slice %arg2[%add3A_107, %dma_start3A_108] : memref<50000x256xf32, #tpu.memory_space<hbm>> -> memref<128x256xf32, #tpu.memory_space<hbm>>
      %dma_start3A_110 = arith.constant 0 : i32
      %dma_start3A_111 = tpu.memref_slice %arg2[%add3A_107, %dma_start3A_110] : memref<50000x256xf32, #tpu.memory_space<hbm>> -> memref<128x256xf32, #tpu.memory_space<hbm>>
      tpu.enqueue_dma source(%dma_start3A_111 : memref<128x256xf32, #tpu.memory_space<hbm>>) target(%arg10 : memref<128x256xf32, #tpu.memory_space<vmem>>) target_semaphore(%arg13 : memref<!tpu.dma_semaphore, #tpu.memory_space<semaphore_mem>>)
      %dma_wait3A_112 = tpu.memref_slice %arg3[%add3A_81] : memref<50000xi32, #tpu.memory_space<hbm>> -> memref<128xi32, #tpu.memory_space<hbm>>
      %dma_wait3A_113 = tpu.memref_slice %arg3[%add3A_81] : memref<50000xi32, #tpu.memory_space<hbm>> -> memref<128xi32, #tpu.memory_space<hbm>>
      tpu.wait_dma2 semaphore(%arg12 : memref<!tpu.dma_semaphore, #tpu.memory_space<semaphore_mem>>) src(%dma_wait3A_113 : memref<128xi32, #tpu.memory_space<hbm>>) dst(%arg6 : memref<128xi32, #tpu.memory_space<vmem>>)
      %dma_wait3A_114 = arith.constant 0 : i32
      %dma_wait3A_115 = tpu.memref_slice %arg2[%add3A_85, %dma_wait3A_114] : memref<50000x256xf32, #tpu.memory_space<hbm>> -> memref<128x256xf32, #tpu.memory_space<hbm>>
      %dma_wait3A_116 = arith.constant 0 : i32
      %dma_wait3A_117 = tpu.memref_slice %arg2[%add3A_85, %dma_wait3A_116] : memref<50000x256xf32, #tpu.memory_space<hbm>> -> memref<128x256xf32, #tpu.memory_space<hbm>>
      tpu.wait_dma2 semaphore(%arg12 : memref<!tpu.dma_semaphore, #tpu.memory_space<semaphore_mem>>) src(%dma_wait3A_117 : memref<128x256xf32, #tpu.memory_space<hbm>>) dst(%arg9 : memref<128x256xf32, #tpu.memory_space<vmem>>)
      %dma_start3A_118 = arith.constant 0 : i32
      %dma_start3A_119 = arith.constant 0 : i32
      %dma_start3A_120 = tpu.memref_slice %arg4[%dma_start3A_118, %dma_start3A_119] : memref<53248x256xf32, #tpu.memory_space<hbm>> -> memref<53248x256xf32, #tpu.memory_space<hbm>>
      tpu.enqueue_indirect_dma source(%arg9 : memref<128x256xf32, #tpu.memory_space<vmem>>) target(%dma_start3A_120 : memref<53248x256xf32, #tpu.memory_space<hbm>>) offsets(%arg6 : memref<128xi32, #tpu.memory_space<vmem>>) semaphore(%arg15 : memref<!tpu.dma_semaphore, #tpu.memory_space<semaphore_mem>>)
      %dma_wait3A_121 = arith.constant 0 : i32
      %dma_wait3A_122 = arith.constant 0 : i32
      %dma_wait3A_123 = tpu.memref_slice %arg4[%dma_wait3A_121, %dma_wait3A_122] : memref<53248x256xf32, #tpu.memory_space<hbm>> -> memref<53248x256xf32, #tpu.memory_space<hbm>>
      tpu.wait_indirect_dma semaphore(%arg14 : memref<!tpu.dma_semaphore, #tpu.memory_space<semaphore_mem>>) src(%arg8 : memref<128x256xf32, #tpu.memory_space<vmem>>) dst(%dma_wait3A_123 : memref<53248x256xf32, #tpu.memory_space<hbm>>)
      %add3A_124 = arith.constant 768 : i32
      %add3A_125 = arith.addi %mul3A_8, %add3A_124 : i32
      %dma_start3A_126 = tpu.memref_slice %arg3[%add3A_125] : memref<50000xi32, #tpu.memory_space<hbm>> -> memref<128xi32, #tpu.memory_space<hbm>>
      %dma_start3A_127 = tpu.memref_slice %arg3[%add3A_125] : memref<50000xi32, #tpu.memory_space<hbm>> -> memref<128xi32, #tpu.memory_space<hbm>>
      tpu.enqueue_dma source(%dma_start3A_127 : memref<128xi32, #tpu.memory_space<hbm>>) target(%arg5 : memref<128xi32, #tpu.memory_space<vmem>>) target_semaphore(%arg11 : memref<!tpu.dma_semaphore, #tpu.memory_space<semaphore_mem>>)
      %add3A_128 = arith.constant 768 : i32
      %add3A_129 = arith.addi %mul3A_8, %add3A_128 : i32
      %dma_start3A_130 = arith.constant 0 : i32
      %dma_start3A_131 = tpu.memref_slice %arg2[%add3A_129, %dma_start3A_130] : memref<50000x256xf32, #tpu.memory_space<hbm>> -> memref<128x256xf32, #tpu.memory_space<hbm>>
      %dma_start3A_132 = arith.constant 0 : i32
      %dma_start3A_133 = tpu.memref_slice %arg2[%add3A_129, %dma_start3A_132] : memref<50000x256xf32, #tpu.memory_space<hbm>> -> memref<128x256xf32, #tpu.memory_space<hbm>>
      tpu.enqueue_dma source(%dma_start3A_133 : memref<128x256xf32, #tpu.memory_space<hbm>>) target(%arg8 : memref<128x256xf32, #tpu.memory_space<vmem>>) target_semaphore(%arg11 : memref<!tpu.dma_semaphore, #tpu.memory_space<semaphore_mem>>)
      %dma_wait3A_134 = tpu.memref_slice %arg3[%add3A_103] : memref<50000xi32, #tpu.memory_space<hbm>> -> memref<128xi32, #tpu.memory_space<hbm>>
      %dma_wait3A_135 = tpu.memref_slice %arg3[%add3A_103] : memref<50000xi32, #tpu.memory_space<hbm>> -> memref<128xi32, #tpu.memory_space<hbm>>
      tpu.wait_dma2 semaphore(%arg13 : memref<!tpu.dma_semaphore, #tpu.memory_space<semaphore_mem>>) src(%dma_wait3A_135 : memref<128xi32, #tpu.memory_space<hbm>>) dst(%arg7 : memref<128xi32, #tpu.memory_space<vmem>>)
      %dma_wait3A_136 = arith.constant 0 : i32
      %dma_wait3A_137 = tpu.memref_slice %arg2[%add3A_107, %dma_wait3A_136] : memref<50000x256xf32, #tpu.memory_space<hbm>> -> memref<128x256xf32, #tpu.memory_space<hbm>>
      %dma_wait3A_138 = arith.constant 0 : i32
      %dma_wait3A_139 = tpu.memref_slice %arg2[%add3A_107, %dma_wait3A_138] : memref<50000x256xf32, #tpu.memory_space<hbm>> -> memref<128x256xf32, #tpu.memory_space<hbm>>
      tpu.wait_dma2 semaphore(%arg13 : memref<!tpu.dma_semaphore, #tpu.memory_space<semaphore_mem>>) src(%dma_wait3A_139 : memref<128x256xf32, #tpu.memory_space<hbm>>) dst(%arg10 : memref<128x256xf32, #tpu.memory_space<vmem>>)
      %dma_start3A_140 = arith.constant 0 : i32
      %dma_start3A_141 = arith.constant 0 : i32
      %dma_start3A_142 = tpu.memref_slice %arg4[%dma_start3A_140, %dma_start3A_141] : memref<53248x256xf32, #tpu.memory_space<hbm>> -> memref<53248x256xf32, #tpu.memory_space<hbm>>
      tpu.enqueue_indirect_dma source(%arg10 : memref<128x256xf32, #tpu.memory_space<vmem>>) target(%dma_start3A_142 : memref<53248x256xf32, #tpu.memory_space<hbm>>) offsets(%arg7 : memref<128xi32, #tpu.memory_space<vmem>>) semaphore(%arg16 : memref<!tpu.dma_semaphore, #tpu.memory_space<semaphore_mem>>)
      %dma_wait3A_143 = arith.constant 0 : i32
      %dma_wait3A_144 = arith.constant 0 : i32
      %dma_wait3A_145 = tpu.memref_slice %arg4[%dma_wait3A_143, %dma_wait3A_144] : memref<53248x256xf32, #tpu.memory_space<hbm>> -> memref<53248x256xf32, #tpu.memory_space<hbm>>
      tpu.wait_indirect_dma semaphore(%arg15 : memref<!tpu.dma_semaphore, #tpu.memory_space<semaphore_mem>>) src(%arg9 : memref<128x256xf32, #tpu.memory_space<vmem>>) dst(%dma_wait3A_145 : memref<53248x256xf32, #tpu.memory_space<hbm>>)
      %add3A_146 = arith.constant 896 : i32
      %add3A_147 = arith.addi %mul3A_8, %add3A_146 : i32
      %dma_start3A_148 = tpu.memref_slice %arg3[%add3A_147] : memref<50000xi32, #tpu.memory_space<hbm>> -> memref<128xi32, #tpu.memory_space<hbm>>
      %dma_start3A_149 = tpu.memref_slice %arg3[%add3A_147] : memref<50000xi32, #tpu.memory_space<hbm>> -> memref<128xi32, #tpu.memory_space<hbm>>
      tpu.enqueue_dma source(%dma_start3A_149 : memref<128xi32, #tpu.memory_space<hbm>>) target(%arg6 : memref<128xi32, #tpu.memory_space<vmem>>) target_semaphore(%arg12 : memref<!tpu.dma_semaphore, #tpu.memory_space<semaphore_mem>>)
      %add3A_150 = arith.constant 896 : i32
      %add3A_151 = arith.addi %mul3A_8, %add3A_150 : i32
      %dma_start3A_152 = arith.constant 0 : i32
      %dma_start3A_153 = tpu.memref_slice %arg2[%add3A_151, %dma_start3A_152] : memref<50000x256xf32, #tpu.memory_space<hbm>> -> memref<128x256xf32, #tpu.memory_space<hbm>>
      %dma_start3A_154 = arith.constant 0 : i32
      %dma_start3A_155 = tpu.memref_slice %arg2[%add3A_151, %dma_start3A_154] : memref<50000x256xf32, #tpu.memory_space<hbm>> -> memref<128x256xf32, #tpu.memory_space<hbm>>
      tpu.enqueue_dma source(%dma_start3A_155 : memref<128x256xf32, #tpu.memory_space<hbm>>) target(%arg9 : memref<128x256xf32, #tpu.memory_space<vmem>>) target_semaphore(%arg12 : memref<!tpu.dma_semaphore, #tpu.memory_space<semaphore_mem>>)
      %dma_wait3A_156 = tpu.memref_slice %arg3[%add3A_125] : memref<50000xi32, #tpu.memory_space<hbm>> -> memref<128xi32, #tpu.memory_space<hbm>>
      %dma_wait3A_157 = tpu.memref_slice %arg3[%add3A_125] : memref<50000xi32, #tpu.memory_space<hbm>> -> memref<128xi32, #tpu.memory_space<hbm>>
      tpu.wait_dma2 semaphore(%arg11 : memref<!tpu.dma_semaphore, #tpu.memory_space<semaphore_mem>>) src(%dma_wait3A_157 : memref<128xi32, #tpu.memory_space<hbm>>) dst(%arg5 : memref<128xi32, #tpu.memory_space<vmem>>)
      %dma_wait3A_158 = arith.constant 0 : i32
      %dma_wait3A_159 = tpu.memref_slice %arg2[%add3A_129, %dma_wait3A_158] : memref<50000x256xf32, #tpu.memory_space<hbm>> -> memref<128x256xf32, #tpu.memory_space<hbm>>
      %dma_wait3A_160 = arith.constant 0 : i32
      %dma_wait3A_161 = tpu.memref_slice %arg2[%add3A_129, %dma_wait3A_160] : memref<50000x256xf32, #tpu.memory_space<hbm>> -> memref<128x256xf32, #tpu.memory_space<hbm>>
      tpu.wait_dma2 semaphore(%arg11 : memref<!tpu.dma_semaphore, #tpu.memory_space<semaphore_mem>>) src(%dma_wait3A_161 : memref<128x256xf32, #tpu.memory_space<hbm>>) dst(%arg8 : memref<128x256xf32, #tpu.memory_space<vmem>>)
      %dma_start3A_162 = arith.constant 0 : i32
      %dma_start3A_163 = arith.constant 0 : i32
      %dma_start3A_164 = tpu.memref_slice %arg4[%dma_start3A_162, %dma_start3A_163] : memref<53248x256xf32, #tpu.memory_space<hbm>> -> memref<53248x256xf32, #tpu.memory_space<hbm>>
      tpu.enqueue_indirect_dma source(%arg8 : memref<128x256xf32, #tpu.memory_space<vmem>>) target(%dma_start3A_164 : memref<53248x256xf32, #tpu.memory_space<hbm>>) offsets(%arg5 : memref<128xi32, #tpu.memory_space<vmem>>) semaphore(%arg14 : memref<!tpu.dma_semaphore, #tpu.memory_space<semaphore_mem>>)
      %dma_wait3A_165 = arith.constant 0 : i32
      %dma_wait3A_166 = arith.constant 0 : i32
      %dma_wait3A_167 = tpu.memref_slice %arg4[%dma_wait3A_165, %dma_wait3A_166] : memref<53248x256xf32, #tpu.memory_space<hbm>> -> memref<53248x256xf32, #tpu.memory_space<hbm>>
      tpu.wait_indirect_dma semaphore(%arg16 : memref<!tpu.dma_semaphore, #tpu.memory_space<semaphore_mem>>) src(%arg10 : memref<128x256xf32, #tpu.memory_space<vmem>>) dst(%dma_wait3A_167 : memref<53248x256xf32, #tpu.memory_space<hbm>>)
      %add3A_168 = arith.constant 1024 : i32
      %add3A_169 = arith.addi %mul3A_8, %add3A_168 : i32
      %dma_start3A_170 = tpu.memref_slice %arg3[%add3A_169] : memref<50000xi32, #tpu.memory_space<hbm>> -> memref<128xi32, #tpu.memory_space<hbm>>
      %dma_start3A_171 = tpu.memref_slice %arg3[%add3A_169] : memref<50000xi32, #tpu.memory_space<hbm>> -> memref<128xi32, #tpu.memory_space<hbm>>
      tpu.enqueue_dma source(%dma_start3A_171 : memref<128xi32, #tpu.memory_space<hbm>>) target(%arg7 : memref<128xi32, #tpu.memory_space<vmem>>) target_semaphore(%arg13 : memref<!tpu.dma_semaphore, #tpu.memory_space<semaphore_mem>>)
      %add3A_172 = arith.constant 1024 : i32
      %add3A_173 = arith.addi %mul3A_8, %add3A_172 : i32
      %dma_start3A_174 = arith.constant 0 : i32
      %dma_start3A_175 = tpu.memref_slice %arg2[%add3A_173, %dma_start3A_174] : memref<50000x256xf32, #tpu.memory_space<hbm>> -> memref<128x256xf32, #tpu.memory_space<hbm>>
      %dma_start3A_176 = arith.constant 0 : i32
      %dma_start3A_177 = tpu.memref_slice %arg2[%add3A_173, %dma_start3A_176] : memref<50000x256xf32, #tpu.memory_space<hbm>> -> memref<128x256xf32, #tpu.memory_space<hbm>>
      tpu.enqueue_dma source(%dma_start3A_177 : memref<128x256xf32, #tpu.memory_space<hbm>>) target(%arg10 : memref<128x256xf32, #tpu.memory_space<vmem>>) target_semaphore(%arg13 : memref<!tpu.dma_semaphore, #tpu.memory_space<semaphore_mem>>)
      %dma_wait3A_178 = tpu.memref_slice %arg3[%add3A_147] : memref<50000xi32, #tpu.memory_space<hbm>> -> memref<128xi32, #tpu.memory_space<hbm>>
      %dma_wait3A_179 = tpu.memref_slice %arg3[%add3A_147] : memref<50000xi32, #tpu.memory_space<hbm>> -> memref<128xi32, #tpu.memory_space<hbm>>
      tpu.wait_dma2 semaphore(%arg12 : memref<!tpu.dma_semaphore, #tpu.memory_space<semaphore_mem>>) src(%dma_wait3A_179 : memref<128xi32, #tpu.memory_space<hbm>>) dst(%arg6 : memref<128xi32, #tpu.memory_space<vmem>>)
      %dma_wait3A_180 = arith.constant 0 : i32
      %dma_wait3A_181 = tpu.memref_slice %arg2[%add3A_151, %dma_wait3A_180] : memref<50000x256xf32, #tpu.memory_space<hbm>> -> memref<128x256xf32, #tpu.memory_space<hbm>>
      %dma_wait3A_182 = arith.constant 0 : i32
      %dma_wait3A_183 = tpu.memref_slice %arg2[%add3A_151, %dma_wait3A_182] : memref<50000x256xf32, #tpu.memory_space<hbm>> -> memref<128x256xf32, #tpu.memory_space<hbm>>
      tpu.wait_dma2 semaphore(%arg12 : memref<!tpu.dma_semaphore, #tpu.memory_space<semaphore_mem>>) src(%dma_wait3A_183 : memref<128x256xf32, #tpu.memory_space<hbm>>) dst(%arg9 : memref<128x256xf32, #tpu.memory_space<vmem>>)
      %dma_start3A_184 = arith.constant 0 : i32
      %dma_start3A_185 = arith.constant 0 : i32
      %dma_start3A_186 = tpu.memref_slice %arg4[%dma_start3A_184, %dma_start3A_185] : memref<53248x256xf32, #tpu.memory_space<hbm>> -> memref<53248x256xf32, #tpu.memory_space<hbm>>
      tpu.enqueue_indirect_dma source(%arg9 : memref<128x256xf32, #tpu.memory_space<vmem>>) target(%dma_start3A_186 : memref<53248x256xf32, #tpu.memory_space<hbm>>) offsets(%arg6 : memref<128xi32, #tpu.memory_space<vmem>>) semaphore(%arg15 : memref<!tpu.dma_semaphore, #tpu.memory_space<semaphore_mem>>)
      %dma_wait3A_187 = arith.constant 0 : i32
      %dma_wait3A_188 = arith.constant 0 : i32
      %dma_wait3A_189 = tpu.memref_slice %arg4[%dma_wait3A_187, %dma_wait3A_188] : memref<53248x256xf32, #tpu.memory_space<hbm>> -> memref<53248x256xf32, #tpu.memory_space<hbm>>
      tpu.wait_indirect_dma semaphore(%arg14 : memref<!tpu.dma_semaphore, #tpu.memory_space<semaphore_mem>>) src(%arg8 : memref<128x256xf32, #tpu.memory_space<vmem>>) dst(%dma_wait3A_189 : memref<53248x256xf32, #tpu.memory_space<hbm>>)
      %add3A_190 = arith.constant 1152 : i32
      %add3A_191 = arith.addi %mul3A_8, %add3A_190 : i32
      %dma_start3A_192 = tpu.memref_slice %arg3[%add3A_191] : memref<50000xi32, #tpu.memory_space<hbm>> -> memref<128xi32, #tpu.memory_space<hbm>>
      %dma_start3A_193 = tpu.memref_slice %arg3[%add3A_191] : memref<50000xi32, #tpu.memory_space<hbm>> -> memref<128xi32, #tpu.memory_space<hbm>>
      tpu.enqueue_dma source(%dma_start3A_193 : memref<128xi32, #tpu.memory_space<hbm>>) target(%arg5 : memref<128xi32, #tpu.memory_space<vmem>>) target_semaphore(%arg11 : memref<!tpu.dma_semaphore, #tpu.memory_space<semaphore_mem>>)
      %add3A_194 = arith.constant 1152 : i32
      %add3A_195 = arith.addi %mul3A_8, %add3A_194 : i32
      %dma_start3A_196 = arith.constant 0 : i32
      %dma_start3A_197 = tpu.memref_slice %arg2[%add3A_195, %dma_start3A_196] : memref<50000x256xf32, #tpu.memory_space<hbm>> -> memref<128x256xf32, #tpu.memory_space<hbm>>
      %dma_start3A_198 = arith.constant 0 : i32
      %dma_start3A_199 = tpu.memref_slice %arg2[%add3A_195, %dma_start3A_198] : memref<50000x256xf32, #tpu.memory_space<hbm>> -> memref<128x256xf32, #tpu.memory_space<hbm>>
      tpu.enqueue_dma source(%dma_start3A_199 : memref<128x256xf32, #tpu.memory_space<hbm>>) target(%arg8 : memref<128x256xf32, #tpu.memory_space<vmem>>) target_semaphore(%arg11 : memref<!tpu.dma_semaphore, #tpu.memory_space<semaphore_mem>>)
      %dma_wait3A_200 = tpu.memref_slice %arg3[%add3A_169] : memref<50000xi32, #tpu.memory_space<hbm>> -> memref<128xi32, #tpu.memory_space<hbm>>
      %dma_wait3A_201 = tpu.memref_slice %arg3[%add3A_169] : memref<50000xi32, #tpu.memory_space<hbm>> -> memref<128xi32, #tpu.memory_space<hbm>>
      tpu.wait_dma2 semaphore(%arg13 : memref<!tpu.dma_semaphore, #tpu.memory_space<semaphore_mem>>) src(%dma_wait3A_201 : memref<128xi32, #tpu.memory_space<hbm>>) dst(%arg7 : memref<128xi32, #tpu.memory_space<vmem>>)
      %dma_wait3A_202 = arith.constant 0 : i32
      %dma_wait3A_203 = tpu.memref_slice %arg2[%add3A_173, %dma_wait3A_202] : memref<50000x256xf32, #tpu.memory_space<hbm>> -> memref<128x256xf32, #tpu.memory_space<hbm>>
      %dma_wait3A_204 = arith.constant 0 : i32
      %dma_wait3A_205 = tpu.memref_slice %arg2[%add3A_173, %dma_wait3A_204] : memref<50000x256xf32, #tpu.memory_space<hbm>> -> memref<128x256xf32, #tpu.memory_space<hbm>>
      tpu.wait_dma2 semaphore(%arg13 : memref<!tpu.dma_semaphore, #tpu.memory_space<semaphore_mem>>) src(%dma_wait3A_205 : memref<128x256xf32, #tpu.memory_space<hbm>>) dst(%arg10 : memref<128x256xf32, #tpu.memory_space<vmem>>)
      %dma_start3A_206 = arith.constant 0 : i32
      %dma_start3A_207 = arith.constant 0 : i32
      %dma_start3A_208 = tpu.memref_slice %arg4[%dma_start3A_206, %dma_start3A_207] : memref<53248x256xf32, #tpu.memory_space<hbm>> -> memref<53248x256xf32, #tpu.memory_space<hbm>>
      tpu.enqueue_indirect_dma source(%arg10 : memref<128x256xf32, #tpu.memory_space<vmem>>) target(%dma_start3A_208 : memref<53248x256xf32, #tpu.memory_space<hbm>>) offsets(%arg7 : memref<128xi32, #tpu.memory_space<vmem>>) semaphore(%arg16 : memref<!tpu.dma_semaphore, #tpu.memory_space<semaphore_mem>>)
      %dma_wait3A_209 = arith.constant 0 : i32
      %dma_wait3A_210 = arith.constant 0 : i32
      %dma_wait3A_211 = tpu.memref_slice %arg4[%dma_wait3A_209, %dma_wait3A_210] : memref<53248x256xf32, #tpu.memory_space<hbm>> -> memref<53248x256xf32, #tpu.memory_space<hbm>>
      tpu.wait_indirect_dma semaphore(%arg15 : memref<!tpu.dma_semaphore, #tpu.memory_space<semaphore_mem>>) src(%arg9 : memref<128x256xf32, #tpu.memory_space<vmem>>) dst(%dma_wait3A_211 : memref<53248x256xf32, #tpu.memory_space<hbm>>)
      %add3A_212 = arith.constant 1280 : i32
      %add3A_213 = arith.addi %mul3A_8, %add3A_212 : i32
      %dma_start3A_214 = tpu.memref_slice %arg3[%add3A_213] : memref<50000xi32, #tpu.memory_space<hbm>> -> memref<128xi32, #tpu.memory_space<hbm>>
      %dma_start3A_215 = tpu.memref_slice %arg3[%add3A_213] : memref<50000xi32, #tpu.memory_space<hbm>> -> memref<128xi32, #tpu.memory_space<hbm>>
      tpu.enqueue_dma source(%dma_start3A_215 : memref<128xi32, #tpu.memory_space<hbm>>) target(%arg6 : memref<128xi32, #tpu.memory_space<vmem>>) target_semaphore(%arg12 : memref<!tpu.dma_semaphore, #tpu.memory_space<semaphore_mem>>)
      %add3A_216 = arith.constant 1280 : i32
      %add3A_217 = arith.addi %mul3A_8, %add3A_216 : i32
      %dma_start3A_218 = arith.constant 0 : i32
      %dma_start3A_219 = tpu.memref_slice %arg2[%add3A_217, %dma_start3A_218] : memref<50000x256xf32, #tpu.memory_space<hbm>> -> memref<128x256xf32, #tpu.memory_space<hbm>>
      %dma_start3A_220 = arith.constant 0 : i32
      %dma_start3A_221 = tpu.memref_slice %arg2[%add3A_217, %dma_start3A_220] : memref<50000x256xf32, #tpu.memory_space<hbm>> -> memref<128x256xf32, #tpu.memory_space<hbm>>
      tpu.enqueue_dma source(%dma_start3A_221 : memref<128x256xf32, #tpu.memory_space<hbm>>) target(%arg9 : memref<128x256xf32, #tpu.memory_space<vmem>>) target_semaphore(%arg12 : memref<!tpu.dma_semaphore, #tpu.memory_space<semaphore_mem>>)
      %dma_wait3A_222 = tpu.memref_slice %arg3[%add3A_191] : memref<50000xi32, #tpu.memory_space<hbm>> -> memref<128xi32, #tpu.memory_space<hbm>>
      %dma_wait3A_223 = tpu.memref_slice %arg3[%add3A_191] : memref<50000xi32, #tpu.memory_space<hbm>> -> memref<128xi32, #tpu.memory_space<hbm>>
      tpu.wait_dma2 semaphore(%arg11 : memref<!tpu.dma_semaphore, #tpu.memory_space<semaphore_mem>>) src(%dma_wait3A_223 : memref<128xi32, #tpu.memory_space<hbm>>) dst(%arg5 : memref<128xi32, #tpu.memory_space<vmem>>)
      %dma_wait3A_224 = arith.constant 0 : i32
      %dma_wait3A_225 = tpu.memref_slice %arg2[%add3A_195, %dma_wait3A_224] : memref<50000x256xf32, #tpu.memory_space<hbm>> -> memref<128x256xf32, #tpu.memory_space<hbm>>
      %dma_wait3A_226 = arith.constant 0 : i32
      %dma_wait3A_227 = tpu.memref_slice %arg2[%add3A_195, %dma_wait3A_226] : memref<50000x256xf32, #tpu.memory_space<hbm>> -> memref<128x256xf32, #tpu.memory_space<hbm>>
      tpu.wait_dma2 semaphore(%arg11 : memref<!tpu.dma_semaphore, #tpu.memory_space<semaphore_mem>>) src(%dma_wait3A_227 : memref<128x256xf32, #tpu.memory_space<hbm>>) dst(%arg8 : memref<128x256xf32, #tpu.memory_space<vmem>>)
      %dma_start3A_228 = arith.constant 0 : i32
      %dma_start3A_229 = arith.constant 0 : i32
      %dma_start3A_230 = tpu.memref_slice %arg4[%dma_start3A_228, %dma_start3A_229] : memref<53248x256xf32, #tpu.memory_space<hbm>> -> memref<53248x256xf32, #tpu.memory_space<hbm>>
      tpu.enqueue_indirect_dma source(%arg8 : memref<128x256xf32, #tpu.memory_space<vmem>>) target(%dma_start3A_230 : memref<53248x256xf32, #tpu.memory_space<hbm>>) offsets(%arg5 : memref<128xi32, #tpu.memory_space<vmem>>) semaphore(%arg14 : memref<!tpu.dma_semaphore, #tpu.memory_space<semaphore_mem>>)
      %dma_wait3A_231 = arith.constant 0 : i32
      %dma_wait3A_232 = arith.constant 0 : i32
      %dma_wait3A_233 = tpu.memref_slice %arg4[%dma_wait3A_231, %dma_wait3A_232] : memref<53248x256xf32, #tpu.memory_space<hbm>> -> memref<53248x256xf32, #tpu.memory_space<hbm>>
      tpu.wait_indirect_dma semaphore(%arg16 : memref<!tpu.dma_semaphore, #tpu.memory_space<semaphore_mem>>) src(%arg10 : memref<128x256xf32, #tpu.memory_space<vmem>>) dst(%dma_wait3A_233 : memref<53248x256xf32, #tpu.memory_space<hbm>>)
      %add3A_234 = arith.constant 1408 : i32
      %add3A_235 = arith.addi %mul3A_8, %add3A_234 : i32
      %dma_start3A_236 = tpu.memref_slice %arg3[%add3A_235] : memref<50000xi32, #tpu.memory_space<hbm>> -> memref<128xi32, #tpu.memory_space<hbm>>
      %dma_start3A_237 = tpu.memref_slice %arg3[%add3A_235] : memref<50000xi32, #tpu.memory_space<hbm>> -> memref<128xi32, #tpu.memory_space<hbm>>
      tpu.enqueue_dma source(%dma_start3A_237 : memref<128xi32, #tpu.memory_space<hbm>>) target(%arg7 : memref<128xi32, #tpu.memory_space<vmem>>) target_semaphore(%arg13 : memref<!tpu.dma_semaphore, #tpu.memory_space<semaphore_mem>>)
      %add3A_238 = arith.constant 1408 : i32
      %add3A_239 = arith.addi %mul3A_8, %add3A_238 : i32
      %dma_start3A_240 = arith.constant 0 : i32
      %dma_start3A_241 = tpu.memref_slice %arg2[%add3A_239, %dma_start3A_240] : memref<50000x256xf32, #tpu.memory_space<hbm>> -> memref<128x256xf32, #tpu.memory_space<hbm>>
      %dma_start3A_242 = arith.constant 0 : i32
      %dma_start3A_243 = tpu.memref_slice %arg2[%add3A_239, %dma_start3A_242] : memref<50000x256xf32, #tpu.memory_space<hbm>> -> memref<128x256xf32, #tpu.memory_space<hbm>>
      tpu.enqueue_dma source(%dma_start3A_243 : memref<128x256xf32, #tpu.memory_space<hbm>>) target(%arg10 : memref<128x256xf32, #tpu.memory_space<vmem>>) target_semaphore(%arg13 : memref<!tpu.dma_semaphore, #tpu.memory_space<semaphore_mem>>)
      %dma_wait3A_244 = tpu.memref_slice %arg3[%add3A_213] : memref<50000xi32, #tpu.memory_space<hbm>> -> memref<128xi32, #tpu.memory_space<hbm>>
      %dma_wait3A_245 = tpu.memref_slice %arg3[%add3A_213] : memref<50000xi32, #tpu.memory_space<hbm>> -> memref<128xi32, #tpu.memory_space<hbm>>
      tpu.wait_dma2 semaphore(%arg12 : memref<!tpu.dma_semaphore, #tpu.memory_space<semaphore_mem>>) src(%dma_wait3A_245 : memref<128xi32, #tpu.memory_space<hbm>>) dst(%arg6 : memref<128xi32, #tpu.memory_space<vmem>>)
      %dma_wait3A_246 = arith.constant 0 : i32
      %dma_wait3A_247 = tpu.memref_slice %arg2[%add3A_217, %dma_wait3A_246] : memref<50000x256xf32, #tpu.memory_space<hbm>> -> memref<128x256xf32, #tpu.memory_space<hbm>>
      %dma_wait3A_248 = arith.constant 0 : i32
      %dma_wait3A_249 = tpu.memref_slice %arg2[%add3A_217, %dma_wait3A_248] : memref<50000x256xf32, #tpu.memory_space<hbm>> -> memref<128x256xf32, #tpu.memory_space<hbm>>
      tpu.wait_dma2 semaphore(%arg12 : memref<!tpu.dma_semaphore, #tpu.memory_space<semaphore_mem>>) src(%dma_wait3A_249 : memref<128x256xf32, #tpu.memory_space<hbm>>) dst(%arg9 : memref<128x256xf32, #tpu.memory_space<vmem>>)
      %dma_start3A_250 = arith.constant 0 : i32
      %dma_start3A_251 = arith.constant 0 : i32
      %dma_start3A_252 = tpu.memref_slice %arg4[%dma_start3A_250, %dma_start3A_251] : memref<53248x256xf32, #tpu.memory_space<hbm>> -> memref<53248x256xf32, #tpu.memory_space<hbm>>
      tpu.enqueue_indirect_dma source(%arg9 : memref<128x256xf32, #tpu.memory_space<vmem>>) target(%dma_start3A_252 : memref<53248x256xf32, #tpu.memory_space<hbm>>) offsets(%arg6 : memref<128xi32, #tpu.memory_space<vmem>>) semaphore(%arg15 : memref<!tpu.dma_semaphore, #tpu.memory_space<semaphore_mem>>)
      %dma_wait3A_253 = arith.constant 0 : i32
      %dma_wait3A_254 = arith.constant 0 : i32
      %dma_wait3A_255 = tpu.memref_slice %arg4[%dma_wait3A_253, %dma_wait3A_254] : memref<53248x256xf32, #tpu.memory_space<hbm>> -> memref<53248x256xf32, #tpu.memory_space<hbm>>
      tpu.wait_indirect_dma semaphore(%arg14 : memref<!tpu.dma_semaphore, #tpu.memory_space<semaphore_mem>>) src(%arg8 : memref<128x256xf32, #tpu.memory_space<vmem>>) dst(%dma_wait3A_255 : memref<53248x256xf32, #tpu.memory_space<hbm>>)
      %add3A_256 = arith.constant 1536 : i32
      %add3A_257 = arith.addi %mul3A_8, %add3A_256 : i32
      %dma_start3A_258 = tpu.memref_slice %arg3[%add3A_257] : memref<50000xi32, #tpu.memory_space<hbm>> -> memref<128xi32, #tpu.memory_space<hbm>>
      %dma_start3A_259 = tpu.memref_slice %arg3[%add3A_257] : memref<50000xi32, #tpu.memory_space<hbm>> -> memref<128xi32, #tpu.memory_space<hbm>>
      tpu.enqueue_dma source(%dma_start3A_259 : memref<128xi32, #tpu.memory_space<hbm>>) target(%arg5 : memref<128xi32, #tpu.memory_space<vmem>>) target_semaphore(%arg11 : memref<!tpu.dma_semaphore, #tpu.memory_space<semaphore_mem>>)
      %add3A_260 = arith.constant 1536 : i32
      %add3A_261 = arith.addi %mul3A_8, %add3A_260 : i32
      %dma_start3A_262 = arith.constant 0 : i32
      %dma_start3A_263 = tpu.memref_slice %arg2[%add3A_261, %dma_start3A_262] : memref<50000x256xf32, #tpu.memory_space<hbm>> -> memref<128x256xf32, #tpu.memory_space<hbm>>
      %dma_start3A_264 = arith.constant 0 : i32
      %dma_start3A_265 = tpu.memref_slice %arg2[%add3A_261, %dma_start3A_264] : memref<50000x256xf32, #tpu.memory_space<hbm>> -> memref<128x256xf32, #tpu.memory_space<hbm>>
      tpu.enqueue_dma source(%dma_start3A_265 : memref<128x256xf32, #tpu.memory_space<hbm>>) target(%arg8 : memref<128x256xf32, #tpu.memory_space<vmem>>) target_semaphore(%arg11 : memref<!tpu.dma_semaphore, #tpu.memory_space<semaphore_mem>>)
      %dma_wait3A_266 = tpu.memref_slice %arg3[%add3A_235] : memref<50000xi32, #tpu.memory_space<hbm>> -> memref<128xi32, #tpu.memory_space<hbm>>
      %dma_wait3A_267 = tpu.memref_slice %arg3[%add3A_235] : memref<50000xi32, #tpu.memory_space<hbm>> -> memref<128xi32, #tpu.memory_space<hbm>>
      tpu.wait_dma2 semaphore(%arg13 : memref<!tpu.dma_semaphore, #tpu.memory_space<semaphore_mem>>) src(%dma_wait3A_267 : memref<128xi32, #tpu.memory_space<hbm>>) dst(%arg7 : memref<128xi32, #tpu.memory_space<vmem>>)
      %dma_wait3A_268 = arith.constant 0 : i32
      %dma_wait3A_269 = tpu.memref_slice %arg2[%add3A_239, %dma_wait3A_268] : memref<50000x256xf32, #tpu.memory_space<hbm>> -> memref<128x256xf32, #tpu.memory_space<hbm>>
      %dma_wait3A_270 = arith.constant 0 : i32
      %dma_wait3A_271 = tpu.memref_slice %arg2[%add3A_239, %dma_wait3A_270] : memref<50000x256xf32, #tpu.memory_space<hbm>> -> memref<128x256xf32, #tpu.memory_space<hbm>>
      tpu.wait_dma2 semaphore(%arg13 : memref<!tpu.dma_semaphore, #tpu.memory_space<semaphore_mem>>) src(%dma_wait3A_271 : memref<128x256xf32, #tpu.memory_space<hbm>>) dst(%arg10 : memref<128x256xf32, #tpu.memory_space<vmem>>)
      %dma_start3A_272 = arith.constant 0 : i32
      %dma_start3A_273 = arith.constant 0 : i32
      %dma_start3A_274 = tpu.memref_slice %arg4[%dma_start3A_272, %dma_start3A_273] : memref<53248x256xf32, #tpu.memory_space<hbm>> -> memref<53248x256xf32, #tpu.memory_space<hbm>>
      tpu.enqueue_indirect_dma source(%arg10 : memref<128x256xf32, #tpu.memory_space<vmem>>) target(%dma_start3A_274 : memref<53248x256xf32, #tpu.memory_space<hbm>>) offsets(%arg7 : memref<128xi32, #tpu.memory_space<vmem>>) semaphore(%arg16 : memref<!tpu.dma_semaphore, #tpu.memory_space<semaphore_mem>>)
      %dma_wait3A_275 = tpu.memref_slice %arg3[%add3A_257] : memref<50000xi32, #tpu.memory_space<hbm>> -> memref<128xi32, #tpu.memory_space<hbm>>
      %dma_wait3A_276 = tpu.memref_slice %arg3[%add3A_257] : memref<50000xi32, #tpu.memory_space<hbm>> -> memref<128xi32, #tpu.memory_space<hbm>>
      tpu.wait_dma2 semaphore(%arg11 : memref<!tpu.dma_semaphore, #tpu.memory_space<semaphore_mem>>) src(%dma_wait3A_276 : memref<128xi32, #tpu.memory_space<hbm>>) dst(%arg5 : memref<128xi32, #tpu.memory_space<vmem>>)
      %dma_wait3A_277 = arith.constant 0 : i32
      %dma_wait3A_278 = tpu.memref_slice %arg2[%add3A_261, %dma_wait3A_277] : memref<50000x256xf32, #tpu.memory_space<hbm>> -> memref<128x256xf32, #tpu.memory_space<hbm>>
      %dma_wait3A_279 = arith.constant 0 : i32
      %dma_wait3A_280 = tpu.memref_slice %arg2[%add3A_261, %dma_wait3A_279] : memref<50000x256xf32, #tpu.memory_space<hbm>> -> memref<128x256xf32, #tpu.memory_space<hbm>>
      tpu.wait_dma2 semaphore(%arg11 : memref<!tpu.dma_semaphore, #tpu.memory_space<semaphore_mem>>) src(%dma_wait3A_280 : memref<128x256xf32, #tpu.memory_space<hbm>>) dst(%arg8 : memref<128x256xf32, #tpu.memory_space<vmem>>)
      %dma_start3A_281 = arith.constant 0 : i32
      %dma_start3A_282 = arith.constant 0 : i32
      %dma_start3A_283 = tpu.memref_slice %arg4[%dma_start3A_281, %dma_start3A_282] : memref<53248x256xf32, #tpu.memory_space<hbm>> -> memref<53248x256xf32, #tpu.memory_space<hbm>>
      tpu.enqueue_indirect_dma source(%arg8 : memref<128x256xf32, #tpu.memory_space<vmem>>) target(%dma_start3A_283 : memref<53248x256xf32, #tpu.memory_space<hbm>>) offsets(%arg5 : memref<128xi32, #tpu.memory_space<vmem>>) semaphore(%arg14 : memref<!tpu.dma_semaphore, #tpu.memory_space<semaphore_mem>>)
      %dma_wait3A_284 = arith.constant 0 : i32
      %dma_wait3A_285 = arith.constant 0 : i32
      %dma_wait3A_286 = tpu.memref_slice %arg4[%dma_wait3A_284, %dma_wait3A_285] : memref<53248x256xf32, #tpu.memory_space<hbm>> -> memref<53248x256xf32, #tpu.memory_space<hbm>>
      tpu.wait_indirect_dma semaphore(%arg15 : memref<!tpu.dma_semaphore, #tpu.memory_space<semaphore_mem>>) src(%arg9 : memref<128x256xf32, #tpu.memory_space<vmem>>) dst(%dma_wait3A_286 : memref<53248x256xf32, #tpu.memory_space<hbm>>)
      %dma_wait3A_287 = arith.constant 0 : i32
      %dma_wait3A_288 = arith.constant 0 : i32
      %dma_wait3A_289 = tpu.memref_slice %arg4[%dma_wait3A_287, %dma_wait3A_288] : memref<53248x256xf32, #tpu.memory_space<hbm>> -> memref<53248x256xf32, #tpu.memory_space<hbm>>
      tpu.wait_indirect_dma semaphore(%arg16 : memref<!tpu.dma_semaphore, #tpu.memory_space<semaphore_mem>>) src(%arg10 : memref<128x256xf32, #tpu.memory_space<vmem>>) dst(%dma_wait3A_289 : memref<53248x256xf32, #tpu.memory_space<hbm>>)
      %dma_wait3A_290 = arith.constant 0 : i32
      %dma_wait3A_291 = arith.constant 0 : i32
      %dma_wait3A_292 = tpu.memref_slice %arg4[%dma_wait3A_290, %dma_wait3A_291] : memref<53248x256xf32, #tpu.memory_space<hbm>> -> memref<53248x256xf32, #tpu.memory_space<hbm>>
      tpu.wait_indirect_dma semaphore(%arg14 : memref<!tpu.dma_semaphore, #tpu.memory_space<semaphore_mem>>) src(%arg8 : memref<128x256xf32, #tpu.memory_space<vmem>>) dst(%dma_wait3A_292 : memref<53248x256xf32, #tpu.memory_space<hbm>>)
    } else {
    }
    %eq3A = arith.constant 30 : i32
    %eq3A_3 = arith.cmpi eq, %add3A, %eq3A : i32
    %convert_element_type3A_4 = arith.extui %eq3A_3 : i1 to i32
    %cond3A_5 = arith.constant 0 : i32
    %cond3A_6 = arith.cmpi ne, %convert_element_type3A_4, %cond3A_5 : i32
    scf.if %cond3A_6 {
      "tpu.region"() ({
        %run_scoped3A = tpu.sem_alloc : memref<!tpu.dma_semaphore, #tpu.memory_space<semaphore_mem>>
        %dma_start3A_11 = arith.constant 49872 : i32
        %dma_start3A_12 = tpu.memref_slice %arg3[%dma_start3A_11] : memref<50000xi32, #tpu.memory_space<hbm>> -> memref<128xi32, #tpu.memory_space<hbm>>
        %dma_start3A_13 = arith.constant 49872 : i32
        %dma_start3A_14 = tpu.memref_slice %arg3[%dma_start3A_13] : memref<50000xi32, #tpu.memory_space<hbm>> -> memref<128xi32, #tpu.memory_space<hbm>>
        tpu.enqueue_dma source(%dma_start3A_14 : memref<128xi32, #tpu.memory_space<hbm>>) target(%arg5 : memref<128xi32, #tpu.memory_space<vmem>>) target_semaphore(%run_scoped3A : memref<!tpu.dma_semaphore, #tpu.memory_space<semaphore_mem>>)
        %dma_wait3A_15 = arith.constant 49872 : i32
        %dma_wait3A_16 = tpu.memref_slice %arg3[%dma_wait3A_15] : memref<50000xi32, #tpu.memory_space<hbm>> -> memref<128xi32, #tpu.memory_space<hbm>>
        %dma_wait3A_17 = arith.constant 49872 : i32
        %dma_wait3A_18 = tpu.memref_slice %arg3[%dma_wait3A_17] : memref<50000xi32, #tpu.memory_space<hbm>> -> memref<128xi32, #tpu.memory_space<hbm>>
        tpu.wait_dma2 semaphore(%run_scoped3A : memref<!tpu.dma_semaphore, #tpu.memory_space<semaphore_mem>>) src(%dma_wait3A_18 : memref<128xi32, #tpu.memory_space<hbm>>) dst(%arg5 : memref<128xi32, #tpu.memory_space<vmem>>)
        tpu.yield
      }) : () -> ()
      "tpu.region"() ({
        %run_scoped3A = tpu.sem_alloc : memref<!tpu.dma_semaphore, #tpu.memory_space<semaphore_mem>>
        %dma_start3A_11 = arith.constant 49872 : i32
        %dma_start3A_12 = arith.constant 0 : i32
        %dma_start3A_13 = tpu.memref_slice %arg2[%dma_start3A_11, %dma_start3A_12] : memref<50000x256xf32, #tpu.memory_space<hbm>> -> memref<128x256xf32, #tpu.memory_space<hbm>>
        %dma_start3A_14 = arith.constant 49872 : i32
        %dma_start3A_15 = arith.constant 0 : i32
        %dma_start3A_16 = tpu.memref_slice %arg2[%dma_start3A_14, %dma_start3A_15] : memref<50000x256xf32, #tpu.memory_space<hbm>> -> memref<128x256xf32, #tpu.memory_space<hbm>>
        tpu.enqueue_dma source(%dma_start3A_16 : memref<128x256xf32, #tpu.memory_space<hbm>>) target(%arg8 : memref<128x256xf32, #tpu.memory_space<vmem>>) target_semaphore(%run_scoped3A : memref<!tpu.dma_semaphore, #tpu.memory_space<semaphore_mem>>)
        %dma_wait3A_17 = arith.constant 49872 : i32
        %dma_wait3A_18 = arith.constant 0 : i32
        %dma_wait3A_19 = tpu.memref_slice %arg2[%dma_wait3A_17, %dma_wait3A_18] : memref<50000x256xf32, #tpu.memory_space<hbm>> -> memref<128x256xf32, #tpu.memory_space<hbm>>
        %dma_wait3A_20 = arith.constant 49872 : i32
        %dma_wait3A_21 = arith.constant 0 : i32
        %dma_wait3A_22 = tpu.memref_slice %arg2[%dma_wait3A_20, %dma_wait3A_21] : memref<50000x256xf32, #tpu.memory_space<hbm>> -> memref<128x256xf32, #tpu.memory_space<hbm>>
        tpu.wait_dma2 semaphore(%run_scoped3A : memref<!tpu.dma_semaphore, #tpu.memory_space<semaphore_mem>>) src(%dma_wait3A_22 : memref<128x256xf32, #tpu.memory_space<hbm>>) dst(%arg8 : memref<128x256xf32, #tpu.memory_space<vmem>>)
        tpu.yield
      }) : () -> ()
      %dma_start3A = arith.constant 0 : i32
      %dma_start3A_7 = arith.constant 0 : i32
      %dma_start3A_8 = tpu.memref_slice %arg4[%dma_start3A, %dma_start3A_7] : memref<53248x256xf32, #tpu.memory_space<hbm>> -> memref<53248x256xf32, #tpu.memory_space<hbm>>
      tpu.enqueue_indirect_dma source(%arg8 : memref<128x256xf32, #tpu.memory_space<vmem>>) target(%dma_start3A_8 : memref<53248x256xf32, #tpu.memory_space<hbm>>) offsets(%arg5 : memref<128xi32, #tpu.memory_space<vmem>>) semaphore(%arg14 : memref<!tpu.dma_semaphore, #tpu.memory_space<semaphore_mem>>)
      %dma_wait3A = arith.constant 0 : i32
      %dma_wait3A_9 = arith.constant 0 : i32
      %dma_wait3A_10 = tpu.memref_slice %arg4[%dma_wait3A, %dma_wait3A_9] : memref<53248x256xf32, #tpu.memory_space<hbm>> -> memref<53248x256xf32, #tpu.memory_space<hbm>>
      tpu.wait_indirect_dma semaphore(%arg14 : memref<!tpu.dma_semaphore, #tpu.memory_space<semaphore_mem>>) src(%arg8 : memref<128x256xf32, #tpu.memory_space<vmem>>) dst(%dma_wait3A_10 : memref<53248x256xf32, #tpu.memory_space<hbm>>)
    } else {
    }
    return
  }
}

module attributes {stable_mosaic.version = 14 : i64} {
  func.func @_mlp_body(%arg0: i32, %arg1: memref<208xi32, #tpu.memory_space<smem>>, %arg2: memref<256x256xf32, #tpu.memory_space<vmem>>, %arg3: memref<1x256x256xbf16, #tpu.memory_space<vmem>>, %arg4: memref<1x1x256xf32, #tpu.memory_space<vmem>>, %arg5: memref<1x256x256xbf16, #tpu.memory_space<vmem>>, %arg6: memref<1x1x256xf32, #tpu.memory_space<vmem>>, %arg7: memref<1x256x1xbf16, #tpu.memory_space<vmem>>, %arg8: memref<1x1x1xf32, #tpu.memory_space<vmem>>, %arg9: memref<256x1xf32, #tpu.memory_space<vmem>>) attributes {dimension_semantics = [#tpu.dimension_semantics<arbitrary>], iteration_bounds = array<i64: 208>, scalar_prefetch = 1 : i64, scratch_operands = 0 : i64, tpu.core_type = #tpu.core_type<tc>, window_params = [{transform_indices = @transform_0, window_bounds = array<i64: 256, 256>}, {transform_indices = @transform_1, window_bounds = array<i64: 1, 256, 256>}, {transform_indices = @transform_2, window_bounds = array<i64: 1, 1, 256>}, {transform_indices = @transform_3, window_bounds = array<i64: 1, 256, 256>}, {transform_indices = @transform_4, window_bounds = array<i64: 1, 1, 256>}, {transform_indices = @transform_5, window_bounds = array<i64: 1, 256, 1>}, {transform_indices = @transform_6, window_bounds = array<i64: 1, 1, 1>}, {transform_indices = @transform_7, window_bounds = array<i64: 256, 1>}]} {
    %get3A = arith.constant 0 : index
    %get3A_0 = arith.constant 0 : index
    %get3A_1 = vector.load %arg2[%get3A, %get3A_0] : memref<256x256xf32, #tpu.memory_space<vmem>>, vector<256x256xf32>
    %convert_element_type3A = arith.truncf %get3A_1 : vector<256x256xf32> to vector<256x256xbf16>
    %get3A_2 = arith.constant 0 : index
    %get3A_3 = arith.constant 0 : index
    %get3A_4 = arith.constant 0 : index
    %get3A_5 = vector.load %arg3[%get3A_2, %get3A_3, %get3A_4] : memref<1x256x256xbf16, #tpu.memory_space<vmem>>, vector<1x256x256xbf16>
    %get3A_6 = vector.shape_cast %get3A_5 : vector<1x256x256xbf16> to vector<256x256xbf16>
    %dot_general3A = arith.constant dense<0.000000e+00> : vector<256x256xf32>
    %dot_general3A_7 = tpu.matmul %convert_element_type3A, %get3A_6, %dot_general3A {dimension_numbers = #tpu.dot_dimension_numbers<[1], [0], [0], [1], [0, 0, 1, 1], [], []>, transpose_lhs_hint = false} : vector<256x256xbf16>, vector<256x256xbf16>, vector<256x256xf32> -> vector<256x256xf32>
    %get3A_8 = arith.constant 0 : index
    %get3A_9 = arith.constant 0 : index
    %get3A_10 = arith.constant 0 : index
    %get3A_11 = vector.load %arg4[%get3A_8, %get3A_9, %get3A_10] : memref<1x1x256xf32, #tpu.memory_space<vmem>>, vector<1x1x256xf32>
    %get3A_12 = vector.shape_cast %get3A_11 : vector<1x1x256xf32> to vector<1x256xf32>
    %add3A = vector.broadcast %get3A_12 : vector<1x256xf32> to vector<256x256xf32>
    %add3A_13 = arith.addf %dot_general3A_7, %add3A : vector<256x256xf32>
    %neg3A = arith.constant 0.000000e+00 : f32
    %neg3A_14 = vector.broadcast %neg3A : f32 to vector<256x256xf32>
    %neg3A_15 = arith.subf %neg3A_14, %add3A_13 : vector<256x256xf32>
    %exp3A = math.exp %neg3A_15 : vector<256x256xf32>
    %add3A_16 = arith.constant 1.000000e+00 : f32
    %add3A_17 = vector.broadcast %add3A_16 : f32 to vector<256x256xf32>
    %add3A_18 = arith.addf %add3A_17, %exp3A : vector<256x256xf32>
    %div3A = arith.divf %add3A_13, %add3A_18 : vector<256x256xf32>
    %convert_element_type3A_19 = arith.truncf %div3A : vector<256x256xf32> to vector<256x256xbf16>
    %get3A_20 = arith.constant 0 : index
    %get3A_21 = arith.constant 0 : index
    %get3A_22 = arith.constant 0 : index
    %get3A_23 = vector.load %arg5[%get3A_20, %get3A_21, %get3A_22] : memref<1x256x256xbf16, #tpu.memory_space<vmem>>, vector<1x256x256xbf16>
    %get3A_24 = vector.shape_cast %get3A_23 : vector<1x256x256xbf16> to vector<256x256xbf16>
    %dot_general3A_25 = arith.constant dense<0.000000e+00> : vector<256x256xf32>
    %dot_general3A_26 = tpu.matmul %convert_element_type3A_19, %get3A_24, %dot_general3A_25 {dimension_numbers = #tpu.dot_dimension_numbers<[1], [0], [0], [1], [0, 0, 1, 1], [], []>, transpose_lhs_hint = false} : vector<256x256xbf16>, vector<256x256xbf16>, vector<256x256xf32> -> vector<256x256xf32>
    %get3A_27 = arith.constant 0 : index
    %get3A_28 = arith.constant 0 : index
    %get3A_29 = arith.constant 0 : index
    %get3A_30 = vector.load %arg6[%get3A_27, %get3A_28, %get3A_29] : memref<1x1x256xf32, #tpu.memory_space<vmem>>, vector<1x1x256xf32>
    %get3A_31 = vector.shape_cast %get3A_30 : vector<1x1x256xf32> to vector<1x256xf32>
    %add3A_32 = vector.broadcast %get3A_31 : vector<1x256xf32> to vector<256x256xf32>
    %add3A_33 = arith.addf %dot_general3A_26, %add3A_32 : vector<256x256xf32>
    %neg3A_34 = arith.constant 0.000000e+00 : f32
    %neg3A_35 = vector.broadcast %neg3A_34 : f32 to vector<256x256xf32>
    %neg3A_36 = arith.subf %neg3A_35, %add3A_33 : vector<256x256xf32>
    %exp3A_37 = math.exp %neg3A_36 : vector<256x256xf32>
    %add3A_38 = arith.constant 1.000000e+00 : f32
    %add3A_39 = vector.broadcast %add3A_38 : f32 to vector<256x256xf32>
    %add3A_40 = arith.addf %add3A_39, %exp3A_37 : vector<256x256xf32>
    %div3A_41 = arith.divf %add3A_33, %add3A_40 : vector<256x256xf32>
    %convert_element_type3A_42 = arith.truncf %div3A_41 : vector<256x256xf32> to vector<256x256xbf16>
    %get3A_43 = arith.constant 0 : index
    %get3A_44 = arith.constant 0 : index
    %get3A_45 = arith.constant 0 : index
    %get3A_46 = vector.load %arg7[%get3A_43, %get3A_44, %get3A_45] : memref<1x256x1xbf16, #tpu.memory_space<vmem>>, vector<1x256x1xbf16>
    %get3A_47 = vector.shape_cast %get3A_46 : vector<1x256x1xbf16> to vector<256x1xbf16>
    %dot_general3A_48 = arith.constant dense<0.000000e+00> : vector<256x1xf32>
    %dot_general3A_49 = tpu.matmul %convert_element_type3A_42, %get3A_47, %dot_general3A_48 {dimension_numbers = #tpu.dot_dimension_numbers<[1], [0], [0], [1], [0, 0, 1, 1], [], []>, transpose_lhs_hint = false} : vector<256x256xbf16>, vector<256x1xbf16>, vector<256x1xf32> -> vector<256x1xf32>
    %get3A_50 = arith.constant 0 : index
    %get3A_51 = arith.constant 0 : index
    %get3A_52 = arith.constant 0 : index
    %get3A_53 = vector.load %arg8[%get3A_50, %get3A_51, %get3A_52] : memref<1x1x1xf32, #tpu.memory_space<vmem>>, vector<1x1x1xf32>
    %get3A_54 = vector.shape_cast %get3A_53 : vector<1x1x1xf32> to vector<1x1xf32>
    %add3A_55 = vector.broadcast %get3A_54 : vector<1x1xf32> to vector<256x1xf32>
    %add3A_56 = arith.addf %dot_general3A_49, %add3A_55 : vector<256x1xf32>
    %swap3A = arith.constant 0 : index
    %swap3A_57 = arith.constant 0 : index
    %swap3A_58 = vector.load %arg9[%swap3A, %swap3A_57] : memref<256x1xf32, #tpu.memory_space<vmem>>, vector<256x1xf32>
    tpu.vector_store %arg9[%swap3A, %swap3A_57], %add3A_56 {strides = array<i32>} : memref<256x1xf32, #tpu.memory_space<vmem>>, vector<256x1xf32>,
    return
  }
  func.func @transform_0(%arg0: i32, %arg1: memref<208xi32, #tpu.memory_space<smem>>) -> (i32, i32) {
    %c0_i32 = arith.constant 0 : i32
    %c0_i32_0 = arith.constant 0 : i32
    return %arg0, %c0_i32 : i32, i32
  }
  func.func @transform_1(%arg0: i32, %arg1: memref<208xi32, #tpu.memory_space<smem>>) -> (i32, i32, i32) {
    %get3A = arith.index_cast %arg0 : i32 to index
    %get3A_0 = memref.load %arg1[%get3A] : memref<208xi32, #tpu.memory_space<smem>>
    %c0_i32 = arith.constant 0 : i32
    %c0_i32_1 = arith.constant 0 : i32
    %c0_i32_2 = arith.constant 0 : i32
    return %get3A_0, %c0_i32, %c0_i32_1 : i32, i32, i32
  }
  func.func @transform_2(%arg0: i32, %arg1: memref<208xi32, #tpu.memory_space<smem>>) -> (i32, i32, i32) {
    %get3A = arith.index_cast %arg0 : i32 to index
    %get3A_0 = memref.load %arg1[%get3A] : memref<208xi32, #tpu.memory_space<smem>>
    %c0_i32 = arith.constant 0 : i32
    %c0_i32_1 = arith.constant 0 : i32
    %c0_i32_2 = arith.constant 0 : i32
    return %get3A_0, %c0_i32, %c0_i32_1 : i32, i32, i32
  }
  func.func @transform_3(%arg0: i32, %arg1: memref<208xi32, #tpu.memory_space<smem>>) -> (i32, i32, i32) {
    %get3A = arith.index_cast %arg0 : i32 to index
    %get3A_0 = memref.load %arg1[%get3A] : memref<208xi32, #tpu.memory_space<smem>>
    %c0_i32 = arith.constant 0 : i32
    %c0_i32_1 = arith.constant 0 : i32
    %c0_i32_2 = arith.constant 0 : i32
    return %get3A_0, %c0_i32, %c0_i32_1 : i32, i32, i32
  }
  func.func @transform_4(%arg0: i32, %arg1: memref<208xi32, #tpu.memory_space<smem>>) -> (i32, i32, i32) {
    %get3A = arith.index_cast %arg0 : i32 to index
    %get3A_0 = memref.load %arg1[%get3A] : memref<208xi32, #tpu.memory_space<smem>>
    %c0_i32 = arith.constant 0 : i32
    %c0_i32_1 = arith.constant 0 : i32
    %c0_i32_2 = arith.constant 0 : i32
    return %get3A_0, %c0_i32, %c0_i32_1 : i32, i32, i32
  }
  func.func @transform_5(%arg0: i32, %arg1: memref<208xi32, #tpu.memory_space<smem>>) -> (i32, i32, i32) {
    %get3A = arith.index_cast %arg0 : i32 to index
    %get3A_0 = memref.load %arg1[%get3A] : memref<208xi32, #tpu.memory_space<smem>>
    %c0_i32 = arith.constant 0 : i32
    %c0_i32_1 = arith.constant 0 : i32
    %c0_i32_2 = arith.constant 0 : i32
    return %get3A_0, %c0_i32, %c0_i32_1 : i32, i32, i32
  }
  func.func @transform_6(%arg0: i32, %arg1: memref<208xi32, #tpu.memory_space<smem>>) -> (i32, i32, i32) {
    %get3A = arith.index_cast %arg0 : i32 to index
    %get3A_0 = memref.load %arg1[%get3A] : memref<208xi32, #tpu.memory_space<smem>>
    %c0_i32 = arith.constant 0 : i32
    %c0_i32_1 = arith.constant 0 : i32
    %c0_i32_2 = arith.constant 0 : i32
    return %get3A_0, %c0_i32, %c0_i32_1 : i32, i32, i32
  }
  func.func @transform_7(%arg0: i32, %arg1: memref<208xi32, #tpu.memory_space<smem>>) -> (i32, i32) {
    %c0_i32 = arith.constant 0 : i32
    %c0_i32_0 = arith.constant 0 : i32
    return %arg0, %c0_i32 : i32, i32
  }
}

</mosaic_0001>

<sc_bundles>
// kernel: kernel.5.cloned.1.call-start
scs
__scs_entry_jumppad:
0x0: {  	(pc) =	sbr.rel $0x88, $3  }
0x1: {  	(tag) =	ssettag $0x0;
	lr =	simm.s32 $0x1  }
0x2: {  	[smem:$0x3F99] =	sst lr;
	_ =	strace $0xD0000000  }
0x3: {  	_ = 	snop  }
0x4: {  	_ = 	snop  }
0x5: {  	_ = 	snop  }
0x6: {  	_ = 	snop  }
0x7: {  	_ = 	snop  }
__scs_overlays_trampoline_lowered:
0x8: {  	[smem:$0x3FA8] =	sst s0  }
0x9: {  	[smem:$0x3FA9] =	sst s1  }
0xa: {  	[smem:$0x3FAA] =	sst s2  }
0xb: {  	[smem:$0x3FAB] =	sst s3  }
0xc: {  	[smem:$0x3FAC] =	sst s4  }
0xd: {  	[smem:$0x3FAD] =	sst s5  }
0xe: {  	[smem:$0x3FAE] =	sst s6  }
0xf: {  	[smem:$0x3FAF] =	sst s7  }
0x10: {  	[smem:$0x3FB0] =	sst s8  }
0x11: {  	[smem:$0x3FB1] =	sst s9;
	s0 =	simm.s32 @!p0 $0x0  }
0x12: {  	s1 =	sld [smem:$0x3F97];
	s0 =	simm.s32 @p0 $0x1  }
0x13: {  	[smem:$0x3FB2] =	sst s0;
	s0 =	simm.s32 @!p1 $0x0  }
0x14: {  	s2 =	sld [smem:$0x3F96];
	s0 =	simm.s32 @p1 $0x1  }
0x15: {  	[smem:$0x3FB3] =	sst s0;
	s0 =	simm.s32 @!p2 $0x0  }
0x16: {  	s3 =	sld [smem:$0x3FDB];
	s0 =	simm.s32 @p2 $0x1  }
0x17: {  	s4 =	simm.s32 $0x1BF5;
	[smem:$0x3FB5] =	sst s0  }
0x18: {  	s0 =	sld [smem:$0x3F98];
	_ =	swait.ge [sflag:s4], $0x0  }
0x19: {  	s7 =	sld [smem:$0x3F99]  }
0x1a: {  	s8 =	sadd.s32 $0xFFFFE003, lr  }
0x1b: {  	s9 =	sadd.s32 $0xFFFFFEF7, lr;
	s5 =	simm.s32 $0xFFFFFFFF;
	p2 =	slt.u32 s8, $0xFFFFF086  }
0x1c: {  	p1 =	slt.u32 s9, $0xF7A;
	s5 =	simm.s32 @!p2 $0x0  }
0x1d: {  	s5 =	simm.s32 @p1 $0x1;
	p0 =	seq.s32 s7, s2  }
0x1e: {  	s7 =	smul.u32 @!p0 $0xF7A, s2;
	p2 =	seq.s32 @!p0 s5, $0x0  }
0x1f: {  	s9 =	smul.u32 $0xF7A, s1;
	s8 =	simm.s32 @!p0 $0x1BF5;
	p2 =	por !p2, p0  }
0x20: {  	[sflag:s8] =	ssyncset.s32 @!p0 $0xFFFFF086;
	s6 =	sadd.s32 @!p0 s3, s7;
	s7 =	simm.s32 @!p0 $0x108  }
0x21: {  	s3 =	sadd.s32 s3, s9;
	s6 =	sadd.s32 @!p0 $0x88, s6;
	s7 =	simm.s32 @p2 $0x1082  }
0x22: {  	[simem:s7], [sflag:s8] =	dma.local @!p0 [hbm:s6], $0xF7A  }
0x23: {  	s9 =	sor.u32 $0xD0000000, s2;
	s6 =	simm.s32 $0x108;
	_ =	swait.ge @!p0 [sflag:s8], $0x0  }
0x24: {  	s3 =	sadd.s32 $0x88, s3;
	s6 =	simm.s32 @!p1 $0x1082;
	[sflag:s4] =	ssyncset.s32 $0xFFFFF086  }
0x25: {  	[simem:s6], [sflag:s4] =	dma.local [hbm:s3], $0xF7A  }
0x26: {  	[smem:$0x3F99] =	sst s1;
	(tag) =	ssettag s2;
	_ =	strace s9  }
0x27: {  	s1 =	sld [smem:$0x3FA9]  }
0x28: {  	s2 =	sld [smem:$0x3FAA]  }
0x29: {  	s4 =	sld [smem:$0x3FAC]  }
0x2a: {  	p0 =	seq.s32 s5, $0x0;
	s5 =	sld [smem:$0x3FAD]  }
0x2b: {  	s6 =	sld [smem:$0x3FAE]  }
0x2c: {  	s7 =	sld [smem:$0x3FAF]  }
0x2d: {  	s3 =	simm.s32 $0x108;
	s8 =	sld [smem:$0x3FB0]  }
0x2e: {  	s3 =	simm.s32 @!p0 $0x1082;
	s9 =	sld [smem:$0x3FB1]  }
0x2f: {  	lr =	sadd.s32 s0, s3;
	s0 =	sld [smem:$0x3FA8]  }
0x30: {  	s3 =	sld [smem:$0x3FAB]  }
0x31: {  	[smem:$0x3FB4] =	sst s10  }
0x32: {  	s10 =	sld [smem:$0x3FB2];
	_ =	sdelay $0x3  }
0x33: {  	p0 =	seq.s32 s10, $0x1;
	s10 =	sld [smem:$0x3FB4];
	_ =	sdelay $0x3  }
0x34: {  	[smem:$0x3FB4] =	sst s10  }
0x35: {  	s10 =	sld [smem:$0x3FB3];
	_ =	sdelay $0x3  }
0x36: {  	p1 =	seq.s32 s10, $0x1;
	s10 =	sld [smem:$0x3FB4];
	_ =	sdelay $0x3  }
0x37: {  	[smem:$0x3FB4] =	sst s10  }
0x38: {  	s10 =	sld [smem:$0x3FB5]  }
0x39: {  	_ = 	snop;
	(pc) =	sbr.ind lr, $3  }
0x3a: {  	_ = 	snop  }
0x3b: {  	_ = 	snop  }
0x3c: {  	p2 =	seq.s32 s10, $0x1;
	s10 =	sld [smem:$0x3FB4]  }
0x3d: {  	_ =	shalt  }
0x3e: {  	_ =	shalt  }
0x3f: {  	_ =	shalt  }
0x40: {  	_ =	shalt  }
0x41: {  	_ =	shalt  }
0x42: {  	_ =	shalt  }
0x43: {  	_ =	shalt  }
0x44: {  	_ =	shalt  }
0x45: {  	_ =	shalt  }
0x46: {  	_ =	shalt  }
0x47: {  	_ =	shalt  }
0x48: {  	_ =	shalt  }
0x49: {  	_ =	shalt  }
0x4a: {  	_ =	shalt  }
0x4b: {  	_ =	shalt  }
0x4c: {  	_ =	shalt  }
0x4d: {  	_ =	shalt  }
0x4e: {  	_ =	shalt  }
0x4f: {  	_ =	shalt  }
0x50: {  	_ =	shalt  }
0x51: {  	_ =	shalt  }
0x52: {  	_ =	shalt  }
0x53: {  	_ =	shalt  }
0x54: {  	_ =	shalt  }
0x55: {  	_ =	shalt  }
0x56: {  	_ =	shalt  }
0x57: {  	_ =	shalt  }
0x58: {  	_ =	shalt  }
0x59: {  	_ =	shalt  }
0x5a: {  	_ =	shalt  }
0x5b: {  	_ =	shalt  }
0x5c: {  	_ =	shalt  }
0x5d: {  	_ =	shalt  }
0x5e: {  	_ =	shalt  }
0x5f: {  	_ =	shalt  }
0x60: {  	_ =	shalt  }
0x61: {  	_ =	shalt  }
0x62: {  	_ =	shalt  }
0x63: {  	_ =	shalt  }
0x64: {  	_ =	shalt  }
0x65: {  	_ =	shalt  }
0x66: {  	_ =	shalt  }
0x67: {  	_ =	shalt  }
0x68: {  	_ =	shalt  }
0x69: {  	_ =	shalt  }
0x6a: {  	_ =	shalt  }
0x6b: {  	_ =	shalt  }
0x6c: {  	_ =	shalt  }
0x6d: {  	_ =	shalt  }
0x6e: {  	_ =	shalt  }
0x6f: {  	_ =	shalt  }
0x70: {  	_ =	shalt  }
0x71: {  	_ =	shalt  }
0x72: {  	_ =	shalt  }
0x73: {  	_ =	shalt  }
0x74: {  	_ =	shalt  }
0x75: {  	_ =	shalt  }
0x76: {  	_ =	shalt  }
0x77: {  	_ =	shalt  }
0x78: {  	_ =	shalt  }
0x79: {  	_ =	shalt  }
0x7a: {  	_ =	shalt  }
0x7b: {  	_ =	shalt  }
0x7c: {  	_ =	shalt  }
0x7d: {  	_ =	shalt  }
0x7e: {  	_ =	shalt  }
0x7f: {  	_ =	shalt  }
0x80: {  	_ =	shalt  }
0x81: {  	_ =	shalt  }
0x82: {  	_ =	shalt  }
0x83: {  	_ =	shalt  }
0x84: {  	_ =	shalt  }
0x85: {  	_ =	shalt  }
0x86: {  	_ =	shalt  }
0x87: {  	_ =	shalt  }
.Lfunc_end0:
.L_simem_size_0:
called_computation_lowered:
.L_overlay_start_0:
0x88: {  	s2 =	sld [smem:$0x3FD9]  }
0x89: {  	s3 =	sld [smem:$0x3FFE];
	_ =	sdelay $0x1  }
0x8a: {  	s1 =	srdreg.scid  }
0x8b: {  	s0 =	sand.u32 $0x1, s1  }
0x8c: {  	s17 =	sshll.u32 s0, $0xA;
	s2 =	sadd.s32 s3, s2  }
0x8d: {  	s2 =	sadd.s32 s2, s17  }
0x8e: {  	[smem:$0x3FC0] =	sst s2  }
0x8f: {  	_ = 	snop  }
0x90: {  	s2 =	sld [smem:$0x3FC9]  }
0x91: {  	s18 =	sld [smem:$0x3FD0];
	(tm) =	ssettm $0x1  }
0x92: {  	s4 =	sld [smem:$0x3FFB];
	_ =	sdelay $0x3  }
0x93: {  	_ =	strace s4  }
0x94: {  	s4 =	sld [smem:$0x3FFC];
	_ =	sdelay $0x3  }
0x95: {  	_ =	strace s4  }
0x96: {  	s4 =	sld [smem:$0x3FFD];
	_ =	sdelay $0x3  }
0x97: {  	_ =	strace s4  }
0x98: {  	_ =	strace $0x8FFFFFFF  }
0x99: {  	s19 =	sld [smem:$0x3FDB];
	_ =	sdelay $0x1  }
0x9a: {  	s5 =	simm.s32 $_scs_section_size  }
0x9b: {  	s6 =	simm.s32 $_size__tile_overlayer_lowered;
	s7 =	simm.s32 $_tile_overlayer_lowered  }
0x9c: {  	s22 =	simm.s32 $0x1BFF;
	s21 =	sshll.u32 s7, $0x1;
	s4 =	sadd.s32 s5, s19  }
0x9d: {  	s8 =	simm.s32 $0x0;
	s20 =	sshll.u32 s6, $0x1;
	s6 =	sadd.s32 s21, s4  }
0x9e: {  	[timem:s8], [sflag:s22] =	dma.local [hbm:s6], s20  }
0x9f: {  	_ =	swait.ge [sflag:s22], s20  }
0xa0: {  	s5 =	ssub.s32 $0x0, s20;
	[sflag:s22] =	ssyncset.done $0x0  }
0xa1: {  	[sflag:s22] =	ssyncadd.s32 s5;
	_ =	sdelay $0x1  }
0xa2: {  	s23 =	simm.s32 $0x1B8B  }
0xa3: {  	_ =	swait.ge [sflag:s23], $0x1  }
0xa4: {  	[sflag:s23] =	ssyncset.done $0x0  }
0xa5: {  	s25 =	simm.s32 $0x1B8E;
	s24 =	sld [smem:$0x3FFE];
	[sflag:s23] =	ssyncadd.s32 $0xFFFFFFFF  }
0xa6: {  	s26 =	simm.s32 $execute0_lowered;
	[smem:$0x3FD2] =	sst s25  }
0xa7: {  	s6 =	sshll.u32 s26, $0x1;
	_ =	strace $0x80000046;
	[dreg:$0x1] =	wrdreg $0xFFFFFFFF  }
0xa8: {  	s28 =	simm.s32 $_size_execute0_lowered;
	s4 =	sadd.s32 s4, s6;
	[dreg:$0x0] =	wrdreg $0x0  }
0xa9: {  	s6 =	sshll.u32 s28, $0x1;
	[dreg:$0x2] =	wrdreg s4  }
0xaa: {  	[dreg:$0x3] =	wrdreg s6  }
0xab: {  	[dreg:$0x4] =	wrdreg $0xC0  }
0xac: {  	_ =	task [dreg:s8], $0x5FFFF  }
0xad: {  	[dreg:$0x1] =	wrdreg $0xFFFFFFFF  }
0xae: {  	[dreg:$0x0] =	wrdreg $0x60  }
0xaf: {  	[dreg:$0x2] =	wrdreg s2  }
0xb0: {  	[dreg:$0x3] =	wrdreg s18  }
0xb1: {  	[dreg:$0x4] =	wrdreg s24  }
0xb2: {  	[dreg:$0x5] =	wrdreg $0x9  }
0xb3: {  	_ =	task.clear_ibuf [dreg:s8], $0x6FFFF;
	_ =	strace $0x90000046  }
0xb4: {  	s29 =	simm.s32 $0x9;
	_ =	strace $0x80000048  }
0xb5: {  	_ =	swait.ge [sflag:s29], $0x1  }
0xb6: {  	[sflag:s29] =	ssyncadd.s32 $0xFFFFFFFF  }
0xb7: {  	_ =	strace $0x90000048  }
0xb8: {  	_ =	sfence  }
0xb9: {  	s30 =	sld [smem:$0x0];
	_ =	sdelay $0x2  }
0xba: {  	s31 =	sshll.u32 s1, $0xD;
	s1 =	sshrl.u32 s1, $0x2  }
0xbb: {  	s3 =	sand.u32 $0x4000, s31;
	s1 =	sadd.s32 s1, s30  }
0xbc: {  	s0 =	sor.u32 s3, s0;
	s1 =	sshll.u32 s1, $0x11  }
0xbd: {  	s0 =	sor.u32 s1, s0  }
0xbe: {  	s0 =	sadd.s32 $0x8F2B, s0  }
0xbf: {  	[sflag:s0] =	ssyncadd.remote.s32 $0x1  }
0xc0: {  	_ =	sfence.sel $0xFFFF  }
0xc1: {  	[dreg:$0x0] =	wrdreg $0xFFFFFFFF;
	(pc) =	sbr.abs _section_cstart, $3  }
0xc2: {  	[dreg:$0x1] =	wrdreg $0xFFFFFFFF  }
0xc3: {  	_ =	task.clear_ibuf [dreg:s8], $0x2FFFF;
	_ =	strace $0x9FFFFFFF  }
0xc4: {  	(tm) =	ssettm $0x7FFFFFFF  }
0xc5: {  	_ =	shalt  }
tec
execute0_lowered:
.L_overlay_start_1:
0x0: {  	(tag) =	ssettag $0x1  }
0x1: {  	s0 =	rddreg [dreg:$0x0]  }
0x2: {  	s1 =	rddreg [dreg:$0x1];
	s3 =	srdreg.scid  }
0x3: {  	s10 =	stileid.u32;
	s2 =	rddreg [dreg:$0x2]  }
0x4: {  	s31 =	simm.s32 $0x180;
	s28 =	simm.s32 $0x2;
	s4 =	sand.u32 $0x1, s3  }
0x5: {  	s5 =	sshll.u32 s10, $0x1;
	s3 =	simm.s32 $0x0;
	p1 =	seq.s32 s10, $0xF  }
0x6: {  	s10 =	simm.s32 $0x2980;
	s6 =	sor.u32 s4, s5;
	[smem:$0x7FF] =	sst s3  }
0x7: {  	s4 =	ssub.s32 $0x2, s4;
	s5 =	smul.u32 $0x680, s6;
	_ =	strace $0x80000047  }
0x8: {  	s7 =	sshrl.u32 s4, $0x1;
	s8 =	smul.u32 $0xD000, s6;
	p0 =	sne.s32 s6, $0x1E  }
0x9: {  	s4 =	ssub.s32 s4, s7;
	s16 =	sshrl.u32 s5, $0x3;
	s9 =	sadd.s32 $0x80, s5  }
0xa: {  	s17 =	sadd.s32 s0, s8;
	s20 =	sadd.s32 $0x100, s5;
	s23 =	sadd.s32 $0x180, s5  }
0xb: {  	s25 =	sadd.s32 $0x200, s5;
	s30 =	sadd.s32 $0x280, s5;
	s12 =	sadd.s32 $0x300, s5  }
0xc: {  	s14 =	sadd.s32 $0x380, s5;
	s7 =	sadd.s32 s1, s16;
	[dreg:$0x5] =	wrdreg s17  }
0xd: {  	s18 =	sshrl.u32 s9, $0x3;
	s19 =	sshll.u32 s9, $0x5;
	s21 =	sshrl.u32 s20, $0x3  }
0xe: {  	s8 =	sshll.u32 s20, $0x5;
	s24 =	sshrl.u32 s23, $0x3;
	s26 =	sshrl.u32 s25, $0x3  }
0xf: {  	s29 =	sshll.u32 s25, $0x5;
	s9 =	sshrl.u32 s30, $0x3;
	s13 =	sshrl.u32 s12, $0x3  }
0x10: {  	s15 =	sshrl.u32 s14, $0x3;
	s16 =	sshll.u32 s14, $0x5;
	s17 =	sadd.s32 $0x400, s5  }
0x11: {  	s20 =	sadd.s32 $0x480, s5;
	[dreg:$0x4] =	wrdreg s7;
	s7 =	sadd.s32 s1, s18  }
0x12: {  	s25 =	sadd.s32 $0x580, s5;
	s22 =	sadd.s32 s0, s8;
	[dreg:$0x6] =	wrdreg s7  }
0x13: {  	s14 =	simm.s32 $0x4980;
	s8 =	sadd.s32 s1, s24;
	[dreg:$0x9] =	wrdreg s22  }
0x14: {  	s18 =	sshrl.u32 s17, $0x3;
	s7 =	sadd.s32 s0, s19;
	[dreg:$0xa] =	wrdreg s8  }
0x15: {  	s8 =	sshll.u32 s30, $0x5;
	s6 =	sadd.s32 s1, s18;
	s19 =	sshll.u32 s17, $0x5  }
0x16: {  	s17 =	simm.s32 $0x6180;
	s18 =	simm.s32 $0x6980;
	[dreg:$0x7] =	wrdreg s7  }
0x17: {  	s7 =	sadd.s32 s1, s21;
	s11 =	sadd.s32 s0, s8;
	[dreg:$0x14] =	wrdreg s6  }
0x18: {  	s8 =	sadd.s32 s1, s13;
	s6 =	sadd.s32 s0, s19;
	[dreg:$0x8] =	wrdreg s7  }
0x19: {  	s21 =	sshrl.u32 s20, $0x3;
	s13 =	simm.s32 $0x4180;
	[dreg:$0xf] =	wrdreg s11  }
0x1a: {  	s19 =	simm.s32 $0x7180;
	s7 =	sshll.u32 s23, $0x5;
	[dreg:$0x10] =	wrdreg s8  }
0x1b: {  	[dreg:$0x15] =	wrdreg s6;
	s6 =	sadd.s32 s1, s21;
	s23 =	sadd.s32 $0x500, s5  }
0x1c: {  	s5 =	sadd.s32 $0x600, s5;
	s8 =	simm.s32 $0x1980;
	s11 =	simm.s32 $0x3180  }
0x1d: {  	s7 =	sadd.s32 s0, s7;
	[dreg:$0x16] =	wrdreg s6;
	s6 =	sshll.u32 s23, $0x5  }
0x1e: {  	s30 =	sshrl.u32 s5, $0x3;
	[dreg:$0xb] =	wrdreg s7;
	s7 =	sadd.s32 s1, s26  }
0x1f: {  	s5 =	sshll.u32 s5, $0x5;
	s6 =	sadd.s32 s0, s6;
	[dreg:$0xc] =	wrdreg s7  }
0x20: {  	s21 =	simm.s32 $0x4;
	s5 =	sadd.s32 s0, s5;
	[dreg:$0x19] =	wrdreg s6  }
0x21: {  	s26 =	sshrl.u32 s25, $0x3;
	s7 =	sadd.s32 s0, s29;
	[dreg:$0x1d] =	wrdreg s5  }
0x22: {  	s24 =	sshrl.u32 s23, $0x3;
	s6 =	sadd.s32 s1, s26;
	[dreg:$0xd] =	wrdreg s7  }
0x23: {  	s29 =	sshll.u32 s25, $0x5;
	s7 =	sadd.s32 s1, s9;
	[dreg:$0x1a] =	wrdreg s6  }
0x24: {  	s25 =	simm.s32 $0x6;
	s6 =	sadd.s32 s0, s29;
	[dreg:$0xe] =	wrdreg s7  }
0x25: {  	s7 =	sshll.u32 s12, $0x5;
	[dreg:$0x1b] =	wrdreg s6;
	s6 =	sadd.s32 s1, s30  }
0x26: {  	s26 =	simm.s32 $0x8180;
	s7 =	sadd.s32 s0, s7;
	[dreg:$0x1c] =	wrdreg s6  }
0x27: {  	s5 =	simm.s32 $0x10180;
	[dreg:$0x11] =	wrdreg s7;
	s7 =	sadd.s32 s1, s15  }
0x28: {  	s9 =	simm.s32 $0x2180;
	[dreg:$0x12] =	wrdreg s7;
	s7 =	sadd.s32 s0, s16  }
0x29: {  	s12 =	simm.s32 $0x3980;
	[dreg:$0x13] =	wrdreg s7;
	s7 =	sshll.u32 s20, $0x5  }
0x2a: {  	s6 =	simm.s32 $0x980;
	s15 =	simm.s32 $0x5180;
	s22 =	sadd.s32 s0, s7  }
.Ltmp0:
0x2b: {  	s7 =	sadd.s32 s1, s24;
	[dreg:$0x17] =	wrdreg s22;
	(pc) =	sbr.rel .LBB2_1-.Ltmp0, $4  }
0x2c: {  	s16 =	simm.s32 $0x5980;
	s1 =	sadd.s32 $0x185A, s1;
	[dreg:$0x18] =	wrdreg s7  }
0x2d: {  	v2 =	vlaneseq.u32;
	s20 =	simm.s32 $0x7980;
	s0 =	sadd.s32 $0x185A00, s0;
	[dreg:$0x1e] =	wrdreg s1  }
0x2e: {  	vm0 =	vmmov $0xffff;
	v1 =	vshrl.u32 v2, $0x3;
	s24 =	simm.s32 $0x1;
	[dreg:$0x1f] =	wrdreg s0;
	s0 =	smax.u32 s4, $0x1  }
0x2f: {  	v0 =	vand.u32 $0x7, v2;
	v2 =	vor.u32 $0x8, v2;
	v1 =	vmul.u32 $0x8, v1;
	s7 =	simm.s32 $0x1180;
	s1 =	simm.s32 $0x3;
	s22 =	simm.s32 $0x5  }
.LBB2_5:
0x30: {  	s0 =	sadd.s32 $0xFFFFFFFF, s0  }
0x31: {  	p2 =	sne.s32 s0, $0x0  }
.Ltmp1:
0x32: {  	_ = 	snop;
	(pc) =	sbr.rel @!p2 .LBB2_6-.Ltmp1, $1  }
0x33: {  	_ =	sdelay $0x3  }
.LBB2_1:
.Ltmp2:
0x34: {  	(pc) =	sbr.rel @p1 .LBB2_3-.Ltmp2, $1  }
0x35: {  	_ =	sdelay $0x3  }
0x36: {  	s29 =	rddreg [dreg:$0x4]  }
0x37: {  	[tilespmem:s3], [sflag:$0x1] =	stream.linear.gather [hbm4b:s29+s3], $0x80, $0x38;
	[tilespmem:$0x18180] =	vst v63  }
0x38: {  	s23 =	rddreg [dreg:$0x5]  }
0x39: {  	[tilespmem:s31], [sflag:$0x1] =	stream.linear.gather [hbm4b:s23+s3], $0x8000, $0x38;
	[tilespmem:$0x18180] =	vst v63  }
0x3a: {  	s30 =	rddreg [dreg:$0x6];
	s4 =	simm.s32 $0x80  }
0x3b: {  	[tilespmem:s4], [sflag:$0x2] =	stream.linear.gather [hbm4b:s30+s3], $0x80, $0x38;
	[tilespmem:$0x18180] =	vst v63  }
0x3c: {  	s4 =	rddreg [dreg:$0x7]  }
0x3d: {  	[tilespmem:s26], [sflag:$0x2] =	stream.linear.gather [hbm4b:s4+s3], $0x8000, $0x38;
	[tilespmem:$0x18180] =	vst v63  }
0x3e: {  	_ =	swait.ge [sflag:s24], $0x80  }
0x3f: {  	[sflag:s24] =	ssyncset.done $0x0  }
0x40: {  	[sflag:s24] =	ssyncadd.s32 $0xFFFFFF80  }
0x41: {  	_ =	swait.ge [sflag:s24], $0x8000  }
0x42: {  	[sflag:s24] =	ssyncset.done $0x0  }
0x43: {  	[sflag:s24] =	ssyncadd.s32 $0xFFFF8000  }
0x44: {  	v3 =	vld [tilespmem:$0x0];
	_ =	sdelay $0x4  }
0x45: {  	v4 =	vshll.u32 v3, $0x1  }
0x46: {  	v3 =	vand.u32 $0x7, v3;
	v4 =	vand.u32 $0xFFFFFFF0, v4  }
0x47: {  	v3 =	vor.u32 v3, v4  }
0x48: {  	v4 =	vperm.xlane v3, v0;
	_ =	sdelay $0x1  }
0x49: {  	v3 =	vperm.xlane v3, v2;
	v4 =	vadd.s32 v1, v4;
	_ =	sdelay $0x1  }
0x4a: {  	v3 =	vadd.s32 v1, v3;
	_ =	sdelay $0x2  }
0x4b: {  	[hbm4b:s2+s3] =	stream.indirect_vreg.scatter [tilespmem:s31], [sflag:$0x4], $0x80, v4, vm0, $0xb8;
	[tilespmem:$0x18180] =	vst v63  }
0x4c: {  	_ = 	snop  }
0x4d: {  	[hbm4b:s2+s3] =	stream.indirect_vreg.scatter [tilespmem:s6], [sflag:$0x4], $0x80, v3, vm0, $0xb8;
	[tilespmem:$0x18180] =	vst v63  }
0x4e: {  	v3 =	vld [tilespmem:$0x10];
	_ =	sdelay $0x4  }
0x4f: {  	v17 =	vshll.u32 v3, $0x1  }
0x50: {  	v3 =	vand.u32 $0x7, v3;
	v4 =	vand.u32 $0xFFFFFFF0, v17  }
0x51: {  	v3 =	vor.u32 v3, v4  }
0x52: {  	v4 =	vperm.xlane v3, v0;
	_ =	sdelay $0x1  }
0x53: {  	v3 =	vperm.xlane v3, v2;
	v4 =	vadd.s32 v1, v4;
	_ =	sdelay $0x1  }
0x54: {  	v3 =	vadd.s32 v1, v3;
	_ =	sdelay $0x2  }
0x55: {  	[hbm4b:s2+s3] =	stream.indirect_vreg.scatter [tilespmem:s7], [sflag:$0x4], $0x80, v4, vm0, $0xb8;
	[tilespmem:$0x18180] =	vst v63  }
0x56: {  	_ = 	snop  }
0x57: {  	[hbm4b:s2+s3] =	stream.indirect_vreg.scatter [tilespmem:s8], [sflag:$0x4], $0x80, v3, vm0, $0xb8;
	[tilespmem:$0x18180] =	vst v63  }
0x58: {  	v3 =	vld [tilespmem:$0x20];
	_ =	sdelay $0x4  }
0x59: {  	v18 =	vshll.u32 v3, $0x1  }
0x5a: {  	v3 =	vand.u32 $0x7, v3;
	v4 =	vand.u32 $0xFFFFFFF0, v18  }
0x5b: {  	v3 =	vor.u32 v3, v4  }
0x5c: {  	v4 =	vperm.xlane v3, v0;
	_ =	sdelay $0x1  }
0x5d: {  	v3 =	vperm.xlane v3, v2;
	v4 =	vadd.s32 v1, v4;
	_ =	sdelay $0x1  }
0x5e: {  	v3 =	vadd.s32 v1, v3;
	_ =	sdelay $0x2  }
0x5f: {  	[hbm4b:s2+s3] =	stream.indirect_vreg.scatter [tilespmem:s9], [sflag:$0x4], $0x80, v4, vm0, $0xb8;
	[tilespmem:$0x18180] =	vst v63  }
0x60: {  	_ = 	snop  }
0x61: {  	[hbm4b:s2+s3] =	stream.indirect_vreg.scatter [tilespmem:s10], [sflag:$0x4], $0x80, v3, vm0, $0xb8;
	[tilespmem:$0x18180] =	vst v63  }
0x62: {  	v3 =	vld [tilespmem:$0x30];
	_ =	sdelay $0x4  }
0x63: {  	v19 =	vshll.u32 v3, $0x1  }
0x64: {  	v3 =	vand.u32 $0x7, v3;
	v4 =	vand.u32 $0xFFFFFFF0, v19  }
0x65: {  	v3 =	vor.u32 v3, v4  }
0x66: {  	v4 =	vperm.xlane v3, v0;
	_ =	sdelay $0x1  }
0x67: {  	v3 =	vperm.xlane v3, v2;
	v4 =	vadd.s32 v1, v4;
	_ =	sdelay $0x1  }
0x68: {  	v3 =	vadd.s32 v1, v3;
	_ =	sdelay $0x2  }
0x69: {  	[hbm4b:s2+s3] =	stream.indirect_vreg.scatter [tilespmem:s11], [sflag:$0x4], $0x80, v4, vm0, $0xb8;
	[tilespmem:$0x18180] =	vst v63  }
0x6a: {  	_ = 	snop  }
0x6b: {  	[hbm4b:s2+s3] =	stream.indirect_vreg.scatter [tilespmem:s12], [sflag:$0x4], $0x80, v3, vm0, $0xb8;
	[tilespmem:$0x18180] =	vst v63  }
0x6c: {  	v3 =	vld [tilespmem:$0x40];
	_ =	sdelay $0x4  }
0x6d: {  	v20 =	vshll.u32 v3, $0x1  }
0x6e: {  	v3 =	vand.u32 $0x7, v3;
	v4 =	vand.u32 $0xFFFFFFF0, v20  }
0x6f: {  	v3 =	vor.u32 v3, v4  }
0x70: {  	v4 =	vperm.xlane v3, v0;
	_ =	sdelay $0x1  }
0x71: {  	v3 =	vperm.xlane v3, v2;
	v4 =	vadd.s32 v1, v4;
	_ =	sdelay $0x1  }
0x72: {  	v3 =	vadd.s32 v1, v3;
	_ =	sdelay $0x2  }
0x73: {  	[hbm4b:s2+s3] =	stream.indirect_vreg.scatter [tilespmem:s13], [sflag:$0x4], $0x80, v4, vm0, $0xb8;
	[tilespmem:$0x18180] =	vst v63  }
0x74: {  	_ = 	snop  }
0x75: {  	[hbm4b:s2+s3] =	stream.indirect_vreg.scatter [tilespmem:s14], [sflag:$0x4], $0x80, v3, vm0, $0xb8;
	[tilespmem:$0x18180] =	vst v63  }
0x76: {  	v3 =	vld [tilespmem:$0x50];
	_ =	sdelay $0x4  }
0x77: {  	v21 =	vshll.u32 v3, $0x1  }
0x78: {  	v3 =	vand.u32 $0x7, v3;
	v4 =	vand.u32 $0xFFFFFFF0, v21  }
0x79: {  	v3 =	vor.u32 v3, v4  }
0x7a: {  	v4 =	vperm.xlane v3, v0;
	_ =	sdelay $0x1  }
0x7b: {  	v3 =	vperm.xlane v3, v2;
	v4 =	vadd.s32 v1, v4;
	_ =	sdelay $0x1  }
0x7c: {  	v3 =	vadd.s32 v1, v3;
	_ =	sdelay $0x2  }
0x7d: {  	[hbm4b:s2+s3] =	stream.indirect_vreg.scatter [tilespmem:s15], [sflag:$0x4], $0x80, v4, vm0, $0xb8;
	[tilespmem:$0x18180] =	vst v63  }
0x7e: {  	_ = 	snop  }
0x7f: {  	[hbm4b:s2+s3] =	stream.indirect_vreg.scatter [tilespmem:s16], [sflag:$0x4], $0x80, v3, vm0, $0xb8;
	[tilespmem:$0x18180] =	vst v63  }
0x80: {  	v3 =	vld [tilespmem:$0x60];
	_ =	sdelay $0x4  }
0x81: {  	v22 =	vshll.u32 v3, $0x1  }
0x82: {  	v3 =	vand.u32 $0x7, v3;
	v4 =	vand.u32 $0xFFFFFFF0, v22  }
0x83: {  	v3 =	vor.u32 v3, v4  }
0x84: {  	v4 =	vperm.xlane v3, v0;
	_ =	sdelay $0x1  }
0x85: {  	v3 =	vperm.xlane v3, v2;
	v4 =	vadd.s32 v1, v4;
	_ =	sdelay $0x1  }
0x86: {  	v3 =	vadd.s32 v1, v3;
	_ =	sdelay $0x2  }
0x87: {  	[hbm4b:s2+s3] =	stream.indirect_vreg.scatter [tilespmem:s17], [sflag:$0x4], $0x80, v4, vm0, $0xb8;
	[tilespmem:$0x18180] =	vst v63  }
0x88: {  	_ = 	snop  }
0x89: {  	[hbm4b:s2+s3] =	stream.indirect_vreg.scatter [tilespmem:s18], [sflag:$0x4], $0x80, v3, vm0, $0xb8;
	[tilespmem:$0x18180] =	vst v63  }
0x8a: {  	v3 =	vld [tilespmem:$0x70];
	_ =	sdelay $0x4  }
0x8b: {  	v23 =	vshll.u32 v3, $0x1  }
0x8c: {  	v3 =	vand.u32 $0x7, v3;
	v4 =	vand.u32 $0xFFFFFFF0, v23  }
0x8d: {  	v3 =	vor.u32 v3, v4  }
0x8e: {  	v4 =	vperm.xlane v3, v0;
	_ =	sdelay $0x1  }
0x8f: {  	v3 =	vperm.xlane v3, v2;
	v4 =	vadd.s32 v1, v4;
	_ =	sdelay $0x1  }
0x90: {  	v3 =	vadd.s32 v1, v3;
	_ =	sdelay $0x2  }
0x91: {  	[hbm4b:s2+s3] =	stream.indirect_vreg.scatter [tilespmem:s19], [sflag:$0x4], $0x80, v4, vm0, $0xb8;
	[tilespmem:$0x18180] =	vst v63  }
0x92: {  	_ = 	snop  }
0x93: {  	[hbm4b:s2+s3] =	stream.indirect_vreg.scatter [tilespmem:s20], [sflag:$0x4], $0x80, v3, vm0, $0xb8;
	[tilespmem:$0x18180] =	vst v63  }
0x94: {  	s15 =	rddreg [dreg:$0x8];
	s16 =	simm.s32 $0x100  }
0x95: {  	[tilespmem:s16], [sflag:$0x3] =	stream.linear.gather [hbm4b:s15+s3], $0x80, $0x38;
	[tilespmem:$0x18180] =	vst v63  }
0x96: {  	s17 =	rddreg [dreg:$0x9]  }
0x97: {  	[tilespmem:s5], [sflag:$0x3] =	stream.linear.gather [hbm4b:s17+s3], $0x8000, $0x38;
	[tilespmem:$0x18180] =	vst v63  }
0x98: {  	_ =	swait.ge [sflag:s28], $0x80  }
0x99: {  	[sflag:s28] =	ssyncset.done $0x0  }
0x9a: {  	[sflag:s28] =	ssyncadd.s32 $0xFFFFFF80  }
0x9b: {  	_ =	swait.ge [sflag:s28], $0x8000  }
0x9c: {  	[sflag:s28] =	ssyncset.done $0x0  }
0x9d: {  	[sflag:s28] =	ssyncadd.s32 $0xFFFF8000  }
0x9e: {  	v3 =	vld [tilespmem:$0x80];
	_ =	sdelay $0x4  }
0x9f: {  	v24 =	vshll.u32 v3, $0x1  }
0xa0: {  	v3 =	vand.u32 $0x7, v3;
	v4 =	vand.u32 $0xFFFFFFF0, v24  }
0xa1: {  	v3 =	vor.u32 v3, v4  }
0xa2: {  	v4 =	vperm.xlane v3, v0;
	_ =	sdelay $0x1  }
0xa3: {  	v3 =	vperm.xlane v3, v2;
	v4 =	vadd.s32 v1, v4;
	_ =	sdelay $0x1  }
0xa4: {  	v3 =	vadd.s32 v1, v3;
	_ =	sdelay $0x2  }
0xa5: {  	[hbm4b:s2+s3] =	stream.indirect_vreg.scatter [tilespmem:s26], [sflag:$0x5], $0x80, v4, vm0, $0xb8;
	[tilespmem:$0x18180] =	vst v63  }
0xa6: {  	s18 =	simm.s32 $0x8980  }
0xa7: {  	[hbm4b:s2+s3] =	stream.indirect_vreg.scatter [tilespmem:s18], [sflag:$0x5], $0x80, v3, vm0, $0xb8;
	[tilespmem:$0x18180] =	vst v63  }
0xa8: {  	v3 =	vld [tilespmem:$0x90];
	_ =	sdelay $0x4  }
0xa9: {  	v25 =	vshll.u32 v3, $0x1  }
0xaa: {  	v3 =	vand.u32 $0x7, v3;
	v4 =	vand.u32 $0xFFFFFFF0, v25  }
0xab: {  	v3 =	vor.u32 v3, v4  }
0xac: {  	v4 =	vperm.xlane v3, v0;
	_ =	sdelay $0x1  }
0xad: {  	v3 =	vperm.xlane v3, v2;
	v4 =	vadd.s32 v1, v4;
	_ =	sdelay $0x1  }
0xae: {  	v3 =	vadd.s32 v1, v3;
	_ =	sdelay $0x1  }
0xaf: {  	s19 =	simm.s32 $0x9180  }
0xb0: {  	[hbm4b:s2+s3] =	stream.indirect_vreg.scatter [tilespmem:s19], [sflag:$0x5], $0x80, v4, vm0, $0xb8;
	[tilespmem:$0x18180] =	vst v63  }
0xb1: {  	s20 =	simm.s32 $0x9980  }
0xb2: {  	[hbm4b:s2+s3] =	stream.indirect_vreg.scatter [tilespmem:s20], [sflag:$0x5], $0x80, v3, vm0, $0xb8;
	[tilespmem:$0x18180] =	vst v63  }
0xb3: {  	v3 =	vld [tilespmem:$0xA0];
	_ =	sdelay $0x4  }
0xb4: {  	v26 =	vshll.u32 v3, $0x1  }
0xb5: {  	v3 =	vand.u32 $0x7, v3;
	v4 =	vand.u32 $0xFFFFFFF0, v26  }
0xb6: {  	v3 =	vor.u32 v3, v4  }
0xb7: {  	v4 =	vperm.xlane v3, v0;
	_ =	sdelay $0x1  }
0xb8: {  	v3 =	vperm.xlane v3, v2;
	v4 =	vadd.s32 v1, v4;
	_ =	sdelay $0x1  }
0xb9: {  	v3 =	vadd.s32 v1, v3;
	_ =	sdelay $0x1  }
0xba: {  	s29 =	simm.s32 $0xA180  }
0xbb: {  	[hbm4b:s2+s3] =	stream.indirect_vreg.scatter [tilespmem:s29], [sflag:$0x5], $0x80, v4, vm0, $0xb8;
	[tilespmem:$0x18180] =	vst v63  }
0xbc: {  	s6 =	simm.s32 $0xA980  }
0xbd: {  	[hbm4b:s2+s3] =	stream.indirect_vreg.scatter [tilespmem:s6], [sflag:$0x5], $0x80, v3, vm0, $0xb8;
	[tilespmem:$0x18180] =	vst v63  }
0xbe: {  	v3 =	vld [tilespmem:$0xB0];
	_ =	sdelay $0x4  }
0xbf: {  	v27 =	vshll.u32 v3, $0x1  }
0xc0: {  	v3 =	vand.u32 $0x7, v3;
	v4 =	vand.u32 $0xFFFFFFF0, v27  }
0xc1: {  	v3 =	vor.u32 v3, v4  }
0xc2: {  	v4 =	vperm.xlane v3, v0;
	_ =	sdelay $0x1  }
0xc3: {  	v3 =	vperm.xlane v3, v2;
	v4 =	vadd.s32 v1, v4;
	_ =	sdelay $0x1  }
0xc4: {  	v3 =	vadd.s32 v1, v3;
	_ =	sdelay $0x1  }
0xc5: {  	s10 =	simm.s32 $0xB180  }
0xc6: {  	[hbm4b:s2+s3] =	stream.indirect_vreg.scatter [tilespmem:s10], [sflag:$0x5], $0x80, v4, vm0, $0xb8;
	[tilespmem:$0x18180] =	vst v63  }
0xc7: {  	s11 =	simm.s32 $0xB980  }
0xc8: {  	[hbm4b:s2+s3] =	stream.indirect_vreg.scatter [tilespmem:s11], [sflag:$0x5], $0x80, v3, vm0, $0xb8;
	[tilespmem:$0x18180] =	vst v63  }
0xc9: {  	v3 =	vld [tilespmem:$0xC0];
	_ =	sdelay $0x4  }
0xca: {  	v28 =	vshll.u32 v3, $0x1  }
0xcb: {  	v3 =	vand.u32 $0x7, v3;
	v4 =	vand.u32 $0xFFFFFFF0, v28  }
0xcc: {  	v3 =	vor.u32 v3, v4  }
0xcd: {  	v4 =	vperm.xlane v3, v0;
	_ =	sdelay $0x1  }
0xce: {  	v3 =	vperm.xlane v3, v2;
	v4 =	vadd.s32 v1, v4;
	_ =	sdelay $0x1  }
0xcf: {  	v3 =	vadd.s32 v1, v3;
	_ =	sdelay $0x1  }
0xd0: {  	s12 =	simm.s32 $0xC180  }
0xd1: {  	[hbm4b:s2+s3] =	stream.indirect_vreg.scatter [tilespmem:s12], [sflag:$0x5], $0x80, v4, vm0, $0xb8;
	[tilespmem:$0x18180] =	vst v63  }
0xd2: {  	s14 =	simm.s32 $0xC980  }
0xd3: {  	[hbm4b:s2+s3] =	stream.indirect_vreg.scatter [tilespmem:s14], [sflag:$0x5], $0x80, v3, vm0, $0xb8;
	[tilespmem:$0x18180] =	vst v63  }
0xd4: {  	v3 =	vld [tilespmem:$0xD0];
	_ =	sdelay $0x4  }
0xd5: {  	v29 =	vshll.u32 v3, $0x1  }
0xd6: {  	v3 =	vand.u32 $0x7, v3;
	v4 =	vand.u32 $0xFFFFFFF0, v29  }
0xd7: {  	v3 =	vor.u32 v3, v4  }
0xd8: {  	v4 =	vperm.xlane v3, v0;
	_ =	sdelay $0x1  }
0xd9: {  	v3 =	vperm.xlane v3, v2;
	v4 =	vadd.s32 v1, v4;
	_ =	sdelay $0x1  }
0xda: {  	v3 =	vadd.s32 v1, v3;
	_ =	sdelay $0x1  }
0xdb: {  	s15 =	simm.s32 $0xD180  }
0xdc: {  	[hbm4b:s2+s3] =	stream.indirect_vreg.scatter [tilespmem:s15], [sflag:$0x5], $0x80, v4, vm0, $0xb8;
	[tilespmem:$0x18180] =	vst v63  }
0xdd: {  	s16 =	simm.s32 $0xD980  }
0xde: {  	[hbm4b:s2+s3] =	stream.indirect_vreg.scatter [tilespmem:s16], [sflag:$0x5], $0x80, v3, vm0, $0xb8;
	[tilespmem:$0x18180] =	vst v63  }
0xdf: {  	v3 =	vld [tilespmem:$0xE0];
	_ =	sdelay $0x4  }
0xe0: {  	v30 =	vshll.u32 v3, $0x1  }
0xe1: {  	v3 =	vand.u32 $0x7, v3;
	v4 =	vand.u32 $0xFFFFFFF0, v30  }
0xe2: {  	v3 =	vor.u32 v3, v4  }
0xe3: {  	v4 =	vperm.xlane v3, v0;
	_ =	sdelay $0x1  }
0xe4: {  	v3 =	vperm.xlane v3, v2;
	v4 =	vadd.s32 v1, v4;
	_ =	sdelay $0x1  }
0xe5: {  	v3 =	vadd.s32 v1, v3;
	_ =	sdelay $0x1  }
0xe6: {  	s18 =	simm.s32 $0xE180  }
0xe7: {  	[hbm4b:s2+s3] =	stream.indirect_vreg.scatter [tilespmem:s18], [sflag:$0x5], $0x80, v4, vm0, $0xb8;
	[tilespmem:$0x18180] =	vst v63  }
0xe8: {  	s19 =	simm.s32 $0xE980  }
0xe9: {  	[hbm4b:s2+s3] =	stream.indirect_vreg.scatter [tilespmem:s19], [sflag:$0x5], $0x80, v3, vm0, $0xb8;
	[tilespmem:$0x18180] =	vst v63  }
0xea: {  	v3 =	vld [tilespmem:$0xF0];
	_ =	sdelay $0x4  }
0xeb: {  	v31 =	vshll.u32 v3, $0x1  }
0xec: {  	v3 =	vand.u32 $0x7, v3;
	v4 =	vand.u32 $0xFFFFFFF0, v31  }
0xed: {  	v3 =	vor.u32 v3, v4  }
0xee: {  	v4 =	vperm.xlane v3, v0;
	_ =	sdelay $0x1  }
0xef: {  	v3 =	vperm.xlane v3, v2;
	v4 =	vadd.s32 v1, v4;
	_ =	sdelay $0x1  }
0xf0: {  	v3 =	vadd.s32 v1, v3;
	_ =	sdelay $0x1  }
0xf1: {  	s20 =	simm.s32 $0xF180  }
0xf2: {  	[hbm4b:s2+s3] =	stream.indirect_vreg.scatter [tilespmem:s20], [sflag:$0x5], $0x80, v4, vm0, $0xb8;
	[tilespmem:$0x18180] =	vst v63  }
0xf3: {  	s12 =	simm.s32 $0xF980  }
0xf4: {  	[hbm4b:s2+s3] =	stream.indirect_vreg.scatter [tilespmem:s12], [sflag:$0x5], $0x80, v3, vm0, $0xb8;
	[tilespmem:$0x18180] =	vst v63  }
0xf5: {  	_ =	swait.ge [sflag:s21], $0x8000  }
0xf6: {  	[sflag:s21] =	ssyncset.done $0x0  }
0xf7: {  	s14 =	rddreg [dreg:$0xa];
	[sflag:s21] =	ssyncadd.s32 $0xFFFF8000  }
0xf8: {  	[tilespmem:s3], [sflag:$0x1] =	stream.linear.gather [hbm4b:s14+s3], $0x80, $0x38;
	[tilespmem:$0x18180] =	vst v63  }
0xf9: {  	s15 =	rddreg [dreg:$0xb]  }
0xfa: {  	[tilespmem:s31], [sflag:$0x1] =	stream.linear.gather [hbm4b:s15+s3], $0x8000, $0x38;
	[tilespmem:$0x18180] =	vst v63  }
0xfb: {  	_ =	swait.ge [sflag:s1], $0x80  }
0xfc: {  	[sflag:s1] =	ssyncset.done $0x0  }
0xfd: {  	[sflag:s1] =	ssyncadd.s32 $0xFFFFFF80  }
0xfe: {  	_ =	swait.ge [sflag:s1], $0x8000  }
0xff: {  	[sflag:s1] =	ssyncset.done $0x0  }
0x100: {  	[sflag:s1] =	ssyncadd.s32 $0xFFFF8000  }
0x101: {  	v3 =	vld [tilespmem:$0x100];
	_ =	sdelay $0x4  }
0x102: {  	v32 =	vshll.u32 v3, $0x1  }
0x103: {  	v3 =	vand.u32 $0x7, v3;
	v4 =	vand.u32 $0xFFFFFFF0, v32  }
0x104: {  	v3 =	vor.u32 v3, v4  }
0x105: {  	v4 =	vperm.xlane v3, v0;
	_ =	sdelay $0x1  }
0x106: {  	v3 =	vperm.xlane v3, v2;
	v4 =	vadd.s32 v1, v4;
	_ =	sdelay $0x1  }
0x107: {  	v3 =	vadd.s32 v1, v3;
	_ =	sdelay $0x2  }
0x108: {  	[hbm4b:s2+s3] =	stream.indirect_vreg.scatter [tilespmem:s5], [sflag:$0x6], $0x80, v4, vm0, $0xb8;
	[tilespmem:$0x18180] =	vst v63  }
0x109: {  	s16 =	simm.s32 $0x10980  }
0x10a: {  	[hbm4b:s2+s3] =	stream.indirect_vreg.scatter [tilespmem:s16], [sflag:$0x6], $0x80, v3, vm0, $0xb8;
	[tilespmem:$0x18180] =	vst v63  }
0x10b: {  	v3 =	vld [tilespmem:$0x110];
	_ =	sdelay $0x4  }
0x10c: {  	v33 =	vshll.u32 v3, $0x1  }
0x10d: {  	v3 =	vand.u32 $0x7, v3;
	v4 =	vand.u32 $0xFFFFFFF0, v33  }
0x10e: {  	v3 =	vor.u32 v3, v4  }
0x10f: {  	v4 =	vperm.xlane v3, v0;
	_ =	sdelay $0x1  }
0x110: {  	v3 =	vperm.xlane v3, v2;
	v4 =	vadd.s32 v1, v4;
	_ =	sdelay $0x1  }
0x111: {  	v3 =	vadd.s32 v1, v3;
	_ =	sdelay $0x1  }
0x112: {  	s18 =	simm.s32 $0x11180  }
0x113: {  	[hbm4b:s2+s3] =	stream.indirect_vreg.scatter [tilespmem:s18], [sflag:$0x6], $0x80, v4, vm0, $0xb8;
	[tilespmem:$0x18180] =	vst v63  }
0x114: {  	s19 =	simm.s32 $0x11980  }
0x115: {  	[hbm4b:s2+s3] =	stream.indirect_vreg.scatter [tilespmem:s19], [sflag:$0x6], $0x80, v3, vm0, $0xb8;
	[tilespmem:$0x18180] =	vst v63  }
0x116: {  	v3 =	vld [tilespmem:$0x120];
	_ =	sdelay $0x4  }
0x117: {  	v34 =	vshll.u32 v3, $0x1  }
0x118: {  	v3 =	vand.u32 $0x7, v3;
	v4 =	vand.u32 $0xFFFFFFF0, v34  }
0x119: {  	v3 =	vor.u32 v3, v4  }
0x11a: {  	v4 =	vperm.xlane v3, v0;
	_ =	sdelay $0x1  }
0x11b: {  	v3 =	vperm.xlane v3, v2;
	v4 =	vadd.s32 v1, v4;
	_ =	sdelay $0x1  }
0x11c: {  	v3 =	vadd.s32 v1, v3;
	_ =	sdelay $0x1  }
0x11d: {  	s20 =	simm.s32 $0x12180  }
0x11e: {  	[hbm4b:s2+s3] =	stream.indirect_vreg.scatter [tilespmem:s20], [sflag:$0x6], $0x80, v4, vm0, $0xb8;
	[tilespmem:$0x18180] =	vst v63  }
0x11f: {  	s16 =	simm.s32 $0x12980  }
0x120: {  	[hbm4b:s2+s3] =	stream.indirect_vreg.scatter [tilespmem:s16], [sflag:$0x6], $0x80, v3, vm0, $0xb8;
	[tilespmem:$0x18180] =	vst v63  }
0x121: {  	v3 =	vld [tilespmem:$0x130];
	_ =	sdelay $0x4  }
0x122: {  	v35 =	vshll.u32 v3, $0x1  }
0x123: {  	v3 =	vand.u32 $0x7, v3;
	v4 =	vand.u32 $0xFFFFFFF0, v35  }
0x124: {  	v3 =	vor.u32 v3, v4  }
0x125: {  	v4 =	vperm.xlane v3, v0;
	_ =	sdelay $0x1  }
0x126: {  	v3 =	vperm.xlane v3, v2;
	v4 =	vadd.s32 v1, v4;
	_ =	sdelay $0x1  }
0x127: {  	v3 =	vadd.s32 v1, v3;
	_ =	sdelay $0x1  }
0x128: {  	s18 =	simm.s32 $0x13180  }
0x129: {  	[hbm4b:s2+s3] =	stream.indirect_vreg.scatter [tilespmem:s18], [sflag:$0x6], $0x80, v4, vm0, $0xb8;
	[tilespmem:$0x18180] =	vst v63  }
0x12a: {  	s19 =	simm.s32 $0x13980  }
0x12b: {  	[hbm4b:s2+s3] =	stream.indirect_vreg.scatter [tilespmem:s19], [sflag:$0x6], $0x80, v3, vm0, $0xb8;
	[tilespmem:$0x18180] =	vst v63  }
0x12c: {  	v3 =	vld [tilespmem:$0x140];
	_ =	sdelay $0x4  }
0x12d: {  	v36 =	vshll.u32 v3, $0x1  }
0x12e: {  	v3 =	vand.u32 $0x7, v3;
	v4 =	vand.u32 $0xFFFFFFF0, v36  }
0x12f: {  	v3 =	vor.u32 v3, v4  }
0x130: {  	v4 =	vperm.xlane v3, v0;
	_ =	sdelay $0x1  }
0x131: {  	v3 =	vperm.xlane v3, v2;
	v4 =	vadd.s32 v1, v4;
	_ =	sdelay $0x1  }
0x132: {  	v3 =	vadd.s32 v1, v3;
	_ =	sdelay $0x1  }
0x133: {  	s20 =	simm.s32 $0x14180  }
0x134: {  	[hbm4b:s2+s3] =	stream.indirect_vreg.scatter [tilespmem:s20], [sflag:$0x6], $0x80, v4, vm0, $0xb8;
	[tilespmem:$0x18180] =	vst v63  }
0x135: {  	s19 =	simm.s32 $0x14980  }
0x136: {  	[hbm4b:s2+s3] =	stream.indirect_vreg.scatter [tilespmem:s19], [sflag:$0x6], $0x80, v3, vm0, $0xb8;
	[tilespmem:$0x18180] =	vst v63  }
0x137: {  	v3 =	vld [tilespmem:$0x150];
	_ =	sdelay $0x4  }
0x138: {  	v37 =	vshll.u32 v3, $0x1  }
0x139: {  	v3 =	vand.u32 $0x7, v3;
	v4 =	vand.u32 $0xFFFFFFF0, v37  }
0x13a: {  	v3 =	vor.u32 v3, v4  }
0x13b: {  	v4 =	vperm.xlane v3, v0;
	_ =	sdelay $0x1  }
0x13c: {  	v3 =	vperm.xlane v3, v2;
	v4 =	vadd.s32 v1, v4;
	_ =	sdelay $0x1  }
0x13d: {  	v3 =	vadd.s32 v1, v3;
	_ =	sdelay $0x1  }
0x13e: {  	s20 =	simm.s32 $0x15180  }
0x13f: {  	[hbm4b:s2+s3] =	stream.indirect_vreg.scatter [tilespmem:s20], [sflag:$0x6], $0x80, v4, vm0, $0xb8;
	[tilespmem:$0x18180] =	vst v63  }
0x140: {  	s20 =	simm.s32 $0x15980  }
0x141: {  	[hbm4b:s2+s3] =	stream.indirect_vreg.scatter [tilespmem:s20], [sflag:$0x6], $0x80, v3, vm0, $0xb8;
	[tilespmem:$0x18180] =	vst v63  }
0x142: {  	v3 =	vld [tilespmem:$0x160];
	_ =	sdelay $0x4  }
0x143: {  	v38 =	vshll.u32 v3, $0x1  }
0x144: {  	v3 =	vand.u32 $0x7, v3;
	v4 =	vand.u32 $0xFFFFFFF0, v38  }
0x145: {  	v3 =	vor.u32 v3, v4  }
0x146: {  	v4 =	vperm.xlane v3, v0;
	_ =	sdelay $0x1  }
0x147: {  	v3 =	vperm.xlane v3, v2;
	v4 =	vadd.s32 v1, v4;
	_ =	sdelay $0x1  }
0x148: {  	v3 =	vadd.s32 v1, v3;
	_ =	sdelay $0x1  }
0x149: {  	s29 =	simm.s32 $0x16180  }
0x14a: {  	[hbm4b:s2+s3] =	stream.indirect_vreg.scatter [tilespmem:s29], [sflag:$0x6], $0x80, v4, vm0, $0xb8;
	[tilespmem:$0x18180] =	vst v63  }
0x14b: {  	s29 =	simm.s32 $0x16980  }
0x14c: {  	[hbm4b:s2+s3] =	stream.indirect_vreg.scatter [tilespmem:s29], [sflag:$0x6], $0x80, v3, vm0, $0xb8;
	[tilespmem:$0x18180] =	vst v63  }
0x14d: {  	v3 =	vld [tilespmem:$0x170];
	_ =	sdelay $0x4  }
0x14e: {  	v39 =	vshll.u32 v3, $0x1  }
0x14f: {  	v3 =	vand.u32 $0x7, v3;
	v4 =	vand.u32 $0xFFFFFFF0, v39  }
0x150: {  	v3 =	vor.u32 v3, v4  }
0x151: {  	v4 =	vperm.xlane v3, v0;
	_ =	sdelay $0x1  }
0x152: {  	v3 =	vperm.xlane v3, v2;
	v4 =	vadd.s32 v1, v4;
	_ =	sdelay $0x1  }
0x153: {  	v3 =	vadd.s32 v1, v3;
	_ =	sdelay $0x1  }
0x154: {  	s29 =	simm.s32 $0x17180  }
0x155: {  	[hbm4b:s2+s3] =	stream.indirect_vreg.scatter [tilespmem:s29], [sflag:$0x6], $0x80, v4, vm0, $0xb8;
	[tilespmem:$0x18180] =	vst v63  }
0x156: {  	s29 =	simm.s32 $0x17980  }
0x157: {  	[hbm4b:s2+s3] =	stream.indirect_vreg.scatter [tilespmem:s29], [sflag:$0x6], $0x80, v3, vm0, $0xb8;
	[tilespmem:$0x18180] =	vst v63  }
0x158: {  	_ =	swait.ge [sflag:s22], $0x8000  }
0x159: {  	[sflag:s22] =	ssyncset.done $0x0  }
0x15a: {  	s23 =	simm.s32 $0x80;
	s29 =	rddreg [dreg:$0xc];
	[sflag:s22] =	ssyncadd.s32 $0xFFFF8000  }
0x15b: {  	[tilespmem:s23], [sflag:$0x2] =	stream.linear.gather [hbm4b:s29+s3], $0x80, $0x38;
	[tilespmem:$0x18180] =	vst v63  }
0x15c: {  	s23 =	rddreg [dreg:$0xd]  }
0x15d: {  	[tilespmem:s26], [sflag:$0x2] =	stream.linear.gather [hbm4b:s23+s3], $0x8000, $0x38;
	[tilespmem:$0x18180] =	vst v63  }
0x15e: {  	_ =	swait.ge [sflag:s24], $0x80  }
0x15f: {  	[sflag:s24] =	ssyncset.done $0x0  }
0x160: {  	[sflag:s24] =	ssyncadd.s32 $0xFFFFFF80  }
0x161: {  	_ =	swait.ge [sflag:s24], $0x8000  }
0x162: {  	[sflag:s24] =	ssyncset.done $0x0  }
0x163: {  	[sflag:s24] =	ssyncadd.s32 $0xFFFF8000  }
0x164: {  	v3 =	vld [tilespmem:$0x0];
	_ =	sdelay $0x4  }
0x165: {  	v40 =	vshll.u32 v3, $0x1  }
0x166: {  	v3 =	vand.u32 $0x7, v3;
	v4 =	vand.u32 $0xFFFFFFF0, v40  }
0x167: {  	v3 =	vor.u32 v3, v4  }
0x168: {  	v4 =	vperm.xlane v3, v0;
	_ =	sdelay $0x1  }
0x169: {  	v3 =	vperm.xlane v3, v2;
	v4 =	vadd.s32 v1, v4;
	_ =	sdelay $0x1  }
0x16a: {  	v3 =	vadd.s32 v1, v3;
	_ =	sdelay $0x2  }
0x16b: {  	[hbm4b:s2+s3] =	stream.indirect_vreg.scatter [tilespmem:s31], [sflag:$0x4], $0x80, v4, vm0, $0xb8;
	[tilespmem:$0x18180] =	vst v63  }
0x16c: {  	s23 =	simm.s32 $0x980  }
0x16d: {  	[hbm4b:s2+s3] =	stream.indirect_vreg.scatter [tilespmem:s23], [sflag:$0x4], $0x80, v3, vm0, $0xb8;
	[tilespmem:$0x18180] =	vst v63  }
0x16e: {  	v3 =	vld [tilespmem:$0x10];
	_ =	sdelay $0x4  }
0x16f: {  	v41 =	vshll.u32 v3, $0x1  }
0x170: {  	v3 =	vand.u32 $0x7, v3;
	v4 =	vand.u32 $0xFFFFFFF0, v41  }
0x171: {  	v3 =	vor.u32 v3, v4  }
0x172: {  	v4 =	vperm.xlane v3, v0;
	_ =	sdelay $0x1  }
0x173: {  	v3 =	vperm.xlane v3, v2;
	v4 =	vadd.s32 v1, v4;
	_ =	sdelay $0x1  }
0x174: {  	v3 =	vadd.s32 v1, v3;
	_ =	sdelay $0x1  }
0x175: {  	s23 =	simm.s32 $0x1180  }
0x176: {  	[hbm4b:s2+s3] =	stream.indirect_vreg.scatter [tilespmem:s23], [sflag:$0x4], $0x80, v4, vm0, $0xb8;
	[tilespmem:$0x18180] =	vst v63  }
0x177: {  	s9 =	simm.s32 $0x1980  }
0x178: {  	[hbm4b:s2+s3] =	stream.indirect_vreg.scatter [tilespmem:s9], [sflag:$0x4], $0x80, v3, vm0, $0xb8;
	[tilespmem:$0x18180] =	vst v63  }
0x179: {  	v3 =	vld [tilespmem:$0x20];
	_ =	sdelay $0x4  }
0x17a: {  	v42 =	vshll.u32 v3, $0x1  }
0x17b: {  	v3 =	vand.u32 $0x7, v3;
	v4 =	vand.u32 $0xFFFFFFF0, v42  }
0x17c: {  	v3 =	vor.u32 v3, v4  }
0x17d: {  	v4 =	vperm.xlane v3, v0;
	_ =	sdelay $0x1  }
0x17e: {  	v3 =	vperm.xlane v3, v2;
	v4 =	vadd.s32 v1, v4;
	_ =	sdelay $0x1  }
0x17f: {  	v3 =	vadd.s32 v1, v3;
	_ =	sdelay $0x1  }
0x180: {  	s9 =	simm.s32 $0x2180  }
0x181: {  	[hbm4b:s2+s3] =	stream.indirect_vreg.scatter [tilespmem:s9], [sflag:$0x4], $0x80, v4, vm0, $0xb8;
	[tilespmem:$0x18180] =	vst v63  }
0x182: {  	s23 =	simm.s32 $0x2980  }
0x183: {  	[hbm4b:s2+s3] =	stream.indirect_vreg.scatter [tilespmem:s23], [sflag:$0x4], $0x80, v3, vm0, $0xb8;
	[tilespmem:$0x18180] =	vst v63  }
0x184: {  	v3 =	vld [tilespmem:$0x30];
	_ =	sdelay $0x4  }
0x185: {  	v43 =	vshll.u32 v3, $0x1  }
0x186: {  	v3 =	vand.u32 $0x7, v3;
	v4 =	vand.u32 $0xFFFFFFF0, v43  }
0x187: {  	v3 =	vor.u32 v3, v4  }
0x188: {  	v4 =	vperm.xlane v3, v0;
	_ =	sdelay $0x1  }
0x189: {  	v3 =	vperm.xlane v3, v2;
	v4 =	vadd.s32 v1, v4;
	_ =	sdelay $0x1  }
0x18a: {  	v3 =	vadd.s32 v1, v3;
	_ =	sdelay $0x1  }
0x18b: {  	s23 =	simm.s32 $0x3180  }
0x18c: {  	[hbm4b:s2+s3] =	stream.indirect_vreg.scatter [tilespmem:s23], [sflag:$0x4], $0x80, v4, vm0, $0xb8;
	[tilespmem:$0x18180] =	vst v63  }
0x18d: {  	s13 =	simm.s32 $0x3980  }
0x18e: {  	[hbm4b:s2+s3] =	stream.indirect_vreg.scatter [tilespmem:s13], [sflag:$0x4], $0x80, v3, vm0, $0xb8;
	[tilespmem:$0x18180] =	vst v63  }
0x18f: {  	v3 =	vld [tilespmem:$0x40];
	_ =	sdelay $0x4  }
0x190: {  	v44 =	vshll.u32 v3, $0x1  }
0x191: {  	v3 =	vand.u32 $0x7, v3;
	v4 =	vand.u32 $0xFFFFFFF0, v44  }
0x192: {  	v3 =	vor.u32 v3, v4  }
0x193: {  	v4 =	vperm.xlane v3, v0;
	_ =	sdelay $0x1  }
0x194: {  	v3 =	vperm.xlane v3, v2;
	v4 =	vadd.s32 v1, v4;
	_ =	sdelay $0x1  }
0x195: {  	v3 =	vadd.s32 v1, v3;
	_ =	sdelay $0x1  }
0x196: {  	s13 =	simm.s32 $0x4180  }
0x197: {  	[hbm4b:s2+s3] =	stream.indirect_vreg.scatter [tilespmem:s13], [sflag:$0x4], $0x80, v4, vm0, $0xb8;
	[tilespmem:$0x18180] =	vst v63  }
0x198: {  	s23 =	simm.s32 $0x4980  }
0x199: {  	[hbm4b:s2+s3] =	stream.indirect_vreg.scatter [tilespmem:s23], [sflag:$0x4], $0x80, v3, vm0, $0xb8;
	[tilespmem:$0x18180] =	vst v63  }
0x19a: {  	v3 =	vld [tilespmem:$0x50];
	_ =	sdelay $0x4  }
0x19b: {  	v45 =	vshll.u32 v3, $0x1  }
0x19c: {  	v3 =	vand.u32 $0x7, v3;
	v4 =	vand.u32 $0xFFFFFFF0, v45  }
0x19d: {  	v3 =	vor.u32 v3, v4  }
0x19e: {  	v4 =	vperm.xlane v3, v0;
	_ =	sdelay $0x1  }
0x19f: {  	v3 =	vperm.xlane v3, v2;
	v4 =	vadd.s32 v1, v4;
	_ =	sdelay $0x1  }
0x1a0: {  	v3 =	vadd.s32 v1, v3;
	_ =	sdelay $0x1  }
0x1a1: {  	s23 =	simm.s32 $0x5180  }
0x1a2: {  	[hbm4b:s2+s3] =	stream.indirect_vreg.scatter [tilespmem:s23], [sflag:$0x4], $0x80, v4, vm0, $0xb8;
	[tilespmem:$0x18180] =	vst v63  }
0x1a3: {  	s17 =	simm.s32 $0x5980  }
0x1a4: {  	[hbm4b:s2+s3] =	stream.indirect_vreg.scatter [tilespmem:s17], [sflag:$0x4], $0x80, v3, vm0, $0xb8;
	[tilespmem:$0x18180] =	vst v63  }
0x1a5: {  	v3 =	vld [tilespmem:$0x60];
	_ =	sdelay $0x4  }
0x1a6: {  	v46 =	vshll.u32 v3, $0x1  }
0x1a7: {  	v3 =	vand.u32 $0x7, v3;
	v4 =	vand.u32 $0xFFFFFFF0, v46  }
0x1a8: {  	v3 =	vor.u32 v3, v4  }
0x1a9: {  	v4 =	vperm.xlane v3, v0;
	_ =	sdelay $0x1  }
0x1aa: {  	v3 =	vperm.xlane v3, v2;
	v4 =	vadd.s32 v1, v4;
	_ =	sdelay $0x1  }
0x1ab: {  	v3 =	vadd.s32 v1, v3;
	_ =	sdelay $0x1  }
0x1ac: {  	s17 =	simm.s32 $0x6180  }
0x1ad: {  	[hbm4b:s2+s3] =	stream.indirect_vreg.scatter [tilespmem:s17], [sflag:$0x4], $0x80, v4, vm0, $0xb8;
	[tilespmem:$0x18180] =	vst v63  }
0x1ae: {  	s23 =	simm.s32 $0x6980  }
0x1af: {  	[hbm4b:s2+s3] =	stream.indirect_vreg.scatter [tilespmem:s23], [sflag:$0x4], $0x80, v3, vm0, $0xb8;
	[tilespmem:$0x18180] =	vst v63  }
0x1b0: {  	v3 =	vld [tilespmem:$0x70];
	_ =	sdelay $0x4  }
0x1b1: {  	v47 =	vshll.u32 v3, $0x1  }
0x1b2: {  	v3 =	vand.u32 $0x7, v3;
	v4 =	vand.u32 $0xFFFFFFF0, v47  }
0x1b3: {  	v3 =	vor.u32 v3, v4  }
0x1b4: {  	v4 =	vperm.xlane v3, v0;
	_ =	sdelay $0x1  }
0x1b5: {  	v3 =	vperm.xlane v3, v2;
	v4 =	vadd.s32 v1, v4;
	_ =	sdelay $0x1  }
0x1b6: {  	v3 =	vadd.s32 v1, v3;
	_ =	sdelay $0x1  }
0x1b7: {  	s23 =	simm.s32 $0x7180  }
0x1b8: {  	[hbm4b:s2+s3] =	stream.indirect_vreg.scatter [tilespmem:s23], [sflag:$0x4], $0x80, v4, vm0, $0xb8;
	[tilespmem:$0x18180] =	vst v63  }
0x1b9: {  	s4 =	simm.s32 $0x7980  }
0x1ba: {  	[hbm4b:s2+s3] =	stream.indirect_vreg.scatter [tilespmem:s4], [sflag:$0x4], $0x80, v3, vm0, $0xb8;
	[tilespmem:$0x18180] =	vst v63  }
0x1bb: {  	_ =	swait.ge [sflag:s25], $0x8000  }
0x1bc: {  	[sflag:s25] =	ssyncset.done $0x0  }
0x1bd: {  	s4 =	simm.s32 $0x100;
	s23 =	rddreg [dreg:$0xe];
	[sflag:s25] =	ssyncadd.s32 $0xFFFF8000  }
0x1be: {  	[tilespmem:s4], [sflag:$0x3] =	stream.linear.gather [hbm4b:s23+s3], $0x80, $0x38;
	[tilespmem:$0x18180] =	vst v63  }
0x1bf: {  	s23 =	rddreg [dreg:$0xf]  }
0x1c0: {  	[tilespmem:s5], [sflag:$0x3] =	stream.linear.gather [hbm4b:s23+s3], $0x8000, $0x38;
	[tilespmem:$0x18180] =	vst v63  }
0x1c1: {  	_ =	swait.ge [sflag:s28], $0x80  }
0x1c2: {  	[sflag:s28] =	ssyncset.done $0x0  }
0x1c3: {  	[sflag:s28] =	ssyncadd.s32 $0xFFFFFF80  }
0x1c4: {  	_ =	swait.ge [sflag:s28], $0x8000  }
0x1c5: {  	[sflag:s28] =	ssyncset.done $0x0  }
0x1c6: {  	[sflag:s28] =	ssyncadd.s32 $0xFFFF8000  }
0x1c7: {  	v3 =	vld [tilespmem:$0x80];
	_ =	sdelay $0x4  }
0x1c8: {  	v48 =	vshll.u32 v3, $0x1  }
0x1c9: {  	v3 =	vand.u32 $0x7, v3;
	v4 =	vand.u32 $0xFFFFFFF0, v48  }
0x1ca: {  	v3 =	vor.u32 v3, v4  }
0x1cb: {  	v4 =	vperm.xlane v3, v0;
	_ =	sdelay $0x1  }
0x1cc: {  	v3 =	vperm.xlane v3, v2;
	v4 =	vadd.s32 v1, v4;
	_ =	sdelay $0x1  }
0x1cd: {  	v3 =	vadd.s32 v1, v3;
	_ =	sdelay $0x2  }
0x1ce: {  	[hbm4b:s2+s3] =	stream.indirect_vreg.scatter [tilespmem:s26], [sflag:$0x5], $0x80, v4, vm0, $0xb8;
	[tilespmem:$0x18180] =	vst v63  }
0x1cf: {  	s30 =	simm.s32 $0x8980  }
0x1d0: {  	[hbm4b:s2+s3] =	stream.indirect_vreg.scatter [tilespmem:s30], [sflag:$0x5], $0x80, v3, vm0, $0xb8;
	[tilespmem:$0x18180] =	vst v63  }
0x1d1: {  	v3 =	vld [tilespmem:$0x90];
	_ =	sdelay $0x4  }
0x1d2: {  	v49 =	vshll.u32 v3, $0x1  }
0x1d3: {  	v3 =	vand.u32 $0x7, v3;
	v4 =	vand.u32 $0xFFFFFFF0, v49  }
0x1d4: {  	v3 =	vor.u32 v3, v4  }
0x1d5: {  	v4 =	vperm.xlane v3, v0;
	_ =	sdelay $0x1  }
0x1d6: {  	v3 =	vperm.xlane v3, v2;
	v4 =	vadd.s32 v1, v4;
	_ =	sdelay $0x1  }
0x1d7: {  	v3 =	vadd.s32 v1, v3;
	_ =	sdelay $0x1  }
0x1d8: {  	s23 =	simm.s32 $0x9180  }
0x1d9: {  	[hbm4b:s2+s3] =	stream.indirect_vreg.scatter [tilespmem:s23], [sflag:$0x5], $0x80, v4, vm0, $0xb8;
	[tilespmem:$0x18180] =	vst v63  }
0x1da: {  	s30 =	simm.s32 $0x9980  }
0x1db: {  	[hbm4b:s2+s3] =	stream.indirect_vreg.scatter [tilespmem:s30], [sflag:$0x5], $0x80, v3, vm0, $0xb8;
	[tilespmem:$0x18180] =	vst v63  }
0x1dc: {  	v3 =	vld [tilespmem:$0xA0];
	_ =	sdelay $0x4  }
0x1dd: {  	v50 =	vshll.u32 v3, $0x1  }
0x1de: {  	v3 =	vand.u32 $0x7, v3;
	v4 =	vand.u32 $0xFFFFFFF0, v50  }
0x1df: {  	v3 =	vor.u32 v3, v4  }
0x1e0: {  	v4 =	vperm.xlane v3, v0;
	_ =	sdelay $0x1  }
0x1e1: {  	v3 =	vperm.xlane v3, v2;
	v4 =	vadd.s32 v1, v4;
	_ =	sdelay $0x1  }
0x1e2: {  	v3 =	vadd.s32 v1, v3;
	_ =	sdelay $0x1  }
0x1e3: {  	s8 =	simm.s32 $0xA180  }
0x1e4: {  	[hbm4b:s2+s3] =	stream.indirect_vreg.scatter [tilespmem:s8], [sflag:$0x5], $0x80, v4, vm0, $0xb8;
	[tilespmem:$0x18180] =	vst v63  }
0x1e5: {  	s6 =	simm.s32 $0xA980  }
0x1e6: {  	[hbm4b:s2+s3] =	stream.indirect_vreg.scatter [tilespmem:s6], [sflag:$0x5], $0x80, v3, vm0, $0xb8;
	[tilespmem:$0x18180] =	vst v63  }
0x1e7: {  	v3 =	vld [tilespmem:$0xB0];
	_ =	sdelay $0x4  }
0x1e8: {  	v51 =	vshll.u32 v3, $0x1  }
0x1e9: {  	v3 =	vand.u32 $0x7, v3;
	v4 =	vand.u32 $0xFFFFFFF0, v51  }
0x1ea: {  	v3 =	vor.u32 v3, v4  }
0x1eb: {  	v4 =	vperm.xlane v3, v0;
	_ =	sdelay $0x1  }
0x1ec: {  	v3 =	vperm.xlane v3, v2;
	v4 =	vadd.s32 v1, v4;
	_ =	sdelay $0x1  }
0x1ed: {  	v3 =	vadd.s32 v1, v3;
	_ =	sdelay $0x1  }
0x1ee: {  	s29 =	simm.s32 $0xB180  }
0x1ef: {  	[hbm4b:s2+s3] =	stream.indirect_vreg.scatter [tilespmem:s29], [sflag:$0x5], $0x80, v4, vm0, $0xb8;
	[tilespmem:$0x18180] =	vst v63  }
0x1f0: {  	s7 =	simm.s32 $0xB980  }
0x1f1: {  	[hbm4b:s2+s3] =	stream.indirect_vreg.scatter [tilespmem:s7], [sflag:$0x5], $0x80, v3, vm0, $0xb8;
	[tilespmem:$0x18180] =	vst v63  }
0x1f2: {  	v3 =	vld [tilespmem:$0xC0];
	_ =	sdelay $0x4  }
0x1f3: {  	v52 =	vshll.u32 v3, $0x1  }
0x1f4: {  	v3 =	vand.u32 $0x7, v3;
	v4 =	vand.u32 $0xFFFFFFF0, v52  }
0x1f5: {  	v3 =	vor.u32 v3, v4  }
0x1f6: {  	v4 =	vperm.xlane v3, v0;
	_ =	sdelay $0x1  }
0x1f7: {  	v3 =	vperm.xlane v3, v2;
	v4 =	vadd.s32 v1, v4;
	_ =	sdelay $0x1  }
0x1f8: {  	v3 =	vadd.s32 v1, v3;
	_ =	sdelay $0x1  }
0x1f9: {  	s8 =	simm.s32 $0xC180  }
0x1fa: {  	[hbm4b:s2+s3] =	stream.indirect_vreg.scatter [tilespmem:s8], [sflag:$0x5], $0x80, v4, vm0, $0xb8;
	[tilespmem:$0x18180] =	vst v63  }
0x1fb: {  	s29 =	simm.s32 $0xC980  }
0x1fc: {  	[hbm4b:s2+s3] =	stream.indirect_vreg.scatter [tilespmem:s29], [sflag:$0x5], $0x80, v3, vm0, $0xb8;
	[tilespmem:$0x18180] =	vst v63  }
0x1fd: {  	v3 =	vld [tilespmem:$0xD0];
	_ =	sdelay $0x4  }
0x1fe: {  	v53 =	vshll.u32 v3, $0x1  }
0x1ff: {  	v3 =	vand.u32 $0x7, v3;
	v4 =	vand.u32 $0xFFFFFFF0, v53  }
0x200: {  	v3 =	vor.u32 v3, v4  }
0x201: {  	v4 =	vperm.xlane v3, v0;
	_ =	sdelay $0x1  }
0x202: {  	v3 =	vperm.xlane v3, v2;
	v4 =	vadd.s32 v1, v4;
	_ =	sdelay $0x1  }
0x203: {  	v3 =	vadd.s32 v1, v3;
	_ =	sdelay $0x1  }
0x204: {  	s8 =	simm.s32 $0xD180  }
0x205: {  	[hbm4b:s2+s3] =	stream.indirect_vreg.scatter [tilespmem:s8], [sflag:$0x5], $0x80, v4, vm0, $0xb8;
	[tilespmem:$0x18180] =	vst v63  }
0x206: {  	s10 =	simm.s32 $0xD980  }
0x207: {  	[hbm4b:s2+s3] =	stream.indirect_vreg.scatter [tilespmem:s10], [sflag:$0x5], $0x80, v3, vm0, $0xb8;
	[tilespmem:$0x18180] =	vst v63  }
0x208: {  	v3 =	vld [tilespmem:$0xE0];
	_ =	sdelay $0x4  }
0x209: {  	v54 =	vshll.u32 v3, $0x1  }
0x20a: {  	v3 =	vand.u32 $0x7, v3;
	v4 =	vand.u32 $0xFFFFFFF0, v54  }
0x20b: {  	v3 =	vor.u32 v3, v4  }
0x20c: {  	v4 =	vperm.xlane v3, v0;
	_ =	sdelay $0x1  }
0x20d: {  	v3 =	vperm.xlane v3, v2;
	v4 =	vadd.s32 v1, v4;
	_ =	sdelay $0x1  }
0x20e: {  	v3 =	vadd.s32 v1, v3;
	_ =	sdelay $0x1  }
0x20f: {  	s29 =	simm.s32 $0xE180  }
0x210: {  	[hbm4b:s2+s3] =	stream.indirect_vreg.scatter [tilespmem:s29], [sflag:$0x5], $0x80, v4, vm0, $0xb8;
	[tilespmem:$0x18180] =	vst v63  }
0x211: {  	s11 =	simm.s32 $0xE980  }
0x212: {  	[hbm4b:s2+s3] =	stream.indirect_vreg.scatter [tilespmem:s11], [sflag:$0x5], $0x80, v3, vm0, $0xb8;
	[tilespmem:$0x18180] =	vst v63  }
0x213: {  	v3 =	vld [tilespmem:$0xF0];
	_ =	sdelay $0x4  }
0x214: {  	v55 =	vshll.u32 v3, $0x1  }
0x215: {  	v3 =	vand.u32 $0x7, v3;
	v4 =	vand.u32 $0xFFFFFFF0, v55  }
0x216: {  	v3 =	vor.u32 v3, v4  }
0x217: {  	v4 =	vperm.xlane v3, v0;
	_ =	sdelay $0x1  }
0x218: {  	v3 =	vperm.xlane v3, v2;
	v4 =	vadd.s32 v1, v4;
	_ =	sdelay $0x1  }
0x219: {  	v3 =	vadd.s32 v1, v3;
	_ =	sdelay $0x1  }
0x21a: {  	s8 =	simm.s32 $0xF180  }
0x21b: {  	[hbm4b:s2+s3] =	stream.indirect_vreg.scatter [tilespmem:s8], [sflag:$0x5], $0x80, v4, vm0, $0xb8;
	[tilespmem:$0x18180] =	vst v63  }
0x21c: {  	s12 =	simm.s32 $0xF980  }
0x21d: {  	[hbm4b:s2+s3] =	stream.indirect_vreg.scatter [tilespmem:s12], [sflag:$0x5], $0x80, v3, vm0, $0xb8;
	[tilespmem:$0x18180] =	vst v63  }
0x21e: {  	_ =	swait.ge [sflag:s21], $0x8000  }
0x21f: {  	[sflag:s21] =	ssyncset.done $0x0  }
0x220: {  	s10 =	rddreg [dreg:$0x10];
	[sflag:s21] =	ssyncadd.s32 $0xFFFF8000  }
0x221: {  	[tilespmem:s3], [sflag:$0x1] =	stream.linear.gather [hbm4b:s10+s3], $0x80, $0x38;
	[tilespmem:$0x18180] =	vst v63  }
0x222: {  	s12 =	rddreg [dreg:$0x11]  }
0x223: {  	[tilespmem:s31], [sflag:$0x1] =	stream.linear.gather [hbm4b:s12+s3], $0x8000, $0x38;
	[tilespmem:$0x18180] =	vst v63  }
0x224: {  	_ =	swait.ge [sflag:s1], $0x80  }
0x225: {  	[sflag:s1] =	ssyncset.done $0x0  }
0x226: {  	[sflag:s1] =	ssyncadd.s32 $0xFFFFFF80  }
0x227: {  	_ =	swait.ge [sflag:s1], $0x8000  }
0x228: {  	[sflag:s1] =	ssyncset.done $0x0  }
0x229: {  	[sflag:s1] =	ssyncadd.s32 $0xFFFF8000  }
0x22a: {  	v3 =	vld [tilespmem:$0x100];
	_ =	sdelay $0x4  }
0x22b: {  	v56 =	vshll.u32 v3, $0x1  }
0x22c: {  	v3 =	vand.u32 $0x7, v3;
	v4 =	vand.u32 $0xFFFFFFF0, v56  }
0x22d: {  	v3 =	vor.u32 v3, v4  }
0x22e: {  	v4 =	vperm.xlane v3, v0;
	_ =	sdelay $0x1  }
0x22f: {  	v3 =	vperm.xlane v3, v2;
	v4 =	vadd.s32 v1, v4;
	_ =	sdelay $0x1  }
0x230: {  	v3 =	vadd.s32 v1, v3;
	_ =	sdelay $0x2  }
0x231: {  	[hbm4b:s2+s3] =	stream.indirect_vreg.scatter [tilespmem:s5], [sflag:$0x6], $0x80, v4, vm0, $0xb8;
	[tilespmem:$0x18180] =	vst v63  }
0x232: {  	s14 =	simm.s32 $0x10980  }
0x233: {  	[hbm4b:s2+s3] =	stream.indirect_vreg.scatter [tilespmem:s14], [sflag:$0x6], $0x80, v3, vm0, $0xb8;
	[tilespmem:$0x18180] =	vst v63  }
0x234: {  	v3 =	vld [tilespmem:$0x110];
	_ =	sdelay $0x4  }
0x235: {  	v57 =	vshll.u32 v3, $0x1  }
0x236: {  	v3 =	vand.u32 $0x7, v3;
	v4 =	vand.u32 $0xFFFFFFF0, v57  }
0x237: {  	v3 =	vor.u32 v3, v4  }
0x238: {  	v4 =	vperm.xlane v3, v0;
	_ =	sdelay $0x1  }
0x239: {  	v3 =	vperm.xlane v3, v2;
	v4 =	vadd.s32 v1, v4;
	_ =	sdelay $0x1  }
0x23a: {  	v3 =	vadd.s32 v1, v3;
	_ =	sdelay $0x1  }
0x23b: {  	s14 =	simm.s32 $0x11180  }
0x23c: {  	[hbm4b:s2+s3] =	stream.indirect_vreg.scatter [tilespmem:s14], [sflag:$0x6], $0x80, v4, vm0, $0xb8;
	[tilespmem:$0x18180] =	vst v63  }
0x23d: {  	s15 =	simm.s32 $0x11980  }
0x23e: {  	[hbm4b:s2+s3] =	stream.indirect_vreg.scatter [tilespmem:s15], [sflag:$0x6], $0x80, v3, vm0, $0xb8;
	[tilespmem:$0x18180] =	vst v63  }
0x23f: {  	v3 =	vld [tilespmem:$0x120];
	_ =	sdelay $0x4  }
0x240: {  	v58 =	vshll.u32 v3, $0x1  }
0x241: {  	v3 =	vand.u32 $0x7, v3;
	v4 =	vand.u32 $0xFFFFFFF0, v58  }
0x242: {  	v3 =	vor.u32 v3, v4  }
0x243: {  	v4 =	vperm.xlane v3, v0;
	_ =	sdelay $0x1  }
0x244: {  	v3 =	vperm.xlane v3, v2;
	v4 =	vadd.s32 v1, v4;
	_ =	sdelay $0x1  }
0x245: {  	v3 =	vadd.s32 v1, v3;
	_ =	sdelay $0x1  }
0x246: {  	s15 =	simm.s32 $0x12180  }
0x247: {  	[hbm4b:s2+s3] =	stream.indirect_vreg.scatter [tilespmem:s15], [sflag:$0x6], $0x80, v4, vm0, $0xb8;
	[tilespmem:$0x18180] =	vst v63  }
0x248: {  	s16 =	simm.s32 $0x12980  }
0x249: {  	[hbm4b:s2+s3] =	stream.indirect_vreg.scatter [tilespmem:s16], [sflag:$0x6], $0x80, v3, vm0, $0xb8;
	[tilespmem:$0x18180] =	vst v63  }
0x24a: {  	v3 =	vld [tilespmem:$0x130];
	_ =	sdelay $0x4  }
0x24b: {  	v59 =	vshll.u32 v3, $0x1  }
0x24c: {  	v3 =	vand.u32 $0x7, v3;
	v4 =	vand.u32 $0xFFFFFFF0, v59  }
0x24d: {  	v3 =	vor.u32 v3, v4  }
0x24e: {  	v4 =	vperm.xlane v3, v0;
	_ =	sdelay $0x1  }
0x24f: {  	v3 =	vperm.xlane v3, v2;
	v4 =	vadd.s32 v1, v4;
	_ =	sdelay $0x1  }
0x250: {  	v3 =	vadd.s32 v1, v3;
	_ =	sdelay $0x1  }
0x251: {  	s16 =	simm.s32 $0x13180  }
0x252: {  	[hbm4b:s2+s3] =	stream.indirect_vreg.scatter [tilespmem:s16], [sflag:$0x6], $0x80, v4, vm0, $0xb8;
	[tilespmem:$0x18180] =	vst v63  }
0x253: {  	s18 =	simm.s32 $0x13980  }
0x254: {  	[hbm4b:s2+s3] =	stream.indirect_vreg.scatter [tilespmem:s18], [sflag:$0x6], $0x80, v3, vm0, $0xb8;
	[tilespmem:$0x18180] =	vst v63  }
0x255: {  	v3 =	vld [tilespmem:$0x140];
	_ =	sdelay $0x4  }
0x256: {  	v60 =	vshll.u32 v3, $0x1  }
0x257: {  	v3 =	vand.u32 $0x7, v3;
	v4 =	vand.u32 $0xFFFFFFF0, v60  }
0x258: {  	v3 =	vor.u32 v3, v4  }
0x259: {  	v4 =	vperm.xlane v3, v0;
	_ =	sdelay $0x1  }
0x25a: {  	v3 =	vperm.xlane v3, v2;
	v4 =	vadd.s32 v1, v4;
	_ =	sdelay $0x1  }
0x25b: {  	v3 =	vadd.s32 v1, v3;
	_ =	sdelay $0x1  }
0x25c: {  	s18 =	simm.s32 $0x14180  }
0x25d: {  	[hbm4b:s2+s3] =	stream.indirect_vreg.scatter [tilespmem:s18], [sflag:$0x6], $0x80, v4, vm0, $0xb8;
	[tilespmem:$0x18180] =	vst v63  }
0x25e: {  	s19 =	simm.s32 $0x14980  }
0x25f: {  	[hbm4b:s2+s3] =	stream.indirect_vreg.scatter [tilespmem:s19], [sflag:$0x6], $0x80, v3, vm0, $0xb8;
	[tilespmem:$0x18180] =	vst v63  }
0x260: {  	v3 =	vld [tilespmem:$0x150];
	_ =	sdelay $0x4  }
0x261: {  	v61 =	vshll.u32 v3, $0x1  }
0x262: {  	v3 =	vand.u32 $0x7, v3;
	v4 =	vand.u32 $0xFFFFFFF0, v61  }
0x263: {  	v3 =	vor.u32 v3, v4  }
0x264: {  	v4 =	vperm.xlane v3, v0;
	_ =	sdelay $0x1  }
0x265: {  	v3 =	vperm.xlane v3, v2;
	v4 =	vadd.s32 v1, v4;
	_ =	sdelay $0x1  }
0x266: {  	v3 =	vadd.s32 v1, v3;
	_ =	sdelay $0x1  }
0x267: {  	s19 =	simm.s32 $0x15180  }
0x268: {  	[hbm4b:s2+s3] =	stream.indirect_vreg.scatter [tilespmem:s19], [sflag:$0x6], $0x80, v4, vm0, $0xb8;
	[tilespmem:$0x18180] =	vst v63  }
0x269: {  	s20 =	simm.s32 $0x15980  }
0x26a: {  	[hbm4b:s2+s3] =	stream.indirect_vreg.scatter [tilespmem:s20], [sflag:$0x6], $0x80, v3, vm0, $0xb8;
	[tilespmem:$0x18180] =	vst v63  }
0x26b: {  	v3 =	vld [tilespmem:$0x160];
	_ =	sdelay $0x4  }
0x26c: {  	v62 =	vshll.u32 v3, $0x1  }
0x26d: {  	v3 =	vand.u32 $0x7, v3;
	v4 =	vand.u32 $0xFFFFFFF0, v62  }
0x26e: {  	v3 =	vor.u32 v3, v4  }
0x26f: {  	v4 =	vperm.xlane v3, v0;
	_ =	sdelay $0x1  }
0x270: {  	v3 =	vperm.xlane v3, v2;
	v4 =	vadd.s32 v1, v4;
	_ =	sdelay $0x1  }
0x271: {  	v3 =	vadd.s32 v1, v3;
	_ =	sdelay $0x1  }
0x272: {  	s29 =	simm.s32 $0x16180  }
0x273: {  	[hbm4b:s2+s3] =	stream.indirect_vreg.scatter [tilespmem:s29], [sflag:$0x6], $0x80, v4, vm0, $0xb8;
	[tilespmem:$0x18180] =	vst v63  }
0x274: {  	s8 =	simm.s32 $0x16980  }
0x275: {  	[hbm4b:s2+s3] =	stream.indirect_vreg.scatter [tilespmem:s8], [sflag:$0x6], $0x80, v3, vm0, $0xb8;
	[tilespmem:$0x18180] =	vst v63  }
0x276: {  	v3 =	vld [tilespmem:$0x170];
	_ =	sdelay $0x4  }
0x277: {  	v63 =	vshll.u32 v3, $0x1  }
0x278: {  	v3 =	vand.u32 $0x7, v3;
	v4 =	vand.u32 $0xFFFFFFF0, v63  }
0x279: {  	v3 =	vor.u32 v3, v4  }
0x27a: {  	v4 =	vperm.xlane v3, v0;
	_ =	sdelay $0x1  }
0x27b: {  	v3 =	vperm.xlane v3, v2;
	v4 =	vadd.s32 v1, v4;
	_ =	sdelay $0x1  }
0x27c: {  	v3 =	vadd.s32 v1, v3;
	_ =	sdelay $0x1  }
0x27d: {  	s10 =	simm.s32 $0x17180  }
0x27e: {  	[hbm4b:s2+s3] =	stream.indirect_vreg.scatter [tilespmem:s10], [sflag:$0x6], $0x80, v4, vm0, $0xb8;
	[tilespmem:$0x18180] =	vst v63  }
0x27f: {  	s12 =	simm.s32 $0x17980  }
0x280: {  	[hbm4b:s2+s3] =	stream.indirect_vreg.scatter [tilespmem:s12], [sflag:$0x6], $0x80, v3, vm0, $0xb8;
	[tilespmem:$0x18180] =	vst v63  }
0x281: {  	_ =	swait.ge [sflag:s22], $0x8000  }
0x282: {  	[sflag:s22] =	ssyncset.done $0x0  }
0x283: {  	s16 =	simm.s32 $0x80;
	s14 =	rddreg [dreg:$0x12];
	[sflag:s22] =	ssyncadd.s32 $0xFFFF8000  }
0x284: {  	[tilespmem:s16], [sflag:$0x2] =	stream.linear.gather [hbm4b:s14+s3], $0x80, $0x38;
	[tilespmem:$0x18180] =	vst v63  }
0x285: {  	s20 =	rddreg [dreg:$0x13]  }
0x286: {  	[tilespmem:s26], [sflag:$0x2] =	stream.linear.gather [hbm4b:s20+s3], $0x8000, $0x38;
	[tilespmem:$0x18180] =	vst v63  }
0x287: {  	_ =	swait.ge [sflag:s24], $0x80  }
0x288: {  	[sflag:s24] =	ssyncset.done $0x0  }
0x289: {  	[sflag:s24] =	ssyncadd.s32 $0xFFFFFF80  }
0x28a: {  	_ =	swait.ge [sflag:s24], $0x8000  }
0x28b: {  	[sflag:s24] =	ssyncset.done $0x0  }
0x28c: {  	[sflag:s24] =	ssyncadd.s32 $0xFFFF8000  }
0x28d: {  	v3 =	vld [tilespmem:$0x0];
	_ =	sdelay $0x4  }
0x28e: {  	v8 =	vshll.u32 v3, $0x1  }
0x28f: {  	v3 =	vand.u32 $0x7, v3;
	v4 =	vand.u32 $0xFFFFFFF0, v8  }
0x290: {  	v3 =	vor.u32 v3, v4  }
0x291: {  	v4 =	vperm.xlane v3, v0;
	_ =	sdelay $0x1  }
0x292: {  	v3 =	vperm.xlane v3, v2;
	v4 =	vadd.s32 v1, v4;
	_ =	sdelay $0x1  }
0x293: {  	v3 =	vadd.s32 v1, v3;
	_ =	sdelay $0x2  }
0x294: {  	[hbm4b:s2+s3] =	stream.indirect_vreg.scatter [tilespmem:s31], [sflag:$0x4], $0x80, v4, vm0, $0xb8;
	[tilespmem:$0x18180] =	vst v63  }
0x295: {  	s29 =	simm.s32 $0x980  }
0x296: {  	[hbm4b:s2+s3] =	stream.indirect_vreg.scatter [tilespmem:s29], [sflag:$0x4], $0x80, v3, vm0, $0xb8;
	[tilespmem:$0x18180] =	vst v63  }
0x297: {  	v3 =	vld [tilespmem:$0x10];
	_ =	sdelay $0x4  }
0x298: {  	v9 =	vshll.u32 v3, $0x1  }
0x299: {  	v3 =	vand.u32 $0x7, v3;
	v4 =	vand.u32 $0xFFFFFFF0, v9  }
0x29a: {  	v3 =	vor.u32 v3, v4  }
0x29b: {  	v4 =	vperm.xlane v3, v0;
	_ =	sdelay $0x1  }
0x29c: {  	v3 =	vperm.xlane v3, v2;
	v4 =	vadd.s32 v1, v4;
	_ =	sdelay $0x1  }
0x29d: {  	v3 =	vadd.s32 v1, v3;
	_ =	sdelay $0x1  }
0x29e: {  	s8 =	simm.s32 $0x1180  }
0x29f: {  	[hbm4b:s2+s3] =	stream.indirect_vreg.scatter [tilespmem:s8], [sflag:$0x4], $0x80, v4, vm0, $0xb8;
	[tilespmem:$0x18180] =	vst v63  }
0x2a0: {  	s8 =	simm.s32 $0x1980  }
0x2a1: {  	[hbm4b:s2+s3] =	stream.indirect_vreg.scatter [tilespmem:s8], [sflag:$0x4], $0x80, v3, vm0, $0xb8;
	[tilespmem:$0x18180] =	vst v63  }
0x2a2: {  	v3 =	vld [tilespmem:$0x20];
	_ =	sdelay $0x4  }
0x2a3: {  	v10 =	vshll.u32 v3, $0x1  }
0x2a4: {  	v3 =	vand.u32 $0x7, v3;
	v4 =	vand.u32 $0xFFFFFFF0, v10  }
0x2a5: {  	v3 =	vor.u32 v3, v4  }
0x2a6: {  	v4 =	vperm.xlane v3, v0;
	_ =	sdelay $0x1  }
0x2a7: {  	v3 =	vperm.xlane v3, v2;
	v4 =	vadd.s32 v1, v4;
	_ =	sdelay $0x1  }
0x2a8: {  	v3 =	vadd.s32 v1, v3;
	_ =	sdelay $0x2  }
0x2a9: {  	[hbm4b:s2+s3] =	stream.indirect_vreg.scatter [tilespmem:s9], [sflag:$0x4], $0x80, v4, vm0, $0xb8;
	[tilespmem:$0x18180] =	vst v63  }
0x2aa: {  	s10 =	simm.s32 $0x2980  }
0x2ab: {  	[hbm4b:s2+s3] =	stream.indirect_vreg.scatter [tilespmem:s10], [sflag:$0x4], $0x80, v3, vm0, $0xb8;
	[tilespmem:$0x18180] =	vst v63  }
0x2ac: {  	v3 =	vld [tilespmem:$0x30];
	_ =	sdelay $0x4  }
0x2ad: {  	v11 =	vshll.u32 v3, $0x1  }
0x2ae: {  	v3 =	vand.u32 $0x7, v3;
	v4 =	vand.u32 $0xFFFFFFF0, v11  }
0x2af: {  	v3 =	vor.u32 v3, v4  }
0x2b0: {  	v4 =	vperm.xlane v3, v0;
	_ =	sdelay $0x1  }
0x2b1: {  	v3 =	vperm.xlane v3, v2;
	v4 =	vadd.s32 v1, v4;
	_ =	sdelay $0x1  }
0x2b2: {  	v3 =	vadd.s32 v1, v3;
	_ =	sdelay $0x1  }
0x2b3: {  	s12 =	simm.s32 $0x3180  }
0x2b4: {  	[hbm4b:s2+s3] =	stream.indirect_vreg.scatter [tilespmem:s12], [sflag:$0x4], $0x80, v4, vm0, $0xb8;
	[tilespmem:$0x18180] =	vst v63  }
0x2b5: {  	s12 =	simm.s32 $0x3980  }
0x2b6: {  	[hbm4b:s2+s3] =	stream.indirect_vreg.scatter [tilespmem:s12], [sflag:$0x4], $0x80, v3, vm0, $0xb8;
	[tilespmem:$0x18180] =	vst v63  }
0x2b7: {  	v3 =	vld [tilespmem:$0x40];
	_ =	sdelay $0x4  }
0x2b8: {  	v12 =	vshll.u32 v3, $0x1  }
0x2b9: {  	v3 =	vand.u32 $0x7, v3;
	v4 =	vand.u32 $0xFFFFFFF0, v12  }
0x2ba: {  	v3 =	vor.u32 v3, v4  }
0x2bb: {  	v4 =	vperm.xlane v3, v0;
	_ =	sdelay $0x1  }
0x2bc: {  	v3 =	vperm.xlane v3, v2;
	v4 =	vadd.s32 v1, v4;
	_ =	sdelay $0x1  }
0x2bd: {  	v3 =	vadd.s32 v1, v3;
	_ =	sdelay $0x2  }
0x2be: {  	[hbm4b:s2+s3] =	stream.indirect_vreg.scatter [tilespmem:s13], [sflag:$0x4], $0x80, v4, vm0, $0xb8;
	[tilespmem:$0x18180] =	vst v63  }
0x2bf: {  	s14 =	simm.s32 $0x4980  }
0x2c0: {  	[hbm4b:s2+s3] =	stream.indirect_vreg.scatter [tilespmem:s14], [sflag:$0x4], $0x80, v3, vm0, $0xb8;
	[tilespmem:$0x18180] =	vst v63  }
0x2c1: {  	v3 =	vld [tilespmem:$0x50];
	_ =	sdelay $0x4  }
0x2c2: {  	v13 =	vshll.u32 v3, $0x1  }
0x2c3: {  	v3 =	vand.u32 $0x7, v3;
	v4 =	vand.u32 $0xFFFFFFF0, v13  }
0x2c4: {  	v3 =	vor.u32 v3, v4  }
0x2c5: {  	v4 =	vperm.xlane v3, v0;
	_ =	sdelay $0x1  }
0x2c6: {  	v3 =	vperm.xlane v3, v2;
	v4 =	vadd.s32 v1, v4;
	_ =	sdelay $0x1  }
0x2c7: {  	v3 =	vadd.s32 v1, v3;
	_ =	sdelay $0x1  }
0x2c8: {  	s16 =	simm.s32 $0x5180  }
0x2c9: {  	[hbm4b:s2+s3] =	stream.indirect_vreg.scatter [tilespmem:s16], [sflag:$0x4], $0x80, v4, vm0, $0xb8;
	[tilespmem:$0x18180] =	vst v63  }
0x2ca: {  	s16 =	simm.s32 $0x5980  }
0x2cb: {  	[hbm4b:s2+s3] =	stream.indirect_vreg.scatter [tilespmem:s16], [sflag:$0x4], $0x80, v3, vm0, $0xb8;
	[tilespmem:$0x18180] =	vst v63  }
0x2cc: {  	v3 =	vld [tilespmem:$0x60];
	_ =	sdelay $0x4  }
0x2cd: {  	v14 =	vshll.u32 v3, $0x1  }
0x2ce: {  	v3 =	vand.u32 $0x7, v3;
	v4 =	vand.u32 $0xFFFFFFF0, v14  }
0x2cf: {  	v3 =	vor.u32 v3, v4  }
0x2d0: {  	v4 =	vperm.xlane v3, v0;
	_ =	sdelay $0x1  }
0x2d1: {  	v3 =	vperm.xlane v3, v2;
	v4 =	vadd.s32 v1, v4;
	_ =	sdelay $0x1  }
0x2d2: {  	v3 =	vadd.s32 v1, v3;
	_ =	sdelay $0x2  }
0x2d3: {  	[hbm4b:s2+s3] =	stream.indirect_vreg.scatter [tilespmem:s17], [sflag:$0x4], $0x80, v4, vm0, $0xb8;
	[tilespmem:$0x18180] =	vst v63  }
0x2d4: {  	s20 =	simm.s32 $0x6980  }
0x2d5: {  	[hbm4b:s2+s3] =	stream.indirect_vreg.scatter [tilespmem:s20], [sflag:$0x4], $0x80, v3, vm0, $0xb8;
	[tilespmem:$0x18180] =	vst v63  }
0x2d6: {  	v3 =	vld [tilespmem:$0x70];
	_ =	sdelay $0x4  }
0x2d7: {  	v15 =	vshll.u32 v3, $0x1  }
0x2d8: {  	v3 =	vand.u32 $0x7, v3;
	v4 =	vand.u32 $0xFFFFFFF0, v15  }
0x2d9: {  	v3 =	vor.u32 v3, v4  }
0x2da: {  	v4 =	vperm.xlane v3, v0;
	_ =	sdelay $0x1  }
0x2db: {  	v3 =	vperm.xlane v3, v2;
	v4 =	vadd.s32 v1, v4;
	_ =	sdelay $0x1  }
0x2dc: {  	v3 =	vadd.s32 v1, v3;
	_ =	sdelay $0x1  }
0x2dd: {  	s29 =	simm.s32 $0x7180  }
0x2de: {  	[hbm4b:s2+s3] =	stream.indirect_vreg.scatter [tilespmem:s29], [sflag:$0x4], $0x80, v4, vm0, $0xb8;
	[tilespmem:$0x18180] =	vst v63  }
0x2df: {  	s20 =	simm.s32 $0x7980  }
0x2e0: {  	[hbm4b:s2+s3] =	stream.indirect_vreg.scatter [tilespmem:s20], [sflag:$0x4], $0x80, v3, vm0, $0xb8;
	[tilespmem:$0x18180] =	vst v63  }
0x2e1: {  	_ =	swait.ge [sflag:s25], $0x8000  }
0x2e2: {  	[sflag:s25] =	ssyncset.done $0x0  }
0x2e3: {  	s6 =	rddreg [dreg:$0x14];
	[sflag:s25] =	ssyncadd.s32 $0xFFFF8000  }
0x2e4: {  	[tilespmem:s4], [sflag:$0x3] =	stream.linear.gather [hbm4b:s6+s3], $0x80, $0x38;
	[tilespmem:$0x18180] =	vst v63  }
0x2e5: {  	s10 =	rddreg [dreg:$0x15]  }
0x2e6: {  	[tilespmem:s5], [sflag:$0x3] =	stream.linear.gather [hbm4b:s10+s3], $0x8000, $0x38;
	[tilespmem:$0x18180] =	vst v63  }
0x2e7: {  	_ =	swait.ge [sflag:s28], $0x80  }
0x2e8: {  	[sflag:s28] =	ssyncset.done $0x0  }
0x2e9: {  	[sflag:s28] =	ssyncadd.s32 $0xFFFFFF80  }
0x2ea: {  	_ =	swait.ge [sflag:s28], $0x8000  }
0x2eb: {  	[sflag:s28] =	ssyncset.done $0x0  }
0x2ec: {  	[sflag:s28] =	ssyncadd.s32 $0xFFFF8000  }
0x2ed: {  	v3 =	vld [tilespmem:$0x80];
	_ =	sdelay $0x4  }
0x2ee: {  	v16 =	vshll.u32 v3, $0x1  }
0x2ef: {  	v3 =	vand.u32 $0x7, v3;
	v4 =	vand.u32 $0xFFFFFFF0, v16  }
0x2f0: {  	v3 =	vor.u32 v3, v4  }
0x2f1: {  	v4 =	vperm.xlane v3, v0;
	_ =	sdelay $0x1  }
0x2f2: {  	v3 =	vperm.xlane v3, v2;
	v4 =	vadd.s32 v1, v4;
	_ =	sdelay $0x1  }
0x2f3: {  	v3 =	vadd.s32 v1, v3;
	_ =	sdelay $0x2  }
0x2f4: {  	[hbm4b:s2+s3] =	stream.indirect_vreg.scatter [tilespmem:s26], [sflag:$0x5], $0x80, v4, vm0, $0xb8;
	[tilespmem:$0x18180] =	vst v63  }
0x2f5: {  	s14 =	simm.s32 $0x8980  }
0x2f6: {  	[hbm4b:s2+s3] =	stream.indirect_vreg.scatter [tilespmem:s14], [sflag:$0x5], $0x80, v3, vm0, $0xb8;
	[tilespmem:$0x18180] =	vst v63  }
0x2f7: {  	v3 =	vld [tilespmem:$0x90];
	_ =	sdelay $0x4  }
0x2f8: {  	v17 =	vshll.u32 v3, $0x1  }
0x2f9: {  	v3 =	vand.u32 $0x7, v3;
	v4 =	vand.u32 $0xFFFFFFF0, v17  }
0x2fa: {  	v3 =	vor.u32 v3, v4  }
0x2fb: {  	v4 =	vperm.xlane v3, v0;
	_ =	sdelay $0x1  }
0x2fc: {  	v3 =	vperm.xlane v3, v2;
	v4 =	vadd.s32 v1, v4;
	_ =	sdelay $0x1  }
0x2fd: {  	v3 =	vadd.s32 v1, v3;
	_ =	sdelay $0x2  }
0x2fe: {  	[hbm4b:s2+s3] =	stream.indirect_vreg.scatter [tilespmem:s23], [sflag:$0x5], $0x80, v4, vm0, $0xb8;
	[tilespmem:$0x18180] =	vst v63  }
0x2ff: {  	_ = 	snop  }
0x300: {  	[hbm4b:s2+s3] =	stream.indirect_vreg.scatter [tilespmem:s30], [sflag:$0x5], $0x80, v3, vm0, $0xb8;
	[tilespmem:$0x18180] =	vst v63  }
0x301: {  	v3 =	vld [tilespmem:$0xA0];
	_ =	sdelay $0x4  }
0x302: {  	v18 =	vshll.u32 v3, $0x1  }
0x303: {  	v3 =	vand.u32 $0x7, v3;
	v4 =	vand.u32 $0xFFFFFFF0, v18  }
0x304: {  	v3 =	vor.u32 v3, v4  }
0x305: {  	v4 =	vperm.xlane v3, v0;
	_ =	sdelay $0x1  }
0x306: {  	v3 =	vperm.xlane v3, v2;
	v4 =	vadd.s32 v1, v4;
	_ =	sdelay $0x1  }
0x307: {  	v3 =	vadd.s32 v1, v3;
	_ =	sdelay $0x1  }
0x308: {  	s29 =	simm.s32 $0xA180  }
0x309: {  	[hbm4b:s2+s3] =	stream.indirect_vreg.scatter [tilespmem:s29], [sflag:$0x5], $0x80, v4, vm0, $0xb8;
	[tilespmem:$0x18180] =	vst v63  }
0x30a: {  	s30 =	simm.s32 $0xA980  }
0x30b: {  	[hbm4b:s2+s3] =	stream.indirect_vreg.scatter [tilespmem:s30], [sflag:$0x5], $0x80, v3, vm0, $0xb8;
	[tilespmem:$0x18180] =	vst v63  }
0x30c: {  	v3 =	vld [tilespmem:$0xB0];
	_ =	sdelay $0x4  }
0x30d: {  	v19 =	vshll.u32 v3, $0x1  }
0x30e: {  	v3 =	vand.u32 $0x7, v3;
	v4 =	vand.u32 $0xFFFFFFF0, v19  }
0x30f: {  	v3 =	vor.u32 v3, v4  }
0x310: {  	v4 =	vperm.xlane v3, v0;
	_ =	sdelay $0x1  }
0x311: {  	v3 =	vperm.xlane v3, v2;
	v4 =	vadd.s32 v1, v4;
	_ =	sdelay $0x1  }
0x312: {  	v3 =	vadd.s32 v1, v3;
	_ =	sdelay $0x1  }
0x313: {  	s4 =	simm.s32 $0xB180  }
0x314: {  	[hbm4b:s2+s3] =	stream.indirect_vreg.scatter [tilespmem:s4], [sflag:$0x5], $0x80, v4, vm0, $0xb8;
	[tilespmem:$0x18180] =	vst v63  }
0x315: {  	s6 =	simm.s32 $0xB980  }
0x316: {  	[hbm4b:s2+s3] =	stream.indirect_vreg.scatter [tilespmem:s6], [sflag:$0x5], $0x80, v3, vm0, $0xb8;
	[tilespmem:$0x18180] =	vst v63  }
0x317: {  	v3 =	vld [tilespmem:$0xC0];
	_ =	sdelay $0x4  }
0x318: {  	v20 =	vshll.u32 v3, $0x1  }
0x319: {  	v3 =	vand.u32 $0x7, v3;
	v4 =	vand.u32 $0xFFFFFFF0, v20  }
0x31a: {  	v3 =	vor.u32 v3, v4  }
0x31b: {  	v4 =	vperm.xlane v3, v0;
	_ =	sdelay $0x1  }
0x31c: {  	v3 =	vperm.xlane v3, v2;
	v4 =	vadd.s32 v1, v4;
	_ =	sdelay $0x1  }
0x31d: {  	v3 =	vadd.s32 v1, v3;
	_ =	sdelay $0x1  }
0x31e: {  	s7 =	simm.s32 $0xC180  }
0x31f: {  	[hbm4b:s2+s3] =	stream.indirect_vreg.scatter [tilespmem:s7], [sflag:$0x5], $0x80, v4, vm0, $0xb8;
	[tilespmem:$0x18180] =	vst v63  }
0x320: {  	s29 =	simm.s32 $0xC980  }
0x321: {  	[hbm4b:s2+s3] =	stream.indirect_vreg.scatter [tilespmem:s29], [sflag:$0x5], $0x80, v3, vm0, $0xb8;
	[tilespmem:$0x18180] =	vst v63  }
0x322: {  	v3 =	vld [tilespmem:$0xD0];
	_ =	sdelay $0x4  }
0x323: {  	v21 =	vshll.u32 v3, $0x1  }
0x324: {  	v3 =	vand.u32 $0x7, v3;
	v4 =	vand.u32 $0xFFFFFFF0, v21  }
0x325: {  	v3 =	vor.u32 v3, v4  }
0x326: {  	v4 =	vperm.xlane v3, v0;
	_ =	sdelay $0x1  }
0x327: {  	v3 =	vperm.xlane v3, v2;
	v4 =	vadd.s32 v1, v4;
	_ =	sdelay $0x1  }
0x328: {  	v3 =	vadd.s32 v1, v3;
	_ =	sdelay $0x1  }
0x329: {  	s6 =	simm.s32 $0xD180  }
0x32a: {  	[hbm4b:s2+s3] =	stream.indirect_vreg.scatter [tilespmem:s6], [sflag:$0x5], $0x80, v4, vm0, $0xb8;
	[tilespmem:$0x18180] =	vst v63  }
0x32b: {  	s7 =	simm.s32 $0xD980  }
0x32c: {  	[hbm4b:s2+s3] =	stream.indirect_vreg.scatter [tilespmem:s7], [sflag:$0x5], $0x80, v3, vm0, $0xb8;
	[tilespmem:$0x18180] =	vst v63  }
0x32d: {  	v3 =	vld [tilespmem:$0xE0];
	_ =	sdelay $0x4  }
0x32e: {  	v22 =	vshll.u32 v3, $0x1  }
0x32f: {  	v3 =	vand.u32 $0x7, v3;
	v4 =	vand.u32 $0xFFFFFFF0, v22  }
0x330: {  	v3 =	vor.u32 v3, v4  }
0x331: {  	v4 =	vperm.xlane v3, v0;
	_ =	sdelay $0x1  }
0x332: {  	v3 =	vperm.xlane v3, v2;
	v4 =	vadd.s32 v1, v4;
	_ =	sdelay $0x1  }
0x333: {  	v3 =	vadd.s32 v1, v3;
	_ =	sdelay $0x1  }
0x334: {  	s29 =	simm.s32 $0xE180  }
0x335: {  	[hbm4b:s2+s3] =	stream.indirect_vreg.scatter [tilespmem:s29], [sflag:$0x5], $0x80, v4, vm0, $0xb8;
	[tilespmem:$0x18180] =	vst v63  }
0x336: {  	s7 =	simm.s32 $0xE980  }
0x337: {  	[hbm4b:s2+s3] =	stream.indirect_vreg.scatter [tilespmem:s7], [sflag:$0x5], $0x80, v3, vm0, $0xb8;
	[tilespmem:$0x18180] =	vst v63  }
0x338: {  	v3 =	vld [tilespmem:$0xF0];
	_ =	sdelay $0x4  }
0x339: {  	v23 =	vshll.u32 v3, $0x1  }
0x33a: {  	v3 =	vand.u32 $0x7, v3;
	v4 =	vand.u32 $0xFFFFFFF0, v23  }
0x33b: {  	v3 =	vor.u32 v3, v4  }
0x33c: {  	v4 =	vperm.xlane v3, v0;
	_ =	sdelay $0x1  }
0x33d: {  	v3 =	vperm.xlane v3, v2;
	v4 =	vadd.s32 v1, v4;
	_ =	sdelay $0x1  }
0x33e: {  	v3 =	vadd.s32 v1, v3;
	_ =	sdelay $0x1  }
0x33f: {  	s11 =	simm.s32 $0xF180  }
0x340: {  	[hbm4b:s2+s3] =	stream.indirect_vreg.scatter [tilespmem:s11], [sflag:$0x5], $0x80, v4, vm0, $0xb8;
	[tilespmem:$0x18180] =	vst v63  }
0x341: {  	s29 =	simm.s32 $0xF980  }
0x342: {  	[hbm4b:s2+s3] =	stream.indirect_vreg.scatter [tilespmem:s29], [sflag:$0x5], $0x80, v3, vm0, $0xb8;
	[tilespmem:$0x18180] =	vst v63  }
0x343: {  	_ =	swait.ge [sflag:s21], $0x8000  }
0x344: {  	[sflag:s21] =	ssyncset.done $0x0  }
0x345: {  	s6 =	rddreg [dreg:$0x16];
	[sflag:s21] =	ssyncadd.s32 $0xFFFF8000  }
0x346: {  	[tilespmem:s3], [sflag:$0x1] =	stream.linear.gather [hbm4b:s6+s3], $0x80, $0x38;
	[tilespmem:$0x18180] =	vst v63  }
0x347: {  	s7 =	rddreg [dreg:$0x17]  }
0x348: {  	[tilespmem:s31], [sflag:$0x1] =	stream.linear.gather [hbm4b:s7+s3], $0x8000, $0x38;
	[tilespmem:$0x18180] =	vst v63  }
0x349: {  	_ =	swait.ge [sflag:s1], $0x80  }
0x34a: {  	[sflag:s1] =	ssyncset.done $0x0  }
0x34b: {  	[sflag:s1] =	ssyncadd.s32 $0xFFFFFF80  }
0x34c: {  	_ =	swait.ge [sflag:s1], $0x8000  }
0x34d: {  	[sflag:s1] =	ssyncset.done $0x0  }
0x34e: {  	[sflag:s1] =	ssyncadd.s32 $0xFFFF8000  }
0x34f: {  	v3 =	vld [tilespmem:$0x100];
	_ =	sdelay $0x4  }
0x350: {  	v24 =	vshll.u32 v3, $0x1  }
0x351: {  	v3 =	vand.u32 $0x7, v3;
	v4 =	vand.u32 $0xFFFFFFF0, v24  }
0x352: {  	v3 =	vor.u32 v3, v4  }
0x353: {  	v4 =	vperm.xlane v3, v0;
	_ =	sdelay $0x1  }
0x354: {  	v3 =	vperm.xlane v3, v2;
	v4 =	vadd.s32 v1, v4;
	_ =	sdelay $0x1  }
0x355: {  	v3 =	vadd.s32 v1, v3;
	_ =	sdelay $0x2  }
0x356: {  	[hbm4b:s2+s3] =	stream.indirect_vreg.scatter [tilespmem:s5], [sflag:$0x6], $0x80, v4, vm0, $0xb8;
	[tilespmem:$0x18180] =	vst v63  }
0x357: {  	s11 =	simm.s32 $0x10980  }
0x358: {  	[hbm4b:s2+s3] =	stream.indirect_vreg.scatter [tilespmem:s11], [sflag:$0x6], $0x80, v3, vm0, $0xb8;
	[tilespmem:$0x18180] =	vst v63  }
0x359: {  	v3 =	vld [tilespmem:$0x110];
	_ =	sdelay $0x4  }
0x35a: {  	v25 =	vshll.u32 v3, $0x1  }
0x35b: {  	v3 =	vand.u32 $0x7, v3;
	v4 =	vand.u32 $0xFFFFFFF0, v25  }
0x35c: {  	v3 =	vor.u32 v3, v4  }
0x35d: {  	v4 =	vperm.xlane v3, v0;
	_ =	sdelay $0x1  }
0x35e: {  	v3 =	vperm.xlane v3, v2;
	v4 =	vadd.s32 v1, v4;
	_ =	sdelay $0x1  }
0x35f: {  	v3 =	vadd.s32 v1, v3;
	_ =	sdelay $0x1  }
0x360: {  	s29 =	simm.s32 $0x11180  }
0x361: {  	[hbm4b:s2+s3] =	stream.indirect_vreg.scatter [tilespmem:s29], [sflag:$0x6], $0x80, v4, vm0, $0xb8;
	[tilespmem:$0x18180] =	vst v63  }
0x362: {  	s7 =	simm.s32 $0x11980  }
0x363: {  	[hbm4b:s2+s3] =	stream.indirect_vreg.scatter [tilespmem:s7], [sflag:$0x6], $0x80, v3, vm0, $0xb8;
	[tilespmem:$0x18180] =	vst v63  }
0x364: {  	v3 =	vld [tilespmem:$0x120];
	_ =	sdelay $0x4  }
0x365: {  	v26 =	vshll.u32 v3, $0x1  }
0x366: {  	v3 =	vand.u32 $0x7, v3;
	v4 =	vand.u32 $0xFFFFFFF0, v26  }
0x367: {  	v3 =	vor.u32 v3, v4  }
0x368: {  	v4 =	vperm.xlane v3, v0;
	_ =	sdelay $0x1  }
0x369: {  	v3 =	vperm.xlane v3, v2;
	v4 =	vadd.s32 v1, v4;
	_ =	sdelay $0x1  }
0x36a: {  	v3 =	vadd.s32 v1, v3;
	_ =	sdelay $0x1  }
0x36b: {  	s15 =	simm.s32 $0x12180  }
0x36c: {  	[hbm4b:s2+s3] =	stream.indirect_vreg.scatter [tilespmem:s15], [sflag:$0x6], $0x80, v4, vm0, $0xb8;
	[tilespmem:$0x18180] =	vst v63  }
0x36d: {  	s11 =	simm.s32 $0x12980  }
0x36e: {  	[hbm4b:s2+s3] =	stream.indirect_vreg.scatter [tilespmem:s11], [sflag:$0x6], $0x80, v3, vm0, $0xb8;
	[tilespmem:$0x18180] =	vst v63  }
0x36f: {  	v3 =	vld [tilespmem:$0x130];
	_ =	sdelay $0x4  }
0x370: {  	v27 =	vshll.u32 v3, $0x1  }
0x371: {  	v3 =	vand.u32 $0x7, v3;
	v4 =	vand.u32 $0xFFFFFFF0, v27  }
0x372: {  	v3 =	vor.u32 v3, v4  }
0x373: {  	v4 =	vperm.xlane v3, v0;
	_ =	sdelay $0x1  }
0x374: {  	v3 =	vperm.xlane v3, v2;
	v4 =	vadd.s32 v1, v4;
	_ =	sdelay $0x1  }
0x375: {  	v3 =	vadd.s32 v1, v3;
	_ =	sdelay $0x1  }
0x376: {  	s15 =	simm.s32 $0x13180  }
0x377: {  	[hbm4b:s2+s3] =	stream.indirect_vreg.scatter [tilespmem:s15], [sflag:$0x6], $0x80, v4, vm0, $0xb8;
	[tilespmem:$0x18180] =	vst v63  }
0x378: {  	s29 =	simm.s32 $0x13980  }
0x379: {  	[hbm4b:s2+s3] =	stream.indirect_vreg.scatter [tilespmem:s29], [sflag:$0x6], $0x80, v3, vm0, $0xb8;
	[tilespmem:$0x18180] =	vst v63  }
0x37a: {  	v3 =	vld [tilespmem:$0x140];
	_ =	sdelay $0x4  }
0x37b: {  	v28 =	vshll.u32 v3, $0x1  }
0x37c: {  	v3 =	vand.u32 $0x7, v3;
	v4 =	vand.u32 $0xFFFFFFF0, v28  }
0x37d: {  	v3 =	vor.u32 v3, v4  }
0x37e: {  	v4 =	vperm.xlane v3, v0;
	_ =	sdelay $0x1  }
0x37f: {  	v3 =	vperm.xlane v3, v2;
	v4 =	vadd.s32 v1, v4;
	_ =	sdelay $0x1  }
0x380: {  	v3 =	vadd.s32 v1, v3;
	_ =	sdelay $0x1  }
0x381: {  	s18 =	simm.s32 $0x14180  }
0x382: {  	[hbm4b:s2+s3] =	stream.indirect_vreg.scatter [tilespmem:s18], [sflag:$0x6], $0x80, v4, vm0, $0xb8;
	[tilespmem:$0x18180] =	vst v63  }
0x383: {  	s7 =	simm.s32 $0x14980  }
0x384: {  	[hbm4b:s2+s3] =	stream.indirect_vreg.scatter [tilespmem:s7], [sflag:$0x6], $0x80, v3, vm0, $0xb8;
	[tilespmem:$0x18180] =	vst v63  }
0x385: {  	v3 =	vld [tilespmem:$0x150];
	_ =	sdelay $0x4  }
0x386: {  	v29 =	vshll.u32 v3, $0x1  }
0x387: {  	v3 =	vand.u32 $0x7, v3;
	v4 =	vand.u32 $0xFFFFFFF0, v29  }
0x388: {  	v3 =	vor.u32 v3, v4  }
0x389: {  	v4 =	vperm.xlane v3, v0;
	_ =	sdelay $0x1  }
0x38a: {  	v3 =	vperm.xlane v3, v2;
	v4 =	vadd.s32 v1, v4;
	_ =	sdelay $0x1  }
0x38b: {  	v3 =	vadd.s32 v1, v3;
	_ =	sdelay $0x1  }
0x38c: {  	s19 =	simm.s32 $0x15180  }
0x38d: {  	[hbm4b:s2+s3] =	stream.indirect_vreg.scatter [tilespmem:s19], [sflag:$0x6], $0x80, v4, vm0, $0xb8;
	[tilespmem:$0x18180] =	vst v63  }
0x38e: {  	s11 =	simm.s32 $0x15980  }
0x38f: {  	[hbm4b:s2+s3] =	stream.indirect_vreg.scatter [tilespmem:s11], [sflag:$0x6], $0x80, v3, vm0, $0xb8;
	[tilespmem:$0x18180] =	vst v63  }
0x390: {  	v3 =	vld [tilespmem:$0x160];
	_ =	sdelay $0x4  }
0x391: {  	v30 =	vshll.u32 v3, $0x1  }
0x392: {  	v3 =	vand.u32 $0x7, v3;
	v4 =	vand.u32 $0xFFFFFFF0, v30  }
0x393: {  	v3 =	vor.u32 v3, v4  }
0x394: {  	v4 =	vperm.xlane v3, v0;
	_ =	sdelay $0x1  }
0x395: {  	v3 =	vperm.xlane v3, v2;
	v4 =	vadd.s32 v1, v4;
	_ =	sdelay $0x1  }
0x396: {  	v3 =	vadd.s32 v1, v3;
	_ =	sdelay $0x1  }
0x397: {  	s15 =	simm.s32 $0x16180  }
0x398: {  	[hbm4b:s2+s3] =	stream.indirect_vreg.scatter [tilespmem:s15], [sflag:$0x6], $0x80, v4, vm0, $0xb8;
	[tilespmem:$0x18180] =	vst v63  }
0x399: {  	s18 =	simm.s32 $0x16980  }
0x39a: {  	[hbm4b:s2+s3] =	stream.indirect_vreg.scatter [tilespmem:s18], [sflag:$0x6], $0x80, v3, vm0, $0xb8;
	[tilespmem:$0x18180] =	vst v63  }
0x39b: {  	v3 =	vld [tilespmem:$0x170];
	_ =	sdelay $0x4  }
0x39c: {  	v31 =	vshll.u32 v3, $0x1  }
0x39d: {  	v3 =	vand.u32 $0x7, v3;
	v4 =	vand.u32 $0xFFFFFFF0, v31  }
0x39e: {  	v3 =	vor.u32 v3, v4  }
0x39f: {  	v4 =	vperm.xlane v3, v0;
	_ =	sdelay $0x1  }
0x3a0: {  	v3 =	vperm.xlane v3, v2;
	v4 =	vadd.s32 v1, v4;
	_ =	sdelay $0x1  }
0x3a1: {  	v3 =	vadd.s32 v1, v3;
	_ =	sdelay $0x1  }
0x3a2: {  	s19 =	simm.s32 $0x17180  }
0x3a3: {  	[hbm4b:s2+s3] =	stream.indirect_vreg.scatter [tilespmem:s19], [sflag:$0x6], $0x80, v4, vm0, $0xb8;
	[tilespmem:$0x18180] =	vst v63  }
0x3a4: {  	s29 =	simm.s32 $0x17980  }
0x3a5: {  	[hbm4b:s2+s3] =	stream.indirect_vreg.scatter [tilespmem:s29], [sflag:$0x6], $0x80, v3, vm0, $0xb8;
	[tilespmem:$0x18180] =	vst v63  }
0x3a6: {  	_ =	swait.ge [sflag:s22], $0x8000  }
0x3a7: {  	[sflag:s22] =	ssyncset.done $0x0  }
0x3a8: {  	s7 =	simm.s32 $0x80;
	s6 =	rddreg [dreg:$0x18];
	[sflag:s22] =	ssyncadd.s32 $0xFFFF8000  }
0x3a9: {  	[tilespmem:s7], [sflag:$0x2] =	stream.linear.gather [hbm4b:s6+s3], $0x80, $0x38;
	[tilespmem:$0x18180] =	vst v63  }
0x3aa: {  	s11 =	rddreg [dreg:$0x19]  }
0x3ab: {  	[tilespmem:s26], [sflag:$0x2] =	stream.linear.gather [hbm4b:s11+s3], $0x8000, $0x38;
	[tilespmem:$0x18180] =	vst v63  }
0x3ac: {  	_ =	swait.ge [sflag:s24], $0x80  }
0x3ad: {  	[sflag:s24] =	ssyncset.done $0x0  }
0x3ae: {  	[sflag:s24] =	ssyncadd.s32 $0xFFFFFF80  }
0x3af: {  	_ =	swait.ge [sflag:s24], $0x8000  }
0x3b0: {  	[sflag:s24] =	ssyncset.done $0x0  }
0x3b1: {  	[sflag:s24] =	ssyncadd.s32 $0xFFFF8000  }
0x3b2: {  	v3 =	vld [tilespmem:$0x0];
	_ =	sdelay $0x4  }
0x3b3: {  	v32 =	vshll.u32 v3, $0x1  }
0x3b4: {  	v3 =	vand.u32 $0x7, v3;
	v4 =	vand.u32 $0xFFFFFFF0, v32  }
0x3b5: {  	v3 =	vor.u32 v3, v4  }
0x3b6: {  	v4 =	vperm.xlane v3, v0;
	_ =	sdelay $0x1  }
0x3b7: {  	v3 =	vperm.xlane v3, v2;
	v4 =	vadd.s32 v1, v4;
	_ =	sdelay $0x1  }
0x3b8: {  	v3 =	vadd.s32 v1, v3;
	_ =	sdelay $0x2  }
0x3b9: {  	[hbm4b:s2+s3] =	stream.indirect_vreg.scatter [tilespmem:s31], [sflag:$0x4], $0x80, v4, vm0, $0xb8;
	[tilespmem:$0x18180] =	vst v63  }
0x3ba: {  	s15 =	simm.s32 $0x980  }
0x3bb: {  	[hbm4b:s2+s3] =	stream.indirect_vreg.scatter [tilespmem:s15], [sflag:$0x4], $0x80, v3, vm0, $0xb8;
	[tilespmem:$0x18180] =	vst v63  }
0x3bc: {  	v3 =	vld [tilespmem:$0x10];
	_ =	sdelay $0x4  }
0x3bd: {  	v33 =	vshll.u32 v3, $0x1  }
0x3be: {  	v3 =	vand.u32 $0x7, v3;
	v4 =	vand.u32 $0xFFFFFFF0, v33  }
0x3bf: {  	v3 =	vor.u32 v3, v4  }
0x3c0: {  	v4 =	vperm.xlane v3, v0;
	_ =	sdelay $0x1  }
0x3c1: {  	v3 =	vperm.xlane v3, v2;
	v4 =	vadd.s32 v1, v4;
	_ =	sdelay $0x1  }
0x3c2: {  	v3 =	vadd.s32 v1, v3;
	_ =	sdelay $0x1  }
0x3c3: {  	s7 =	simm.s32 $0x1180  }
0x3c4: {  	[hbm4b:s2+s3] =	stream.indirect_vreg.scatter [tilespmem:s7], [sflag:$0x4], $0x80, v4, vm0, $0xb8;
	[tilespmem:$0x18180] =	vst v63  }
0x3c5: {  	_ = 	snop  }
0x3c6: {  	[hbm4b:s2+s3] =	stream.indirect_vreg.scatter [tilespmem:s8], [sflag:$0x4], $0x80, v3, vm0, $0xb8;
	[tilespmem:$0x18180] =	vst v63  }
0x3c7: {  	v3 =	vld [tilespmem:$0x20];
	_ =	sdelay $0x4  }
0x3c8: {  	v34 =	vshll.u32 v3, $0x1  }
0x3c9: {  	v3 =	vand.u32 $0x7, v3;
	v4 =	vand.u32 $0xFFFFFFF0, v34  }
0x3ca: {  	v3 =	vor.u32 v3, v4  }
0x3cb: {  	v4 =	vperm.xlane v3, v0;
	_ =	sdelay $0x1  }
0x3cc: {  	v3 =	vperm.xlane v3, v2;
	v4 =	vadd.s32 v1, v4;
	_ =	sdelay $0x1  }
0x3cd: {  	v3 =	vadd.s32 v1, v3;
	_ =	sdelay $0x2  }
0x3ce: {  	[hbm4b:s2+s3] =	stream.indirect_vreg.scatter [tilespmem:s9], [sflag:$0x4], $0x80, v4, vm0, $0xb8;
	[tilespmem:$0x18180] =	vst v63  }
0x3cf: {  	s18 =	simm.s32 $0x2980  }
0x3d0: {  	[hbm4b:s2+s3] =	stream.indirect_vreg.scatter [tilespmem:s18], [sflag:$0x4], $0x80, v3, vm0, $0xb8;
	[tilespmem:$0x18180] =	vst v63  }
0x3d1: {  	v3 =	vld [tilespmem:$0x30];
	_ =	sdelay $0x4  }
0x3d2: {  	v35 =	vshll.u32 v3, $0x1  }
0x3d3: {  	v3 =	vand.u32 $0x7, v3;
	v4 =	vand.u32 $0xFFFFFFF0, v35  }
0x3d4: {  	v3 =	vor.u32 v3, v4  }
0x3d5: {  	v4 =	vperm.xlane v3, v0;
	_ =	sdelay $0x1  }
0x3d6: {  	v3 =	vperm.xlane v3, v2;
	v4 =	vadd.s32 v1, v4;
	_ =	sdelay $0x1  }
0x3d7: {  	v3 =	vadd.s32 v1, v3;
	_ =	sdelay $0x1  }
0x3d8: {  	s11 =	simm.s32 $0x3180  }
0x3d9: {  	[hbm4b:s2+s3] =	stream.indirect_vreg.scatter [tilespmem:s11], [sflag:$0x4], $0x80, v4, vm0, $0xb8;
	[tilespmem:$0x18180] =	vst v63  }
0x3da: {  	_ = 	snop  }
0x3db: {  	[hbm4b:s2+s3] =	stream.indirect_vreg.scatter [tilespmem:s12], [sflag:$0x4], $0x80, v3, vm0, $0xb8;
	[tilespmem:$0x18180] =	vst v63  }
0x3dc: {  	v3 =	vld [tilespmem:$0x40];
	_ =	sdelay $0x4  }
0x3dd: {  	v36 =	vshll.u32 v3, $0x1  }
0x3de: {  	v3 =	vand.u32 $0x7, v3;
	v4 =	vand.u32 $0xFFFFFFF0, v36  }
0x3df: {  	v3 =	vor.u32 v3, v4  }
0x3e0: {  	v4 =	vperm.xlane v3, v0;
	_ =	sdelay $0x1  }
0x3e1: {  	v3 =	vperm.xlane v3, v2;
	v4 =	vadd.s32 v1, v4;
	_ =	sdelay $0x1  }
0x3e2: {  	v3 =	vadd.s32 v1, v3;
	_ =	sdelay $0x2  }
0x3e3: {  	[hbm4b:s2+s3] =	stream.indirect_vreg.scatter [tilespmem:s13], [sflag:$0x4], $0x80, v4, vm0, $0xb8;
	[tilespmem:$0x18180] =	vst v63  }
0x3e4: {  	s19 =	simm.s32 $0x4980  }
0x3e5: {  	[hbm4b:s2+s3] =	stream.indirect_vreg.scatter [tilespmem:s19], [sflag:$0x4], $0x80, v3, vm0, $0xb8;
	[tilespmem:$0x18180] =	vst v63  }
0x3e6: {  	v3 =	vld [tilespmem:$0x50];
	_ =	sdelay $0x4  }
0x3e7: {  	v37 =	vshll.u32 v3, $0x1  }
0x3e8: {  	v3 =	vand.u32 $0x7, v3;
	v4 =	vand.u32 $0xFFFFFFF0, v37  }
0x3e9: {  	v3 =	vor.u32 v3, v4  }
0x3ea: {  	v4 =	vperm.xlane v3, v0;
	_ =	sdelay $0x1  }
0x3eb: {  	v3 =	vperm.xlane v3, v2;
	v4 =	vadd.s32 v1, v4;
	_ =	sdelay $0x1  }
0x3ec: {  	v3 =	vadd.s32 v1, v3;
	_ =	sdelay $0x1  }
0x3ed: {  	s15 =	simm.s32 $0x5180  }
0x3ee: {  	[hbm4b:s2+s3] =	stream.indirect_vreg.scatter [tilespmem:s15], [sflag:$0x4], $0x80, v4, vm0, $0xb8;
	[tilespmem:$0x18180] =	vst v63  }
0x3ef: {  	_ = 	snop  }
0x3f0: {  	[hbm4b:s2+s3] =	stream.indirect_vreg.scatter [tilespmem:s16], [sflag:$0x4], $0x80, v3, vm0, $0xb8;
	[tilespmem:$0x18180] =	vst v63  }
0x3f1: {  	v3 =	vld [tilespmem:$0x60];
	_ =	sdelay $0x4  }
0x3f2: {  	v38 =	vshll.u32 v3, $0x1  }
0x3f3: {  	v3 =	vand.u32 $0x7, v3;
	v4 =	vand.u32 $0xFFFFFFF0, v38  }
0x3f4: {  	v3 =	vor.u32 v3, v4  }
0x3f5: {  	v4 =	vperm.xlane v3, v0;
	_ =	sdelay $0x1  }
0x3f6: {  	v3 =	vperm.xlane v3, v2;
	v4 =	vadd.s32 v1, v4;
	_ =	sdelay $0x1  }
0x3f7: {  	v3 =	vadd.s32 v1, v3;
	_ =	sdelay $0x2  }
0x3f8: {  	[hbm4b:s2+s3] =	stream.indirect_vreg.scatter [tilespmem:s17], [sflag:$0x4], $0x80, v4, vm0, $0xb8;
	[tilespmem:$0x18180] =	vst v63  }
0x3f9: {  	s29 =	simm.s32 $0x6980  }
0x3fa: {  	[hbm4b:s2+s3] =	stream.indirect_vreg.scatter [tilespmem:s29], [sflag:$0x4], $0x80, v3, vm0, $0xb8;
	[tilespmem:$0x18180] =	vst v63  }
0x3fb: {  	v3 =	vld [tilespmem:$0x70];
	_ =	sdelay $0x4  }
0x3fc: {  	v39 =	vshll.u32 v3, $0x1  }
0x3fd: {  	v3 =	vand.u32 $0x7, v3;
	v4 =	vand.u32 $0xFFFFFFF0, v39  }
0x3fe: {  	v3 =	vor.u32 v3, v4  }
0x3ff: {  	v4 =	vperm.xlane v3, v0;
	_ =	sdelay $0x1  }
0x400: {  	v3 =	vperm.xlane v3, v2;
	v4 =	vadd.s32 v1, v4;
	_ =	sdelay $0x1  }
0x401: {  	v3 =	vadd.s32 v1, v3;
	_ =	sdelay $0x1  }
0x402: {  	s19 =	simm.s32 $0x7180  }
0x403: {  	[hbm4b:s2+s3] =	stream.indirect_vreg.scatter [tilespmem:s19], [sflag:$0x4], $0x80, v4, vm0, $0xb8;
	[tilespmem:$0x18180] =	vst v63  }
0x404: {  	_ = 	snop  }
0x405: {  	[hbm4b:s2+s3] =	stream.indirect_vreg.scatter [tilespmem:s20], [sflag:$0x4], $0x80, v3, vm0, $0xb8;
	[tilespmem:$0x18180] =	vst v63  }
0x406: {  	_ =	swait.ge [sflag:s25], $0x8000  }
0x407: {  	[sflag:s25] =	ssyncset.done $0x0  }
0x408: {  	s18 =	simm.s32 $0x100;
	s6 =	rddreg [dreg:$0x1a];
	[sflag:s25] =	ssyncadd.s32 $0xFFFF8000  }
0x409: {  	[tilespmem:s18], [sflag:$0x3] =	stream.linear.gather [hbm4b:s6+s3], $0x80, $0x38;
	[tilespmem:$0x18180] =	vst v63  }
0x40a: {  	s18 =	rddreg [dreg:$0x1b]  }
0x40b: {  	[tilespmem:s5], [sflag:$0x3] =	stream.linear.gather [hbm4b:s18+s3], $0x8000, $0x38;
	[tilespmem:$0x18180] =	vst v63  }
0x40c: {  	_ =	swait.ge [sflag:s28], $0x80  }
0x40d: {  	[sflag:s28] =	ssyncset.done $0x0  }
0x40e: {  	[sflag:s28] =	ssyncadd.s32 $0xFFFFFF80  }
0x40f: {  	_ =	swait.ge [sflag:s28], $0x8000  }
0x410: {  	[sflag:s28] =	ssyncset.done $0x0  }
0x411: {  	[sflag:s28] =	ssyncadd.s32 $0xFFFF8000  }
0x412: {  	v3 =	vld [tilespmem:$0x80];
	_ =	sdelay $0x4  }
0x413: {  	v40 =	vshll.u32 v3, $0x1  }
0x414: {  	v3 =	vand.u32 $0x7, v3;
	v4 =	vand.u32 $0xFFFFFFF0, v40  }
0x415: {  	v3 =	vor.u32 v3, v4  }
0x416: {  	v4 =	vperm.xlane v3, v0;
	_ =	sdelay $0x1  }
0x417: {  	v3 =	vperm.xlane v3, v2;
	v4 =	vadd.s32 v1, v4;
	_ =	sdelay $0x1  }
0x418: {  	v3 =	vadd.s32 v1, v3;
	_ =	sdelay $0x2  }
0x419: {  	[hbm4b:s2+s3] =	stream.indirect_vreg.scatter [tilespmem:s26], [sflag:$0x5], $0x80, v4, vm0, $0xb8;
	[tilespmem:$0x18180] =	vst v63  }
0x41a: {  	s29 =	simm.s32 $0x8980  }
0x41b: {  	[hbm4b:s2+s3] =	stream.indirect_vreg.scatter [tilespmem:s29], [sflag:$0x5], $0x80, v3, vm0, $0xb8;
	[tilespmem:$0x18180] =	vst v63  }
0x41c: {  	v3 =	vld [tilespmem:$0x90];
	_ =	sdelay $0x4  }
0x41d: {  	v41 =	vshll.u32 v3, $0x1  }
0x41e: {  	v3 =	vand.u32 $0x7, v3;
	v4 =	vand.u32 $0xFFFFFFF0, v41  }
0x41f: {  	v3 =	vor.u32 v3, v4  }
0x420: {  	v4 =	vperm.xlane v3, v0;
	_ =	sdelay $0x1  }
0x421: {  	v3 =	vperm.xlane v3, v2;
	v4 =	vadd.s32 v1, v4;
	_ =	sdelay $0x1  }
0x422: {  	v3 =	vadd.s32 v1, v3;
	_ =	sdelay $0x1  }
0x423: {  	s10 =	simm.s32 $0x9180  }
0x424: {  	[hbm4b:s2+s3] =	stream.indirect_vreg.scatter [tilespmem:s10], [sflag:$0x5], $0x80, v4, vm0, $0xb8;
	[tilespmem:$0x18180] =	vst v63  }
0x425: {  	s14 =	simm.s32 $0x9980  }
0x426: {  	[hbm4b:s2+s3] =	stream.indirect_vreg.scatter [tilespmem:s14], [sflag:$0x5], $0x80, v3, vm0, $0xb8;
	[tilespmem:$0x18180] =	vst v63  }
0x427: {  	v3 =	vld [tilespmem:$0xA0];
	_ =	sdelay $0x4  }
0x428: {  	v42 =	vshll.u32 v3, $0x1  }
0x429: {  	v3 =	vand.u32 $0x7, v3;
	v4 =	vand.u32 $0xFFFFFFF0, v42  }
0x42a: {  	v3 =	vor.u32 v3, v4  }
0x42b: {  	v4 =	vperm.xlane v3, v0;
	_ =	sdelay $0x1  }
0x42c: {  	v3 =	vperm.xlane v3, v2;
	v4 =	vadd.s32 v1, v4;
	_ =	sdelay $0x1  }
0x42d: {  	v3 =	vadd.s32 v1, v3;
	_ =	sdelay $0x1  }
0x42e: {  	s18 =	simm.s32 $0xA180  }
0x42f: {  	[hbm4b:s2+s3] =	stream.indirect_vreg.scatter [tilespmem:s18], [sflag:$0x5], $0x80, v4, vm0, $0xb8;
	[tilespmem:$0x18180] =	vst v63  }
0x430: {  	s29 =	simm.s32 $0xA980  }
0x431: {  	[hbm4b:s2+s3] =	stream.indirect_vreg.scatter [tilespmem:s29], [sflag:$0x5], $0x80, v3, vm0, $0xb8;
	[tilespmem:$0x18180] =	vst v63  }
0x432: {  	v3 =	vld [tilespmem:$0xB0];
	_ =	sdelay $0x4  }
0x433: {  	v43 =	vshll.u32 v3, $0x1  }
0x434: {  	v3 =	vand.u32 $0x7, v3;
	v4 =	vand.u32 $0xFFFFFFF0, v43  }
0x435: {  	v3 =	vor.u32 v3, v4  }
0x436: {  	v4 =	vperm.xlane v3, v0;
	_ =	sdelay $0x1  }
0x437: {  	v3 =	vperm.xlane v3, v2;
	v4 =	vadd.s32 v1, v4;
	_ =	sdelay $0x1  }
0x438: {  	v3 =	vadd.s32 v1, v3;
	_ =	sdelay $0x1  }
0x439: {  	s23 =	simm.s32 $0xB180  }
0x43a: {  	[hbm4b:s2+s3] =	stream.indirect_vreg.scatter [tilespmem:s23], [sflag:$0x5], $0x80, v4, vm0, $0xb8;
	[tilespmem:$0x18180] =	vst v63  }
0x43b: {  	s29 =	simm.s32 $0xB980  }
0x43c: {  	[hbm4b:s2+s3] =	stream.indirect_vreg.scatter [tilespmem:s29], [sflag:$0x5], $0x80, v3, vm0, $0xb8;
	[tilespmem:$0x18180] =	vst v63  }
0x43d: {  	v3 =	vld [tilespmem:$0xC0];
	_ =	sdelay $0x4  }
0x43e: {  	v44 =	vshll.u32 v3, $0x1  }
0x43f: {  	v3 =	vand.u32 $0x7, v3;
	v4 =	vand.u32 $0xFFFFFFF0, v44  }
0x440: {  	v3 =	vor.u32 v3, v4  }
0x441: {  	v4 =	vperm.xlane v3, v0;
	_ =	sdelay $0x1  }
0x442: {  	v3 =	vperm.xlane v3, v2;
	v4 =	vadd.s32 v1, v4;
	_ =	sdelay $0x1  }
0x443: {  	v3 =	vadd.s32 v1, v3;
	_ =	sdelay $0x1  }
0x444: {  	s30 =	simm.s32 $0xC180  }
0x445: {  	[hbm4b:s2+s3] =	stream.indirect_vreg.scatter [tilespmem:s30], [sflag:$0x5], $0x80, v4, vm0, $0xb8;
	[tilespmem:$0x18180] =	vst v63  }
0x446: {  	s30 =	simm.s32 $0xC980  }
0x447: {  	[hbm4b:s2+s3] =	stream.indirect_vreg.scatter [tilespmem:s30], [sflag:$0x5], $0x80, v3, vm0, $0xb8;
	[tilespmem:$0x18180] =	vst v63  }
0x448: {  	v3 =	vld [tilespmem:$0xD0];
	_ =	sdelay $0x4  }
0x449: {  	v45 =	vshll.u32 v3, $0x1  }
0x44a: {  	v3 =	vand.u32 $0x7, v3;
	v4 =	vand.u32 $0xFFFFFFF0, v45  }
0x44b: {  	v3 =	vor.u32 v3, v4  }
0x44c: {  	v4 =	vperm.xlane v3, v0;
	_ =	sdelay $0x1  }
0x44d: {  	v3 =	vperm.xlane v3, v2;
	v4 =	vadd.s32 v1, v4;
	_ =	sdelay $0x1  }
0x44e: {  	v3 =	vadd.s32 v1, v3;
	_ =	sdelay $0x1  }
0x44f: {  	s4 =	simm.s32 $0xD180  }
0x450: {  	[hbm4b:s2+s3] =	stream.indirect_vreg.scatter [tilespmem:s4], [sflag:$0x5], $0x80, v4, vm0, $0xb8;
	[tilespmem:$0x18180] =	vst v63  }
0x451: {  	s23 =	simm.s32 $0xD980  }
0x452: {  	[hbm4b:s2+s3] =	stream.indirect_vreg.scatter [tilespmem:s23], [sflag:$0x5], $0x80, v3, vm0, $0xb8;
	[tilespmem:$0x18180] =	vst v63  }
0x453: {  	v3 =	vld [tilespmem:$0xE0];
	_ =	sdelay $0x4  }
0x454: {  	v46 =	vshll.u32 v3, $0x1  }
0x455: {  	v3 =	vand.u32 $0x7, v3;
	v4 =	vand.u32 $0xFFFFFFF0, v46  }
0x456: {  	v3 =	vor.u32 v3, v4  }
0x457: {  	v4 =	vperm.xlane v3, v0;
	_ =	sdelay $0x1  }
0x458: {  	v3 =	vperm.xlane v3, v2;
	v4 =	vadd.s32 v1, v4;
	_ =	sdelay $0x1  }
0x459: {  	v3 =	vadd.s32 v1, v3;
	_ =	sdelay $0x1  }
0x45a: {  	s29 =	simm.s32 $0xE180  }
0x45b: {  	[hbm4b:s2+s3] =	stream.indirect_vreg.scatter [tilespmem:s29], [sflag:$0x5], $0x80, v4, vm0, $0xb8;
	[tilespmem:$0x18180] =	vst v63  }
0x45c: {  	s30 =	simm.s32 $0xE980  }
0x45d: {  	[hbm4b:s2+s3] =	stream.indirect_vreg.scatter [tilespmem:s30], [sflag:$0x5], $0x80, v3, vm0, $0xb8;
	[tilespmem:$0x18180] =	vst v63  }
0x45e: {  	v3 =	vld [tilespmem:$0xF0];
	_ =	sdelay $0x4  }
0x45f: {  	v47 =	vshll.u32 v3, $0x1  }
0x460: {  	v3 =	vand.u32 $0x7, v3;
	v4 =	vand.u32 $0xFFFFFFF0, v47  }
0x461: {  	v3 =	vor.u32 v3, v4  }
0x462: {  	v4 =	vperm.xlane v3, v0;
	_ =	sdelay $0x1  }
0x463: {  	v3 =	vperm.xlane v3, v2;
	v4 =	vadd.s32 v1, v4;
	_ =	sdelay $0x1  }
0x464: {  	v3 =	vadd.s32 v1, v3;
	_ =	sdelay $0x1  }
0x465: {  	s23 =	simm.s32 $0xF180  }
0x466: {  	[hbm4b:s2+s3] =	stream.indirect_vreg.scatter [tilespmem:s23], [sflag:$0x5], $0x80, v4, vm0, $0xb8;
	[tilespmem:$0x18180] =	vst v63  }
0x467: {  	s29 =	simm.s32 $0xF980  }
0x468: {  	[hbm4b:s2+s3] =	stream.indirect_vreg.scatter [tilespmem:s29], [sflag:$0x5], $0x80, v3, vm0, $0xb8;
	[tilespmem:$0x18180] =	vst v63  }
0x469: {  	_ =	swait.ge [sflag:s21], $0x8000  }
0x46a: {  	[sflag:s21] =	ssyncset.done $0x0  }
0x46b: {  	s30 =	rddreg [dreg:$0x1c];
	[sflag:s21] =	ssyncadd.s32 $0xFFFF8000  }
0x46c: {  	[tilespmem:s3], [sflag:$0x1] =	stream.linear.gather [hbm4b:s30+s3], $0x80, $0x38;
	[tilespmem:$0x18180] =	vst v63  }
0x46d: {  	s4 =	rddreg [dreg:$0x1d]  }
0x46e: {  	[tilespmem:s31], [sflag:$0x1] =	stream.linear.gather [hbm4b:s4+s3], $0x8000, $0x38;
	[tilespmem:$0x18180] =	vst v63  }
0x46f: {  	_ =	swait.ge [sflag:s1], $0x80  }
0x470: {  	[sflag:s1] =	ssyncset.done $0x0  }
0x471: {  	[sflag:s1] =	ssyncadd.s32 $0xFFFFFF80  }
0x472: {  	_ =	swait.ge [sflag:s1], $0x8000  }
0x473: {  	[sflag:s1] =	ssyncset.done $0x0  }
0x474: {  	[sflag:s1] =	ssyncadd.s32 $0xFFFF8000  }
0x475: {  	v3 =	vld [tilespmem:$0x100];
	_ =	sdelay $0x4  }
0x476: {  	v48 =	vshll.u32 v3, $0x1  }
0x477: {  	v3 =	vand.u32 $0x7, v3;
	v4 =	vand.u32 $0xFFFFFFF0, v48  }
0x478: {  	v3 =	vor.u32 v3, v4  }
0x479: {  	v4 =	vperm.xlane v3, v0;
	_ =	sdelay $0x1  }
0x47a: {  	v3 =	vperm.xlane v3, v2;
	v4 =	vadd.s32 v1, v4;
	_ =	sdelay $0x1  }
0x47b: {  	v3 =	vadd.s32 v1, v3;
	_ =	sdelay $0x2  }
0x47c: {  	[hbm4b:s2+s3] =	stream.indirect_vreg.scatter [tilespmem:s5], [sflag:$0x6], $0x80, v4, vm0, $0xb8;
	[tilespmem:$0x18180] =	vst v63  }
0x47d: {  	s23 =	simm.s32 $0x10980  }
0x47e: {  	[hbm4b:s2+s3] =	stream.indirect_vreg.scatter [tilespmem:s23], [sflag:$0x6], $0x80, v3, vm0, $0xb8;
	[tilespmem:$0x18180] =	vst v63  }
0x47f: {  	v3 =	vld [tilespmem:$0x110];
	_ =	sdelay $0x4  }
0x480: {  	v49 =	vshll.u32 v3, $0x1  }
0x481: {  	v3 =	vand.u32 $0x7, v3;
	v4 =	vand.u32 $0xFFFFFFF0, v49  }
0x482: {  	v3 =	vor.u32 v3, v4  }
0x483: {  	v4 =	vperm.xlane v3, v0;
	_ =	sdelay $0x1  }
0x484: {  	v3 =	vperm.xlane v3, v2;
	v4 =	vadd.s32 v1, v4;
	_ =	sdelay $0x1  }
0x485: {  	v3 =	vadd.s32 v1, v3;
	_ =	sdelay $0x1  }
0x486: {  	s29 =	simm.s32 $0x11180  }
0x487: {  	[hbm4b:s2+s3] =	stream.indirect_vreg.scatter [tilespmem:s29], [sflag:$0x6], $0x80, v4, vm0, $0xb8;
	[tilespmem:$0x18180] =	vst v63  }
0x488: {  	s30 =	simm.s32 $0x11980  }
0x489: {  	[hbm4b:s2+s3] =	stream.indirect_vreg.scatter [tilespmem:s30], [sflag:$0x6], $0x80, v3, vm0, $0xb8;
	[tilespmem:$0x18180] =	vst v63  }
0x48a: {  	v3 =	vld [tilespmem:$0x120];
	_ =	sdelay $0x4  }
0x48b: {  	v50 =	vshll.u32 v3, $0x1  }
0x48c: {  	v3 =	vand.u32 $0x7, v3;
	v4 =	vand.u32 $0xFFFFFFF0, v50  }
0x48d: {  	v3 =	vor.u32 v3, v4  }
0x48e: {  	v4 =	vperm.xlane v3, v0;
	_ =	sdelay $0x1  }
0x48f: {  	v3 =	vperm.xlane v3, v2;
	v4 =	vadd.s32 v1, v4;
	_ =	sdelay $0x1  }
0x490: {  	v3 =	vadd.s32 v1, v3;
	_ =	sdelay $0x1  }
0x491: {  	s23 =	simm.s32 $0x12180  }
0x492: {  	[hbm4b:s2+s3] =	stream.indirect_vreg.scatter [tilespmem:s23], [sflag:$0x6], $0x80, v4, vm0, $0xb8;
	[tilespmem:$0x18180] =	vst v63  }
0x493: {  	s29 =	simm.s32 $0x12980  }
0x494: {  	[hbm4b:s2+s3] =	stream.indirect_vreg.scatter [tilespmem:s29], [sflag:$0x6], $0x80, v3, vm0, $0xb8;
	[tilespmem:$0x18180] =	vst v63  }
0x495: {  	v3 =	vld [tilespmem:$0x130];
	_ =	sdelay $0x4  }
0x496: {  	v51 =	vshll.u32 v3, $0x1  }
0x497: {  	v3 =	vand.u32 $0x7, v3;
	v4 =	vand.u32 $0xFFFFFFF0, v51  }
0x498: {  	v3 =	vor.u32 v3, v4  }
0x499: {  	v4 =	vperm.xlane v3, v0;
	_ =	sdelay $0x1  }
0x49a: {  	v3 =	vperm.xlane v3, v2;
	v4 =	vadd.s32 v1, v4;
	_ =	sdelay $0x1  }
0x49b: {  	v3 =	vadd.s32 v1, v3;
	_ =	sdelay $0x1  }
0x49c: {  	s30 =	simm.s32 $0x13180  }
0x49d: {  	[hbm4b:s2+s3] =	stream.indirect_vreg.scatter [tilespmem:s30], [sflag:$0x6], $0x80, v4, vm0, $0xb8;
	[tilespmem:$0x18180] =	vst v63  }
0x49e: {  	s23 =	simm.s32 $0x13980  }
0x49f: {  	[hbm4b:s2+s3] =	stream.indirect_vreg.scatter [tilespmem:s23], [sflag:$0x6], $0x80, v3, vm0, $0xb8;
	[tilespmem:$0x18180] =	vst v63  }
0x4a0: {  	v3 =	vld [tilespmem:$0x140];
	_ =	sdelay $0x4  }
0x4a1: {  	v52 =	vshll.u32 v3, $0x1  }
0x4a2: {  	v3 =	vand.u32 $0x7, v3;
	v4 =	vand.u32 $0xFFFFFFF0, v52  }
0x4a3: {  	v3 =	vor.u32 v3, v4  }
0x4a4: {  	v4 =	vperm.xlane v3, v0;
	_ =	sdelay $0x1  }
0x4a5: {  	v3 =	vperm.xlane v3, v2;
	v4 =	vadd.s32 v1, v4;
	_ =	sdelay $0x1  }
0x4a6: {  	v3 =	vadd.s32 v1, v3;
	_ =	sdelay $0x1  }
0x4a7: {  	s29 =	simm.s32 $0x14180  }
0x4a8: {  	[hbm4b:s2+s3] =	stream.indirect_vreg.scatter [tilespmem:s29], [sflag:$0x6], $0x80, v4, vm0, $0xb8;
	[tilespmem:$0x18180] =	vst v63  }
0x4a9: {  	s30 =	simm.s32 $0x14980  }
0x4aa: {  	[hbm4b:s2+s3] =	stream.indirect_vreg.scatter [tilespmem:s30], [sflag:$0x6], $0x80, v3, vm0, $0xb8;
	[tilespmem:$0x18180] =	vst v63  }
0x4ab: {  	v3 =	vld [tilespmem:$0x150];
	_ =	sdelay $0x4  }
0x4ac: {  	v53 =	vshll.u32 v3, $0x1  }
0x4ad: {  	v3 =	vand.u32 $0x7, v3;
	v4 =	vand.u32 $0xFFFFFFF0, v53  }
0x4ae: {  	v3 =	vor.u32 v3, v4  }
0x4af: {  	v4 =	vperm.xlane v3, v0;
	_ =	sdelay $0x1  }
0x4b0: {  	v3 =	vperm.xlane v3, v2;
	v4 =	vadd.s32 v1, v4;
	_ =	sdelay $0x1  }
0x4b1: {  	v3 =	vadd.s32 v1, v3;
	_ =	sdelay $0x1  }
0x4b2: {  	s23 =	simm.s32 $0x15180  }
0x4b3: {  	[hbm4b:s2+s3] =	stream.indirect_vreg.scatter [tilespmem:s23], [sflag:$0x6], $0x80, v4, vm0, $0xb8;
	[tilespmem:$0x18180] =	vst v63  }
0x4b4: {  	s29 =	simm.s32 $0x15980  }
0x4b5: {  	[hbm4b:s2+s3] =	stream.indirect_vreg.scatter [tilespmem:s29], [sflag:$0x6], $0x80, v3, vm0, $0xb8;
	[tilespmem:$0x18180] =	vst v63  }
0x4b6: {  	v3 =	vld [tilespmem:$0x160];
	_ =	sdelay $0x4  }
0x4b7: {  	v54 =	vshll.u32 v3, $0x1  }
0x4b8: {  	v3 =	vand.u32 $0x7, v3;
	v4 =	vand.u32 $0xFFFFFFF0, v54  }
0x4b9: {  	v3 =	vor.u32 v3, v4  }
0x4ba: {  	v4 =	vperm.xlane v3, v0;
	_ =	sdelay $0x1  }
0x4bb: {  	v3 =	vperm.xlane v3, v2;
	v4 =	vadd.s32 v1, v4;
	_ =	sdelay $0x1  }
0x4bc: {  	v3 =	vadd.s32 v1, v3;
	_ =	sdelay $0x1  }
0x4bd: {  	s30 =	simm.s32 $0x16180  }
0x4be: {  	[hbm4b:s2+s3] =	stream.indirect_vreg.scatter [tilespmem:s30], [sflag:$0x6], $0x80, v4, vm0, $0xb8;
	[tilespmem:$0x18180] =	vst v63  }
0x4bf: {  	s23 =	simm.s32 $0x16980  }
0x4c0: {  	[hbm4b:s2+s3] =	stream.indirect_vreg.scatter [tilespmem:s23], [sflag:$0x6], $0x80, v3, vm0, $0xb8;
	[tilespmem:$0x18180] =	vst v63  }
0x4c1: {  	v3 =	vld [tilespmem:$0x170];
	_ =	sdelay $0x4  }
0x4c2: {  	v55 =	vshll.u32 v3, $0x1  }
0x4c3: {  	v3 =	vand.u32 $0x7, v3;
	v4 =	vand.u32 $0xFFFFFFF0, v55  }
0x4c4: {  	v3 =	vor.u32 v3, v4  }
0x4c5: {  	v4 =	vperm.xlane v3, v0;
	_ =	sdelay $0x1  }
0x4c6: {  	v3 =	vperm.xlane v3, v2;
	v4 =	vadd.s32 v1, v4;
	_ =	sdelay $0x1  }
0x4c7: {  	v3 =	vadd.s32 v1, v3;
	_ =	sdelay $0x1  }
0x4c8: {  	s29 =	simm.s32 $0x17180  }
0x4c9: {  	[hbm4b:s2+s3] =	stream.indirect_vreg.scatter [tilespmem:s29], [sflag:$0x6], $0x80, v4, vm0, $0xb8;
	[tilespmem:$0x18180] =	vst v63  }
0x4ca: {  	s30 =	simm.s32 $0x17980  }
0x4cb: {  	[hbm4b:s2+s3] =	stream.indirect_vreg.scatter [tilespmem:s30], [sflag:$0x6], $0x80, v3, vm0, $0xb8;
	[tilespmem:$0x18180] =	vst v63  }
0x4cc: {  	_ =	swait.ge [sflag:s24], $0x80  }
0x4cd: {  	[sflag:s24] =	ssyncset.done $0x0  }
0x4ce: {  	[sflag:s24] =	ssyncadd.s32 $0xFFFFFF80  }
0x4cf: {  	_ =	swait.ge [sflag:s24], $0x8000  }
0x4d0: {  	[sflag:s24] =	ssyncset.done $0x0  }
0x4d1: {  	[sflag:s24] =	ssyncadd.s32 $0xFFFF8000  }
0x4d2: {  	v3 =	vld [tilespmem:$0x0];
	_ =	sdelay $0x4  }
0x4d3: {  	v56 =	vshll.u32 v3, $0x1  }
0x4d4: {  	v3 =	vand.u32 $0x7, v3;
	v4 =	vand.u32 $0xFFFFFFF0, v56  }
0x4d5: {  	v3 =	vor.u32 v3, v4  }
0x4d6: {  	v4 =	vperm.xlane v3, v0;
	_ =	sdelay $0x1  }
0x4d7: {  	v3 =	vperm.xlane v3, v2;
	v4 =	vadd.s32 v1, v4;
	_ =	sdelay $0x1  }
0x4d8: {  	v3 =	vadd.s32 v1, v3;
	_ =	sdelay $0x2  }
0x4d9: {  	[hbm4b:s2+s3] =	stream.indirect_vreg.scatter [tilespmem:s31], [sflag:$0x4], $0x80, v4, vm0, $0xb8;
	[tilespmem:$0x18180] =	vst v63  }
0x4da: {  	s6 =	simm.s32 $0x980  }
0x4db: {  	[hbm4b:s2+s3] =	stream.indirect_vreg.scatter [tilespmem:s6], [sflag:$0x4], $0x80, v3, vm0, $0xb8;
	[tilespmem:$0x18180] =	vst v63  }
0x4dc: {  	v3 =	vld [tilespmem:$0x10];
	_ =	sdelay $0x4  }
0x4dd: {  	v57 =	vshll.u32 v3, $0x1  }
0x4de: {  	v3 =	vand.u32 $0x7, v3;
	v4 =	vand.u32 $0xFFFFFFF0, v57  }
0x4df: {  	v3 =	vor.u32 v3, v4  }
0x4e0: {  	v4 =	vperm.xlane v3, v0;
	_ =	sdelay $0x1  }
0x4e1: {  	v3 =	vperm.xlane v3, v2;
	v4 =	vadd.s32 v1, v4;
	_ =	sdelay $0x1  }
0x4e2: {  	v3 =	vadd.s32 v1, v3;
	_ =	sdelay $0x2  }
0x4e3: {  	[hbm4b:s2+s3] =	stream.indirect_vreg.scatter [tilespmem:s7], [sflag:$0x4], $0x80, v4, vm0, $0xb8;
	[tilespmem:$0x18180] =	vst v63  }
0x4e4: {  	_ = 	snop  }
0x4e5: {  	[hbm4b:s2+s3] =	stream.indirect_vreg.scatter [tilespmem:s8], [sflag:$0x4], $0x80, v3, vm0, $0xb8;
	[tilespmem:$0x18180] =	vst v63  }
0x4e6: {  	v3 =	vld [tilespmem:$0x20];
	_ =	sdelay $0x4  }
0x4e7: {  	v58 =	vshll.u32 v3, $0x1  }
0x4e8: {  	v3 =	vand.u32 $0x7, v3;
	v4 =	vand.u32 $0xFFFFFFF0, v58  }
0x4e9: {  	v3 =	vor.u32 v3, v4  }
0x4ea: {  	v4 =	vperm.xlane v3, v0;
	_ =	sdelay $0x1  }
0x4eb: {  	v3 =	vperm.xlane v3, v2;
	v4 =	vadd.s32 v1, v4;
	_ =	sdelay $0x1  }
0x4ec: {  	v3 =	vadd.s32 v1, v3;
	_ =	sdelay $0x2  }
0x4ed: {  	[hbm4b:s2+s3] =	stream.indirect_vreg.scatter [tilespmem:s9], [sflag:$0x4], $0x80, v4, vm0, $0xb8;
	[tilespmem:$0x18180] =	vst v63  }
0x4ee: {  	s10 =	simm.s32 $0x2980  }
0x4ef: {  	[hbm4b:s2+s3] =	stream.indirect_vreg.scatter [tilespmem:s10], [sflag:$0x4], $0x80, v3, vm0, $0xb8;
	[tilespmem:$0x18180] =	vst v63  }
0x4f0: {  	v3 =	vld [tilespmem:$0x30];
	_ =	sdelay $0x4  }
0x4f1: {  	v59 =	vshll.u32 v3, $0x1  }
0x4f2: {  	v3 =	vand.u32 $0x7, v3;
	v4 =	vand.u32 $0xFFFFFFF0, v59  }
0x4f3: {  	v3 =	vor.u32 v3, v4  }
0x4f4: {  	v4 =	vperm.xlane v3, v0;
	_ =	sdelay $0x1  }
0x4f5: {  	v3 =	vperm.xlane v3, v2;
	v4 =	vadd.s32 v1, v4;
	_ =	sdelay $0x1  }
0x4f6: {  	v3 =	vadd.s32 v1, v3;
	_ =	sdelay $0x2  }
0x4f7: {  	[hbm4b:s2+s3] =	stream.indirect_vreg.scatter [tilespmem:s11], [sflag:$0x4], $0x80, v4, vm0, $0xb8;
	[tilespmem:$0x18180] =	vst v63  }
0x4f8: {  	_ = 	snop  }
0x4f9: {  	[hbm4b:s2+s3] =	stream.indirect_vreg.scatter [tilespmem:s12], [sflag:$0x4], $0x80, v3, vm0, $0xb8;
	[tilespmem:$0x18180] =	vst v63  }
0x4fa: {  	v3 =	vld [tilespmem:$0x40];
	_ =	sdelay $0x4  }
0x4fb: {  	v60 =	vshll.u32 v3, $0x1  }
0x4fc: {  	v3 =	vand.u32 $0x7, v3;
	v4 =	vand.u32 $0xFFFFFFF0, v60  }
0x4fd: {  	v3 =	vor.u32 v3, v4  }
0x4fe: {  	v4 =	vperm.xlane v3, v0;
	_ =	sdelay $0x1  }
0x4ff: {  	v3 =	vperm.xlane v3, v2;
	v4 =	vadd.s32 v1, v4;
	_ =	sdelay $0x1  }
0x500: {  	v3 =	vadd.s32 v1, v3;
	_ =	sdelay $0x2  }
0x501: {  	[hbm4b:s2+s3] =	stream.indirect_vreg.scatter [tilespmem:s13], [sflag:$0x4], $0x80, v4, vm0, $0xb8;
	[tilespmem:$0x18180] =	vst v63  }
0x502: {  	s14 =	simm.s32 $0x4980  }
0x503: {  	[hbm4b:s2+s3] =	stream.indirect_vreg.scatter [tilespmem:s14], [sflag:$0x4], $0x80, v3, vm0, $0xb8;
	[tilespmem:$0x18180] =	vst v63  }
0x504: {  	v3 =	vld [tilespmem:$0x50];
	_ =	sdelay $0x4  }
0x505: {  	v61 =	vshll.u32 v3, $0x1  }
0x506: {  	v3 =	vand.u32 $0x7, v3;
	v4 =	vand.u32 $0xFFFFFFF0, v61  }
0x507: {  	v3 =	vor.u32 v3, v4  }
0x508: {  	v4 =	vperm.xlane v3, v0;
	_ =	sdelay $0x1  }
0x509: {  	v3 =	vperm.xlane v3, v2;
	v4 =	vadd.s32 v1, v4;
	_ =	sdelay $0x1  }
0x50a: {  	v3 =	vadd.s32 v1, v3;
	_ =	sdelay $0x2  }
0x50b: {  	[hbm4b:s2+s3] =	stream.indirect_vreg.scatter [tilespmem:s15], [sflag:$0x4], $0x80, v4, vm0, $0xb8;
	[tilespmem:$0x18180] =	vst v63  }
0x50c: {  	_ = 	snop  }
0x50d: {  	[hbm4b:s2+s3] =	stream.indirect_vreg.scatter [tilespmem:s16], [sflag:$0x4], $0x80, v3, vm0, $0xb8;
	[tilespmem:$0x18180] =	vst v63  }
0x50e: {  	v3 =	vld [tilespmem:$0x60];
	_ =	sdelay $0x4  }
0x50f: {  	v62 =	vshll.u32 v3, $0x1  }
0x510: {  	v3 =	vand.u32 $0x7, v3;
	v4 =	vand.u32 $0xFFFFFFF0, v62  }
0x511: {  	v3 =	vor.u32 v3, v4  }
0x512: {  	v4 =	vperm.xlane v3, v0;
	_ =	sdelay $0x1  }
0x513: {  	v3 =	vperm.xlane v3, v2;
	v4 =	vadd.s32 v1, v4;
	_ =	sdelay $0x1  }
0x514: {  	v3 =	vadd.s32 v1, v3;
	_ =	sdelay $0x2  }
0x515: {  	[hbm4b:s2+s3] =	stream.indirect_vreg.scatter [tilespmem:s17], [sflag:$0x4], $0x80, v4, vm0, $0xb8;
	[tilespmem:$0x18180] =	vst v63  }
0x516: {  	s18 =	simm.s32 $0x6980  }
0x517: {  	[hbm4b:s2+s3] =	stream.indirect_vreg.scatter [tilespmem:s18], [sflag:$0x4], $0x80, v3, vm0, $0xb8;
	[tilespmem:$0x18180] =	vst v63  }
0x518: {  	v3 =	vld [tilespmem:$0x70];
	_ =	sdelay $0x4  }
0x519: {  	v63 =	vshll.u32 v3, $0x1  }
0x51a: {  	v3 =	vand.u32 $0x7, v3;
	v4 =	vand.u32 $0xFFFFFFF0, v63  }
0x51b: {  	v3 =	vor.u32 v3, v4  }
0x51c: {  	v4 =	vperm.xlane v3, v0;
	_ =	sdelay $0x1  }
0x51d: {  	v3 =	vperm.xlane v3, v2;
	v4 =	vadd.s32 v1, v4;
	_ =	sdelay $0x1  }
0x51e: {  	v3 =	vadd.s32 v1, v3;
	_ =	sdelay $0x2  }
0x51f: {  	[hbm4b:s2+s3] =	stream.indirect_vreg.scatter [tilespmem:s19], [sflag:$0x4], $0x80, v4, vm0, $0xb8;
	[tilespmem:$0x18180] =	vst v63  }
0x520: {  	_ = 	snop  }
0x521: {  	[hbm4b:s2+s3] =	stream.indirect_vreg.scatter [tilespmem:s20], [sflag:$0x4], $0x80, v3, vm0, $0xb8;
	[tilespmem:$0x18180] =	vst v63  }
0x522: {  	_ =	swait.ge [sflag:s22], $0x8000  }
0x523: {  	[sflag:s22] =	ssyncset.done $0x0  }
0x524: {  	[sflag:s22] =	ssyncadd.s32 $0xFFFF8000  }
0x525: {  	_ =	swait.ge [sflag:s25], $0x8000  }
0x526: {  	[sflag:s25] =	ssyncset.done $0x0  }
0x527: {  	[sflag:s25] =	ssyncadd.s32 $0xFFFF8000  }
0x528: {  	_ =	swait.ge [sflag:s21], $0x8000  }
0x529: {  	[sflag:s21] =	ssyncset.done $0x0  }
0x52a: {  	[sflag:s21] =	ssyncadd.s32 $0xFFFF8000  }
.LBB2_3:
.Ltmp3:
0x52b: {  	(pc) =	sbr.rel @p0 .LBB2_5-.Ltmp3, $1  }
0x52c: {  	_ =	sdelay $0x3  }
0x52d: {  	s29 =	rddreg [dreg:$0x1e];
	s4 =	simm.s32 $0x7  }
0x52e: {  	[tilespmem:s3], [sflag:$0x7] =	stream.linear.gather [hbm4b:s29+s3], $0x80, $0x38;
	[tilespmem:$0x18180] =	vst v63  }
0x52f: {  	_ =	swait.ge [sflag:s4], $0x80  }
0x530: {  	[sflag:s4] =	ssyncset.done $0x0  }
0x531: {  	s30 =	rddreg [dreg:$0x1f];
	[sflag:s4] =	ssyncadd.s32 $0xFFFFFF80  }
0x532: {  	[tilespmem:s31], [sflag:$0x7] =	stream.linear.gather [hbm4b:s30+s3], $0x8000, $0x38;
	[tilespmem:$0x18180] =	vst v63  }
0x533: {  	_ =	swait.ge [sflag:s4], $0x8000  }
0x534: {  	[sflag:s4] =	ssyncset.done $0x0  }
0x535: {  	[sflag:s4] =	ssyncadd.s32 $0xFFFF8000  }
0x536: {  	v3 =	vld [tilespmem:$0x0];
	_ =	sdelay $0x4  }
0x537: {  	v4 =	vshll.u32 v3, $0x1  }
0x538: {  	v3 =	vand.u32 $0x7, v3;
	v4 =	vand.u32 $0xFFFFFFF0, v4  }
0x539: {  	v3 =	vor.u32 v3, v4  }
0x53a: {  	v4 =	vperm.xlane v3, v0;
	_ =	sdelay $0x1  }
0x53b: {  	v3 =	vperm.xlane v3, v2;
	v4 =	vadd.s32 v1, v4;
	_ =	sdelay $0x1  }
0x53c: {  	v3 =	vadd.s32 v1, v3;
	_ =	sdelay $0x2  }
0x53d: {  	[hbm4b:s2+s3] =	stream.indirect_vreg.scatter [tilespmem:s31], [sflag:$0x4], $0x80, v4, vm0, $0xb8;
	[tilespmem:$0x18180] =	vst v63  }
0x53e: {  	_ = 	snop  }
0x53f: {  	[hbm4b:s2+s3] =	stream.indirect_vreg.scatter [tilespmem:s6], [sflag:$0x4], $0x80, v3, vm0, $0xb8;
	[tilespmem:$0x18180] =	vst v63  }
0x540: {  	v3 =	vld [tilespmem:$0x10];
	_ =	sdelay $0x4  }
0x541: {  	v57 =	vshll.u32 v3, $0x1  }
0x542: {  	v3 =	vand.u32 $0x7, v3;
	v4 =	vand.u32 $0xFFFFFFF0, v57  }
0x543: {  	v3 =	vor.u32 v3, v4  }
0x544: {  	v4 =	vperm.xlane v3, v0;
	_ =	sdelay $0x1  }
0x545: {  	v3 =	vperm.xlane v3, v2;
	v4 =	vadd.s32 v1, v4;
	_ =	sdelay $0x1  }
0x546: {  	v3 =	vadd.s32 v1, v3;
	_ =	sdelay $0x2  }
0x547: {  	[hbm4b:s2+s3] =	stream.indirect_vreg.scatter [tilespmem:s7], [sflag:$0x4], $0x80, v4, vm0, $0xb8;
	[tilespmem:$0x18180] =	vst v63  }
0x548: {  	_ = 	snop  }
0x549: {  	[hbm4b:s2+s3] =	stream.indirect_vreg.scatter [tilespmem:s8], [sflag:$0x4], $0x80, v3, vm0, $0xb8;
	[tilespmem:$0x18180] =	vst v63  }
0x54a: {  	v3 =	vld [tilespmem:$0x20];
	_ =	sdelay $0x4  }
0x54b: {  	v58 =	vshll.u32 v3, $0x1  }
0x54c: {  	v3 =	vand.u32 $0x7, v3;
	v4 =	vand.u32 $0xFFFFFFF0, v58  }
0x54d: {  	v3 =	vor.u32 v3, v4  }
0x54e: {  	v4 =	vperm.xlane v3, v0;
	_ =	sdelay $0x1  }
0x54f: {  	v3 =	vperm.xlane v3, v2;
	v4 =	vadd.s32 v1, v4;
	_ =	sdelay $0x1  }
0x550: {  	v3 =	vadd.s32 v1, v3;
	_ =	sdelay $0x2  }
0x551: {  	[hbm4b:s2+s3] =	stream.indirect_vreg.scatter [tilespmem:s9], [sflag:$0x4], $0x80, v4, vm0, $0xb8;
	[tilespmem:$0x18180] =	vst v63  }
0x552: {  	_ = 	snop  }
0x553: {  	[hbm4b:s2+s3] =	stream.indirect_vreg.scatter [tilespmem:s10], [sflag:$0x4], $0x80, v3, vm0, $0xb8;
	[tilespmem:$0x18180] =	vst v63  }
0x554: {  	v3 =	vld [tilespmem:$0x30];
	_ =	sdelay $0x4  }
0x555: {  	v59 =	vshll.u32 v3, $0x1  }
0x556: {  	v3 =	vand.u32 $0x7, v3;
	v4 =	vand.u32 $0xFFFFFFF0, v59  }
0x557: {  	v3 =	vor.u32 v3, v4  }
0x558: {  	v4 =	vperm.xlane v3, v0;
	_ =	sdelay $0x1  }
0x559: {  	v3 =	vperm.xlane v3, v2;
	v4 =	vadd.s32 v1, v4;
	_ =	sdelay $0x1  }
0x55a: {  	v3 =	vadd.s32 v1, v3;
	_ =	sdelay $0x2  }
0x55b: {  	[hbm4b:s2+s3] =	stream.indirect_vreg.scatter [tilespmem:s11], [sflag:$0x4], $0x80, v4, vm0, $0xb8;
	[tilespmem:$0x18180] =	vst v63  }
0x55c: {  	_ = 	snop  }
0x55d: {  	[hbm4b:s2+s3] =	stream.indirect_vreg.scatter [tilespmem:s12], [sflag:$0x4], $0x80, v3, vm0, $0xb8;
	[tilespmem:$0x18180] =	vst v63  }
0x55e: {  	v3 =	vld [tilespmem:$0x40];
	_ =	sdelay $0x4  }
0x55f: {  	v60 =	vshll.u32 v3, $0x1  }
0x560: {  	v3 =	vand.u32 $0x7, v3;
	v4 =	vand.u32 $0xFFFFFFF0, v60  }
0x561: {  	v3 =	vor.u32 v3, v4  }
0x562: {  	v4 =	vperm.xlane v3, v0;
	_ =	sdelay $0x1  }
0x563: {  	v3 =	vperm.xlane v3, v2;
	v4 =	vadd.s32 v1, v4;
	_ =	sdelay $0x1  }
0x564: {  	v3 =	vadd.s32 v1, v3;
	_ =	sdelay $0x2  }
0x565: {  	[hbm4b:s2+s3] =	stream.indirect_vreg.scatter [tilespmem:s13], [sflag:$0x4], $0x80, v4, vm0, $0xb8;
	[tilespmem:$0x18180] =	vst v63  }
0x566: {  	_ = 	snop  }
0x567: {  	[hbm4b:s2+s3] =	stream.indirect_vreg.scatter [tilespmem:s14], [sflag:$0x4], $0x80, v3, vm0, $0xb8;
	[tilespmem:$0x18180] =	vst v63  }
0x568: {  	v3 =	vld [tilespmem:$0x50];
	_ =	sdelay $0x4  }
0x569: {  	v61 =	vshll.u32 v3, $0x1  }
0x56a: {  	v3 =	vand.u32 $0x7, v3;
	v4 =	vand.u32 $0xFFFFFFF0, v61  }
0x56b: {  	v3 =	vor.u32 v3, v4  }
0x56c: {  	v4 =	vperm.xlane v3, v0;
	_ =	sdelay $0x1  }
0x56d: {  	v3 =	vperm.xlane v3, v2;
	v4 =	vadd.s32 v1, v4;
	_ =	sdelay $0x1  }
0x56e: {  	v3 =	vadd.s32 v1, v3;
	_ =	sdelay $0x2  }
0x56f: {  	[hbm4b:s2+s3] =	stream.indirect_vreg.scatter [tilespmem:s15], [sflag:$0x4], $0x80, v4, vm0, $0xb8;
	[tilespmem:$0x18180] =	vst v63  }
0x570: {  	_ = 	snop  }
0x571: {  	[hbm4b:s2+s3] =	stream.indirect_vreg.scatter [tilespmem:s16], [sflag:$0x4], $0x80, v3, vm0, $0xb8;
	[tilespmem:$0x18180] =	vst v63  }
0x572: {  	v3 =	vld [tilespmem:$0x60];
	_ =	sdelay $0x4  }
0x573: {  	v62 =	vshll.u32 v3, $0x1  }
0x574: {  	v3 =	vand.u32 $0x7, v3;
	v4 =	vand.u32 $0xFFFFFFF0, v62  }
0x575: {  	v3 =	vor.u32 v3, v4  }
0x576: {  	v4 =	vperm.xlane v3, v0;
	_ =	sdelay $0x1  }
0x577: {  	v3 =	vperm.xlane v3, v2;
	v4 =	vadd.s32 v1, v4;
	_ =	sdelay $0x1  }
0x578: {  	v3 =	vadd.s32 v1, v3;
	_ =	sdelay $0x2  }
0x579: {  	[hbm4b:s2+s3] =	stream.indirect_vreg.scatter [tilespmem:s17], [sflag:$0x4], $0x80, v4, vm0, $0xb8;
	[tilespmem:$0x18180] =	vst v63  }
0x57a: {  	_ = 	snop  }
0x57b: {  	[hbm4b:s2+s3] =	stream.indirect_vreg.scatter [tilespmem:s18], [sflag:$0x4], $0x80, v3, vm0, $0xb8;
	[tilespmem:$0x18180] =	vst v63  }
0x57c: {  	v3 =	vld [tilespmem:$0x70];
	_ =	sdelay $0x4  }
0x57d: {  	v63 =	vshll.u32 v3, $0x1  }
0x57e: {  	v3 =	vand.u32 $0x7, v3;
	v4 =	vand.u32 $0xFFFFFFF0, v63  }
0x57f: {  	v3 =	vor.u32 v3, v4  }
0x580: {  	v4 =	vperm.xlane v3, v0;
	_ =	sdelay $0x1  }
0x581: {  	v3 =	vperm.xlane v3, v2;
	v4 =	vadd.s32 v1, v4;
	_ =	sdelay $0x1  }
0x582: {  	v3 =	vadd.s32 v1, v3;
	_ =	sdelay $0x2  }
0x583: {  	[hbm4b:s2+s3] =	stream.indirect_vreg.scatter [tilespmem:s19], [sflag:$0x4], $0x80, v4, vm0, $0xb8;
	[tilespmem:$0x18180] =	vst v63  }
.Ltmp4:
0x584: {  	_ = 	snop;
	(pc) =	sbr.rel .LBB2_5-.Ltmp4, $4  }
0x585: {  	[hbm4b:s2+s3] =	stream.indirect_vreg.scatter [tilespmem:s20], [sflag:$0x4], $0x80, v3, vm0, $0xb8;
	[tilespmem:$0x18180] =	vst v63  }
0x586: {  	_ =	swait.ge [sflag:s21], $0x8000  }
0x587: {  	[sflag:s21] =	ssyncset.done $0x0  }
0x588: {  	[sflag:s21] =	ssyncadd.s32 $0xFFFF8000  }
.LBB2_6:
0x589: {  	_ =	sfence.sel $0x180000  }
0x58a: {  	[bflag:$0x0] =	sbarrier.arrive $0xFFFF  }
0x58b: {  	_ =	strace $0x90000047  }
0x58c: {  	s0 =	stileid.u32;
	[bflag:$0x2] =	sbarrier.arrive $0xFFFF  }
0x58d: {  	p0 =	sne.s32 s0, $0x0;
	s0 =	rddreg [dreg:$0x3]  }
0x58e: {  	s0 =	sadd.s32 @!p0 $0x100000, s0  }
0x58f: {  	[sflag:s0] =	ssyncadd.tile.s32 @!p0 $0x1;
	_ =	shalt  }
.Lfunc_end2:
_tile_overlayer_lowered:
.L_overlay_start_2:
0x590: {  	(tag) =	ssettag $0x2  }
0x591: {  	s0 =	rddreg [dreg:$0x0];
	s2 =	stileid.u32  }
0x592: {  	s1 =	rddreg [dreg:$0x1];
	p0 =	sne.s32 s2, $0x0  }
0x593: {  	s3 =	rddreg [dreg:$0x2];
	[bflag:$0x3] =	sbarrier.arrive $0xFFFF;
	s2 =	simm.s32 @!p0 $0x1C07  }
0x594: {  	[timem:s3], [sflag:s2] =	dma.local @!p0 [hbm:s0], s1  }
0x595: {  	s0 =	simm.s32 @!p0 $0x7  }
0x596: {  	_ =	swait.ge @!p0 [sflag:s0], s1  }
0x597: {  	s1 =	ssub.s32 @!p0 $0x0, s1;
	[sflag:s0] =	ssyncset.done @!p0 $0x0  }
0x598: {  	[sflag:s0] =	ssyncadd.s32 @!p0 s1  }
0x599: {  	[bflag:$0x3] =	sbarrier.arrive $0xFFFF  }
0x59a: {  	_ =	shalt  }

// kernel: kernel.8.cloned.1.call-start
scs
__scs_entry_jumppad:
0x0: {  	(pc) =	sbr.rel $0x88, $3  }
0x1: {  	(tag) =	ssettag $0x0;
	lr =	simm.s32 $0x1  }
0x2: {  	[smem:$0x3F99] =	sst lr;
	_ =	strace $0xD0000000  }
0x3: {  	_ = 	snop  }
0x4: {  	_ = 	snop  }
0x5: {  	_ = 	snop  }
0x6: {  	_ = 	snop  }
0x7: {  	_ = 	snop  }
__scs_overlays_trampoline_lowered:
0x8: {  	[smem:$0x3FA8] =	sst s0  }
0x9: {  	[smem:$0x3FA9] =	sst s1  }
0xa: {  	[smem:$0x3FAA] =	sst s2  }
0xb: {  	[smem:$0x3FAB] =	sst s3  }
0xc: {  	[smem:$0x3FAC] =	sst s4  }
0xd: {  	[smem:$0x3FAD] =	sst s5  }
0xe: {  	[smem:$0x3FAE] =	sst s6  }
0xf: {  	[smem:$0x3FAF] =	sst s7  }
0x10: {  	[smem:$0x3FB0] =	sst s8  }
0x11: {  	[smem:$0x3FB1] =	sst s9;
	s0 =	simm.s32 @!p0 $0x0  }
0x12: {  	s1 =	sld [smem:$0x3F97];
	s0 =	simm.s32 @p0 $0x1  }
0x13: {  	[smem:$0x3FB2] =	sst s0;
	s0 =	simm.s32 @!p1 $0x0  }
0x14: {  	s2 =	sld [smem:$0x3F96];
	s0 =	simm.s32 @p1 $0x1  }
0x15: {  	[smem:$0x3FB3] =	sst s0;
	s0 =	simm.s32 @!p2 $0x0  }
0x16: {  	s3 =	sld [smem:$0x3FDB];
	s0 =	simm.s32 @p2 $0x1  }
0x17: {  	s4 =	simm.s32 $0x1BF5;
	[smem:$0x3FB5] =	sst s0  }
0x18: {  	s0 =	sld [smem:$0x3F98];
	_ =	swait.ge [sflag:s4], $0x0  }
0x19: {  	s7 =	sld [smem:$0x3F99]  }
0x1a: {  	s8 =	sadd.s32 $0xFFFFE003, lr  }
0x1b: {  	s9 =	sadd.s32 $0xFFFFFEF7, lr;
	s5 =	simm.s32 $0xFFFFFFFF;
	p2 =	slt.u32 s8, $0xFFFFF086  }
0x1c: {  	p1 =	slt.u32 s9, $0xF7A;
	s5 =	simm.s32 @!p2 $0x0  }
0x1d: {  	s5 =	simm.s32 @p1 $0x1;
	p0 =	seq.s32 s7, s2  }
0x1e: {  	s7 =	smul.u32 @!p0 $0xF7A, s2;
	p2 =	seq.s32 @!p0 s5, $0x0  }
0x1f: {  	s9 =	smul.u32 $0xF7A, s1;
	s8 =	simm.s32 @!p0 $0x1BF5;
	p2 =	por !p2, p0  }
0x20: {  	[sflag:s8] =	ssyncset.s32 @!p0 $0xFFFFF086;
	s6 =	sadd.s32 @!p0 s3, s7;
	s7 =	simm.s32 @!p0 $0x108  }
0x21: {  	s3 =	sadd.s32 s3, s9;
	s6 =	sadd.s32 @!p0 $0x88, s6;
	s7 =	simm.s32 @p2 $0x1082  }
0x22: {  	[simem:s7], [sflag:s8] =	dma.local @!p0 [hbm:s6], $0xF7A  }
0x23: {  	s9 =	sor.u32 $0xD0000000, s2;
	s6 =	simm.s32 $0x108;
	_ =	swait.ge @!p0 [sflag:s8], $0x0  }
0x24: {  	s3 =	sadd.s32 $0x88, s3;
	s6 =	simm.s32 @!p1 $0x1082;
	[sflag:s4] =	ssyncset.s32 $0xFFFFF086  }
0x25: {  	[simem:s6], [sflag:s4] =	dma.local [hbm:s3], $0xF7A  }
0x26: {  	[smem:$0x3F99] =	sst s1;
	(tag) =	ssettag s2;
	_ =	strace s9  }
0x27: {  	s1 =	sld [smem:$0x3FA9]  }
0x28: {  	s2 =	sld [smem:$0x3FAA]  }
0x29: {  	s4 =	sld [smem:$0x3FAC]  }
0x2a: {  	p0 =	seq.s32 s5, $0x0;
	s5 =	sld [smem:$0x3FAD]  }
0x2b: {  	s6 =	sld [smem:$0x3FAE]  }
0x2c: {  	s7 =	sld [smem:$0x3FAF]  }
0x2d: {  	s3 =	simm.s32 $0x108;
	s8 =	sld [smem:$0x3FB0]  }
0x2e: {  	s3 =	simm.s32 @!p0 $0x1082;
	s9 =	sld [smem:$0x3FB1]  }
0x2f: {  	lr =	sadd.s32 s0, s3;
	s0 =	sld [smem:$0x3FA8]  }
0x30: {  	s3 =	sld [smem:$0x3FAB]  }
0x31: {  	[smem:$0x3FB4] =	sst s10  }
0x32: {  	s10 =	sld [smem:$0x3FB2];
	_ =	sdelay $0x3  }
0x33: {  	p0 =	seq.s32 s10, $0x1;
	s10 =	sld [smem:$0x3FB4];
	_ =	sdelay $0x3  }
0x34: {  	[smem:$0x3FB4] =	sst s10  }
0x35: {  	s10 =	sld [smem:$0x3FB3];
	_ =	sdelay $0x3  }
0x36: {  	p1 =	seq.s32 s10, $0x1;
	s10 =	sld [smem:$0x3FB4];
	_ =	sdelay $0x3  }
0x37: {  	[smem:$0x3FB4] =	sst s10  }
0x38: {  	s10 =	sld [smem:$0x3FB5]  }
0x39: {  	_ = 	snop;
	(pc) =	sbr.ind lr, $3  }
0x3a: {  	_ = 	snop  }
0x3b: {  	_ = 	snop  }
0x3c: {  	p2 =	seq.s32 s10, $0x1;
	s10 =	sld [smem:$0x3FB4]  }
0x3d: {  	_ =	shalt  }
0x3e: {  	_ =	shalt  }
0x3f: {  	_ =	shalt  }
0x40: {  	_ =	shalt  }
0x41: {  	_ =	shalt  }
0x42: {  	_ =	shalt  }
0x43: {  	_ =	shalt  }
0x44: {  	_ =	shalt  }
0x45: {  	_ =	shalt  }
0x46: {  	_ =	shalt  }
0x47: {  	_ =	shalt  }
0x48: {  	_ =	shalt  }
0x49: {  	_ =	shalt  }
0x4a: {  	_ =	shalt  }
0x4b: {  	_ =	shalt  }
0x4c: {  	_ =	shalt  }
0x4d: {  	_ =	shalt  }
0x4e: {  	_ =	shalt  }
0x4f: {  	_ =	shalt  }
0x50: {  	_ =	shalt  }
0x51: {  	_ =	shalt  }
0x52: {  	_ =	shalt  }
0x53: {  	_ =	shalt  }
0x54: {  	_ =	shalt  }
0x55: {  	_ =	shalt  }
0x56: {  	_ =	shalt  }
0x57: {  	_ =	shalt  }
0x58: {  	_ =	shalt  }
0x59: {  	_ =	shalt  }
0x5a: {  	_ =	shalt  }
0x5b: {  	_ =	shalt  }
0x5c: {  	_ =	shalt  }
0x5d: {  	_ =	shalt  }
0x5e: {  	_ =	shalt  }
0x5f: {  	_ =	shalt  }
0x60: {  	_ =	shalt  }
0x61: {  	_ =	shalt  }
0x62: {  	_ =	shalt  }
0x63: {  	_ =	shalt  }
0x64: {  	_ =	shalt  }
0x65: {  	_ =	shalt  }
0x66: {  	_ =	shalt  }
0x67: {  	_ =	shalt  }
0x68: {  	_ =	shalt  }
0x69: {  	_ =	shalt  }
0x6a: {  	_ =	shalt  }
0x6b: {  	_ =	shalt  }
0x6c: {  	_ =	shalt  }
0x6d: {  	_ =	shalt  }
0x6e: {  	_ =	shalt  }
0x6f: {  	_ =	shalt  }
0x70: {  	_ =	shalt  }
0x71: {  	_ =	shalt  }
0x72: {  	_ =	shalt  }
0x73: {  	_ =	shalt  }
0x74: {  	_ =	shalt  }
0x75: {  	_ =	shalt  }
0x76: {  	_ =	shalt  }
0x77: {  	_ =	shalt  }
0x78: {  	_ =	shalt  }
0x79: {  	_ =	shalt  }
0x7a: {  	_ =	shalt  }
0x7b: {  	_ =	shalt  }
0x7c: {  	_ =	shalt  }
0x7d: {  	_ =	shalt  }
0x7e: {  	_ =	shalt  }
0x7f: {  	_ =	shalt  }
0x80: {  	_ =	shalt  }
0x81: {  	_ =	shalt  }
0x82: {  	_ =	shalt  }
0x83: {  	_ =	shalt  }
0x84: {  	_ =	shalt  }
0x85: {  	_ =	shalt  }
0x86: {  	_ =	shalt  }
0x87: {  	_ =	shalt  }
.Lfunc_end0:
.L_simem_size_0:
called_computation.1_lowered:
.L_overlay_start_0:
0x88: {  	s2 =	sld [smem:$0x3FD9]  }
0x89: {  	s3 =	sld [smem:$0x3FFE];
	_ =	sdelay $0x1  }
0x8a: {  	s1 =	srdreg.scid  }
0x8b: {  	s0 =	sand.u32 $0x1, s1  }
0x8c: {  	s16 =	sshll.u32 s0, $0xA;
	s2 =	sadd.s32 s3, s2  }
0x8d: {  	s2 =	sadd.s32 s2, s16  }
0x8e: {  	[smem:$0x3FC0] =	sst s2  }
0x8f: {  	_ = 	snop  }
0x90: {  	(tm) =	ssettm $0x1  }
0x91: {  	s17 =	sld [smem:$0x3FFB];
	_ =	sdelay $0x3  }
0x92: {  	_ =	strace s17  }
0x93: {  	s2 =	sld [smem:$0x3FFC];
	_ =	sdelay $0x3  }
0x94: {  	_ =	strace s2  }
0x95: {  	s2 =	sld [smem:$0x3FFD];
	_ =	sdelay $0x3  }
0x96: {  	_ =	strace s2  }
0x97: {  	_ =	strace $0x8FFFFFFF  }
0x98: {  	s18 =	sld [smem:$0x3FDB];
	_ =	sdelay $0x1  }
0x99: {  	s19 =	simm.s32 $_scs_section_size  }
0x9a: {  	s4 =	simm.s32 $_size__tile_overlayer_lowered;
	s5 =	simm.s32 $_tile_overlayer_lowered  }
0x9b: {  	s22 =	simm.s32 $0x1BFF;
	s21 =	sshll.u32 s5, $0x1;
	s2 =	sadd.s32 s19, s18  }
0x9c: {  	s6 =	simm.s32 $0x0;
	s20 =	sshll.u32 s4, $0x1;
	s4 =	sadd.s32 s21, s2  }
0x9d: {  	[timem:s6], [sflag:s22] =	dma.local [hbm:s4], s20  }
0x9e: {  	_ =	swait.ge [sflag:s22], s20  }
0x9f: {  	s3 =	ssub.s32 $0x0, s20;
	[sflag:s22] =	ssyncset.done $0x0  }
0xa0: {  	[sflag:s22] =	ssyncadd.s32 s3;
	_ =	sdelay $0x1  }
0xa1: {  	s23 =	simm.s32 $0x1B8B  }
0xa2: {  	_ =	swait.ge [sflag:s23], $0x1  }
0xa3: {  	[sflag:s23] =	ssyncset.done $0x0  }
0xa4: {  	s25 =	simm.s32 $0x1B8E;
	s24 =	sld [smem:$0x3FFE];
	[sflag:s23] =	ssyncadd.s32 $0xFFFFFFFF  }
0xa5: {  	s26 =	simm.s32 $execute0_lowered;
	[smem:$0x3FD2] =	sst s25  }
0xa6: {  	s4 =	sshll.u32 s26, $0x1;
	_ =	strace $0x80000049;
	[dreg:$0x1] =	wrdreg $0xFFFFFFFF  }
0xa7: {  	s28 =	simm.s32 $_size_execute0_lowered;
	s2 =	sadd.s32 s2, s4;
	[dreg:$0x0] =	wrdreg $0x0  }
0xa8: {  	s4 =	sshll.u32 s28, $0x1;
	[dreg:$0x2] =	wrdreg s2  }
0xa9: {  	[dreg:$0x3] =	wrdreg s4  }
0xaa: {  	[dreg:$0x4] =	wrdreg $0xC0  }
0xab: {  	_ =	task [dreg:s6], $0x5FFFF  }
0xac: {  	[dreg:$0x1] =	wrdreg $0xFFFFFFFF  }
0xad: {  	[dreg:$0x0] =	wrdreg $0x60  }
0xae: {  	[dreg:$0x2] =	wrdreg s24  }
0xaf: {  	[dreg:$0x3] =	wrdreg $0x9  }
0xb0: {  	_ =	task.clear_ibuf [dreg:s6], $0x4FFFF;
	_ =	strace $0x90000049  }
0xb1: {  	s29 =	simm.s32 $0x9;
	_ =	strace $0x8000004B  }
0xb2: {  	_ =	swait.ge [sflag:s29], $0x1  }
0xb3: {  	[sflag:s29] =	ssyncadd.s32 $0xFFFFFFFF  }
0xb4: {  	_ =	strace $0x9000004B  }
0xb5: {  	_ =	sfence  }
0xb6: {  	s30 =	sld [smem:$0x0];
	_ =	sdelay $0x2  }
0xb7: {  	s31 =	sshll.u32 s1, $0xD;
	s1 =	sshrl.u32 s1, $0x2  }
0xb8: {  	s3 =	sand.u32 $0x4000, s31;
	s1 =	sadd.s32 s1, s30  }
0xb9: {  	s0 =	sor.u32 s3, s0;
	s1 =	sshll.u32 s1, $0x11  }
0xba: {  	s0 =	sor.u32 s1, s0  }
0xbb: {  	s0 =	sadd.s32 $0x8F2B, s0  }
0xbc: {  	[sflag:s0] =	ssyncadd.remote.s32 $0x1  }
0xbd: {  	_ =	sfence.sel $0xFFFF  }
0xbe: {  	[dreg:$0x0] =	wrdreg $0xFFFFFFFF;
	(pc) =	sbr.abs _section_cstart, $3  }
0xbf: {  	[dreg:$0x1] =	wrdreg $0xFFFFFFFF  }
0xc0: {  	_ =	task.clear_ibuf [dreg:s6], $0x2FFFF;
	_ =	strace $0x9FFFFFFF  }
0xc1: {  	(tm) =	ssettm $0x7FFFFFFF  }
tec
execute0_lowered:
.L_overlay_start_1:
0x0: {  	(tag) =	ssettag $0x1  }
0x1: {  	s1 =	srdreg.scid  }
0x2: {  	s0 =	stileid.u32;
	s2 =	rddreg [dreg:$0x0]  }
0x3: {  	s3 =	simm.s32 $0x0;
	s25 =	simm.s32 $0x800;
	s26 =	simm.s32 $0x1000  }
0x4: {  	s8 =	simm.s32 $0x100;
	s9 =	simm.s32 $0x1100;
	s10 =	simm.s32 $0x180  }
0x5: {  	s11 =	simm.s32 $0x1180;
	s12 =	simm.s32 $0x200;
	s13 =	simm.s32 $0x1200  }
0x6: {  	s14 =	simm.s32 $0x280;
	s15 =	simm.s32 $0x1280;
	s16 =	simm.s32 $0x300  }
0x7: {  	s17 =	simm.s32 $0x1300;
	s18 =	simm.s32 $0x380;
	s19 =	simm.s32 $0x1380  }
0x8: {  	s20 =	simm.s32 $0x400;
	s21 =	simm.s32 $0x1400;
	s22 =	simm.s32 $0x480  }
0x9: {  	s28 =	simm.s32 $0x1580;
	s29 =	simm.s32 $0x600;
	s30 =	simm.s32 $0x1600  }
0xa: {  	s31 =	simm.s32 $0x1;
	s1 =	sand.u32 $0x1, s1;
	[smem:$0x7FF] =	sst s3  }
0xb: {  	s4 =	sshll.u32 s0, $0x9;
	s5 =	sshll.u32 s1, $0x8;
	_ =	strace $0x8000004A  }
0xc: {  	s1 =	ssub.s32 $0x2, s1;
	[dreg:$0x5] =	wrdreg s25;
	s4 =	sor.u32 s5, s4  }
0xd: {  	[dreg:$0x6] =	wrdreg s26;
	s25 =	simm.s32 $0x1500;
	s4 =	sadd.s32 s4, s2  }
0xe: {  	s26 =	simm.s32 $0x580;
	s6 =	sshrl.u32 s1, $0x1;
	s23 =	sadd.s32 $0x1A0000, s4  }
0xf: {  	s5 =	simm.s32 $0x2;
	s24 =	sadd.s32 $0x1A2000, s4;
	[dreg:$0x2] =	wrdreg s23  }
0x10: {  	s1 =	ssub.s32 s1, s6;
	s4 =	sadd.s32 $0x1A00, s4;
	[dreg:$0x3] =	wrdreg s24  }
0x11: {  	s6 =	simm.s32 $0x80;
	[dreg:$0x4] =	wrdreg s4;
	s4 =	smax.u32 s1, $0x1  }
0x12: {  	s23 =	simm.s32 $0x1480;
	s24 =	simm.s32 $0x500;
	s1 =	simm.s32 $0x1800  }
.LBB2_1:
0x13: {  	s0 =	rddreg [dreg:$0x2]  }
0x14: {  	[tilespmem:s3], [sflag:$0x2] =	stream.linear.gather [hbm4b:s0+s3], $0x680, $0x38;
	[tilespmem:$0x2000] =	vst v63  }
0x15: {  	_ =	swait.ge [sflag:s5], $0x680  }
0x16: {  	s0 =	rddreg [dreg:$0x3];
	[sflag:s5] =	ssyncset.done $0x0  }
0x17: {  	s7 =	rddreg [dreg:$0x5];
	[sflag:s5] =	ssyncadd.s32 $0xFFFFF980  }
0x18: {  	[tilespmem:s7], [sflag:$0x2] =	stream.linear.gather [hbm4b:s0+s3], $0x680, $0x38;
	[tilespmem:$0x2000] =	vst v63  }
0x19: {  	_ =	swait.ge [sflag:s5], $0x680  }
0x1a: {  	[sflag:s5] =	ssyncset.done $0x0  }
0x1b: {  	s7 =	rddreg [dreg:$0x6];
	[sflag:s5] =	ssyncadd.s32 $0xFFFFF980  }
0x1c: {  	[tilespmem:s7], [sflag:$0x1] =	stream.indirect.gather [hbm4b:s2+s6], $0x1, s3, s6, $0xb8;
	[tilespmem:$0x2000] =	vst v63  }
0x1d: {  	s7 =	simm.s32 $0x1080  }
0x1e: {  	[tilespmem:s7], [sflag:$0x1] =	stream.indirect.gather [hbm4b:s2+s6], $0x1, s6, s6, $0xb8;
	[tilespmem:$0x2000] =	vst v63  }
0x1f: {  	_ = 	snop  }
0x20: {  	[tilespmem:s9], [sflag:$0x1] =	stream.indirect.gather [hbm4b:s2+s6], $0x1, s8, s6, $0xb8;
	[tilespmem:$0x2000] =	vst v63  }
0x21: {  	_ = 	snop  }
0x22: {  	[tilespmem:s11], [sflag:$0x1] =	stream.indirect.gather [hbm4b:s2+s6], $0x1, s10, s6, $0xb8;
	[tilespmem:$0x2000] =	vst v63  }
0x23: {  	_ = 	snop  }
0x24: {  	[tilespmem:s13], [sflag:$0x1] =	stream.indirect.gather [hbm4b:s2+s6], $0x1, s12, s6, $0xb8;
	[tilespmem:$0x2000] =	vst v63  }
0x25: {  	_ = 	snop  }
0x26: {  	[tilespmem:s15], [sflag:$0x1] =	stream.indirect.gather [hbm4b:s2+s6], $0x1, s14, s6, $0xb8;
	[tilespmem:$0x2000] =	vst v63  }
0x27: {  	_ = 	snop  }
0x28: {  	[tilespmem:s17], [sflag:$0x1] =	stream.indirect.gather [hbm4b:s2+s6], $0x1, s16, s6, $0xb8;
	[tilespmem:$0x2000] =	vst v63  }
0x29: {  	_ = 	snop  }
0x2a: {  	[tilespmem:s19], [sflag:$0x1] =	stream.indirect.gather [hbm4b:s2+s6], $0x1, s18, s6, $0xb8;
	[tilespmem:$0x2000] =	vst v63  }
0x2b: {  	_ = 	snop  }
0x2c: {  	[tilespmem:s21], [sflag:$0x1] =	stream.indirect.gather [hbm4b:s2+s6], $0x1, s20, s6, $0xb8;
	[tilespmem:$0x2000] =	vst v63  }
0x2d: {  	_ = 	snop  }
0x2e: {  	[tilespmem:s23], [sflag:$0x1] =	stream.indirect.gather [hbm4b:s2+s6], $0x1, s22, s6, $0xb8;
	[tilespmem:$0x2000] =	vst v63  }
0x2f: {  	_ = 	snop  }
0x30: {  	[tilespmem:s25], [sflag:$0x1] =	stream.indirect.gather [hbm4b:s2+s6], $0x1, s24, s6, $0xb8;
	[tilespmem:$0x2000] =	vst v63  }
0x31: {  	_ = 	snop  }
0x32: {  	[tilespmem:s28], [sflag:$0x1] =	stream.indirect.gather [hbm4b:s2+s6], $0x1, s26, s6, $0xb8;
	[tilespmem:$0x2000] =	vst v63  }
0x33: {  	_ = 	snop  }
0x34: {  	[tilespmem:s30], [sflag:$0x1] =	stream.indirect.gather [hbm4b:s2+s6], $0x1, s29, s6, $0xb8;
	[tilespmem:$0x2000] =	vst v63  }
0x35: {  	_ =	swait.ge [sflag:s31], $0x80  }
0x36: {  	[sflag:s31] =	ssyncset.done $0x0  }
0x37: {  	[sflag:s31] =	ssyncadd.s32 $0xFFFFFF80  }
0x38: {  	_ =	swait.ge [sflag:s31], $0x80  }
0x39: {  	[sflag:s31] =	ssyncset.done $0x0  }
0x3a: {  	[sflag:s31] =	ssyncadd.s32 $0xFFFFFF80  }
0x3b: {  	_ =	swait.ge [sflag:s31], $0x80  }
0x3c: {  	[sflag:s31] =	ssyncset.done $0x0  }
0x3d: {  	[sflag:s31] =	ssyncadd.s32 $0xFFFFFF80  }
0x3e: {  	_ =	swait.ge [sflag:s31], $0x80  }
0x3f: {  	[sflag:s31] =	ssyncset.done $0x0  }
0x40: {  	[sflag:s31] =	ssyncadd.s32 $0xFFFFFF80  }
0x41: {  	_ =	swait.ge [sflag:s31], $0x80  }
0x42: {  	[sflag:s31] =	ssyncset.done $0x0  }
0x43: {  	[sflag:s31] =	ssyncadd.s32 $0xFFFFFF80  }
0x44: {  	_ =	swait.ge [sflag:s31], $0x80  }
0x45: {  	[sflag:s31] =	ssyncset.done $0x0  }
0x46: {  	[sflag:s31] =	ssyncadd.s32 $0xFFFFFF80  }
0x47: {  	_ =	swait.ge [sflag:s31], $0x80  }
0x48: {  	[sflag:s31] =	ssyncset.done $0x0  }
0x49: {  	[sflag:s31] =	ssyncadd.s32 $0xFFFFFF80  }
0x4a: {  	_ =	swait.ge [sflag:s31], $0x80  }
0x4b: {  	[sflag:s31] =	ssyncset.done $0x0  }
0x4c: {  	[sflag:s31] =	ssyncadd.s32 $0xFFFFFF80  }
0x4d: {  	_ =	swait.ge [sflag:s31], $0x80  }
0x4e: {  	[sflag:s31] =	ssyncset.done $0x0  }
0x4f: {  	[sflag:s31] =	ssyncadd.s32 $0xFFFFFF80  }
0x50: {  	_ =	swait.ge [sflag:s31], $0x80  }
0x51: {  	[sflag:s31] =	ssyncset.done $0x0  }
0x52: {  	[sflag:s31] =	ssyncadd.s32 $0xFFFFFF80  }
0x53: {  	_ =	swait.ge [sflag:s31], $0x80  }
0x54: {  	[sflag:s31] =	ssyncset.done $0x0  }
0x55: {  	[sflag:s31] =	ssyncadd.s32 $0xFFFFFF80  }
0x56: {  	_ =	swait.ge [sflag:s31], $0x80  }
0x57: {  	[sflag:s31] =	ssyncset.done $0x0  }
0x58: {  	[sflag:s31] =	ssyncadd.s32 $0xFFFFFF80  }
0x59: {  	_ =	swait.ge [sflag:s31], $0x80  }
0x5a: {  	[sflag:s31] =	ssyncset.done $0x0  }
0x5b: {  	[sflag:s31] =	ssyncadd.s32 $0xFFFFFF80  }
0x5c: {  	v3 =	vld [tilespmem:$0x1000]  }
0x5d: {  	v0 =	vld [tilespmem:$0x800]  }
0x5e: {  	v63 =	vld [tilespmem:$0x1210]  }
0x5f: {  	v5 =	vld [tilespmem:$0x1010]  }
0x60: {  	v1 =	vld [tilespmem:$0x810]  }
0x61: {  	v7 =	vld [tilespmem:$0x1020]  }
0x62: {  	v2 =	vld [tilespmem:$0x820]  }
0x63: {  	[tilespmem:$0x1FCD0] =	vst v63;
	v63 =	vld [tilespmem:$0xA10]  }
0x64: {  	v9 =	vld [tilespmem:$0x1030]  }
0x65: {  	v4 =	vld [tilespmem:$0x830]  }
0x66: {  	v11 =	vld [tilespmem:$0x1040]  }
0x67: {  	v6 =	vld [tilespmem:$0x840]  }
0x68: {  	[tilespmem:$0x1FCA0] =	vst v63;
	v63 =	vld [tilespmem:$0x1220]  }
0x69: {  	v13 =	vld [tilespmem:$0x1050]  }
0x6a: {  	v8 =	vld [tilespmem:$0x850]  }
0x6b: {  	v15 =	vld [tilespmem:$0x1060]  }
0x6c: {  	v10 =	vld [tilespmem:$0x860]  }
0x6d: {  	[tilespmem:$0x1FCF0] =	vst v63;
	v63 =	vld [tilespmem:$0xA20]  }
0x6e: {  	v17 =	vld [tilespmem:$0x1070]  }
0x6f: {  	v12 =	vld [tilespmem:$0x870]  }
0x70: {  	v19 =	vld [tilespmem:$0x1080]  }
0x71: {  	v14 =	vld [tilespmem:$0x880]  }
0x72: {  	[tilespmem:$0x1FCC0] =	vst v63;
	v63 =	vld [tilespmem:$0x1230]  }
0x73: {  	v22 =	vld [tilespmem:$0x1090]  }
0x74: {  	v16 =	vld [tilespmem:$0x890]  }
0x75: {  	v37 =	vld [tilespmem:$0x10A0]  }
0x76: {  	v18 =	vld [tilespmem:$0x8A0]  }
0x77: {  	[tilespmem:$0x1FD10] =	vst v63;
	v63 =	vld [tilespmem:$0xA30]  }
0x78: {  	v32 =	vld [tilespmem:$0x10B0]  }
0x79: {  	v20 =	vld [tilespmem:$0x8B0]  }
0x7a: {  	v43 =	vld [tilespmem:$0x10C0]  }
0x7b: {  	v21 =	vld [tilespmem:$0x8C0]  }
0x7c: {  	[tilespmem:$0x1FCE0] =	vst v63;
	v63 =	vld [tilespmem:$0x1240]  }
0x7d: {  	v38 =	vld [tilespmem:$0x10D0]  }
0x7e: {  	v23 =	vld [tilespmem:$0x8D0]  }
0x7f: {  	v49 =	vld [tilespmem:$0x10E0]  }
0x80: {  	v24 =	vld [tilespmem:$0x8E0]  }
0x81: {  	[tilespmem:$0x1FD30] =	vst v63;
	v63 =	vld [tilespmem:$0xA40]  }
0x82: {  	v44 =	vld [tilespmem:$0x10F0]  }
0x83: {  	v25 =	vld [tilespmem:$0x8F0]  }
0x84: {  	v55 =	vld [tilespmem:$0x1100]  }
0x85: {  	v26 =	vld [tilespmem:$0x900]  }
0x86: {  	[tilespmem:$0x1FD00] =	vst v63;
	v63 =	vld [tilespmem:$0x1250]  }
0x87: {  	v50 =	vld [tilespmem:$0x1110]  }
0x88: {  	v27 =	vld [tilespmem:$0x910]  }
0x89: {  	v30 =	vld [tilespmem:$0x1120]  }
0x8a: {  	v28 =	vld [tilespmem:$0x920]  }
0x8b: {  	[tilespmem:$0x1FD50] =	vst v63;
	v63 =	vld [tilespmem:$0xA50]  }
0x8c: {  	v56 =	vld [tilespmem:$0x1130]  }
0x8d: {  	v61 =	vld [tilespmem:$0x930]  }
0x8e: {  	v34 =	vld [tilespmem:$0x1140]  }
0x8f: {  	v29 =	vld [tilespmem:$0x940]  }
0x90: {  	[tilespmem:$0x1FD20] =	vst v63;
	v63 =	vld [tilespmem:$0x1260]  }
0x91: {  	v62 =	vld [tilespmem:$0x1150]  }
0x92: {  	v31 =	vld [tilespmem:$0x950]  }
0x93: {  	v40 =	vld [tilespmem:$0x1160]  }
0x94: {  	v33 =	vld [tilespmem:$0x960]  }
0x95: {  	[tilespmem:$0x1FD70] =	vst v63;
	v63 =	vld [tilespmem:$0xA60]  }
0x96: {  	v42 =	vld [tilespmem:$0x1170]  }
0x97: {  	v35 =	vld [tilespmem:$0x970]  }
0x98: {  	v45 =	vld [tilespmem:$0x1180]  }
0x99: {  	v36 =	vld [tilespmem:$0x980]  }
0x9a: {  	[tilespmem:$0x1FD40] =	vst v63;
	v63 =	vld [tilespmem:$0x1270]  }
0x9b: {  	v47 =	vld [tilespmem:$0x1190]  }
0x9c: {  	v39 =	vld [tilespmem:$0x990]  }
0x9d: {  	v51 =	vld [tilespmem:$0x11A0]  }
0x9e: {  	v41 =	vld [tilespmem:$0x9A0]  }
0x9f: {  	[tilespmem:$0x1FD90] =	vst v63;
	v63 =	vld [tilespmem:$0xA70]  }
0xa0: {  	v54 =	vld [tilespmem:$0x11B0]  }
0xa1: {  	v46 =	vld [tilespmem:$0x9B0]  }
0xa2: {  	v58 =	vld [tilespmem:$0x11C0]  }
0xa3: {  	v48 =	vld [tilespmem:$0x9C0]  }
0xa4: {  	[tilespmem:$0x1FD60] =	vst v63;
	v63 =	vld [tilespmem:$0x1280]  }
0xa5: {  	v59 =	vld [tilespmem:$0x11D0]  }
0xa6: {  	v53 =	vld [tilespmem:$0x11E0]  }
0xa7: {  	v57 =	vld [tilespmem:$0x11F0]  }
0xa8: {  	v60 =	vld [tilespmem:$0x1200]  }
0xa9: {  	[tilespmem:$0x1FDB0] =	vst v63;
	v63 =	vld [tilespmem:$0xA80]  }
0xaa: {  	v52 =	vld [tilespmem:$0x9D0]  }
0xab: {  	[tilespmem:$0x1FC80] =	vst v53;
	v53 =	vld [tilespmem:$0x9E0]  }
0xac: {  	[tilespmem:$0x1FC90] =	vst v57;
	v57 =	vld [tilespmem:$0x9F0]  }
0xad: {  	[tilespmem:$0x1FCB0] =	vst v60;
	v60 =	vld [tilespmem:$0xA00]  }
0xae: {  	[tilespmem:$0x1FD80] =	vst v63;
	v63 =	vld [tilespmem:$0x1290]  }
0xaf: {  	vm7 =	veq.s32 v20, $0x0;
	v20 =	vld [tilespmem:$0x13C0]  }
0xb0: {  	vm1 =	veq.s32 v1, $0x0;
	v1 =	vld [tilespmem:$0x1450]  }
0xb1: {  	vm10 =	veq.s32 v2, $0x0;
	vm11 =	veq.s32 v4, $0x0;
	v2 =	vld [tilespmem:$0xC50]  }
0xb2: {  	v4 =	vsel vm11, $0x0, v9;
	v9 =	vld [tilespmem:$0x1390]  }
0xb3: {  	vm12 =	veq.s32 v6, $0x0;
	[tilespmem:$0x1FDD0] =	vst v63;
	v63 =	vld [tilespmem:$0xA90]  }
0xb4: {  	vm13 =	veq.s32 v8, $0x0;
	v6 =	vsel vm12, $0x0, v11;
	v11 =	vld [tilespmem:$0xB90]  }
0xb5: {  	vm14 =	veq.s32 v10, $0x0;
	v8 =	vsel vm13, $0x0, v13;
	v13 =	vld [tilespmem:$0x13A0]  }
0xb6: {  	vm15 =	veq.s32 v12, $0x0;
	v10 =	vsel vm14, $0x0, v15;
	v15 =	vld [tilespmem:$0xBA0]  }
0xb7: {  	v12 =	vsel vm15, $0x0, v17;
	v17 =	vld [tilespmem:$0x13B0]  }
0xb8: {  	vm6 =	veq.s32 v18, $0x0;
	[tilespmem:$0x1FDA0] =	vst v63;
	v63 =	vld [tilespmem:$0x12A0]  }
0xb9: {  	vm8 =	veq.s32 v21, $0x0;
	v18 =	vsel vm6, $0x0, v37;
	v37 =	vld [tilespmem:$0xBB0]  }
0xba: {  	vm5 =	veq.s32 v16, $0x0;
	vm9 =	veq.s32 v23, $0x0;
	v21 =	vsel vm8, $0x0, v43;
	v43 =	vld [tilespmem:$0xBC0]  }
0xbb: {  	v16 =	vsel vm5, $0x0, v22;
	v22 =	vsel vm9, $0x0, v38;
	v38 =	vld [tilespmem:$0x13D0]  }
0xbc: {  	vm15 =	veq.s32 v61, $0x0;
	v61 =	vld [tilespmem:$0xBF0]  }
0xbd: {  	vm4 =	veq.s32 v14, $0x0;
	[tilespmem:$0x1FDF0] =	vst v63;
	v63 =	vld [tilespmem:$0xAA0]  }
0xbe: {  	vm0 =	veq.s32 v0, $0x0;
	v14 =	vsel vm4, $0x0, v19;
	v19 =	vsel vm7, $0x0, v32;
	v32 =	vld [tilespmem:$0xC00]  }
0xbf: {  	v0 =	vsel vm0, $0x0, v3;
	v5 =	vsel vm1, $0x0, v5;
	v3 =	vld [tilespmem:$0xC30]  }
0xc0: {  	vm11 =	veq.s32 v25, $0x0;
	[tilespmem:$0x1810] =	vst v5;
	v5 =	vsel vm10, $0x0, v7;
	v7 =	vld [tilespmem:$0xB70]  }
0xc1: {  	vm10 =	veq.s32 v24, $0x0;
	v24 =	vsel vm11, $0x0, v44;
	v44 =	vld [tilespmem:$0x13E0]  }
0xc2: {  	vm12 =	veq.s32 v26, $0x0;
	[tilespmem:$0x1FDC0] =	vst v63;
	v63 =	vld [tilespmem:$0x12B0]  }
0xc3: {  	vm13 =	veq.s32 v27, $0x0;
	v25 =	vsel vm12, $0x0, v55;
	v55 =	vld [tilespmem:$0xBE0]  }
0xc4: {  	vm14 =	veq.s32 v28, $0x0;
	v26 =	vsel vm13, $0x0, v50;
	v50 =	vld [tilespmem:$0x13F0]  }
0xc5: {  	vm4 =	veq.s32 v29, $0x0;
	vm5 =	veq.s32 v31, $0x0;
	v28 =	vsel vm15, $0x0, v56;
	v56 =	vld [tilespmem:$0x1400]  }
0xc6: {  	v29 =	vsel vm4, $0x0, v34;
	v34 =	vsel vm5, $0x0, v62;
	v62 =	vld [tilespmem:$0x1410]  }
0xc7: {  	[tilespmem:$0x1FE10] =	vst v63;
	v63 =	vld [tilespmem:$0xAB0]  }
0xc8: {  	[tilespmem:$0x1890] =	vst v16;
	v16 =	vld [tilespmem:$0xC10]  }
0xc9: {  	[tilespmem:$0x1850] =	vst v8;
	v8 =	vld [tilespmem:$0x1430]  }
0xca: {  	[tilespmem:$0x1800] =	vst v0;
	v0 =	vld [tilespmem:$0x1440]  }
0xcb: {  	[tilespmem:$0x1830] =	vst v4;
	v4 =	vld [tilespmem:$0xC40]  }
0xcc: {  	[tilespmem:$0x1FDE0] =	vst v63;
	v63 =	vld [tilespmem:$0x12C0]  }
0xcd: {  	[tilespmem:$0x1840] =	vst v6;
	v6 =	vld [tilespmem:$0x1460]  }
0xce: {  	[tilespmem:$0x1860] =	vst v10;
	v10 =	vld [tilespmem:$0x1FCD0]  }
0xcf: {  	[tilespmem:$0x1820] =	vst v5;
	v5 =	vld [tilespmem:$0x1380]  }
0xd0: {  	v23 =	vsel vm10, $0x0, v49;
	v49 =	vld [tilespmem:$0xBD0]  }
0xd1: {  	vm13 =	veq.s32 v52, $0x0;
	[tilespmem:$0x1FE20] =	vst v63;
	v63 =	vld [tilespmem:$0xAC0]  }
0xd2: {  	v52 =	vsel vm13, $0x0, v59;
	v59 =	vld [tilespmem:$0x1FCB0]  }
0xd3: {  	v27 =	vsel vm14, $0x0, v30;
	vm14 =	veq.s32 v53, $0x0;
	v53 =	vld [tilespmem:$0x1FC80]  }
0xd4: {  	vm15 =	veq.s32 v57, $0x0;
	v57 =	vld [tilespmem:$0x1FC90]  }
0xd5: {  	vm6 =	veq.s32 v33, $0x0;
	vm7 =	veq.s32 v35, $0x0;
	vm8 =	veq.s32 v36, $0x0;
	[tilespmem:$0x1FFD0] =	vst v13;
	v13 =	vld [tilespmem:$0x1420]  }
0xd6: {  	vm9 =	veq.s32 v39, $0x0;
	v35 =	vsel vm6, $0x0, v40;
	v40 =	vsel vm7, $0x0, v42;
	[tilespmem:$0x1FE00] =	vst v63;
	v63 =	vld [tilespmem:$0x12D0]  }
0xd7: {  	v42 =	vsel vm8, $0x0, v45;
	vm12 =	veq.s32 v48, $0x0;
	vm10 =	veq.s32 v41, $0x0;
	[tilespmem:$0x1FFA0] =	vst v11;
	v11 =	vld [tilespmem:$0xC20]  }
0xd8: {  	v45 =	vsel vm9, $0x0, v47;
	v47 =	vsel vm10, $0x0, v51;
	v51 =	vsel vm12, $0x0, v58;
	v58 =	vld [tilespmem:$0x1FCA0];
	[tilespmem:$0x1FF70] =	vst v7  }
0xd9: {  	v7 =	vld [tilespmem:$0xB80];
	[tilespmem:$0x1FF90] =	vst v5;
	v5 =	vsel vm15, $0x0, v57  }
0xda: {  	[tilespmem:$0x19F0] =	vst v5;
	v5 =	vld [tilespmem:$0xC60]  }
0xdb: {  	[tilespmem:$0x1FE40] =	vst v63;
	v63 =	vld [tilespmem:$0xAD0]  }
0xdc: {  	[tilespmem:$0x1FFB0] =	vst v9;
	v9 =	vld [tilespmem:$0x1FCC0]  }
0xdd: {  	[tilespmem:$0x1FFC0] =	vst v15;
	v15 =	vld [tilespmem:$0x1FCF0]  }
0xde: {  	vm5 =	veq.s32 v58, $0x0;
	[tilespmem:$0x1FF80] =	vst v7;
	v7 =	vld [tilespmem:$0x1470]  }
0xdf: {  	[tilespmem:$0x1870] =	vst v12;
	v12 =	vsel vm5, $0x0, v10;
	v10 =	vld [tilespmem:$0xC70]  }
0xe0: {  	[tilespmem:$0x1FE30] =	vst v63;
	v63 =	vld [tilespmem:$0x12E0]  }
0xe1: {  	[tilespmem:$0x1880] =	vst v14;
	vm6 =	veq.s32 v9, $0x0;
	v14 =	vld [tilespmem:$0x1FCE0]  }
0xe2: {  	[tilespmem:$0x18A0] =	vst v18;
	v18 =	vld [tilespmem:$0x1FD10];
	v9 =	vsel vm6, $0x0, v15  }
0xe3: {  	[tilespmem:$0x1A20] =	vst v9;
	v9 =	vld [tilespmem:$0x1480]  }
0xe4: {  	[tilespmem:$0x18C0] =	vst v21;
	v21 =	vld [tilespmem:$0x1FD30]  }
0xe5: {  	[tilespmem:$0x1FE60] =	vst v63;
	v63 =	vld [tilespmem:$0xAE0]  }
0xe6: {  	vm7 =	veq.s32 v14, $0x0;
	v14 =	vld [tilespmem:$0xC80]  }
0xe7: {  	[tilespmem:$0x1FFE0] =	vst v17;
	v17 =	vld [tilespmem:$0x1FD00]  }
0xe8: {  	[tilespmem:$0x18B0] =	vst v19;
	v19 =	vsel vm7, $0x0, v18;
	v18 =	vld [tilespmem:$0xC90]  }
0xe9: {  	[tilespmem:$0x1A30] =	vst v19;
	v19 =	vld [tilespmem:$0x14B0]  }
0xea: {  	[tilespmem:$0x1FE50] =	vst v63;
	v63 =	vld [tilespmem:$0x12F0]  }
0xeb: {  	[tilespmem:$0x18E0] =	vst v23;
	v23 =	vld [tilespmem:$0x1FD50]  }
0xec: {  	[tilespmem:$0x1FFF0] =	vst v20;
	vm8 =	veq.s32 v17, $0x0;
	v20 =	vld [tilespmem:$0x1FD20]  }
0xed: {  	[tilespmem:$0x1A10] =	vst v12;
	v12 =	vsel vm8, $0x0, v21;
	v21 =	vld [tilespmem:$0x14C0]  }
0xee: {  	[tilespmem:$0x1A40] =	vst v12;
	v12 =	vld [tilespmem:$0x1490]  }
0xef: {  	[tilespmem:$0x1FE80] =	vst v63;
	v63 =	vld [tilespmem:$0xAF0]  }
0xf0: {  	[tilespmem:$0x1910] =	vst v26;
	v26 =	vld [tilespmem:$0x1FD70]  }
0xf1: {  	vm9 =	veq.s32 v20, $0x0;
	v20 =	vld [tilespmem:$0xCA0]  }
0xf2: {  	[tilespmem:$0x18D0] =	vst v22;
	v22 =	vld [tilespmem:$0x1FD40]  }
0xf3: {  	[tilespmem:$0x18F0] =	vst v24;
	v24 =	vsel vm9, $0x0, v23;
	v23 =	vld [tilespmem:$0xCC0]  }
0xf4: {  	[tilespmem:$0x1FE70] =	vst v63;
	v63 =	vld [tilespmem:$0x1300]  }
0xf5: {  	[tilespmem:$0x1A50] =	vst v24;
	v24 =	vld [tilespmem:$0x14D0]  }
0xf6: {  	[tilespmem:$0x1930] =	vst v28;
	v28 =	vld [tilespmem:$0x1FD90]  }
0xf7: {  	vm10 =	veq.s32 v22, $0x0;
	v22 =	vld [tilespmem:$0xCB0]  }
0xf8: {  	[tilespmem:$0x1900] =	vst v25;
	v25 =	vld [tilespmem:$0x1FD60]  }
0xf9: {  	[tilespmem:$0x1FEA0] =	vst v63;
	v63 =	vld [tilespmem:$0xB00]  }
0xfa: {  	v15 =	vsel vm10, $0x0, v26;
	v26 =	vld [tilespmem:$0x14E0]  }
0xfb: {  	[tilespmem:$0x1A60] =	vst v15;
	v15 =	vld [tilespmem:$0x14A0]  }
0xfc: {  	vm11 =	veq.s32 v46, $0x0;
	v31 =	vld [tilespmem:$0x1FDB0]  }
0xfd: {  	v48 =	vsel vm11, $0x0, v54;
	vm11 =	veq.s32 v25, $0x0;
	v25 =	vld [tilespmem:$0xCD0]  }
0xfe: {  	[tilespmem:$0x1FE90] =	vst v63;
	v63 =	vld [tilespmem:$0x1310]  }
0xff: {  	[tilespmem:$0x1940] =	vst v29;
	v29 =	vsel vm11, $0x0, v28;
	v28 =	vld [tilespmem:$0x14F0]  }
0x100: {  	[tilespmem:$0x1920] =	vst v27;
	v27 =	vld [tilespmem:$0x1FD80]  }
0x101: {  	[tilespmem:$0x1A70] =	vst v29;
	v29 =	vld [tilespmem:$0xCF0]  }
0x102: {  	[tilespmem:$0x1950] =	vst v34;
	v34 =	vld [tilespmem:$0x1FDD0]  }
0x103: {  	[tilespmem:$0x1FEC0] =	vst v63;
	v63 =	vld [tilespmem:$0xB10]  }
0x104: {  	v30 =	vld [tilespmem:$0x1FDA0]  }
0x105: {  	vm12 =	veq.s32 v27, $0x0;
	v27 =	vld [tilespmem:$0xCE0]  }
0x106: {  	v17 =	vsel vm12, $0x0, v31;
	v31 =	vld [tilespmem:$0xD00]  }
0x107: {  	v36 =	vld [tilespmem:$0x1FDF0]  }
0x108: {  	[tilespmem:$0x1FEB0] =	vst v63;
	v63 =	vld [tilespmem:$0x1320]  }
0x109: {  	vm13 =	veq.s32 v30, $0x0;
	v30 =	vld [tilespmem:$0x1500]  }
0x10a: {  	v33 =	vld [tilespmem:$0x1FDC0]  }
0x10b: {  	[tilespmem:$0x1970] =	vst v40;
	v40 =	vld [tilespmem:$0x1FE10]  }
0x10c: {  	[tilespmem:$0x1980] =	vst v42;
	v42 =	vld [tilespmem:$0x1FE30]  }
0x10d: {  	[tilespmem:$0x1FEE0] =	vst v63;
	v63 =	vld [tilespmem:$0xB20]  }
0x10e: {  	[tilespmem:$0x1960] =	vst v35;
	v35 =	vld [tilespmem:$0x1FDE0]  }
0x10f: {  	v41 =	vld [tilespmem:$0x1FE20]  }
0x110: {  	[tilespmem:$0x1990] =	vst v45;
	v39 =	vld [tilespmem:$0x1FE00]  }
0x111: {  	[tilespmem:$0x19B0] =	vst v48;
	vm5 =	veq.s32 v42, $0x0;
	v42 =	vld [tilespmem:$0x1FF70]  }
0x112: {  	[tilespmem:$0x1FED0] =	vst v63;
	v63 =	vld [tilespmem:$0x1330]  }
0x113: {  	[tilespmem:$0x19A0] =	vst v47;
	v45 =	vld [tilespmem:$0x1FE40]  }
0x114: {  	v54 =	vsel vm14, $0x0, v53;
	[tilespmem:$0x1A80] =	vst v17;
	v17 =	vsel vm13, $0x0, v34;
	vm14 =	veq.s32 v33, $0x0;
	v47 =	vld [tilespmem:$0x1FE60]  }
0x115: {  	[tilespmem:$0x1A90] =	vst v17;
	v17 =	vsel vm14, $0x0, v36;
	vm15 =	veq.s32 v35, $0x0;
	v46 =	vld [tilespmem:$0x1FE50]  }
0x116: {  	[tilespmem:$0x1AA0] =	vst v17;
	v17 =	vsel vm15, $0x0, v40;
	vm15 =	veq.s32 v42, $0x0;
	v42 =	vld [tilespmem:$0xD50]  }
0x117: {  	vm4 =	veq.s32 v60, $0x0;
	[tilespmem:$0x1FF00] =	vst v63;
	v63 =	vld [tilespmem:$0xB30]  }
0x118: {  	[tilespmem:$0x19C0] =	vst v51;
	v60 =	vsel vm4, $0x0, v59;
	vm4 =	veq.s32 v39, $0x0;
	v51 =	vld [tilespmem:$0x1FE80]  }
0x119: {  	[tilespmem:$0x1AB0] =	vst v17;
	v17 =	vsel vm4, $0x0, v41;
	v48 =	vld [tilespmem:$0x1FE70]  }
0x11a: {  	[tilespmem:$0x1AC0] =	vst v17;
	v17 =	vsel vm5, $0x0, v45;
	vm6 =	veq.s32 v46, $0x0;
	v46 =	vld [tilespmem:$0x1FF80]  }
0x11b: {  	[tilespmem:$0x1AD0] =	vst v17;
	v17 =	vsel vm6, $0x0, v47;
	v47 =	vld [tilespmem:$0x1FF90]  }
0x11c: {  	[tilespmem:$0x1FEF0] =	vst v63;
	v63 =	vld [tilespmem:$0x1340]  }
0x11d: {  	v53 =	vld [tilespmem:$0x1FEA0]  }
0x11e: {  	vm7 =	veq.s32 v48, $0x0;
	v48 =	vld [tilespmem:$0x1FFA0]  }
0x11f: {  	[tilespmem:$0x19D0] =	vst v52;
	v52 =	vld [tilespmem:$0x1FE90]  }
0x120: {  	[tilespmem:$0x1AE0] =	vst v17;
	v17 =	vsel vm7, $0x0, v51;
	v51 =	vld [tilespmem:$0x1FFB0]  }
0x121: {  	[tilespmem:$0x1FF20] =	vst v63;
	v63 =	vld [tilespmem:$0xB40]  }
0x122: {  	vm7 =	veq.s32 v37, $0x0;
	v37 =	vld [tilespmem:$0xD30]  }
0x123: {  	v57 =	vld [tilespmem:$0x1FEC0]  }
0x124: {  	vm8 =	veq.s32 v52, $0x0;
	v52 =	vld [tilespmem:$0x1FFC0]  }
0x125: {  	[tilespmem:$0x19E0] =	vst v54;
	v54 =	vld [tilespmem:$0x1FEB0]  }
0x126: {  	[tilespmem:$0x1FF10] =	vst v63;
	v63 =	vld [tilespmem:$0x1350]  }
0x127: {  	[tilespmem:$0x1AF0] =	vst v17;
	v17 =	vsel vm8, $0x0, v53;
	v53 =	vld [tilespmem:$0x1FFD0]  }
0x128: {  	vm8 =	veq.s32 v43, $0x0;
	v43 =	vld [tilespmem:$0x15A0]  }
0x129: {  	v59 =	vld [tilespmem:$0x1FEE0]  }
0x12a: {  	vm9 =	veq.s32 v54, $0x0;
	v54 =	vld [tilespmem:$0x1FFE0]  }
0x12b: {  	[tilespmem:$0x1FF40] =	vst v63;
	v63 =	vld [tilespmem:$0xB50]  }
0x12c: {  	v58 =	vld [tilespmem:$0x1FED0]  }
0x12d: {  	[tilespmem:$0x1B00] =	vst v17;
	v17 =	vsel vm9, $0x0, v57;
	v57 =	vld [tilespmem:$0x1FFF0]  }
0x12e: {  	vm9 =	veq.s32 v49, $0x0;
	v49 =	vld [tilespmem:$0xDB0]  }
0x12f: {  	[tilespmem:$0x1A00] =	vst v60;
	v33 =	vld [tilespmem:$0x1FF00]  }
0x130: {  	[tilespmem:$0x1FF30] =	vst v63;
	v63 =	vld [tilespmem:$0x1360]  }
0x131: {  	[tilespmem:$0x1B10] =	vst v17;
	vm10 =	veq.s32 v58, $0x0;
	v58 =	vsel vm9, $0x0, v38;
	v60 =	vld [tilespmem:$0x1FEF0]  }
0x132: {  	v38 =	vld [tilespmem:$0x1550];
	vm9 =	veq.s32 v18, $0x0;
	v17 =	vsel vm10, $0x0, v59;
	[tilespmem:$0x1BD0] =	vst v58  }
0x133: {  	vm4 =	veq.s32 v46, $0x0;
	vm10 =	veq.s32 v55, $0x0;
	v46 =	vsel vm9, $0x0, v12;
	v55 =	vld [tilespmem:$0x15D0];
	[tilespmem:$0x1B20] =	vst v17  }
0x134: {  	[tilespmem:$0x1C90] =	vst v46;
	v34 =	vld [tilespmem:$0x1FF10]  }
0x135: {  	v59 =	vsel vm10, $0x0, v44;
	vm10 =	veq.s32 v20, $0x0;
	[tilespmem:$0x1FF60] =	vst v63;
	v63 =	vld [tilespmem:$0xB60]  }
0x136: {  	vm5 =	veq.s32 v48, $0x0;
	[tilespmem:$0x1BE0] =	vst v59;
	v48 =	vsel vm10, $0x0, v15;
	vm11 =	veq.s32 v60, $0x0;
	v35 =	vld [tilespmem:$0x1FF20]  }
0x137: {  	vm9 =	veq.s32 v42, $0x0;
	v42 =	vld [tilespmem:$0xE30];
	[tilespmem:$0x1CA0] =	vst v48;
	v17 =	vsel vm11, $0x0, v33;
	vm11 =	veq.s32 v61, $0x0  }
0x138: {  	[tilespmem:$0x1B30] =	vst v17;
	v60 =	vsel vm11, $0x0, v50;
	v36 =	vld [tilespmem:$0x1FF30]  }
0x139: {  	vm11 =	veq.s32 v22, $0x0;
	[tilespmem:$0x1BF0] =	vst v60;
	v39 =	vld [tilespmem:$0x1FF40]  }
0x13a: {  	v50 =	vsel vm11, $0x0, v19;
	vm12 =	veq.s32 v34, $0x0;
	[tilespmem:$0x1FF50] =	vst v63;
	v63 =	vld [tilespmem:$0x1370]  }
0x13b: {  	v46 =	vld [tilespmem:$0xE40];
	[tilespmem:$0x1CB0] =	vst v50;
	v17 =	vsel vm12, $0x0, v35;
	vm12 =	veq.s32 v32, $0x0  }
0x13c: {  	[tilespmem:$0x1B40] =	vst v17;
	v61 =	vsel vm12, $0x0, v56;
	vm12 =	veq.s32 v23, $0x0;
	v40 =	vld [tilespmem:$0x1FF50]  }
0x13d: {  	vm6 =	veq.s32 v52, $0x0;
	[tilespmem:$0x1C00] =	vst v61;
	v52 =	vsel vm12, $0x0, v21;
	vm13 =	veq.s32 v36, $0x0;
	v41 =	vld [tilespmem:$0x1FF60]  }
0x13e: {  	v59 =	vld [tilespmem:$0x15E0];
	[tilespmem:$0x1CC0] =	vst v52;
	v17 =	vsel vm13, $0x0, v39  }
0x13f: {  	v48 =	vld [tilespmem:$0x1650];
	vm13 =	veq.s32 v16, $0x0;
	[tilespmem:$0x1B50] =	vst v17;
	v45 =	vsel vm15, $0x0, v63  }
0x140: {  	v33 =	vld [tilespmem:$0x1510];
	v63 =	vsel vm13, $0x0, v62;
	vm15 =	veq.s32 v3, $0x0;
	[tilespmem:$0x1B70] =	vst v45  }
0x141: {  	v50 =	vld [tilespmem:$0xE50];
	vm14 =	veq.s32 v40, $0x0;
	[tilespmem:$0x1C10] =	vst v63;
	v8 =	vsel vm15, $0x0, v8  }
0x142: {  	v34 =	vld [tilespmem:$0xD10];
	vm15 =	veq.s32 v29, $0x0;
	v17 =	vsel vm14, $0x0, v41;
	[tilespmem:$0x1C30] =	vst v8  }
0x143: {  	v35 =	vld [tilespmem:$0x1520];
	v58 =	vsel vm15, $0x0, v28;
	[tilespmem:$0x1B60] =	vst v17  }
0x144: {  	v32 =	vld [tilespmem:$0x1560];
	vm14 =	veq.s32 v11, $0x0;
	v17 =	vsel vm4, $0x0, v47;
	[tilespmem:$0x1CF0] =	vst v58  }
0x145: {  	v61 =	vld [tilespmem:$0xDE0];
	v13 =	vsel vm14, $0x0, v13;
	[tilespmem:$0x1B80] =	vst v17  }
0x146: {  	v36 =	vld [tilespmem:$0xD20];
	vm4 =	veq.s32 v4, $0x0;
	v17 =	vsel vm5, $0x0, v51;
	[tilespmem:$0x1C20] =	vst v13  }
0x147: {  	v39 =	vld [tilespmem:$0x1530];
	vm14 =	veq.s32 v27, $0x0;
	v0 =	vsel vm4, $0x0, v0;
	[tilespmem:$0x1B90] =	vst v17  }
0x148: {  	v16 =	vld [tilespmem:$0xD60];
	v56 =	vsel vm14, $0x0, v26;
	[tilespmem:$0x1C40] =	vst v0  }
0x149: {  	v3 =	vld [tilespmem:$0xD70];
	vm5 =	veq.s32 v2, $0x0;
	v17 =	vsel vm6, $0x0, v53;
	[tilespmem:$0x1CE0] =	vst v56  }
0x14a: {  	vm13 =	veq.s32 v25, $0x0;
	v25 =	vld [tilespmem:$0xDF0];
	vm4 =	veq.s32 v31, $0x0;
	v8 =	vsel vm5, $0x0, v1;
	[tilespmem:$0x1BA0] =	vst v17  }
0x14b: {  	v40 =	vld [tilespmem:$0x1540];
	v60 =	vsel vm4, $0x0, v30;
	[tilespmem:$0x1C50] =	vst v8  }
0x14c: {  	v45 =	vld [tilespmem:$0xDA0];
	v30 =	vsel vm9, $0x0, v38;
	[tilespmem:$0x1D00] =	vst v60  }
0x14d: {  	v63 =	vld [tilespmem:$0x15F0];
	vm6 =	veq.s32 v5, $0x0;
	v17 =	vsel vm7, $0x0, v54;
	[tilespmem:$0x1D50] =	vst v30  }
0x14e: {  	v29 =	vld [tilespmem:$0xE00];
	v13 =	vsel vm6, $0x0, v6;
	[tilespmem:$0x1BB0] =	vst v17  }
0x14f: {  	v11 =	vld [tilespmem:$0x1570];
	vm5 =	veq.s32 v34, $0x0;
	v54 =	vsel vm13, $0x0, v24;
	[tilespmem:$0x1C60] =	vst v13  }
0x150: {  	vm10 =	veq.s32 v16, $0x0;
	v41 =	vld [tilespmem:$0xD40];
	v62 =	vsel vm5, $0x0, v33;
	[tilespmem:$0x1CD0] =	vst v54  }
0x151: {  	v4 =	vld [tilespmem:$0x1580];
	v33 =	vsel vm10, $0x0, v32;
	[tilespmem:$0x1D10] =	vst v62  }
0x152: {  	v47 =	vld [tilespmem:$0x15B0];
	vm6 =	veq.s32 v36, $0x0;
	v17 =	vsel vm8, $0x0, v57;
	[tilespmem:$0x1D60] =	vst v33  }
0x153: {  	v27 =	vld [tilespmem:$0x1600];
	vm11 =	veq.s32 v3, $0x0;
	v24 =	vsel vm6, $0x0, v35;
	[tilespmem:$0x1BC0] =	vst v17  }
0x154: {  	v58 =	vld [tilespmem:$0x1670];
	vm7 =	veq.s32 v10, $0x0;
	v35 =	vsel vm11, $0x0, v11;
	[tilespmem:$0x1D20] =	vst v24  }
0x155: {  	v2 =	vld [tilespmem:$0xD80];
	vm8 =	veq.s32 v14, $0x0;
	v17 =	vsel vm7, $0x0, v7;
	[tilespmem:$0x1D70] =	vst v35  }
0x156: {  	v51 =	vld [tilespmem:$0x15C0];
	vm14 =	veq.s32 v45, $0x0;
	v44 =	vsel vm8, $0x0, v9;
	[tilespmem:$0x1C70] =	vst v17  }
0x157: {  	vm15 =	veq.s32 v49, $0x0;
	v5 =	vld [tilespmem:$0xD90];
	vm8 =	veq.s32 v41, $0x0;
	v41 =	vsel vm14, $0x0, v43;
	[tilespmem:$0x1C80] =	vst v44  }
0x158: {  	v53 =	vld [tilespmem:$0xDC0];
	vm6 =	veq.s32 v61, $0x0;
	v43 =	vsel vm15, $0x0, v47;
	[tilespmem:$0x1DA0] =	vst v41  }
0x159: {  	v1 =	vld [tilespmem:$0x1590];
	vm7 =	veq.s32 v37, $0x0;
	v49 =	vsel vm6, $0x0, v59;
	[tilespmem:$0x1DB0] =	vst v43  }
0x15a: {  	v38 =	vld [tilespmem:$0xE20];
	v26 =	vsel vm7, $0x0, v39;
	[tilespmem:$0x1DE0] =	vst v49  }
0x15b: {  	v56 =	vld [tilespmem:$0xE70];
	v28 =	vsel vm8, $0x0, v40;
	vm12 =	veq.s32 v2, $0x0;
	[tilespmem:$0x1D30] =	vst v26  }
0x15c: {  	v36 =	vld [tilespmem:$0x1620];
	vm8 =	veq.s32 v29, $0x0;
	[tilespmem:$0x1D40] =	vst v28;
	v37 =	vsel vm12, $0x0, v4  }
0x15d: {  	v57 =	vld [tilespmem:$0xDD0];
	vm13 =	veq.s32 v5, $0x0;
	vm4 =	veq.s32 v53, $0x0;
	v53 =	vsel vm8, $0x0, v27;
	[tilespmem:$0x1D80] =	vst v37  }
0x15e: {  	v31 =	vld [tilespmem:$0x1610];
	v39 =	vsel vm13, $0x0, v1;
	[tilespmem:$0x1E00] =	vst v53  }
0x15f: {  	v34 =	vld [tilespmem:$0xE10];
	vm7 =	veq.s32 v25, $0x0;
	v45 =	vsel vm4, $0x0, v51;
	[tilespmem:$0x1D90] =	vst v39  }
0x160: {  	v54 =	vld [tilespmem:$0xE60];
	vm15 =	veq.s32 v56, $0x0;
	v51 =	vsel vm7, $0x0, v63;
	[tilespmem:$0x1DC0] =	vst v45  }
0x161: {  	v52 =	vld [tilespmem:$0x1660];
	vm10 =	veq.s32 v38, $0x0;
	v63 =	vsel vm15, $0x0, v58;
	[tilespmem:$0x1DF0] =	vst v51  }
0x162: {  	v40 =	vld [tilespmem:$0x1630];
	vm13 =	veq.s32 v50, $0x0;
	vm5 =	veq.s32 v57, $0x0;
	v57 =	vsel vm10, $0x0, v36;
	[tilespmem:$0x1E70] =	vst v63  }
0x163: {  	v44 =	vld [tilespmem:$0x1640];
	v61 =	vsel vm13, $0x0, v48;
	[tilespmem:$0x1E20] =	vst v57  }
0x164: {  	vm9 =	veq.s32 v34, $0x0;
	v47 =	vsel vm5, $0x0, v55;
	[tilespmem:$0x1E50] =	vst v61  }
0x165: {  	vm14 =	veq.s32 v54, $0x0;
	v55 =	vsel vm9, $0x0, v31;
	[tilespmem:$0x1DD0] =	vst v47  }
0x166: {  	vm11 =	veq.s32 v42, $0x0;
	v62 =	vsel vm14, $0x0, v52;
	[tilespmem:$0x1E10] =	vst v55  }
0x167: {  	vm12 =	veq.s32 v46, $0x0;
	v59 =	vsel vm11, $0x0, v40;
	[tilespmem:$0x1E60] =	vst v62  }
0x168: {  	p0 =	sne.s32 s4, $0x1;
	v60 =	vsel vm12, $0x0, v44;
	[tilespmem:$0x1E30] =	vst v59  }
.Ltmp0:
0x169: {  	s7 =	rddreg [dreg:$0x4];
	[tilespmem:$0x1E40] =	vst v60;
	(pc) =	sbr.rel @p0 .LBB2_1-.Ltmp0, $4  }
0x16a: {  	[hbm4b:s7+s3] =	stream.linear.scatter [tilespmem:s1], [sflag:$0x2], $0x680, $0x38;
	[tilespmem:$0x2000] =	vst v63  }
0x16b: {  	_ =	swait.ge [sflag:s5], $0x680  }
0x16c: {  	[sflag:s5] =	ssyncset.done $0x0  }
0x16d: {  	s4 =	sadd.s32 $0xFFFFFFFF, s4;
	[sflag:s5] =	ssyncadd.s32 $0xFFFFF980  }
0x16e: {  	_ =	sfence.sel $0x180000  }
0x16f: {  	[bflag:$0x0] =	sbarrier.arrive $0xFFFF  }
0x170: {  	_ =	strace $0x9000004A  }
0x171: {  	s0 =	stileid.u32;
	[bflag:$0x2] =	sbarrier.arrive $0xFFFF  }
0x172: {  	p0 =	sne.s32 s0, $0x0;
	s0 =	rddreg [dreg:$0x1]  }
0x173: {  	s0 =	sadd.s32 @!p0 $0x100000, s0  }
0x174: {  	[sflag:s0] =	ssyncadd.tile.s32 @!p0 $0x1;
	_ =	shalt  }
.Lfunc_end2:
_tile_overlayer_lowered:
.L_overlay_start_2:
0x175: {  	(tag) =	ssettag $0x2  }
0x176: {  	s0 =	rddreg [dreg:$0x0];
	s2 =	stileid.u32  }
0x177: {  	s1 =	rddreg [dreg:$0x1];
	p0 =	sne.s32 s2, $0x0  }
0x178: {  	s3 =	rddreg [dreg:$0x2];
	[bflag:$0x3] =	sbarrier.arrive $0xFFFF;
	s2 =	simm.s32 @!p0 $0x1C02  }
0x179: {  	[timem:s3], [sflag:s2] =	dma.local @!p0 [hbm:s0], s1  }
0x17a: {  	s0 =	simm.s32 @!p0 $0x2  }
0x17b: {  	_ =	swait.ge @!p0 [sflag:s0], s1  }
0x17c: {  	s1 =	ssub.s32 @!p0 $0x0, s1;
	[sflag:s0] =	ssyncset.done @!p0 $0x0  }
0x17d: {  	[sflag:s0] =	ssyncadd.s32 @!p0 s1  }
0x17e: {  	[bflag:$0x3] =	sbarrier.arrive $0xFFFF  }
0x17f: {  	_ =	shalt  }

</sc_bundles>
